<compile_context>
chip_gen: v7x
topology: tpu7x:2x2x1
jax: 0.10.2.dev20260603
libtpu: 0.0.44.dev20260713+nightly
codegen_flags: <defaults>
</compile_context>

<pallas_src>
import functools

import jax
import jax.numpy as jnp
from jax import lax
from jax.experimental import pallas as pl
from jax.experimental.pallas import tpu as pltpu
from jax.experimental.pallas import tpu_sc as plsc

F32 = jnp.float32
G = 128
ROWS = 2000



def _segsum_call(h, src, dst):
    N, D = h.shape
    E = src.shape[0]
    NC, NS = 2, 16
    NW = NC * NS
    per_tile = E // NW
    CHUNK = 40
    NCH = per_tile // CHUNK
    NB = 5
    NPAD = -(-N // (NS * 8)) * NS * 8
    rpt = NPAD // NS
    mesh = plsc.VectorSubcoreMesh(core_axis_name="c", subcore_axis_name="s")

    sd = jnp.stack([src.reshape(NW * NCH, CHUNK),
                    dst.reshape(NW * NCH, CHUNK)], axis=1)
    zeros = jnp.zeros((rpt, D), F32)

    @functools.partial(
        pl.kernel,
        mesh=mesh,
        out_type=jax.ShapeDtypeStruct((NC, NPAD, D), F32),
        scratch_types=[
            pltpu.VMEM((NB, 2, CHUNK), jnp.int32),
            pltpu.VMEM((NB, CHUNK, D), F32),
            pltpu.VMEM_SHARED((NPAD, D), F32),
            pltpu.SemaphoreType.DMA,
            pltpu.SemaphoreType.DMA,
            pltpu.SemaphoreType.DMA,
        ],
    )
    def segsum(h_hbm, sd_hbm, z_hbm, out_hbm, sd_v, rows_v, acc_sh,
               isem, gsem, ssem):
        c = lax.axis_index("c")
        s = lax.axis_index("s")
        w = c * NS + s

        r0 = s * rpt
        pltpu.sync_copy(z_hbm, acc_sh.at[pl.ds(r0, rpt)])
        plsc.subcore_barrier()

        def body(g, carry):
            k0 = w * NCH + g * NB
            icp = [pltpu.async_copy(sd_hbm.at[k0 + b], sd_v.at[b], isem)
                   for b in range(NB)]
            for cp in icp:
                cp.wait()
            gcp = [pltpu.async_copy(h_hbm.at[sd_v.at[b, 0]], rows_v.at[b],
                                    gsem)
                   for b in range(NB)]
            for cp in gcp:
                cp.wait()
            scp = [pltpu.async_copy(rows_v.at[b], acc_sh.at[sd_v.at[b, 1]],
                                    ssem, add=True)
                   for b in range(NB)]
            for cp in scp:
                cp.wait()
            return carry

        lax.fori_loop(0, NCH // NB, body, 0)
        plsc.subcore_barrier()
        pltpu.sync_copy(acc_sh.at[pl.ds(r0, rpt)],
                        out_hbm.at[c, pl.ds(r0, rpt)])

    return segsum(h, sd, zeros)



def _enc_body(x_ref, w_ref, b_ref, v_ref, o_ref):
    o_ref[...] = (jnp.dot(x_ref[...], w_ref[...], preferred_element_type=F32)
                  + b_ref[...] + v_ref[...])


def _enc_call(x, W, b, v):
    N, DI = x.shape
    EMB = W.shape[1]
    return pl.pallas_call(
        _enc_body,
        grid=(N // ROWS,),
        in_specs=[
            pl.BlockSpec((ROWS, DI), lambda i: (i, 0)),
            pl.BlockSpec((DI, EMB), lambda i: (0, 0)),
            pl.BlockSpec((1, EMB), lambda i: (0, 0)),
            pl.BlockSpec((1, EMB), lambda i: (0, 0)),
        ],
        out_specs=pl.BlockSpec((ROWS, EMB), lambda i: (i, 0)),
        out_shape=jax.ShapeDtypeStruct((N, EMB), F32),
    )(x, W, b, v)


def _onehot(bat_block):
    return (bat_block == lax.broadcasted_iota(jnp.int32, (ROWS, G), 1)
            ).astype(F32)


def _layer_body(hp, agg, bat, vn, w1, b1, w2, b2, ep, vw1, vb1, vw2, vb2,
                vnn, hn, zbuf, pooled, vns):
    p = pl.program_id(0)
    i = pl.program_id(1)
    oh = _onehot(bat[...])

    @pl.when(p == 0)
    def _():
        a = agg[0] + agg[1]
        u = hp[...] * ep[...] + a
        t = jnp.maximum(jnp.dot(u, w1[...], preferred_element_type=F32)
                        + b1[...], 0.0)
        z = jnp.dot(t, w2[...], preferred_element_type=F32) + b2[...]
        z = jnp.maximum(z, 0.0)
        zbuf[pl.ds(i * ROWS, ROWS), :] = z
        pp = lax.dot_general(oh, z, (((0,), (0,)), ((), ())),
                             preferred_element_type=F32)

        @pl.when(i == 0)
        def _():
            pooled[...] = pp

        @pl.when(i > 0)
        def _():
            pooled[...] += pp

    @pl.when((p == 1) & (i == 0))
    def _():
        vt = pooled[...] + vn[...]
        t = jnp.maximum(jnp.dot(vt, vw1[...], preferred_element_type=F32)
                        + vb1[...], 0.0)
        v2 = jnp.maximum(jnp.dot(t, vw2[...], preferred_element_type=F32)
                         + vb2[...], 0.0)
        vns[...] = v2
        vnn[...] = v2

    @pl.when(p == 1)
    def _():
        z = zbuf[pl.ds(i * ROWS, ROWS), :]
        hn[...] = z + jnp.dot(oh, vns[...], preferred_element_type=F32)


def _layer_call(hp, agg, bat, vn, w1, b1, w2, b2, ep, vw1, vb1, vw2, vb2):
    N, EMB = hp.shape
    HID = w1.shape[1]
    return pl.pallas_call(
        _layer_body,
        grid=(2, N // ROWS),
        in_specs=[
            pl.BlockSpec((ROWS, EMB),
                         lambda p, i: (jnp.where(p == 0, i, 0), 0)),
            pl.BlockSpec((2, ROWS, EMB),
                         lambda p, i: (0, jnp.where(p == 0, i, 0), 0)),
            pl.BlockSpec((ROWS, 1), lambda p, i: (i, 0)),
            pl.BlockSpec((G, EMB), lambda p, i: (0, 0)),
            pl.BlockSpec((EMB, HID), lambda p, i: (0, 0)),
            pl.BlockSpec((1, HID), lambda p, i: (0, 0)),
            pl.BlockSpec((HID, EMB), lambda p, i: (0, 0)),
            pl.BlockSpec((1, EMB), lambda p, i: (0, 0)),
            pl.BlockSpec((1, 1), lambda p, i: (0, 0)),
            pl.BlockSpec((EMB, HID), lambda p, i: (0, 0)),
            pl.BlockSpec((1, HID), lambda p, i: (0, 0)),
            pl.BlockSpec((HID, EMB), lambda p, i: (0, 0)),
            pl.BlockSpec((1, EMB), lambda p, i: (0, 0)),
        ],
        out_specs=[
            pl.BlockSpec((G, EMB), lambda p, i: (0, 0)),
            pl.BlockSpec((ROWS, EMB),
                         lambda p, i: (jnp.where(p == 1, i, 0), 0)),
        ],
        out_shape=[
            jax.ShapeDtypeStruct((G, EMB), F32),
            jax.ShapeDtypeStruct((N, EMB), F32),
        ],
        scratch_shapes=[pltpu.VMEM((N, EMB), F32), pltpu.VMEM((G, EMB), F32),
                        pltpu.VMEM((G, EMB), F32)],
    )(hp, agg, bat, vn, w1, b1, w2, b2, ep, vw1, vb1, vw2, vb2)


def _fin_body(hp, agg, bat, w1, b1, w2, b2, ep, cw, cb, pred, pooled_s, cnt_s):
    i = pl.program_id(0)
    a = agg[0] + agg[1]
    u = hp[...] * ep[...] + a
    t = jnp.maximum(jnp.dot(u, w1[...], preferred_element_type=F32)
                    + b1[...], 0.0)
    z = jnp.dot(t, w2[...], preferred_element_type=F32) + b2[...]
    oh = _onehot(bat[...])
    p = lax.dot_general(oh, z, (((0,), (0,)), ((), ())),
                        preferred_element_type=F32)
    cnt = lax.dot_general(oh, jnp.ones((ROWS, 8), F32),
                          (((0,), (0,)), ((), ())),
                          preferred_element_type=F32)

    @pl.when(i == 0)
    def _():
        pooled_s[...] = p
        cnt_s[...] = cnt

    @pl.when(i > 0)
    def _():
        pooled_s[...] += p
        cnt_s[...] += cnt

    @pl.when(i == pl.num_programs(0) - 1)
    def _():
        rep = pooled_s[...] / jnp.maximum(cnt_s[...][:, :1], 1.0)
        pred[...] = jnp.dot(rep, cw[...], preferred_element_type=F32) + cb[...]


def _fin_call(hp, agg, bat, w1, b1, w2, b2, ep, cw, cb):
    N, EMB = hp.shape
    HID = w1.shape[1]
    OUT = cw.shape[1]
    return pl.pallas_call(
        _fin_body,
        grid=(N // ROWS,),
        in_specs=[
            pl.BlockSpec((ROWS, EMB), lambda i: (i, 0)),
            pl.BlockSpec((2, ROWS, EMB), lambda i: (0, i, 0)),
            pl.BlockSpec((ROWS, 1), lambda i: (i, 0)),
            pl.BlockSpec((EMB, HID), lambda i: (0, 0)),
            pl.BlockSpec((1, HID), lambda i: (0, 0)),
            pl.BlockSpec((HID, EMB), lambda i: (0, 0)),
            pl.BlockSpec((1, EMB), lambda i: (0, 0)),
            pl.BlockSpec((1, 1), lambda i: (0, 0)),
            pl.BlockSpec((EMB, OUT), lambda i: (0, 0)),
            pl.BlockSpec((1, OUT), lambda i: (0, 0)),
        ],
        out_specs=pl.BlockSpec((G, OUT), lambda i: (0, 0)),
        out_shape=jax.ShapeDtypeStruct((G, OUT), F32),
        scratch_shapes=[pltpu.VMEM((G, EMB), F32), pltpu.VMEM((G, 8), F32)],
    )(hp, agg, bat, w1, b1, w2, b2, ep, cw, cb)



def kernel(x, edge_index, batch, enc_W, enc_b, W1, b1, W2, b2, eps, vn0,
           VW1, Vb1, VW2, Vb2, CW, Cb):
    N = x.shape[0]
    EMB = enc_W.shape[1]
    L = W1.shape[0]
    src = edge_index[0]
    dst = edge_index[1]
    bat = batch.reshape(N, 1)
    epsp = (1.0 + eps).reshape(L, 1, 1).astype(F32)

    h = _enc_call(x, enc_W, enc_b.reshape(1, EMB), vn0.reshape(1, EMB))
    vn = jnp.tile(vn0[None, :], (G, 1))
    for l in range(L - 1):
        agg = _segsum_call(h, src, dst)
        vn, h = _layer_call(h, agg, bat, vn, W1[l], b1[l].reshape(1, -1),
                            W2[l], b2[l].reshape(1, -1), epsp[l],
                            VW1[l], Vb1[l].reshape(1, -1),
                            VW2[l], Vb2[l].reshape(1, -1))
    agg = _segsum_call(h, src, dst)
    return _fin_call(h, agg, bat, W1[L - 1], b1[L - 1].reshape(1, -1),
                     W2[L - 1], b2[L - 1].reshape(1, -1), epsp[L - 1],
                     CW, Cb.reshape(1, -1))

# --- scband reference (transcript-rebuilt; emitter-appended) ---
"""Pipeline reference for scband-group-dro-50465865728324 (READ-ONLY COPY).

The authoritative reference and input builder live on the scoring server;
editing this copy changes nothing except your own understanding.
"""

import jax, jax.numpy as jnp
import numpy as np

N = 10000
E = 320000
D_IN = 128
EMB = 128
HID = 256
L = 5
G = 128
OUT = 10


def setup_inputs(seed: int = 0) -> dict:
    key = jax.random.key(seed)
    ks = jax.random.split(key, 24)
    x = jax.random.normal(ks[0], (N, D_IN), dtype=jnp.float32)
    edge_index = jax.random.randint(ks[1], (2, E), 0, N, dtype=jnp.int32)
    batch = jnp.sort(jax.random.randint(ks[2], (N,), 0, G, dtype=jnp.int32))
    s_in = 1.0 / np.sqrt(D_IN)
    s_emb = 1.0 / np.sqrt(EMB)
    s_hid = 1.0 / np.sqrt(HID)
    enc_W = jax.random.normal(ks[3], (D_IN, EMB), dtype=jnp.float32) * s_in
    enc_b = jnp.zeros((EMB,), dtype=jnp.float32)
    W1 = jax.random.normal(ks[4], (L, EMB, HID), dtype=jnp.float32) * s_emb
    b1 = jnp.zeros((L, HID), dtype=jnp.float32)
    W2 = jax.random.normal(ks[5], (L, HID, EMB), dtype=jnp.float32) * s_hid
    b2 = jnp.zeros((L, EMB), dtype=jnp.float32)
    eps = jnp.zeros((L,), dtype=jnp.float32)
    vn0 = jnp.zeros((EMB,), dtype=jnp.float32)
    VW1 = jax.random.normal(ks[6], (L - 1, EMB, HID), dtype=jnp.float32) * s_emb
    Vb1 = jnp.zeros((L - 1, HID), dtype=jnp.float32)
    VW2 = jax.random.normal(ks[7], (L - 1, HID, EMB), dtype=jnp.float32) * s_hid
    Vb2 = jnp.zeros((L - 1, EMB), dtype=jnp.float32)
    CW = jax.random.normal(ks[8], (EMB, OUT), dtype=jnp.float32) * s_emb
    Cb = jnp.zeros((OUT,), dtype=jnp.float32)
    return {"x": x, "edge_index": edge_index, "batch": batch, "enc_W": enc_W, "enc_b": enc_b, "W1": W1, "b1": b1, "W2": W2, "b2": b2, "eps": eps, "vn0": vn0, "VW1": VW1, "Vb1": Vb1, "VW2": VW2, "Vb2": Vb2, "CW": CW, "Cb": Cb}


def reference(x, edge_index, batch, enc_W, enc_b, W1, b1, W2, b2, eps, vn0, VW1, Vb1, VW2, Vb2, CW, Cb):
    # GroupDRO.forward(batch, return_data='pred') -> causal_pred from GIN+virtual-node GNN
    src = edge_index[0]
    dst = edge_index[1]
    h = x @ enc_W + enc_b  # node encoder
    vn = jnp.tile(vn0[None, :], (G, 1))  # virtual node embedding per graph
    for l in range(L):
        h = h + vn[batch]  # broadcast virtual node to member nodes (gather)
        agg = jax.ops.segment_sum(h[src], dst, num_segments=N)  # GIN neighbor sum (gather + scatter-add)
        z = (1.0 + eps[l]) * h + agg
        z = jax.nn.relu(z @ W1[l] + b1[l]) @ W2[l] + b2[l]  # GIN MLP
        if l < L - 1:
            z = jax.nn.relu(z)
        h = z  # residual=False, JK='last'
        if l < L - 1:
            vn_tmp = jax.ops.segment_sum(h, batch, num_segments=G) + vn  # global add pool into VN
            vn = jax.nn.relu(jax.nn.relu(vn_tmp @ VW1[l] + Vb1[l]) @ VW2[l] + Vb2[l])
    ones = jnp.ones((N, 1), dtype=h.dtype)
    counts = jax.ops.segment_sum(ones, batch, num_segments=G)
    rep = jax.ops.segment_sum(h, batch, num_segments=G) / jnp.maximum(counts, 1.0)  # mean pooling
    pred = rep @ CW + Cb  # graph-level classifier
    return pred

if __name__ == "__main__":
    import jax
    _d = setup_inputs()
    print(jax.jit(kernel)(*tuple(_d.values())))

</pallas_src>

<mosaic_0001>
#map = affine_map<(d0, d1) -> (0, 0)>
#map1 = affine_map<(d0, d1) -> (0, 0, 0)>
module attributes {stable_mosaic.version = 14 : i64} {
  func.func @segsum(%arg0: i32, %arg1: i32, %arg2: memref<10000x128xf32, #tpu.memory_space<hbm>>, %arg3: memref<8000x2x40xi32, #tpu.memory_space<hbm>>, %arg4: memref<632x128xf32, #tpu.memory_space<hbm>>, %arg5: memref<2x10112x128xf32, #tpu.memory_space<hbm>>, %arg6: memref<5x2x40xi32, #tpu.memory_space<vmem>>, %arg7: memref<5x40x128xf32, #tpu.memory_space<vmem>>, %arg8: memref<10112x128xf32, #tpu.memory_space<vmem_shared>>, %arg9: memref<!tpu.dma_semaphore, #tpu.memory_space<semaphore_mem>>, %arg10: memref<!tpu.dma_semaphore, #tpu.memory_space<semaphore_mem>>, %arg11: memref<!tpu.dma_semaphore, #tpu.memory_space<semaphore_mem>>) attributes {dimension_semantics = [#tpu.dimension_semantics<core_parallel>, #tpu.dimension_semantics<subcore_parallel>], iteration_bounds = array<i64: 2, 16>, scalar_prefetch = 0 : i64, scratch_operands = 6 : i64, tpu.core_type = #tpu.core_type<sc_vector_subcore>, window_params = [{transform_indices = #map}, {transform_indices = #map1}, {transform_indices = #map}, {transform_indices = #map1}]} {
    %mul3A = arith.constant 16 : i32
    %mul3A_0 = arith.muli %arg0, %mul3A : i32
    %add3A = arith.addi %mul3A_0, %arg1 : i32
    %mul3A_1 = arith.constant 632 : i32
    %mul3A_2 = arith.muli %arg1, %mul3A_1 : i32
    "tpu.region"() ({
      %run_scoped3A = tpu.sem_alloc : memref<!tpu.dma_semaphore, #tpu.memory_space<semaphore_mem>>
      %dma_start3A = arith.constant 0 : i32
      %dma_start3A_9 = tpu.memref_slice %arg8[%mul3A_2, %dma_start3A] : memref<10112x128xf32, #tpu.memory_space<vmem_shared>> -> memref<632x128xf32, #tpu.memory_space<vmem_shared>>
      tpu.enqueue_dma source(%arg4 : memref<632x128xf32, #tpu.memory_space<hbm>>) target(%dma_start3A_9 : memref<632x128xf32, #tpu.memory_space<vmem_shared>>) target_semaphore(%run_scoped3A : memref<!tpu.dma_semaphore, #tpu.memory_space<semaphore_mem>>)
      %dma_wait3A = arith.constant 0 : i32
      %dma_wait3A_10 = tpu.memref_slice %arg8[%mul3A_2, %dma_wait3A] : memref<10112x128xf32, #tpu.memory_space<vmem_shared>> -> memref<632x128xf32, #tpu.memory_space<vmem_shared>>
      tpu.wait_dma2 semaphore(%run_scoped3A : memref<!tpu.dma_semaphore, #tpu.memory_space<semaphore_mem>>) src(%arg4 : memref<632x128xf32, #tpu.memory_space<hbm>>) dst(%dma_wait3A_10 : memref<632x128xf32, #tpu.memory_space<vmem_shared>>)
      tpu.yield
    }) : () -> ()
    %barrier3A = arith.constant 0 : index
    tpu.barrier barrier_id(%barrier3A)
    %scan3A = arith.constant 0 : i32
    %scan3A_3 = arith.constant 0 : i32
    %scan3A_4 = arith.constant 50 : i32
    %scan3A_5 = arith.addi %scan3A_3, %scan3A_4 : i32
    %scan3A_6 = arith.constant 1 : i32
    scf.for %scan3A_9 = %scan3A_3 to %scan3A_5 step %scan3A_6  : i32 {
      %mul3A_10 = arith.constant 250 : i32
      %mul3A_11 = arith.muli %add3A, %mul3A_10 : i32
      %mul3A_12 = arith.constant 5 : i32
      %mul3A_13 = arith.muli %scan3A_9, %mul3A_12 : i32
      %add3A_14 = arith.addi %mul3A_11, %mul3A_13 : i32
      %add3A_15 = arith.constant 0 : i32
      %add3A_16 = arith.addi %add3A_14, %add3A_15 : i32
      %dma_start3A = arith.constant 0 : i32
      %dma_start3A_17 = arith.constant 0 : i32
      %dma_start3A_18 = arith.constant 0 : i32
      %dma_start3A_19 = tpu.memref_slice %arg6[%dma_start3A, %dma_start3A_17, %dma_start3A_18] : memref<5x2x40xi32, #tpu.memory_space<vmem>> -> memref<1x2x40xi32, #tpu.memory_space<vmem>>
      %dma_start3A_20 = tpu.memref_squeeze %dma_start3A_19 : memref<1x2x40xi32, #tpu.memory_space<vmem>> -> memref<2x40xi32, #tpu.memory_space<vmem>>
      %dma_start3A_21 = arith.constant 0 : i32
      %dma_start3A_22 = arith.constant 0 : i32
      %dma_start3A_23 = tpu.memref_slice %arg3[%add3A_16, %dma_start3A_21, %dma_start3A_22] : memref<8000x2x40xi32, #tpu.memory_space<hbm>> -> memref<1x2x40xi32, #tpu.memory_space<hbm>>
      %dma_start3A_24 = tpu.memref_squeeze %dma_start3A_23 : memref<1x2x40xi32, #tpu.memory_space<hbm>> -> memref<2x40xi32, #tpu.memory_space<hbm>>
      %dma_start3A_25 = arith.constant 0 : i32
      %dma_start3A_26 = arith.constant 0 : i32
      %dma_start3A_27 = tpu.memref_slice %arg6[%dma_start3A, %dma_start3A_25, %dma_start3A_26] : memref<5x2x40xi32, #tpu.memory_space<vmem>> -> memref<1x2x40xi32, #tpu.memory_space<vmem>>
      %dma_start3A_28 = tpu.memref_squeeze %dma_start3A_27 : memref<1x2x40xi32, #tpu.memory_space<vmem>> -> memref<2x40xi32, #tpu.memory_space<vmem>>
      %dma_start3A_29 = arith.constant 0 : i32
      %dma_start3A_30 = arith.constant 0 : i32
      %dma_start3A_31 = tpu.memref_slice %arg3[%add3A_16, %dma_start3A_29, %dma_start3A_30] : memref<8000x2x40xi32, #tpu.memory_space<hbm>> -> memref<1x2x40xi32, #tpu.memory_space<hbm>>
      %dma_start3A_32 = tpu.memref_squeeze %dma_start3A_31 : memref<1x2x40xi32, #tpu.memory_space<hbm>> -> memref<2x40xi32, #tpu.memory_space<hbm>>
      tpu.enqueue_dma source(%dma_start3A_32 : memref<2x40xi32, #tpu.memory_space<hbm>>) target(%dma_start3A_28 : memref<2x40xi32, #tpu.memory_space<vmem>>) target_semaphore(%arg9 : memref<!tpu.dma_semaphore, #tpu.memory_space<semaphore_mem>>)
      %add3A_33 = arith.constant 1 : i32
      %add3A_34 = arith.addi %add3A_14, %add3A_33 : i32
      %dma_start3A_35 = arith.constant 1 : i32
      %dma_start3A_36 = arith.constant 0 : i32
      %dma_start3A_37 = arith.constant 0 : i32
      %dma_start3A_38 = tpu.memref_slice %arg6[%dma_start3A_35, %dma_start3A_36, %dma_start3A_37] : memref<5x2x40xi32, #tpu.memory_space<vmem>> -> memref<1x2x40xi32, #tpu.memory_space<vmem>>
      %dma_start3A_39 = tpu.memref_squeeze %dma_start3A_38 : memref<1x2x40xi32, #tpu.memory_space<vmem>> -> memref<2x40xi32, #tpu.memory_space<vmem>>
      %dma_start3A_40 = arith.constant 0 : i32
      %dma_start3A_41 = arith.constant 0 : i32
      %dma_start3A_42 = tpu.memref_slice %arg3[%add3A_34, %dma_start3A_40, %dma_start3A_41] : memref<8000x2x40xi32, #tpu.memory_space<hbm>> -> memref<1x2x40xi32, #tpu.memory_space<hbm>>
      %dma_start3A_43 = tpu.memref_squeeze %dma_start3A_42 : memref<1x2x40xi32, #tpu.memory_space<hbm>> -> memref<2x40xi32, #tpu.memory_space<hbm>>
      %dma_start3A_44 = arith.constant 0 : i32
      %dma_start3A_45 = arith.constant 0 : i32
      %dma_start3A_46 = tpu.memref_slice %arg6[%dma_start3A_35, %dma_start3A_44, %dma_start3A_45] : memref<5x2x40xi32, #tpu.memory_space<vmem>> -> memref<1x2x40xi32, #tpu.memory_space<vmem>>
      %dma_start3A_47 = tpu.memref_squeeze %dma_start3A_46 : memref<1x2x40xi32, #tpu.memory_space<vmem>> -> memref<2x40xi32, #tpu.memory_space<vmem>>
      %dma_start3A_48 = arith.constant 0 : i32
      %dma_start3A_49 = arith.constant 0 : i32
      %dma_start3A_50 = tpu.memref_slice %arg3[%add3A_34, %dma_start3A_48, %dma_start3A_49] : memref<8000x2x40xi32, #tpu.memory_space<hbm>> -> memref<1x2x40xi32, #tpu.memory_space<hbm>>
      %dma_start3A_51 = tpu.memref_squeeze %dma_start3A_50 : memref<1x2x40xi32, #tpu.memory_space<hbm>> -> memref<2x40xi32, #tpu.memory_space<hbm>>
      tpu.enqueue_dma source(%dma_start3A_51 : memref<2x40xi32, #tpu.memory_space<hbm>>) target(%dma_start3A_47 : memref<2x40xi32, #tpu.memory_space<vmem>>) target_semaphore(%arg9 : memref<!tpu.dma_semaphore, #tpu.memory_space<semaphore_mem>>)
      %add3A_52 = arith.constant 2 : i32
      %add3A_53 = arith.addi %add3A_14, %add3A_52 : i32
      %dma_start3A_54 = arith.constant 2 : i32
      %dma_start3A_55 = arith.constant 0 : i32
      %dma_start3A_56 = arith.constant 0 : i32
      %dma_start3A_57 = tpu.memref_slice %arg6[%dma_start3A_54, %dma_start3A_55, %dma_start3A_56] : memref<5x2x40xi32, #tpu.memory_space<vmem>> -> memref<1x2x40xi32, #tpu.memory_space<vmem>>
      %dma_start3A_58 = tpu.memref_squeeze %dma_start3A_57 : memref<1x2x40xi32, #tpu.memory_space<vmem>> -> memref<2x40xi32, #tpu.memory_space<vmem>>
      %dma_start3A_59 = arith.constant 0 : i32
      %dma_start3A_60 = arith.constant 0 : i32
      %dma_start3A_61 = tpu.memref_slice %arg3[%add3A_53, %dma_start3A_59, %dma_start3A_60] : memref<8000x2x40xi32, #tpu.memory_space<hbm>> -> memref<1x2x40xi32, #tpu.memory_space<hbm>>
      %dma_start3A_62 = tpu.memref_squeeze %dma_start3A_61 : memref<1x2x40xi32, #tpu.memory_space<hbm>> -> memref<2x40xi32, #tpu.memory_space<hbm>>
      %dma_start3A_63 = arith.constant 0 : i32
      %dma_start3A_64 = arith.constant 0 : i32
      %dma_start3A_65 = tpu.memref_slice %arg6[%dma_start3A_54, %dma_start3A_63, %dma_start3A_64] : memref<5x2x40xi32, #tpu.memory_space<vmem>> -> memref<1x2x40xi32, #tpu.memory_space<vmem>>
      %dma_start3A_66 = tpu.memref_squeeze %dma_start3A_65 : memref<1x2x40xi32, #tpu.memory_space<vmem>> -> memref<2x40xi32, #tpu.memory_space<vmem>>
      %dma_start3A_67 = arith.constant 0 : i32
      %dma_start3A_68 = arith.constant 0 : i32
      %dma_start3A_69 = tpu.memref_slice %arg3[%add3A_53, %dma_start3A_67, %dma_start3A_68] : memref<8000x2x40xi32, #tpu.memory_space<hbm>> -> memref<1x2x40xi32, #tpu.memory_space<hbm>>
      %dma_start3A_70 = tpu.memref_squeeze %dma_start3A_69 : memref<1x2x40xi32, #tpu.memory_space<hbm>> -> memref<2x40xi32, #tpu.memory_space<hbm>>
      tpu.enqueue_dma source(%dma_start3A_70 : memref<2x40xi32, #tpu.memory_space<hbm>>) target(%dma_start3A_66 : memref<2x40xi32, #tpu.memory_space<vmem>>) target_semaphore(%arg9 : memref<!tpu.dma_semaphore, #tpu.memory_space<semaphore_mem>>)
      %add3A_71 = arith.constant 3 : i32
      %add3A_72 = arith.addi %add3A_14, %add3A_71 : i32
      %dma_start3A_73 = arith.constant 3 : i32
      %dma_start3A_74 = arith.constant 0 : i32
      %dma_start3A_75 = arith.constant 0 : i32
      %dma_start3A_76 = tpu.memref_slice %arg6[%dma_start3A_73, %dma_start3A_74, %dma_start3A_75] : memref<5x2x40xi32, #tpu.memory_space<vmem>> -> memref<1x2x40xi32, #tpu.memory_space<vmem>>
      %dma_start3A_77 = tpu.memref_squeeze %dma_start3A_76 : memref<1x2x40xi32, #tpu.memory_space<vmem>> -> memref<2x40xi32, #tpu.memory_space<vmem>>
      %dma_start3A_78 = arith.constant 0 : i32
      %dma_start3A_79 = arith.constant 0 : i32
      %dma_start3A_80 = tpu.memref_slice %arg3[%add3A_72, %dma_start3A_78, %dma_start3A_79] : memref<8000x2x40xi32, #tpu.memory_space<hbm>> -> memref<1x2x40xi32, #tpu.memory_space<hbm>>
      %dma_start3A_81 = tpu.memref_squeeze %dma_start3A_80 : memref<1x2x40xi32, #tpu.memory_space<hbm>> -> memref<2x40xi32, #tpu.memory_space<hbm>>
      %dma_start3A_82 = arith.constant 0 : i32
      %dma_start3A_83 = arith.constant 0 : i32
      %dma_start3A_84 = tpu.memref_slice %arg6[%dma_start3A_73, %dma_start3A_82, %dma_start3A_83] : memref<5x2x40xi32, #tpu.memory_space<vmem>> -> memref<1x2x40xi32, #tpu.memory_space<vmem>>
      %dma_start3A_85 = tpu.memref_squeeze %dma_start3A_84 : memref<1x2x40xi32, #tpu.memory_space<vmem>> -> memref<2x40xi32, #tpu.memory_space<vmem>>
      %dma_start3A_86 = arith.constant 0 : i32
      %dma_start3A_87 = arith.constant 0 : i32
      %dma_start3A_88 = tpu.memref_slice %arg3[%add3A_72, %dma_start3A_86, %dma_start3A_87] : memref<8000x2x40xi32, #tpu.memory_space<hbm>> -> memref<1x2x40xi32, #tpu.memory_space<hbm>>
      %dma_start3A_89 = tpu.memref_squeeze %dma_start3A_88 : memref<1x2x40xi32, #tpu.memory_space<hbm>> -> memref<2x40xi32, #tpu.memory_space<hbm>>
      tpu.enqueue_dma source(%dma_start3A_89 : memref<2x40xi32, #tpu.memory_space<hbm>>) target(%dma_start3A_85 : memref<2x40xi32, #tpu.memory_space<vmem>>) target_semaphore(%arg9 : memref<!tpu.dma_semaphore, #tpu.memory_space<semaphore_mem>>)
      %add3A_90 = arith.constant 4 : i32
      %add3A_91 = arith.addi %add3A_14, %add3A_90 : i32
      %dma_start3A_92 = arith.constant 4 : i32
      %dma_start3A_93 = arith.constant 0 : i32
      %dma_start3A_94 = arith.constant 0 : i32
      %dma_start3A_95 = tpu.memref_slice %arg6[%dma_start3A_92, %dma_start3A_93, %dma_start3A_94] : memref<5x2x40xi32, #tpu.memory_space<vmem>> -> memref<1x2x40xi32, #tpu.memory_space<vmem>>
      %dma_start3A_96 = tpu.memref_squeeze %dma_start3A_95 : memref<1x2x40xi32, #tpu.memory_space<vmem>> -> memref<2x40xi32, #tpu.memory_space<vmem>>
      %dma_start3A_97 = arith.constant 0 : i32
      %dma_start3A_98 = arith.constant 0 : i32
      %dma_start3A_99 = tpu.memref_slice %arg3[%add3A_91, %dma_start3A_97, %dma_start3A_98] : memref<8000x2x40xi32, #tpu.memory_space<hbm>> -> memref<1x2x40xi32, #tpu.memory_space<hbm>>
      %dma_start3A_100 = tpu.memref_squeeze %dma_start3A_99 : memref<1x2x40xi32, #tpu.memory_space<hbm>> -> memref<2x40xi32, #tpu.memory_space<hbm>>
      %dma_start3A_101 = arith.constant 0 : i32
      %dma_start3A_102 = arith.constant 0 : i32
      %dma_start3A_103 = tpu.memref_slice %arg6[%dma_start3A_92, %dma_start3A_101, %dma_start3A_102] : memref<5x2x40xi32, #tpu.memory_space<vmem>> -> memref<1x2x40xi32, #tpu.memory_space<vmem>>
      %dma_start3A_104 = tpu.memref_squeeze %dma_start3A_103 : memref<1x2x40xi32, #tpu.memory_space<vmem>> -> memref<2x40xi32, #tpu.memory_space<vmem>>
      %dma_start3A_105 = arith.constant 0 : i32
      %dma_start3A_106 = arith.constant 0 : i32
      %dma_start3A_107 = tpu.memref_slice %arg3[%add3A_91, %dma_start3A_105, %dma_start3A_106] : memref<8000x2x40xi32, #tpu.memory_space<hbm>> -> memref<1x2x40xi32, #tpu.memory_space<hbm>>
      %dma_start3A_108 = tpu.memref_squeeze %dma_start3A_107 : memref<1x2x40xi32, #tpu.memory_space<hbm>> -> memref<2x40xi32, #tpu.memory_space<hbm>>
      tpu.enqueue_dma source(%dma_start3A_108 : memref<2x40xi32, #tpu.memory_space<hbm>>) target(%dma_start3A_104 : memref<2x40xi32, #tpu.memory_space<vmem>>) target_semaphore(%arg9 : memref<!tpu.dma_semaphore, #tpu.memory_space<semaphore_mem>>)
      %dma_wait3A = arith.constant 0 : i32
      %dma_wait3A_109 = arith.constant 0 : i32
      %dma_wait3A_110 = arith.constant 0 : i32
      %dma_wait3A_111 = tpu.memref_slice %arg6[%dma_wait3A, %dma_wait3A_109, %dma_wait3A_110] : memref<5x2x40xi32, #tpu.memory_space<vmem>> -> memref<1x2x40xi32, #tpu.memory_space<vmem>>
      %dma_wait3A_112 = tpu.memref_squeeze %dma_wait3A_111 : memref<1x2x40xi32, #tpu.memory_space<vmem>> -> memref<2x40xi32, #tpu.memory_space<vmem>>
      %dma_wait3A_113 = arith.constant 0 : i32
      %dma_wait3A_114 = arith.constant 0 : i32
      %dma_wait3A_115 = tpu.memref_slice %arg3[%add3A_16, %dma_wait3A_113, %dma_wait3A_114] : memref<8000x2x40xi32, #tpu.memory_space<hbm>> -> memref<1x2x40xi32, #tpu.memory_space<hbm>>
      %dma_wait3A_116 = tpu.memref_squeeze %dma_wait3A_115 : memref<1x2x40xi32, #tpu.memory_space<hbm>> -> memref<2x40xi32, #tpu.memory_space<hbm>>
      %dma_wait3A_117 = arith.constant 0 : i32
      %dma_wait3A_118 = arith.constant 0 : i32
      %dma_wait3A_119 = tpu.memref_slice %arg6[%dma_wait3A, %dma_wait3A_117, %dma_wait3A_118] : memref<5x2x40xi32, #tpu.memory_space<vmem>> -> memref<1x2x40xi32, #tpu.memory_space<vmem>>
      %dma_wait3A_120 = tpu.memref_squeeze %dma_wait3A_119 : memref<1x2x40xi32, #tpu.memory_space<vmem>> -> memref<2x40xi32, #tpu.memory_space<vmem>>
      %dma_wait3A_121 = arith.constant 0 : i32
      %dma_wait3A_122 = arith.constant 0 : i32
      %dma_wait3A_123 = tpu.memref_slice %arg3[%add3A_16, %dma_wait3A_121, %dma_wait3A_122] : memref<8000x2x40xi32, #tpu.memory_space<hbm>> -> memref<1x2x40xi32, #tpu.memory_space<hbm>>
      %dma_wait3A_124 = tpu.memref_squeeze %dma_wait3A_123 : memref<1x2x40xi32, #tpu.memory_space<hbm>> -> memref<2x40xi32, #tpu.memory_space<hbm>>
      tpu.wait_dma2 semaphore(%arg9 : memref<!tpu.dma_semaphore, #tpu.memory_space<semaphore_mem>>) src(%dma_wait3A_124 : memref<2x40xi32, #tpu.memory_space<hbm>>) dst(%dma_wait3A_120 : memref<2x40xi32, #tpu.memory_space<vmem>>)
      %dma_wait3A_125 = arith.constant 1 : i32
      %dma_wait3A_126 = arith.constant 0 : i32
      %dma_wait3A_127 = arith.constant 0 : i32
      %dma_wait3A_128 = tpu.memref_slice %arg6[%dma_wait3A_125, %dma_wait3A_126, %dma_wait3A_127] : memref<5x2x40xi32, #tpu.memory_space<vmem>> -> memref<1x2x40xi32, #tpu.memory_space<vmem>>
      %dma_wait3A_129 = tpu.memref_squeeze %dma_wait3A_128 : memref<1x2x40xi32, #tpu.memory_space<vmem>> -> memref<2x40xi32, #tpu.memory_space<vmem>>
      %dma_wait3A_130 = arith.constant 0 : i32
      %dma_wait3A_131 = arith.constant 0 : i32
      %dma_wait3A_132 = tpu.memref_slice %arg3[%add3A_34, %dma_wait3A_130, %dma_wait3A_131] : memref<8000x2x40xi32, #tpu.memory_space<hbm>> -> memref<1x2x40xi32, #tpu.memory_space<hbm>>
      %dma_wait3A_133 = tpu.memref_squeeze %dma_wait3A_132 : memref<1x2x40xi32, #tpu.memory_space<hbm>> -> memref<2x40xi32, #tpu.memory_space<hbm>>
      %dma_wait3A_134 = arith.constant 0 : i32
      %dma_wait3A_135 = arith.constant 0 : i32
      %dma_wait3A_136 = tpu.memref_slice %arg6[%dma_wait3A_125, %dma_wait3A_134, %dma_wait3A_135] : memref<5x2x40xi32, #tpu.memory_space<vmem>> -> memref<1x2x40xi32, #tpu.memory_space<vmem>>
      %dma_wait3A_137 = tpu.memref_squeeze %dma_wait3A_136 : memref<1x2x40xi32, #tpu.memory_space<vmem>> -> memref<2x40xi32, #tpu.memory_space<vmem>>
      %dma_wait3A_138 = arith.constant 0 : i32
      %dma_wait3A_139 = arith.constant 0 : i32
      %dma_wait3A_140 = tpu.memref_slice %arg3[%add3A_34, %dma_wait3A_138, %dma_wait3A_139] : memref<8000x2x40xi32, #tpu.memory_space<hbm>> -> memref<1x2x40xi32, #tpu.memory_space<hbm>>
      %dma_wait3A_141 = tpu.memref_squeeze %dma_wait3A_140 : memref<1x2x40xi32, #tpu.memory_space<hbm>> -> memref<2x40xi32, #tpu.memory_space<hbm>>
      tpu.wait_dma2 semaphore(%arg9 : memref<!tpu.dma_semaphore, #tpu.memory_space<semaphore_mem>>) src(%dma_wait3A_141 : memref<2x40xi32, #tpu.memory_space<hbm>>) dst(%dma_wait3A_137 : memref<2x40xi32, #tpu.memory_space<vmem>>)
      %dma_wait3A_142 = arith.constant 2 : i32
      %dma_wait3A_143 = arith.constant 0 : i32
      %dma_wait3A_144 = arith.constant 0 : i32
      %dma_wait3A_145 = tpu.memref_slice %arg6[%dma_wait3A_142, %dma_wait3A_143, %dma_wait3A_144] : memref<5x2x40xi32, #tpu.memory_space<vmem>> -> memref<1x2x40xi32, #tpu.memory_space<vmem>>
      %dma_wait3A_146 = tpu.memref_squeeze %dma_wait3A_145 : memref<1x2x40xi32, #tpu.memory_space<vmem>> -> memref<2x40xi32, #tpu.memory_space<vmem>>
      %dma_wait3A_147 = arith.constant 0 : i32
      %dma_wait3A_148 = arith.constant 0 : i32
      %dma_wait3A_149 = tpu.memref_slice %arg3[%add3A_53, %dma_wait3A_147, %dma_wait3A_148] : memref<8000x2x40xi32, #tpu.memory_space<hbm>> -> memref<1x2x40xi32, #tpu.memory_space<hbm>>
      %dma_wait3A_150 = tpu.memref_squeeze %dma_wait3A_149 : memref<1x2x40xi32, #tpu.memory_space<hbm>> -> memref<2x40xi32, #tpu.memory_space<hbm>>
      %dma_wait3A_151 = arith.constant 0 : i32
      %dma_wait3A_152 = arith.constant 0 : i32
      %dma_wait3A_153 = tpu.memref_slice %arg6[%dma_wait3A_142, %dma_wait3A_151, %dma_wait3A_152] : memref<5x2x40xi32, #tpu.memory_space<vmem>> -> memref<1x2x40xi32, #tpu.memory_space<vmem>>
      %dma_wait3A_154 = tpu.memref_squeeze %dma_wait3A_153 : memref<1x2x40xi32, #tpu.memory_space<vmem>> -> memref<2x40xi32, #tpu.memory_space<vmem>>
      %dma_wait3A_155 = arith.constant 0 : i32
      %dma_wait3A_156 = arith.constant 0 : i32
      %dma_wait3A_157 = tpu.memref_slice %arg3[%add3A_53, %dma_wait3A_155, %dma_wait3A_156] : memref<8000x2x40xi32, #tpu.memory_space<hbm>> -> memref<1x2x40xi32, #tpu.memory_space<hbm>>
      %dma_wait3A_158 = tpu.memref_squeeze %dma_wait3A_157 : memref<1x2x40xi32, #tpu.memory_space<hbm>> -> memref<2x40xi32, #tpu.memory_space<hbm>>
      tpu.wait_dma2 semaphore(%arg9 : memref<!tpu.dma_semaphore, #tpu.memory_space<semaphore_mem>>) src(%dma_wait3A_158 : memref<2x40xi32, #tpu.memory_space<hbm>>) dst(%dma_wait3A_154 : memref<2x40xi32, #tpu.memory_space<vmem>>)
      %dma_wait3A_159 = arith.constant 3 : i32
      %dma_wait3A_160 = arith.constant 0 : i32
      %dma_wait3A_161 = arith.constant 0 : i32
      %dma_wait3A_162 = tpu.memref_slice %arg6[%dma_wait3A_159, %dma_wait3A_160, %dma_wait3A_161] : memref<5x2x40xi32, #tpu.memory_space<vmem>> -> memref<1x2x40xi32, #tpu.memory_space<vmem>>
      %dma_wait3A_163 = tpu.memref_squeeze %dma_wait3A_162 : memref<1x2x40xi32, #tpu.memory_space<vmem>> -> memref<2x40xi32, #tpu.memory_space<vmem>>
      %dma_wait3A_164 = arith.constant 0 : i32
      %dma_wait3A_165 = arith.constant 0 : i32
      %dma_wait3A_166 = tpu.memref_slice %arg3[%add3A_72, %dma_wait3A_164, %dma_wait3A_165] : memref<8000x2x40xi32, #tpu.memory_space<hbm>> -> memref<1x2x40xi32, #tpu.memory_space<hbm>>
      %dma_wait3A_167 = tpu.memref_squeeze %dma_wait3A_166 : memref<1x2x40xi32, #tpu.memory_space<hbm>> -> memref<2x40xi32, #tpu.memory_space<hbm>>
      %dma_wait3A_168 = arith.constant 0 : i32
      %dma_wait3A_169 = arith.constant 0 : i32
      %dma_wait3A_170 = tpu.memref_slice %arg6[%dma_wait3A_159, %dma_wait3A_168, %dma_wait3A_169] : memref<5x2x40xi32, #tpu.memory_space<vmem>> -> memref<1x2x40xi32, #tpu.memory_space<vmem>>
      %dma_wait3A_171 = tpu.memref_squeeze %dma_wait3A_170 : memref<1x2x40xi32, #tpu.memory_space<vmem>> -> memref<2x40xi32, #tpu.memory_space<vmem>>
      %dma_wait3A_172 = arith.constant 0 : i32
      %dma_wait3A_173 = arith.constant 0 : i32
      %dma_wait3A_174 = tpu.memref_slice %arg3[%add3A_72, %dma_wait3A_172, %dma_wait3A_173] : memref<8000x2x40xi32, #tpu.memory_space<hbm>> -> memref<1x2x40xi32, #tpu.memory_space<hbm>>
      %dma_wait3A_175 = tpu.memref_squeeze %dma_wait3A_174 : memref<1x2x40xi32, #tpu.memory_space<hbm>> -> memref<2x40xi32, #tpu.memory_space<hbm>>
      tpu.wait_dma2 semaphore(%arg9 : memref<!tpu.dma_semaphore, #tpu.memory_space<semaphore_mem>>) src(%dma_wait3A_175 : memref<2x40xi32, #tpu.memory_space<hbm>>) dst(%dma_wait3A_171 : memref<2x40xi32, #tpu.memory_space<vmem>>)
      %dma_wait3A_176 = arith.constant 4 : i32
      %dma_wait3A_177 = arith.constant 0 : i32
      %dma_wait3A_178 = arith.constant 0 : i32
      %dma_wait3A_179 = tpu.memref_slice %arg6[%dma_wait3A_176, %dma_wait3A_177, %dma_wait3A_178] : memref<5x2x40xi32, #tpu.memory_space<vmem>> -> memref<1x2x40xi32, #tpu.memory_space<vmem>>
      %dma_wait3A_180 = tpu.memref_squeeze %dma_wait3A_179 : memref<1x2x40xi32, #tpu.memory_space<vmem>> -> memref<2x40xi32, #tpu.memory_space<vmem>>
      %dma_wait3A_181 = arith.constant 0 : i32
      %dma_wait3A_182 = arith.constant 0 : i32
      %dma_wait3A_183 = tpu.memref_slice %arg3[%add3A_91, %dma_wait3A_181, %dma_wait3A_182] : memref<8000x2x40xi32, #tpu.memory_space<hbm>> -> memref<1x2x40xi32, #tpu.memory_space<hbm>>
      %dma_wait3A_184 = tpu.memref_squeeze %dma_wait3A_183 : memref<1x2x40xi32, #tpu.memory_space<hbm>> -> memref<2x40xi32, #tpu.memory_space<hbm>>
      %dma_wait3A_185 = arith.constant 0 : i32
      %dma_wait3A_186 = arith.constant 0 : i32
      %dma_wait3A_187 = tpu.memref_slice %arg6[%dma_wait3A_176, %dma_wait3A_185, %dma_wait3A_186] : memref<5x2x40xi32, #tpu.memory_space<vmem>> -> memref<1x2x40xi32, #tpu.memory_space<vmem>>
      %dma_wait3A_188 = tpu.memref_squeeze %dma_wait3A_187 : memref<1x2x40xi32, #tpu.memory_space<vmem>> -> memref<2x40xi32, #tpu.memory_space<vmem>>
      %dma_wait3A_189 = arith.constant 0 : i32
      %dma_wait3A_190 = arith.constant 0 : i32
      %dma_wait3A_191 = tpu.memref_slice %arg3[%add3A_91, %dma_wait3A_189, %dma_wait3A_190] : memref<8000x2x40xi32, #tpu.memory_space<hbm>> -> memref<1x2x40xi32, #tpu.memory_space<hbm>>
      %dma_wait3A_192 = tpu.memref_squeeze %dma_wait3A_191 : memref<1x2x40xi32, #tpu.memory_space<hbm>> -> memref<2x40xi32, #tpu.memory_space<hbm>>
      tpu.wait_dma2 semaphore(%arg9 : memref<!tpu.dma_semaphore, #tpu.memory_space<semaphore_mem>>) src(%dma_wait3A_192 : memref<2x40xi32, #tpu.memory_space<hbm>>) dst(%dma_wait3A_188 : memref<2x40xi32, #tpu.memory_space<vmem>>)
      %dma_start3A_193 = arith.constant 0 : i32
      %dma_start3A_194 = arith.constant 0 : i32
      %dma_start3A_195 = arith.constant 0 : i32
      %dma_start3A_196 = arith.constant 0 : i32
      %dma_start3A_197 = arith.constant 0 : i32
      %dma_start3A_198 = tpu.memref_slice %arg7[%dma_start3A_195, %dma_start3A_196, %dma_start3A_197] : memref<5x40x128xf32, #tpu.memory_space<vmem>> -> memref<1x40x128xf32, #tpu.memory_space<vmem>>
      %dma_start3A_199 = tpu.memref_squeeze %dma_start3A_198 : memref<1x40x128xf32, #tpu.memory_space<vmem>> -> memref<40x128xf32, #tpu.memory_space<vmem>>
      %dma_start3A_200 = arith.constant 0 : i32
      %dma_start3A_201 = tpu.memref_slice %arg6[%dma_start3A_193, %dma_start3A_194, %dma_start3A_200] : memref<5x2x40xi32, #tpu.memory_space<vmem>> -> memref<1x1x40xi32, #tpu.memory_space<vmem>>
      %dma_start3A_202 = tpu.memref_squeeze %dma_start3A_201 : memref<1x1x40xi32, #tpu.memory_space<vmem>> -> memref<40xi32, #tpu.memory_space<vmem>>
      %dma_start3A_203 = arith.constant 0 : i32
      %dma_start3A_204 = arith.constant 0 : i32
      %dma_start3A_205 = tpu.memref_slice %arg2[%dma_start3A_203, %dma_start3A_204] : memref<10000x128xf32, #tpu.memory_space<hbm>> -> memref<10000x128xf32, #tpu.memory_space<hbm>>
      tpu.enqueue_indirect_dma source(%dma_start3A_205 : memref<10000x128xf32, #tpu.memory_space<hbm>>) target(%dma_start3A_199 : memref<40x128xf32, #tpu.memory_space<vmem>>) offsets(%dma_start3A_202 : memref<40xi32, #tpu.memory_space<vmem>>) semaphore(%arg10 : memref<!tpu.dma_semaphore, #tpu.memory_space<semaphore_mem>>)
      %dma_start3A_206 = arith.constant 1 : i32
      %dma_start3A_207 = arith.constant 0 : i32
      %dma_start3A_208 = arith.constant 1 : i32
      %dma_start3A_209 = arith.constant 0 : i32
      %dma_start3A_210 = arith.constant 0 : i32
      %dma_start3A_211 = tpu.memref_slice %arg7[%dma_start3A_208, %dma_start3A_209, %dma_start3A_210] : memref<5x40x128xf32, #tpu.memory_space<vmem>> -> memref<1x40x128xf32, #tpu.memory_space<vmem>>
      %dma_start3A_212 = tpu.memref_squeeze %dma_start3A_211 : memref<1x40x128xf32, #tpu.memory_space<vmem>> -> memref<40x128xf32, #tpu.memory_space<vmem>>
      %dma_start3A_213 = arith.constant 0 : i32
      %dma_start3A_214 = tpu.memref_slice %arg6[%dma_start3A_206, %dma_start3A_207, %dma_start3A_213] : memref<5x2x40xi32, #tpu.memory_space<vmem>> -> memref<1x1x40xi32, #tpu.memory_space<vmem>>
      %dma_start3A_215 = tpu.memref_squeeze %dma_start3A_214 : memref<1x1x40xi32, #tpu.memory_space<vmem>> -> memref<40xi32, #tpu.memory_space<vmem>>
      %dma_start3A_216 = arith.constant 0 : i32
      %dma_start3A_217 = arith.constant 0 : i32
      %dma_start3A_218 = tpu.memref_slice %arg2[%dma_start3A_216, %dma_start3A_217] : memref<10000x128xf32, #tpu.memory_space<hbm>> -> memref<10000x128xf32, #tpu.memory_space<hbm>>
      tpu.enqueue_indirect_dma source(%dma_start3A_218 : memref<10000x128xf32, #tpu.memory_space<hbm>>) target(%dma_start3A_212 : memref<40x128xf32, #tpu.memory_space<vmem>>) offsets(%dma_start3A_215 : memref<40xi32, #tpu.memory_space<vmem>>) semaphore(%arg10 : memref<!tpu.dma_semaphore, #tpu.memory_space<semaphore_mem>>)
      %dma_start3A_219 = arith.constant 2 : i32
      %dma_start3A_220 = arith.constant 0 : i32
      %dma_start3A_221 = arith.constant 2 : i32
      %dma_start3A_222 = arith.constant 0 : i32
      %dma_start3A_223 = arith.constant 0 : i32
      %dma_start3A_224 = tpu.memref_slice %arg7[%dma_start3A_221, %dma_start3A_222, %dma_start3A_223] : memref<5x40x128xf32, #tpu.memory_space<vmem>> -> memref<1x40x128xf32, #tpu.memory_space<vmem>>
      %dma_start3A_225 = tpu.memref_squeeze %dma_start3A_224 : memref<1x40x128xf32, #tpu.memory_space<vmem>> -> memref<40x128xf32, #tpu.memory_space<vmem>>
      %dma_start3A_226 = arith.constant 0 : i32
      %dma_start3A_227 = tpu.memref_slice %arg6[%dma_start3A_219, %dma_start3A_220, %dma_start3A_226] : memref<5x2x40xi32, #tpu.memory_space<vmem>> -> memref<1x1x40xi32, #tpu.memory_space<vmem>>
      %dma_start3A_228 = tpu.memref_squeeze %dma_start3A_227 : memref<1x1x40xi32, #tpu.memory_space<vmem>> -> memref<40xi32, #tpu.memory_space<vmem>>
      %dma_start3A_229 = arith.constant 0 : i32
      %dma_start3A_230 = arith.constant 0 : i32
      %dma_start3A_231 = tpu.memref_slice %arg2[%dma_start3A_229, %dma_start3A_230] : memref<10000x128xf32, #tpu.memory_space<hbm>> -> memref<10000x128xf32, #tpu.memory_space<hbm>>
      tpu.enqueue_indirect_dma source(%dma_start3A_231 : memref<10000x128xf32, #tpu.memory_space<hbm>>) target(%dma_start3A_225 : memref<40x128xf32, #tpu.memory_space<vmem>>) offsets(%dma_start3A_228 : memref<40xi32, #tpu.memory_space<vmem>>) semaphore(%arg10 : memref<!tpu.dma_semaphore, #tpu.memory_space<semaphore_mem>>)
      %dma_start3A_232 = arith.constant 3 : i32
      %dma_start3A_233 = arith.constant 0 : i32
      %dma_start3A_234 = arith.constant 3 : i32
      %dma_start3A_235 = arith.constant 0 : i32
      %dma_start3A_236 = arith.constant 0 : i32
      %dma_start3A_237 = tpu.memref_slice %arg7[%dma_start3A_234, %dma_start3A_235, %dma_start3A_236] : memref<5x40x128xf32, #tpu.memory_space<vmem>> -> memref<1x40x128xf32, #tpu.memory_space<vmem>>
      %dma_start3A_238 = tpu.memref_squeeze %dma_start3A_237 : memref<1x40x128xf32, #tpu.memory_space<vmem>> -> memref<40x128xf32, #tpu.memory_space<vmem>>
      %dma_start3A_239 = arith.constant 0 : i32
      %dma_start3A_240 = tpu.memref_slice %arg6[%dma_start3A_232, %dma_start3A_233, %dma_start3A_239] : memref<5x2x40xi32, #tpu.memory_space<vmem>> -> memref<1x1x40xi32, #tpu.memory_space<vmem>>
      %dma_start3A_241 = tpu.memref_squeeze %dma_start3A_240 : memref<1x1x40xi32, #tpu.memory_space<vmem>> -> memref<40xi32, #tpu.memory_space<vmem>>
      %dma_start3A_242 = arith.constant 0 : i32
      %dma_start3A_243 = arith.constant 0 : i32
      %dma_start3A_244 = tpu.memref_slice %arg2[%dma_start3A_242, %dma_start3A_243] : memref<10000x128xf32, #tpu.memory_space<hbm>> -> memref<10000x128xf32, #tpu.memory_space<hbm>>
      tpu.enqueue_indirect_dma source(%dma_start3A_244 : memref<10000x128xf32, #tpu.memory_space<hbm>>) target(%dma_start3A_238 : memref<40x128xf32, #tpu.memory_space<vmem>>) offsets(%dma_start3A_241 : memref<40xi32, #tpu.memory_space<vmem>>) semaphore(%arg10 : memref<!tpu.dma_semaphore, #tpu.memory_space<semaphore_mem>>)
      %dma_start3A_245 = arith.constant 4 : i32
      %dma_start3A_246 = arith.constant 0 : i32
      %dma_start3A_247 = arith.constant 4 : i32
      %dma_start3A_248 = arith.constant 0 : i32
      %dma_start3A_249 = arith.constant 0 : i32
      %dma_start3A_250 = tpu.memref_slice %arg7[%dma_start3A_247, %dma_start3A_248, %dma_start3A_249] : memref<5x40x128xf32, #tpu.memory_space<vmem>> -> memref<1x40x128xf32, #tpu.memory_space<vmem>>
      %dma_start3A_251 = tpu.memref_squeeze %dma_start3A_250 : memref<1x40x128xf32, #tpu.memory_space<vmem>> -> memref<40x128xf32, #tpu.memory_space<vmem>>
      %dma_start3A_252 = arith.constant 0 : i32
      %dma_start3A_253 = tpu.memref_slice %arg6[%dma_start3A_245, %dma_start3A_246, %dma_start3A_252] : memref<5x2x40xi32, #tpu.memory_space<vmem>> -> memref<1x1x40xi32, #tpu.memory_space<vmem>>
      %dma_start3A_254 = tpu.memref_squeeze %dma_start3A_253 : memref<1x1x40xi32, #tpu.memory_space<vmem>> -> memref<40xi32, #tpu.memory_space<vmem>>
      %dma_start3A_255 = arith.constant 0 : i32
      %dma_start3A_256 = arith.constant 0 : i32
      %dma_start3A_257 = tpu.memref_slice %arg2[%dma_start3A_255, %dma_start3A_256] : memref<10000x128xf32, #tpu.memory_space<hbm>> -> memref<10000x128xf32, #tpu.memory_space<hbm>>
      tpu.enqueue_indirect_dma source(%dma_start3A_257 : memref<10000x128xf32, #tpu.memory_space<hbm>>) target(%dma_start3A_251 : memref<40x128xf32, #tpu.memory_space<vmem>>) offsets(%dma_start3A_254 : memref<40xi32, #tpu.memory_space<vmem>>) semaphore(%arg10 : memref<!tpu.dma_semaphore, #tpu.memory_space<semaphore_mem>>)
      %dma_wait3A_258 = arith.constant 0 : i32
      %dma_wait3A_259 = arith.constant 0 : i32
      %dma_wait3A_260 = arith.constant 0 : i32
      %dma_wait3A_261 = arith.constant 0 : i32
      %dma_wait3A_262 = arith.constant 0 : i32
      %dma_wait3A_263 = tpu.memref_slice %arg7[%dma_wait3A_260, %dma_wait3A_261, %dma_wait3A_262] : memref<5x40x128xf32, #tpu.memory_space<vmem>> -> memref<1x40x128xf32, #tpu.memory_space<vmem>>
      %dma_wait3A_264 = tpu.memref_squeeze %dma_wait3A_263 : memref<1x40x128xf32, #tpu.memory_space<vmem>> -> memref<40x128xf32, #tpu.memory_space<vmem>>
      %dma_wait3A_265 = arith.constant 0 : i32
      %dma_wait3A_266 = tpu.memref_slice %arg6[%dma_wait3A_258, %dma_wait3A_259, %dma_wait3A_265] : memref<5x2x40xi32, #tpu.memory_space<vmem>> -> memref<1x1x40xi32, #tpu.memory_space<vmem>>
      %dma_wait3A_267 = tpu.memref_squeeze %dma_wait3A_266 : memref<1x1x40xi32, #tpu.memory_space<vmem>> -> memref<40xi32, #tpu.memory_space<vmem>>
      %dma_wait3A_268 = arith.constant 0 : i32
      %dma_wait3A_269 = arith.constant 0 : i32
      %dma_wait3A_270 = tpu.memref_slice %arg2[%dma_wait3A_268, %dma_wait3A_269] : memref<10000x128xf32, #tpu.memory_space<hbm>> -> memref<10000x128xf32, #tpu.memory_space<hbm>>
      tpu.wait_indirect_dma semaphore(%arg10 : memref<!tpu.dma_semaphore, #tpu.memory_space<semaphore_mem>>) src(%dma_wait3A_270 : memref<10000x128xf32, #tpu.memory_space<hbm>>) dst(%dma_wait3A_264 : memref<40x128xf32, #tpu.memory_space<vmem>>)
      %dma_wait3A_271 = arith.constant 1 : i32
      %dma_wait3A_272 = arith.constant 0 : i32
      %dma_wait3A_273 = arith.constant 1 : i32
      %dma_wait3A_274 = arith.constant 0 : i32
      %dma_wait3A_275 = arith.constant 0 : i32
      %dma_wait3A_276 = tpu.memref_slice %arg7[%dma_wait3A_273, %dma_wait3A_274, %dma_wait3A_275] : memref<5x40x128xf32, #tpu.memory_space<vmem>> -> memref<1x40x128xf32, #tpu.memory_space<vmem>>
      %dma_wait3A_277 = tpu.memref_squeeze %dma_wait3A_276 : memref<1x40x128xf32, #tpu.memory_space<vmem>> -> memref<40x128xf32, #tpu.memory_space<vmem>>
      %dma_wait3A_278 = arith.constant 0 : i32
      %dma_wait3A_279 = tpu.memref_slice %arg6[%dma_wait3A_271, %dma_wait3A_272, %dma_wait3A_278] : memref<5x2x40xi32, #tpu.memory_space<vmem>> -> memref<1x1x40xi32, #tpu.memory_space<vmem>>
      %dma_wait3A_280 = tpu.memref_squeeze %dma_wait3A_279 : memref<1x1x40xi32, #tpu.memory_space<vmem>> -> memref<40xi32, #tpu.memory_space<vmem>>
      %dma_wait3A_281 = arith.constant 0 : i32
      %dma_wait3A_282 = arith.constant 0 : i32
      %dma_wait3A_283 = tpu.memref_slice %arg2[%dma_wait3A_281, %dma_wait3A_282] : memref<10000x128xf32, #tpu.memory_space<hbm>> -> memref<10000x128xf32, #tpu.memory_space<hbm>>
      tpu.wait_indirect_dma semaphore(%arg10 : memref<!tpu.dma_semaphore, #tpu.memory_space<semaphore_mem>>) src(%dma_wait3A_283 : memref<10000x128xf32, #tpu.memory_space<hbm>>) dst(%dma_wait3A_277 : memref<40x128xf32, #tpu.memory_space<vmem>>)
      %dma_wait3A_284 = arith.constant 2 : i32
      %dma_wait3A_285 = arith.constant 0 : i32
      %dma_wait3A_286 = arith.constant 2 : i32
      %dma_wait3A_287 = arith.constant 0 : i32
      %dma_wait3A_288 = arith.constant 0 : i32
      %dma_wait3A_289 = tpu.memref_slice %arg7[%dma_wait3A_286, %dma_wait3A_287, %dma_wait3A_288] : memref<5x40x128xf32, #tpu.memory_space<vmem>> -> memref<1x40x128xf32, #tpu.memory_space<vmem>>
      %dma_wait3A_290 = tpu.memref_squeeze %dma_wait3A_289 : memref<1x40x128xf32, #tpu.memory_space<vmem>> -> memref<40x128xf32, #tpu.memory_space<vmem>>
      %dma_wait3A_291 = arith.constant 0 : i32
      %dma_wait3A_292 = tpu.memref_slice %arg6[%dma_wait3A_284, %dma_wait3A_285, %dma_wait3A_291] : memref<5x2x40xi32, #tpu.memory_space<vmem>> -> memref<1x1x40xi32, #tpu.memory_space<vmem>>
      %dma_wait3A_293 = tpu.memref_squeeze %dma_wait3A_292 : memref<1x1x40xi32, #tpu.memory_space<vmem>> -> memref<40xi32, #tpu.memory_space<vmem>>
      %dma_wait3A_294 = arith.constant 0 : i32
      %dma_wait3A_295 = arith.constant 0 : i32
      %dma_wait3A_296 = tpu.memref_slice %arg2[%dma_wait3A_294, %dma_wait3A_295] : memref<10000x128xf32, #tpu.memory_space<hbm>> -> memref<10000x128xf32, #tpu.memory_space<hbm>>
      tpu.wait_indirect_dma semaphore(%arg10 : memref<!tpu.dma_semaphore, #tpu.memory_space<semaphore_mem>>) src(%dma_wait3A_296 : memref<10000x128xf32, #tpu.memory_space<hbm>>) dst(%dma_wait3A_290 : memref<40x128xf32, #tpu.memory_space<vmem>>)
      %dma_wait3A_297 = arith.constant 3 : i32
      %dma_wait3A_298 = arith.constant 0 : i32
      %dma_wait3A_299 = arith.constant 3 : i32
      %dma_wait3A_300 = arith.constant 0 : i32
      %dma_wait3A_301 = arith.constant 0 : i32
      %dma_wait3A_302 = tpu.memref_slice %arg7[%dma_wait3A_299, %dma_wait3A_300, %dma_wait3A_301] : memref<5x40x128xf32, #tpu.memory_space<vmem>> -> memref<1x40x128xf32, #tpu.memory_space<vmem>>
      %dma_wait3A_303 = tpu.memref_squeeze %dma_wait3A_302 : memref<1x40x128xf32, #tpu.memory_space<vmem>> -> memref<40x128xf32, #tpu.memory_space<vmem>>
      %dma_wait3A_304 = arith.constant 0 : i32
      %dma_wait3A_305 = tpu.memref_slice %arg6[%dma_wait3A_297, %dma_wait3A_298, %dma_wait3A_304] : memref<5x2x40xi32, #tpu.memory_space<vmem>> -> memref<1x1x40xi32, #tpu.memory_space<vmem>>
      %dma_wait3A_306 = tpu.memref_squeeze %dma_wait3A_305 : memref<1x1x40xi32, #tpu.memory_space<vmem>> -> memref<40xi32, #tpu.memory_space<vmem>>
      %dma_wait3A_307 = arith.constant 0 : i32
      %dma_wait3A_308 = arith.constant 0 : i32
      %dma_wait3A_309 = tpu.memref_slice %arg2[%dma_wait3A_307, %dma_wait3A_308] : memref<10000x128xf32, #tpu.memory_space<hbm>> -> memref<10000x128xf32, #tpu.memory_space<hbm>>
      tpu.wait_indirect_dma semaphore(%arg10 : memref<!tpu.dma_semaphore, #tpu.memory_space<semaphore_mem>>) src(%dma_wait3A_309 : memref<10000x128xf32, #tpu.memory_space<hbm>>) dst(%dma_wait3A_303 : memref<40x128xf32, #tpu.memory_space<vmem>>)
      %dma_wait3A_310 = arith.constant 4 : i32
      %dma_wait3A_311 = arith.constant 0 : i32
      %dma_wait3A_312 = arith.constant 4 : i32
      %dma_wait3A_313 = arith.constant 0 : i32
      %dma_wait3A_314 = arith.constant 0 : i32
      %dma_wait3A_315 = tpu.memref_slice %arg7[%dma_wait3A_312, %dma_wait3A_313, %dma_wait3A_314] : memref<5x40x128xf32, #tpu.memory_space<vmem>> -> memref<1x40x128xf32, #tpu.memory_space<vmem>>
      %dma_wait3A_316 = tpu.memref_squeeze %dma_wait3A_315 : memref<1x40x128xf32, #tpu.memory_space<vmem>> -> memref<40x128xf32, #tpu.memory_space<vmem>>
      %dma_wait3A_317 = arith.constant 0 : i32
      %dma_wait3A_318 = tpu.memref_slice %arg6[%dma_wait3A_310, %dma_wait3A_311, %dma_wait3A_317] : memref<5x2x40xi32, #tpu.memory_space<vmem>> -> memref<1x1x40xi32, #tpu.memory_space<vmem>>
      %dma_wait3A_319 = tpu.memref_squeeze %dma_wait3A_318 : memref<1x1x40xi32, #tpu.memory_space<vmem>> -> memref<40xi32, #tpu.memory_space<vmem>>
      %dma_wait3A_320 = arith.constant 0 : i32
      %dma_wait3A_321 = arith.constant 0 : i32
      %dma_wait3A_322 = tpu.memref_slice %arg2[%dma_wait3A_320, %dma_wait3A_321] : memref<10000x128xf32, #tpu.memory_space<hbm>> -> memref<10000x128xf32, #tpu.memory_space<hbm>>
      tpu.wait_indirect_dma semaphore(%arg10 : memref<!tpu.dma_semaphore, #tpu.memory_space<semaphore_mem>>) src(%dma_wait3A_322 : memref<10000x128xf32, #tpu.memory_space<hbm>>) dst(%dma_wait3A_316 : memref<40x128xf32, #tpu.memory_space<vmem>>)
      %dma_start3A_323 = arith.constant 0 : i32
      %dma_start3A_324 = arith.constant 0 : i32
      %dma_start3A_325 = arith.constant 1 : i32
      %dma_start3A_326 = arith.constant 0 : i32
      %dma_start3A_327 = arith.constant 0 : i32
      %dma_start3A_328 = tpu.memref_slice %arg7[%dma_start3A_323, %dma_start3A_326, %dma_start3A_327] : memref<5x40x128xf32, #tpu.memory_space<vmem>> -> memref<1x40x128xf32, #tpu.memory_space<vmem>>
      %dma_start3A_329 = tpu.memref_squeeze %dma_start3A_328 : memref<1x40x128xf32, #tpu.memory_space<vmem>> -> memref<40x128xf32, #tpu.memory_space<vmem>>
      %dma_start3A_330 = arith.constant 0 : i32
      %dma_start3A_331 = tpu.memref_slice %arg6[%dma_start3A_324, %dma_start3A_325, %dma_start3A_330] : memref<5x2x40xi32, #tpu.memory_space<vmem>> -> memref<1x1x40xi32, #tpu.memory_space<vmem>>
      %dma_start3A_332 = tpu.memref_squeeze %dma_start3A_331 : memref<1x1x40xi32, #tpu.memory_space<vmem>> -> memref<40xi32, #tpu.memory_space<vmem>>
      %dma_start3A_333 = arith.constant 0 : i32
      %dma_start3A_334 = arith.constant 0 : i32
      %dma_start3A_335 = tpu.memref_slice %arg8[%dma_start3A_333, %dma_start3A_334] : memref<10112x128xf32, #tpu.memory_space<vmem_shared>> -> memref<10112x128xf32, #tpu.memory_space<vmem_shared>>
      tpu.enqueue_indirect_dma source(%dma_start3A_329 : memref<40x128xf32, #tpu.memory_space<vmem>>) target(%dma_start3A_335 : memref<10112x128xf32, #tpu.memory_space<vmem_shared>>) offsets(%dma_start3A_332 : memref<40xi32, #tpu.memory_space<vmem>>) semaphore(%arg11 : memref<!tpu.dma_semaphore, #tpu.memory_space<semaphore_mem>>) {add = true}
      %dma_start3A_336 = arith.constant 1 : i32
      %dma_start3A_337 = arith.constant 1 : i32
      %dma_start3A_338 = arith.constant 1 : i32
      %dma_start3A_339 = arith.constant 0 : i32
      %dma_start3A_340 = arith.constant 0 : i32
      %dma_start3A_341 = tpu.memref_slice %arg7[%dma_start3A_336, %dma_start3A_339, %dma_start3A_340] : memref<5x40x128xf32, #tpu.memory_space<vmem>> -> memref<1x40x128xf32, #tpu.memory_space<vmem>>
      %dma_start3A_342 = tpu.memref_squeeze %dma_start3A_341 : memref<1x40x128xf32, #tpu.memory_space<vmem>> -> memref<40x128xf32, #tpu.memory_space<vmem>>
      %dma_start3A_343 = arith.constant 0 : i32
      %dma_start3A_344 = tpu.memref_slice %arg6[%dma_start3A_337, %dma_start3A_338, %dma_start3A_343] : memref<5x2x40xi32, #tpu.memory_space<vmem>> -> memref<1x1x40xi32, #tpu.memory_space<vmem>>
      %dma_start3A_345 = tpu.memref_squeeze %dma_start3A_344 : memref<1x1x40xi32, #tpu.memory_space<vmem>> -> memref<40xi32, #tpu.memory_space<vmem>>
      %dma_start3A_346 = arith.constant 0 : i32
      %dma_start3A_347 = arith.constant 0 : i32
      %dma_start3A_348 = tpu.memref_slice %arg8[%dma_start3A_346, %dma_start3A_347] : memref<10112x128xf32, #tpu.memory_space<vmem_shared>> -> memref<10112x128xf32, #tpu.memory_space<vmem_shared>>
      tpu.enqueue_indirect_dma source(%dma_start3A_342 : memref<40x128xf32, #tpu.memory_space<vmem>>) target(%dma_start3A_348 : memref<10112x128xf32, #tpu.memory_space<vmem_shared>>) offsets(%dma_start3A_345 : memref<40xi32, #tpu.memory_space<vmem>>) semaphore(%arg11 : memref<!tpu.dma_semaphore, #tpu.memory_space<semaphore_mem>>) {add = true}
      %dma_start3A_349 = arith.constant 2 : i32
      %dma_start3A_350 = arith.constant 2 : i32
      %dma_start3A_351 = arith.constant 1 : i32
      %dma_start3A_352 = arith.constant 0 : i32
      %dma_start3A_353 = arith.constant 0 : i32
      %dma_start3A_354 = tpu.memref_slice %arg7[%dma_start3A_349, %dma_start3A_352, %dma_start3A_353] : memref<5x40x128xf32, #tpu.memory_space<vmem>> -> memref<1x40x128xf32, #tpu.memory_space<vmem>>
      %dma_start3A_355 = tpu.memref_squeeze %dma_start3A_354 : memref<1x40x128xf32, #tpu.memory_space<vmem>> -> memref<40x128xf32, #tpu.memory_space<vmem>>
      %dma_start3A_356 = arith.constant 0 : i32
      %dma_start3A_357 = tpu.memref_slice %arg6[%dma_start3A_350, %dma_start3A_351, %dma_start3A_356] : memref<5x2x40xi32, #tpu.memory_space<vmem>> -> memref<1x1x40xi32, #tpu.memory_space<vmem>>
      %dma_start3A_358 = tpu.memref_squeeze %dma_start3A_357 : memref<1x1x40xi32, #tpu.memory_space<vmem>> -> memref<40xi32, #tpu.memory_space<vmem>>
      %dma_start3A_359 = arith.constant 0 : i32
      %dma_start3A_360 = arith.constant 0 : i32
      %dma_start3A_361 = tpu.memref_slice %arg8[%dma_start3A_359, %dma_start3A_360] : memref<10112x128xf32, #tpu.memory_space<vmem_shared>> -> memref<10112x128xf32, #tpu.memory_space<vmem_shared>>
      tpu.enqueue_indirect_dma source(%dma_start3A_355 : memref<40x128xf32, #tpu.memory_space<vmem>>) target(%dma_start3A_361 : memref<10112x128xf32, #tpu.memory_space<vmem_shared>>) offsets(%dma_start3A_358 : memref<40xi32, #tpu.memory_space<vmem>>) semaphore(%arg11 : memref<!tpu.dma_semaphore, #tpu.memory_space<semaphore_mem>>) {add = true}
      %dma_start3A_362 = arith.constant 3 : i32
      %dma_start3A_363 = arith.constant 3 : i32
      %dma_start3A_364 = arith.constant 1 : i32
      %dma_start3A_365 = arith.constant 0 : i32
      %dma_start3A_366 = arith.constant 0 : i32
      %dma_start3A_367 = tpu.memref_slice %arg7[%dma_start3A_362, %dma_start3A_365, %dma_start3A_366] : memref<5x40x128xf32, #tpu.memory_space<vmem>> -> memref<1x40x128xf32, #tpu.memory_space<vmem>>
      %dma_start3A_368 = tpu.memref_squeeze %dma_start3A_367 : memref<1x40x128xf32, #tpu.memory_space<vmem>> -> memref<40x128xf32, #tpu.memory_space<vmem>>
      %dma_start3A_369 = arith.constant 0 : i32
      %dma_start3A_370 = tpu.memref_slice %arg6[%dma_start3A_363, %dma_start3A_364, %dma_start3A_369] : memref<5x2x40xi32, #tpu.memory_space<vmem>> -> memref<1x1x40xi32, #tpu.memory_space<vmem>>
      %dma_start3A_371 = tpu.memref_squeeze %dma_start3A_370 : memref<1x1x40xi32, #tpu.memory_space<vmem>> -> memref<40xi32, #tpu.memory_space<vmem>>
      %dma_start3A_372 = arith.constant 0 : i32
      %dma_start3A_373 = arith.constant 0 : i32
      %dma_start3A_374 = tpu.memref_slice %arg8[%dma_start3A_372, %dma_start3A_373] : memref<10112x128xf32, #tpu.memory_space<vmem_shared>> -> memref<10112x128xf32, #tpu.memory_space<vmem_shared>>
      tpu.enqueue_indirect_dma source(%dma_start3A_368 : memref<40x128xf32, #tpu.memory_space<vmem>>) target(%dma_start3A_374 : memref<10112x128xf32, #tpu.memory_space<vmem_shared>>) offsets(%dma_start3A_371 : memref<40xi32, #tpu.memory_space<vmem>>) semaphore(%arg11 : memref<!tpu.dma_semaphore, #tpu.memory_space<semaphore_mem>>) {add = true}
      %dma_start3A_375 = arith.constant 4 : i32
      %dma_start3A_376 = arith.constant 4 : i32
      %dma_start3A_377 = arith.constant 1 : i32
      %dma_start3A_378 = arith.constant 0 : i32
      %dma_start3A_379 = arith.constant 0 : i32
      %dma_start3A_380 = tpu.memref_slice %arg7[%dma_start3A_375, %dma_start3A_378, %dma_start3A_379] : memref<5x40x128xf32, #tpu.memory_space<vmem>> -> memref<1x40x128xf32, #tpu.memory_space<vmem>>
      %dma_start3A_381 = tpu.memref_squeeze %dma_start3A_380 : memref<1x40x128xf32, #tpu.memory_space<vmem>> -> memref<40x128xf32, #tpu.memory_space<vmem>>
      %dma_start3A_382 = arith.constant 0 : i32
      %dma_start3A_383 = tpu.memref_slice %arg6[%dma_start3A_376, %dma_start3A_377, %dma_start3A_382] : memref<5x2x40xi32, #tpu.memory_space<vmem>> -> memref<1x1x40xi32, #tpu.memory_space<vmem>>
      %dma_start3A_384 = tpu.memref_squeeze %dma_start3A_383 : memref<1x1x40xi32, #tpu.memory_space<vmem>> -> memref<40xi32, #tpu.memory_space<vmem>>
      %dma_start3A_385 = arith.constant 0 : i32
      %dma_start3A_386 = arith.constant 0 : i32
      %dma_start3A_387 = tpu.memref_slice %arg8[%dma_start3A_385, %dma_start3A_386] : memref<10112x128xf32, #tpu.memory_space<vmem_shared>> -> memref<10112x128xf32, #tpu.memory_space<vmem_shared>>
      tpu.enqueue_indirect_dma source(%dma_start3A_381 : memref<40x128xf32, #tpu.memory_space<vmem>>) target(%dma_start3A_387 : memref<10112x128xf32, #tpu.memory_space<vmem_shared>>) offsets(%dma_start3A_384 : memref<40xi32, #tpu.memory_space<vmem>>) semaphore(%arg11 : memref<!tpu.dma_semaphore, #tpu.memory_space<semaphore_mem>>) {add = true}
      %dma_wait3A_388 = arith.constant 0 : i32
      %dma_wait3A_389 = arith.constant 0 : i32
      %dma_wait3A_390 = arith.constant 1 : i32
      %dma_wait3A_391 = arith.constant 0 : i32
      %dma_wait3A_392 = arith.constant 0 : i32
      %dma_wait3A_393 = tpu.memref_slice %arg7[%dma_wait3A_388, %dma_wait3A_391, %dma_wait3A_392] : memref<5x40x128xf32, #tpu.memory_space<vmem>> -> memref<1x40x128xf32, #tpu.memory_space<vmem>>
      %dma_wait3A_394 = tpu.memref_squeeze %dma_wait3A_393 : memref<1x40x128xf32, #tpu.memory_space<vmem>> -> memref<40x128xf32, #tpu.memory_space<vmem>>
      %dma_wait3A_395 = arith.constant 0 : i32
      %dma_wait3A_396 = tpu.memref_slice %arg6[%dma_wait3A_389, %dma_wait3A_390, %dma_wait3A_395] : memref<5x2x40xi32, #tpu.memory_space<vmem>> -> memref<1x1x40xi32, #tpu.memory_space<vmem>>
      %dma_wait3A_397 = tpu.memref_squeeze %dma_wait3A_396 : memref<1x1x40xi32, #tpu.memory_space<vmem>> -> memref<40xi32, #tpu.memory_space<vmem>>
      %dma_wait3A_398 = arith.constant 0 : i32
      %dma_wait3A_399 = arith.constant 0 : i32
      %dma_wait3A_400 = tpu.memref_slice %arg8[%dma_wait3A_398, %dma_wait3A_399] : memref<10112x128xf32, #tpu.memory_space<vmem_shared>> -> memref<10112x128xf32, #tpu.memory_space<vmem_shared>>
      tpu.wait_indirect_dma semaphore(%arg11 : memref<!tpu.dma_semaphore, #tpu.memory_space<semaphore_mem>>) src(%dma_wait3A_394 : memref<40x128xf32, #tpu.memory_space<vmem>>) dst(%dma_wait3A_400 : memref<10112x128xf32, #tpu.memory_space<vmem_shared>>)
      %dma_wait3A_401 = arith.constant 1 : i32
      %dma_wait3A_402 = arith.constant 1 : i32
      %dma_wait3A_403 = arith.constant 1 : i32
      %dma_wait3A_404 = arith.constant 0 : i32
      %dma_wait3A_405 = arith.constant 0 : i32
      %dma_wait3A_406 = tpu.memref_slice %arg7[%dma_wait3A_401, %dma_wait3A_404, %dma_wait3A_405] : memref<5x40x128xf32, #tpu.memory_space<vmem>> -> memref<1x40x128xf32, #tpu.memory_space<vmem>>
      %dma_wait3A_407 = tpu.memref_squeeze %dma_wait3A_406 : memref<1x40x128xf32, #tpu.memory_space<vmem>> -> memref<40x128xf32, #tpu.memory_space<vmem>>
      %dma_wait3A_408 = arith.constant 0 : i32
      %dma_wait3A_409 = tpu.memref_slice %arg6[%dma_wait3A_402, %dma_wait3A_403, %dma_wait3A_408] : memref<5x2x40xi32, #tpu.memory_space<vmem>> -> memref<1x1x40xi32, #tpu.memory_space<vmem>>
      %dma_wait3A_410 = tpu.memref_squeeze %dma_wait3A_409 : memref<1x1x40xi32, #tpu.memory_space<vmem>> -> memref<40xi32, #tpu.memory_space<vmem>>
      %dma_wait3A_411 = arith.constant 0 : i32
      %dma_wait3A_412 = arith.constant 0 : i32
      %dma_wait3A_413 = tpu.memref_slice %arg8[%dma_wait3A_411, %dma_wait3A_412] : memref<10112x128xf32, #tpu.memory_space<vmem_shared>> -> memref<10112x128xf32, #tpu.memory_space<vmem_shared>>
      tpu.wait_indirect_dma semaphore(%arg11 : memref<!tpu.dma_semaphore, #tpu.memory_space<semaphore_mem>>) src(%dma_wait3A_407 : memref<40x128xf32, #tpu.memory_space<vmem>>) dst(%dma_wait3A_413 : memref<10112x128xf32, #tpu.memory_space<vmem_shared>>)
      %dma_wait3A_414 = arith.constant 2 : i32
      %dma_wait3A_415 = arith.constant 2 : i32
      %dma_wait3A_416 = arith.constant 1 : i32
      %dma_wait3A_417 = arith.constant 0 : i32
      %dma_wait3A_418 = arith.constant 0 : i32
      %dma_wait3A_419 = tpu.memref_slice %arg7[%dma_wait3A_414, %dma_wait3A_417, %dma_wait3A_418] : memref<5x40x128xf32, #tpu.memory_space<vmem>> -> memref<1x40x128xf32, #tpu.memory_space<vmem>>
      %dma_wait3A_420 = tpu.memref_squeeze %dma_wait3A_419 : memref<1x40x128xf32, #tpu.memory_space<vmem>> -> memref<40x128xf32, #tpu.memory_space<vmem>>
      %dma_wait3A_421 = arith.constant 0 : i32
      %dma_wait3A_422 = tpu.memref_slice %arg6[%dma_wait3A_415, %dma_wait3A_416, %dma_wait3A_421] : memref<5x2x40xi32, #tpu.memory_space<vmem>> -> memref<1x1x40xi32, #tpu.memory_space<vmem>>
      %dma_wait3A_423 = tpu.memref_squeeze %dma_wait3A_422 : memref<1x1x40xi32, #tpu.memory_space<vmem>> -> memref<40xi32, #tpu.memory_space<vmem>>
      %dma_wait3A_424 = arith.constant 0 : i32
      %dma_wait3A_425 = arith.constant 0 : i32
      %dma_wait3A_426 = tpu.memref_slice %arg8[%dma_wait3A_424, %dma_wait3A_425] : memref<10112x128xf32, #tpu.memory_space<vmem_shared>> -> memref<10112x128xf32, #tpu.memory_space<vmem_shared>>
      tpu.wait_indirect_dma semaphore(%arg11 : memref<!tpu.dma_semaphore, #tpu.memory_space<semaphore_mem>>) src(%dma_wait3A_420 : memref<40x128xf32, #tpu.memory_space<vmem>>) dst(%dma_wait3A_426 : memref<10112x128xf32, #tpu.memory_space<vmem_shared>>)
      %dma_wait3A_427 = arith.constant 3 : i32
      %dma_wait3A_428 = arith.constant 3 : i32
      %dma_wait3A_429 = arith.constant 1 : i32
      %dma_wait3A_430 = arith.constant 0 : i32
      %dma_wait3A_431 = arith.constant 0 : i32
      %dma_wait3A_432 = tpu.memref_slice %arg7[%dma_wait3A_427, %dma_wait3A_430, %dma_wait3A_431] : memref<5x40x128xf32, #tpu.memory_space<vmem>> -> memref<1x40x128xf32, #tpu.memory_space<vmem>>
      %dma_wait3A_433 = tpu.memref_squeeze %dma_wait3A_432 : memref<1x40x128xf32, #tpu.memory_space<vmem>> -> memref<40x128xf32, #tpu.memory_space<vmem>>
      %dma_wait3A_434 = arith.constant 0 : i32
      %dma_wait3A_435 = tpu.memref_slice %arg6[%dma_wait3A_428, %dma_wait3A_429, %dma_wait3A_434] : memref<5x2x40xi32, #tpu.memory_space<vmem>> -> memref<1x1x40xi32, #tpu.memory_space<vmem>>
      %dma_wait3A_436 = tpu.memref_squeeze %dma_wait3A_435 : memref<1x1x40xi32, #tpu.memory_space<vmem>> -> memref<40xi32, #tpu.memory_space<vmem>>
      %dma_wait3A_437 = arith.constant 0 : i32
      %dma_wait3A_438 = arith.constant 0 : i32
      %dma_wait3A_439 = tpu.memref_slice %arg8[%dma_wait3A_437, %dma_wait3A_438] : memref<10112x128xf32, #tpu.memory_space<vmem_shared>> -> memref<10112x128xf32, #tpu.memory_space<vmem_shared>>
      tpu.wait_indirect_dma semaphore(%arg11 : memref<!tpu.dma_semaphore, #tpu.memory_space<semaphore_mem>>) src(%dma_wait3A_433 : memref<40x128xf32, #tpu.memory_space<vmem>>) dst(%dma_wait3A_439 : memref<10112x128xf32, #tpu.memory_space<vmem_shared>>)
      %dma_wait3A_440 = arith.constant 4 : i32
      %dma_wait3A_441 = arith.constant 4 : i32
      %dma_wait3A_442 = arith.constant 1 : i32
      %dma_wait3A_443 = arith.constant 0 : i32
      %dma_wait3A_444 = arith.constant 0 : i32
      %dma_wait3A_445 = tpu.memref_slice %arg7[%dma_wait3A_440, %dma_wait3A_443, %dma_wait3A_444] : memref<5x40x128xf32, #tpu.memory_space<vmem>> -> memref<1x40x128xf32, #tpu.memory_space<vmem>>
      %dma_wait3A_446 = tpu.memref_squeeze %dma_wait3A_445 : memref<1x40x128xf32, #tpu.memory_space<vmem>> -> memref<40x128xf32, #tpu.memory_space<vmem>>
      %dma_wait3A_447 = arith.constant 0 : i32
      %dma_wait3A_448 = tpu.memref_slice %arg6[%dma_wait3A_441, %dma_wait3A_442, %dma_wait3A_447] : memref<5x2x40xi32, #tpu.memory_space<vmem>> -> memref<1x1x40xi32, #tpu.memory_space<vmem>>
      %dma_wait3A_449 = tpu.memref_squeeze %dma_wait3A_448 : memref<1x1x40xi32, #tpu.memory_space<vmem>> -> memref<40xi32, #tpu.memory_space<vmem>>
      %dma_wait3A_450 = arith.constant 0 : i32
      %dma_wait3A_451 = arith.constant 0 : i32
      %dma_wait3A_452 = tpu.memref_slice %arg8[%dma_wait3A_450, %dma_wait3A_451] : memref<10112x128xf32, #tpu.memory_space<vmem_shared>> -> memref<10112x128xf32, #tpu.memory_space<vmem_shared>>
      tpu.wait_indirect_dma semaphore(%arg11 : memref<!tpu.dma_semaphore, #tpu.memory_space<semaphore_mem>>) src(%dma_wait3A_446 : memref<40x128xf32, #tpu.memory_space<vmem>>) dst(%dma_wait3A_452 : memref<10112x128xf32, #tpu.memory_space<vmem_shared>>)
    }
    %scan3A_7 = arith.constant 50 : i32
    %barrier3A_8 = arith.constant 0 : index
    tpu.barrier barrier_id(%barrier3A_8)
    "tpu.region"() ({
      %run_scoped3A = tpu.sem_alloc : memref<!tpu.dma_semaphore, #tpu.memory_space<semaphore_mem>>
      %dma_start3A = arith.constant 0 : i32
      %dma_start3A_9 = tpu.memref_slice %arg5[%arg0, %mul3A_2, %dma_start3A] : memref<2x10112x128xf32, #tpu.memory_space<hbm>> -> memref<1x632x128xf32, #tpu.memory_space<hbm>>
      %dma_start3A_10 = tpu.memref_squeeze %dma_start3A_9 : memref<1x632x128xf32, #tpu.memory_space<hbm>> -> memref<632x128xf32, #tpu.memory_space<hbm>>
      %dma_start3A_11 = arith.constant 0 : i32
      %dma_start3A_12 = tpu.memref_slice %arg8[%mul3A_2, %dma_start3A_11] : memref<10112x128xf32, #tpu.memory_space<vmem_shared>> -> memref<632x128xf32, #tpu.memory_space<vmem_shared>>
      tpu.enqueue_dma source(%dma_start3A_12 : memref<632x128xf32, #tpu.memory_space<vmem_shared>>) target(%dma_start3A_10 : memref<632x128xf32, #tpu.memory_space<hbm>>) target_semaphore(%run_scoped3A : memref<!tpu.dma_semaphore, #tpu.memory_space<semaphore_mem>>)
      %dma_wait3A = arith.constant 0 : i32
      %dma_wait3A_13 = tpu.memref_slice %arg5[%arg0, %mul3A_2, %dma_wait3A] : memref<2x10112x128xf32, #tpu.memory_space<hbm>> -> memref<1x632x128xf32, #tpu.memory_space<hbm>>
      %dma_wait3A_14 = tpu.memref_squeeze %dma_wait3A_13 : memref<1x632x128xf32, #tpu.memory_space<hbm>> -> memref<632x128xf32, #tpu.memory_space<hbm>>
      %dma_wait3A_15 = arith.constant 0 : i32
      %dma_wait3A_16 = tpu.memref_slice %arg8[%mul3A_2, %dma_wait3A_15] : memref<10112x128xf32, #tpu.memory_space<vmem_shared>> -> memref<632x128xf32, #tpu.memory_space<vmem_shared>>
      tpu.wait_dma2 semaphore(%run_scoped3A : memref<!tpu.dma_semaphore, #tpu.memory_space<semaphore_mem>>) src(%dma_wait3A_16 : memref<632x128xf32, #tpu.memory_space<vmem_shared>>) dst(%dma_wait3A_14 : memref<632x128xf32, #tpu.memory_space<hbm>>)
      tpu.yield
    }) : () -> ()
    return
  }
}

#map = affine_map<(d0, d1) -> (0, 0)>
#map1 = affine_map<(d0, d1) -> (0, 0, 0)>
module attributes {stable_mosaic.version = 14 : i64} {
  func.func @segsum(%arg0: i32, %arg1: i32, %arg2: memref<10000x128xf32, #tpu.memory_space<hbm>>, %arg3: memref<8000x2x40xi32, #tpu.memory_space<hbm>>, %arg4: memref<632x128xf32, #tpu.memory_space<hbm>>, %arg5: memref<2x10112x128xf32, #tpu.memory_space<hbm>>, %arg6: memref<5x2x40xi32, #tpu.memory_space<vmem>>, %arg7: memref<5x40x128xf32, #tpu.memory_space<vmem>>, %arg8: memref<10112x128xf32, #tpu.memory_space<vmem_shared>>, %arg9: memref<!tpu.dma_semaphore, #tpu.memory_space<semaphore_mem>>, %arg10: memref<!tpu.dma_semaphore, #tpu.memory_space<semaphore_mem>>, %arg11: memref<!tpu.dma_semaphore, #tpu.memory_space<semaphore_mem>>) attributes {dimension_semantics = [#tpu.dimension_semantics<core_parallel>, #tpu.dimension_semantics<subcore_parallel>], iteration_bounds = array<i64: 2, 16>, scalar_prefetch = 0 : i64, scratch_operands = 6 : i64, tpu.core_type = #tpu.core_type<sc_vector_subcore>, window_params = [{transform_indices = #map}, {transform_indices = #map1}, {transform_indices = #map}, {transform_indices = #map1}]} {
    %mul3A = arith.constant 16 : i32
    %mul3A_0 = arith.muli %arg0, %mul3A : i32
    %add3A = arith.addi %mul3A_0, %arg1 : i32
    %mul3A_1 = arith.constant 632 : i32
    %mul3A_2 = arith.muli %arg1, %mul3A_1 : i32
    "tpu.region"() ({
      %run_scoped3A = tpu.sem_alloc : memref<!tpu.dma_semaphore, #tpu.memory_space<semaphore_mem>>
      %dma_start3A = arith.constant 0 : i32
      %dma_start3A_9 = tpu.memref_slice %arg8[%mul3A_2, %dma_start3A] : memref<10112x128xf32, #tpu.memory_space<vmem_shared>> -> memref<632x128xf32, #tpu.memory_space<vmem_shared>>
      tpu.enqueue_dma source(%arg4 : memref<632x128xf32, #tpu.memory_space<hbm>>) target(%dma_start3A_9 : memref<632x128xf32, #tpu.memory_space<vmem_shared>>) target_semaphore(%run_scoped3A : memref<!tpu.dma_semaphore, #tpu.memory_space<semaphore_mem>>)
      %dma_wait3A = arith.constant 0 : i32
      %dma_wait3A_10 = tpu.memref_slice %arg8[%mul3A_2, %dma_wait3A] : memref<10112x128xf32, #tpu.memory_space<vmem_shared>> -> memref<632x128xf32, #tpu.memory_space<vmem_shared>>
      tpu.wait_dma2 semaphore(%run_scoped3A : memref<!tpu.dma_semaphore, #tpu.memory_space<semaphore_mem>>) src(%arg4 : memref<632x128xf32, #tpu.memory_space<hbm>>) dst(%dma_wait3A_10 : memref<632x128xf32, #tpu.memory_space<vmem_shared>>)
      tpu.yield
    }) : () -> ()
    %barrier3A = arith.constant 0 : index
    tpu.barrier barrier_id(%barrier3A)
    %scan3A = arith.constant 0 : i32
    %scan3A_3 = arith.constant 0 : i32
    %scan3A_4 = arith.constant 50 : i32
    %scan3A_5 = arith.addi %scan3A_3, %scan3A_4 : i32
    %scan3A_6 = arith.constant 1 : i32
    scf.for %scan3A_9 = %scan3A_3 to %scan3A_5 step %scan3A_6  : i32 {
      %mul3A_10 = arith.constant 250 : i32
      %mul3A_11 = arith.muli %add3A, %mul3A_10 : i32
      %mul3A_12 = arith.constant 5 : i32
      %mul3A_13 = arith.muli %scan3A_9, %mul3A_12 : i32
      %add3A_14 = arith.addi %mul3A_11, %mul3A_13 : i32
      %add3A_15 = arith.constant 0 : i32
      %add3A_16 = arith.addi %add3A_14, %add3A_15 : i32
      %dma_start3A = arith.constant 0 : i32
      %dma_start3A_17 = arith.constant 0 : i32
      %dma_start3A_18 = arith.constant 0 : i32
      %dma_start3A_19 = tpu.memref_slice %arg6[%dma_start3A, %dma_start3A_17, %dma_start3A_18] : memref<5x2x40xi32, #tpu.memory_space<vmem>> -> memref<1x2x40xi32, #tpu.memory_space<vmem>>
      %dma_start3A_20 = tpu.memref_squeeze %dma_start3A_19 : memref<1x2x40xi32, #tpu.memory_space<vmem>> -> memref<2x40xi32, #tpu.memory_space<vmem>>
      %dma_start3A_21 = arith.constant 0 : i32
      %dma_start3A_22 = arith.constant 0 : i32
      %dma_start3A_23 = tpu.memref_slice %arg3[%add3A_16, %dma_start3A_21, %dma_start3A_22] : memref<8000x2x40xi32, #tpu.memory_space<hbm>> -> memref<1x2x40xi32, #tpu.memory_space<hbm>>
      %dma_start3A_24 = tpu.memref_squeeze %dma_start3A_23 : memref<1x2x40xi32, #tpu.memory_space<hbm>> -> memref<2x40xi32, #tpu.memory_space<hbm>>
      %dma_start3A_25 = arith.constant 0 : i32
      %dma_start3A_26 = arith.constant 0 : i32
      %dma_start3A_27 = tpu.memref_slice %arg6[%dma_start3A, %dma_start3A_25, %dma_start3A_26] : memref<5x2x40xi32, #tpu.memory_space<vmem>> -> memref<1x2x40xi32, #tpu.memory_space<vmem>>
      %dma_start3A_28 = tpu.memref_squeeze %dma_start3A_27 : memref<1x2x40xi32, #tpu.memory_space<vmem>> -> memref<2x40xi32, #tpu.memory_space<vmem>>
      %dma_start3A_29 = arith.constant 0 : i32
      %dma_start3A_30 = arith.constant 0 : i32
      %dma_start3A_31 = tpu.memref_slice %arg3[%add3A_16, %dma_start3A_29, %dma_start3A_30] : memref<8000x2x40xi32, #tpu.memory_space<hbm>> -> memref<1x2x40xi32, #tpu.memory_space<hbm>>
      %dma_start3A_32 = tpu.memref_squeeze %dma_start3A_31 : memref<1x2x40xi32, #tpu.memory_space<hbm>> -> memref<2x40xi32, #tpu.memory_space<hbm>>
      tpu.enqueue_dma source(%dma_start3A_32 : memref<2x40xi32, #tpu.memory_space<hbm>>) target(%dma_start3A_28 : memref<2x40xi32, #tpu.memory_space<vmem>>) target_semaphore(%arg9 : memref<!tpu.dma_semaphore, #tpu.memory_space<semaphore_mem>>)
      %add3A_33 = arith.constant 1 : i32
      %add3A_34 = arith.addi %add3A_14, %add3A_33 : i32
      %dma_start3A_35 = arith.constant 1 : i32
      %dma_start3A_36 = arith.constant 0 : i32
      %dma_start3A_37 = arith.constant 0 : i32
      %dma_start3A_38 = tpu.memref_slice %arg6[%dma_start3A_35, %dma_start3A_36, %dma_start3A_37] : memref<5x2x40xi32, #tpu.memory_space<vmem>> -> memref<1x2x40xi32, #tpu.memory_space<vmem>>
      %dma_start3A_39 = tpu.memref_squeeze %dma_start3A_38 : memref<1x2x40xi32, #tpu.memory_space<vmem>> -> memref<2x40xi32, #tpu.memory_space<vmem>>
      %dma_start3A_40 = arith.constant 0 : i32
      %dma_start3A_41 = arith.constant 0 : i32
      %dma_start3A_42 = tpu.memref_slice %arg3[%add3A_34, %dma_start3A_40, %dma_start3A_41] : memref<8000x2x40xi32, #tpu.memory_space<hbm>> -> memref<1x2x40xi32, #tpu.memory_space<hbm>>
      %dma_start3A_43 = tpu.memref_squeeze %dma_start3A_42 : memref<1x2x40xi32, #tpu.memory_space<hbm>> -> memref<2x40xi32, #tpu.memory_space<hbm>>
      %dma_start3A_44 = arith.constant 0 : i32
      %dma_start3A_45 = arith.constant 0 : i32
      %dma_start3A_46 = tpu.memref_slice %arg6[%dma_start3A_35, %dma_start3A_44, %dma_start3A_45] : memref<5x2x40xi32, #tpu.memory_space<vmem>> -> memref<1x2x40xi32, #tpu.memory_space<vmem>>
      %dma_start3A_47 = tpu.memref_squeeze %dma_start3A_46 : memref<1x2x40xi32, #tpu.memory_space<vmem>> -> memref<2x40xi32, #tpu.memory_space<vmem>>
      %dma_start3A_48 = arith.constant 0 : i32
      %dma_start3A_49 = arith.constant 0 : i32
      %dma_start3A_50 = tpu.memref_slice %arg3[%add3A_34, %dma_start3A_48, %dma_start3A_49] : memref<8000x2x40xi32, #tpu.memory_space<hbm>> -> memref<1x2x40xi32, #tpu.memory_space<hbm>>
      %dma_start3A_51 = tpu.memref_squeeze %dma_start3A_50 : memref<1x2x40xi32, #tpu.memory_space<hbm>> -> memref<2x40xi32, #tpu.memory_space<hbm>>
      tpu.enqueue_dma source(%dma_start3A_51 : memref<2x40xi32, #tpu.memory_space<hbm>>) target(%dma_start3A_47 : memref<2x40xi32, #tpu.memory_space<vmem>>) target_semaphore(%arg9 : memref<!tpu.dma_semaphore, #tpu.memory_space<semaphore_mem>>)
      %add3A_52 = arith.constant 2 : i32
      %add3A_53 = arith.addi %add3A_14, %add3A_52 : i32
      %dma_start3A_54 = arith.constant 2 : i32
      %dma_start3A_55 = arith.constant 0 : i32
      %dma_start3A_56 = arith.constant 0 : i32
      %dma_start3A_57 = tpu.memref_slice %arg6[%dma_start3A_54, %dma_start3A_55, %dma_start3A_56] : memref<5x2x40xi32, #tpu.memory_space<vmem>> -> memref<1x2x40xi32, #tpu.memory_space<vmem>>
      %dma_start3A_58 = tpu.memref_squeeze %dma_start3A_57 : memref<1x2x40xi32, #tpu.memory_space<vmem>> -> memref<2x40xi32, #tpu.memory_space<vmem>>
      %dma_start3A_59 = arith.constant 0 : i32
      %dma_start3A_60 = arith.constant 0 : i32
      %dma_start3A_61 = tpu.memref_slice %arg3[%add3A_53, %dma_start3A_59, %dma_start3A_60] : memref<8000x2x40xi32, #tpu.memory_space<hbm>> -> memref<1x2x40xi32, #tpu.memory_space<hbm>>
      %dma_start3A_62 = tpu.memref_squeeze %dma_start3A_61 : memref<1x2x40xi32, #tpu.memory_space<hbm>> -> memref<2x40xi32, #tpu.memory_space<hbm>>
      %dma_start3A_63 = arith.constant 0 : i32
      %dma_start3A_64 = arith.constant 0 : i32
      %dma_start3A_65 = tpu.memref_slice %arg6[%dma_start3A_54, %dma_start3A_63, %dma_start3A_64] : memref<5x2x40xi32, #tpu.memory_space<vmem>> -> memref<1x2x40xi32, #tpu.memory_space<vmem>>
      %dma_start3A_66 = tpu.memref_squeeze %dma_start3A_65 : memref<1x2x40xi32, #tpu.memory_space<vmem>> -> memref<2x40xi32, #tpu.memory_space<vmem>>
      %dma_start3A_67 = arith.constant 0 : i32
      %dma_start3A_68 = arith.constant 0 : i32
      %dma_start3A_69 = tpu.memref_slice %arg3[%add3A_53, %dma_start3A_67, %dma_start3A_68] : memref<8000x2x40xi32, #tpu.memory_space<hbm>> -> memref<1x2x40xi32, #tpu.memory_space<hbm>>
      %dma_start3A_70 = tpu.memref_squeeze %dma_start3A_69 : memref<1x2x40xi32, #tpu.memory_space<hbm>> -> memref<2x40xi32, #tpu.memory_space<hbm>>
      tpu.enqueue_dma source(%dma_start3A_70 : memref<2x40xi32, #tpu.memory_space<hbm>>) target(%dma_start3A_66 : memref<2x40xi32, #tpu.memory_space<vmem>>) target_semaphore(%arg9 : memref<!tpu.dma_semaphore, #tpu.memory_space<semaphore_mem>>)
      %add3A_71 = arith.constant 3 : i32
      %add3A_72 = arith.addi %add3A_14, %add3A_71 : i32
      %dma_start3A_73 = arith.constant 3 : i32
      %dma_start3A_74 = arith.constant 0 : i32
      %dma_start3A_75 = arith.constant 0 : i32
      %dma_start3A_76 = tpu.memref_slice %arg6[%dma_start3A_73, %dma_start3A_74, %dma_start3A_75] : memref<5x2x40xi32, #tpu.memory_space<vmem>> -> memref<1x2x40xi32, #tpu.memory_space<vmem>>
      %dma_start3A_77 = tpu.memref_squeeze %dma_start3A_76 : memref<1x2x40xi32, #tpu.memory_space<vmem>> -> memref<2x40xi32, #tpu.memory_space<vmem>>
      %dma_start3A_78 = arith.constant 0 : i32
      %dma_start3A_79 = arith.constant 0 : i32
      %dma_start3A_80 = tpu.memref_slice %arg3[%add3A_72, %dma_start3A_78, %dma_start3A_79] : memref<8000x2x40xi32, #tpu.memory_space<hbm>> -> memref<1x2x40xi32, #tpu.memory_space<hbm>>
      %dma_start3A_81 = tpu.memref_squeeze %dma_start3A_80 : memref<1x2x40xi32, #tpu.memory_space<hbm>> -> memref<2x40xi32, #tpu.memory_space<hbm>>
      %dma_start3A_82 = arith.constant 0 : i32
      %dma_start3A_83 = arith.constant 0 : i32
      %dma_start3A_84 = tpu.memref_slice %arg6[%dma_start3A_73, %dma_start3A_82, %dma_start3A_83] : memref<5x2x40xi32, #tpu.memory_space<vmem>> -> memref<1x2x40xi32, #tpu.memory_space<vmem>>
      %dma_start3A_85 = tpu.memref_squeeze %dma_start3A_84 : memref<1x2x40xi32, #tpu.memory_space<vmem>> -> memref<2x40xi32, #tpu.memory_space<vmem>>
      %dma_start3A_86 = arith.constant 0 : i32
      %dma_start3A_87 = arith.constant 0 : i32
      %dma_start3A_88 = tpu.memref_slice %arg3[%add3A_72, %dma_start3A_86, %dma_start3A_87] : memref<8000x2x40xi32, #tpu.memory_space<hbm>> -> memref<1x2x40xi32, #tpu.memory_space<hbm>>
      %dma_start3A_89 = tpu.memref_squeeze %dma_start3A_88 : memref<1x2x40xi32, #tpu.memory_space<hbm>> -> memref<2x40xi32, #tpu.memory_space<hbm>>
      tpu.enqueue_dma source(%dma_start3A_89 : memref<2x40xi32, #tpu.memory_space<hbm>>) target(%dma_start3A_85 : memref<2x40xi32, #tpu.memory_space<vmem>>) target_semaphore(%arg9 : memref<!tpu.dma_semaphore, #tpu.memory_space<semaphore_mem>>)
      %add3A_90 = arith.constant 4 : i32
      %add3A_91 = arith.addi %add3A_14, %add3A_90 : i32
      %dma_start3A_92 = arith.constant 4 : i32
      %dma_start3A_93 = arith.constant 0 : i32
      %dma_start3A_94 = arith.constant 0 : i32
      %dma_start3A_95 = tpu.memref_slice %arg6[%dma_start3A_92, %dma_start3A_93, %dma_start3A_94] : memref<5x2x40xi32, #tpu.memory_space<vmem>> -> memref<1x2x40xi32, #tpu.memory_space<vmem>>
      %dma_start3A_96 = tpu.memref_squeeze %dma_start3A_95 : memref<1x2x40xi32, #tpu.memory_space<vmem>> -> memref<2x40xi32, #tpu.memory_space<vmem>>
      %dma_start3A_97 = arith.constant 0 : i32
      %dma_start3A_98 = arith.constant 0 : i32
      %dma_start3A_99 = tpu.memref_slice %arg3[%add3A_91, %dma_start3A_97, %dma_start3A_98] : memref<8000x2x40xi32, #tpu.memory_space<hbm>> -> memref<1x2x40xi32, #tpu.memory_space<hbm>>
      %dma_start3A_100 = tpu.memref_squeeze %dma_start3A_99 : memref<1x2x40xi32, #tpu.memory_space<hbm>> -> memref<2x40xi32, #tpu.memory_space<hbm>>
      %dma_start3A_101 = arith.constant 0 : i32
      %dma_start3A_102 = arith.constant 0 : i32
      %dma_start3A_103 = tpu.memref_slice %arg6[%dma_start3A_92, %dma_start3A_101, %dma_start3A_102] : memref<5x2x40xi32, #tpu.memory_space<vmem>> -> memref<1x2x40xi32, #tpu.memory_space<vmem>>
      %dma_start3A_104 = tpu.memref_squeeze %dma_start3A_103 : memref<1x2x40xi32, #tpu.memory_space<vmem>> -> memref<2x40xi32, #tpu.memory_space<vmem>>
      %dma_start3A_105 = arith.constant 0 : i32
      %dma_start3A_106 = arith.constant 0 : i32
      %dma_start3A_107 = tpu.memref_slice %arg3[%add3A_91, %dma_start3A_105, %dma_start3A_106] : memref<8000x2x40xi32, #tpu.memory_space<hbm>> -> memref<1x2x40xi32, #tpu.memory_space<hbm>>
      %dma_start3A_108 = tpu.memref_squeeze %dma_start3A_107 : memref<1x2x40xi32, #tpu.memory_space<hbm>> -> memref<2x40xi32, #tpu.memory_space<hbm>>
      tpu.enqueue_dma source(%dma_start3A_108 : memref<2x40xi32, #tpu.memory_space<hbm>>) target(%dma_start3A_104 : memref<2x40xi32, #tpu.memory_space<vmem>>) target_semaphore(%arg9 : memref<!tpu.dma_semaphore, #tpu.memory_space<semaphore_mem>>)
      %dma_wait3A = arith.constant 0 : i32
      %dma_wait3A_109 = arith.constant 0 : i32
      %dma_wait3A_110 = arith.constant 0 : i32
      %dma_wait3A_111 = tpu.memref_slice %arg6[%dma_wait3A, %dma_wait3A_109, %dma_wait3A_110] : memref<5x2x40xi32, #tpu.memory_space<vmem>> -> memref<1x2x40xi32, #tpu.memory_space<vmem>>
      %dma_wait3A_112 = tpu.memref_squeeze %dma_wait3A_111 : memref<1x2x40xi32, #tpu.memory_space<vmem>> -> memref<2x40xi32, #tpu.memory_space<vmem>>
      %dma_wait3A_113 = arith.constant 0 : i32
      %dma_wait3A_114 = arith.constant 0 : i32
      %dma_wait3A_115 = tpu.memref_slice %arg3[%add3A_16, %dma_wait3A_113, %dma_wait3A_114] : memref<8000x2x40xi32, #tpu.memory_space<hbm>> -> memref<1x2x40xi32, #tpu.memory_space<hbm>>
      %dma_wait3A_116 = tpu.memref_squeeze %dma_wait3A_115 : memref<1x2x40xi32, #tpu.memory_space<hbm>> -> memref<2x40xi32, #tpu.memory_space<hbm>>
      %dma_wait3A_117 = arith.constant 0 : i32
      %dma_wait3A_118 = arith.constant 0 : i32
      %dma_wait3A_119 = tpu.memref_slice %arg6[%dma_wait3A, %dma_wait3A_117, %dma_wait3A_118] : memref<5x2x40xi32, #tpu.memory_space<vmem>> -> memref<1x2x40xi32, #tpu.memory_space<vmem>>
      %dma_wait3A_120 = tpu.memref_squeeze %dma_wait3A_119 : memref<1x2x40xi32, #tpu.memory_space<vmem>> -> memref<2x40xi32, #tpu.memory_space<vmem>>
      %dma_wait3A_121 = arith.constant 0 : i32
      %dma_wait3A_122 = arith.constant 0 : i32
      %dma_wait3A_123 = tpu.memref_slice %arg3[%add3A_16, %dma_wait3A_121, %dma_wait3A_122] : memref<8000x2x40xi32, #tpu.memory_space<hbm>> -> memref<1x2x40xi32, #tpu.memory_space<hbm>>
      %dma_wait3A_124 = tpu.memref_squeeze %dma_wait3A_123 : memref<1x2x40xi32, #tpu.memory_space<hbm>> -> memref<2x40xi32, #tpu.memory_space<hbm>>
      tpu.wait_dma2 semaphore(%arg9 : memref<!tpu.dma_semaphore, #tpu.memory_space<semaphore_mem>>) src(%dma_wait3A_124 : memref<2x40xi32, #tpu.memory_space<hbm>>) dst(%dma_wait3A_120 : memref<2x40xi32, #tpu.memory_space<vmem>>)
      %dma_wait3A_125 = arith.constant 1 : i32
      %dma_wait3A_126 = arith.constant 0 : i32
      %dma_wait3A_127 = arith.constant 0 : i32
      %dma_wait3A_128 = tpu.memref_slice %arg6[%dma_wait3A_125, %dma_wait3A_126, %dma_wait3A_127] : memref<5x2x40xi32, #tpu.memory_space<vmem>> -> memref<1x2x40xi32, #tpu.memory_space<vmem>>
      %dma_wait3A_129 = tpu.memref_squeeze %dma_wait3A_128 : memref<1x2x40xi32, #tpu.memory_space<vmem>> -> memref<2x40xi32, #tpu.memory_space<vmem>>
      %dma_wait3A_130 = arith.constant 0 : i32
      %dma_wait3A_131 = arith.constant 0 : i32
      %dma_wait3A_132 = tpu.memref_slice %arg3[%add3A_34, %dma_wait3A_130, %dma_wait3A_131] : memref<8000x2x40xi32, #tpu.memory_space<hbm>> -> memref<1x2x40xi32, #tpu.memory_space<hbm>>
      %dma_wait3A_133 = tpu.memref_squeeze %dma_wait3A_132 : memref<1x2x40xi32, #tpu.memory_space<hbm>> -> memref<2x40xi32, #tpu.memory_space<hbm>>
      %dma_wait3A_134 = arith.constant 0 : i32
      %dma_wait3A_135 = arith.constant 0 : i32
      %dma_wait3A_136 = tpu.memref_slice %arg6[%dma_wait3A_125, %dma_wait3A_134, %dma_wait3A_135] : memref<5x2x40xi32, #tpu.memory_space<vmem>> -> memref<1x2x40xi32, #tpu.memory_space<vmem>>
      %dma_wait3A_137 = tpu.memref_squeeze %dma_wait3A_136 : memref<1x2x40xi32, #tpu.memory_space<vmem>> -> memref<2x40xi32, #tpu.memory_space<vmem>>
      %dma_wait3A_138 = arith.constant 0 : i32
      %dma_wait3A_139 = arith.constant 0 : i32
      %dma_wait3A_140 = tpu.memref_slice %arg3[%add3A_34, %dma_wait3A_138, %dma_wait3A_139] : memref<8000x2x40xi32, #tpu.memory_space<hbm>> -> memref<1x2x40xi32, #tpu.memory_space<hbm>>
      %dma_wait3A_141 = tpu.memref_squeeze %dma_wait3A_140 : memref<1x2x40xi32, #tpu.memory_space<hbm>> -> memref<2x40xi32, #tpu.memory_space<hbm>>
      tpu.wait_dma2 semaphore(%arg9 : memref<!tpu.dma_semaphore, #tpu.memory_space<semaphore_mem>>) src(%dma_wait3A_141 : memref<2x40xi32, #tpu.memory_space<hbm>>) dst(%dma_wait3A_137 : memref<2x40xi32, #tpu.memory_space<vmem>>)
      %dma_wait3A_142 = arith.constant 2 : i32
      %dma_wait3A_143 = arith.constant 0 : i32
      %dma_wait3A_144 = arith.constant 0 : i32
      %dma_wait3A_145 = tpu.memref_slice %arg6[%dma_wait3A_142, %dma_wait3A_143, %dma_wait3A_144] : memref<5x2x40xi32, #tpu.memory_space<vmem>> -> memref<1x2x40xi32, #tpu.memory_space<vmem>>
      %dma_wait3A_146 = tpu.memref_squeeze %dma_wait3A_145 : memref<1x2x40xi32, #tpu.memory_space<vmem>> -> memref<2x40xi32, #tpu.memory_space<vmem>>
      %dma_wait3A_147 = arith.constant 0 : i32
      %dma_wait3A_148 = arith.constant 0 : i32
      %dma_wait3A_149 = tpu.memref_slice %arg3[%add3A_53, %dma_wait3A_147, %dma_wait3A_148] : memref<8000x2x40xi32, #tpu.memory_space<hbm>> -> memref<1x2x40xi32, #tpu.memory_space<hbm>>
      %dma_wait3A_150 = tpu.memref_squeeze %dma_wait3A_149 : memref<1x2x40xi32, #tpu.memory_space<hbm>> -> memref<2x40xi32, #tpu.memory_space<hbm>>
      %dma_wait3A_151 = arith.constant 0 : i32
      %dma_wait3A_152 = arith.constant 0 : i32
      %dma_wait3A_153 = tpu.memref_slice %arg6[%dma_wait3A_142, %dma_wait3A_151, %dma_wait3A_152] : memref<5x2x40xi32, #tpu.memory_space<vmem>> -> memref<1x2x40xi32, #tpu.memory_space<vmem>>
      %dma_wait3A_154 = tpu.memref_squeeze %dma_wait3A_153 : memref<1x2x40xi32, #tpu.memory_space<vmem>> -> memref<2x40xi32, #tpu.memory_space<vmem>>
      %dma_wait3A_155 = arith.constant 0 : i32
      %dma_wait3A_156 = arith.constant 0 : i32
      %dma_wait3A_157 = tpu.memref_slice %arg3[%add3A_53, %dma_wait3A_155, %dma_wait3A_156] : memref<8000x2x40xi32, #tpu.memory_space<hbm>> -> memref<1x2x40xi32, #tpu.memory_space<hbm>>
      %dma_wait3A_158 = tpu.memref_squeeze %dma_wait3A_157 : memref<1x2x40xi32, #tpu.memory_space<hbm>> -> memref<2x40xi32, #tpu.memory_space<hbm>>
      tpu.wait_dma2 semaphore(%arg9 : memref<!tpu.dma_semaphore, #tpu.memory_space<semaphore_mem>>) src(%dma_wait3A_158 : memref<2x40xi32, #tpu.memory_space<hbm>>) dst(%dma_wait3A_154 : memref<2x40xi32, #tpu.memory_space<vmem>>)
      %dma_wait3A_159 = arith.constant 3 : i32
      %dma_wait3A_160 = arith.constant 0 : i32
      %dma_wait3A_161 = arith.constant 0 : i32
      %dma_wait3A_162 = tpu.memref_slice %arg6[%dma_wait3A_159, %dma_wait3A_160, %dma_wait3A_161] : memref<5x2x40xi32, #tpu.memory_space<vmem>> -> memref<1x2x40xi32, #tpu.memory_space<vmem>>
      %dma_wait3A_163 = tpu.memref_squeeze %dma_wait3A_162 : memref<1x2x40xi32, #tpu.memory_space<vmem>> -> memref<2x40xi32, #tpu.memory_space<vmem>>
      %dma_wait3A_164 = arith.constant 0 : i32
      %dma_wait3A_165 = arith.constant 0 : i32
      %dma_wait3A_166 = tpu.memref_slice %arg3[%add3A_72, %dma_wait3A_164, %dma_wait3A_165] : memref<8000x2x40xi32, #tpu.memory_space<hbm>> -> memref<1x2x40xi32, #tpu.memory_space<hbm>>
      %dma_wait3A_167 = tpu.memref_squeeze %dma_wait3A_166 : memref<1x2x40xi32, #tpu.memory_space<hbm>> -> memref<2x40xi32, #tpu.memory_space<hbm>>
      %dma_wait3A_168 = arith.constant 0 : i32
      %dma_wait3A_169 = arith.constant 0 : i32
      %dma_wait3A_170 = tpu.memref_slice %arg6[%dma_wait3A_159, %dma_wait3A_168, %dma_wait3A_169] : memref<5x2x40xi32, #tpu.memory_space<vmem>> -> memref<1x2x40xi32, #tpu.memory_space<vmem>>
      %dma_wait3A_171 = tpu.memref_squeeze %dma_wait3A_170 : memref<1x2x40xi32, #tpu.memory_space<vmem>> -> memref<2x40xi32, #tpu.memory_space<vmem>>
      %dma_wait3A_172 = arith.constant 0 : i32
      %dma_wait3A_173 = arith.constant 0 : i32
      %dma_wait3A_174 = tpu.memref_slice %arg3[%add3A_72, %dma_wait3A_172, %dma_wait3A_173] : memref<8000x2x40xi32, #tpu.memory_space<hbm>> -> memref<1x2x40xi32, #tpu.memory_space<hbm>>
      %dma_wait3A_175 = tpu.memref_squeeze %dma_wait3A_174 : memref<1x2x40xi32, #tpu.memory_space<hbm>> -> memref<2x40xi32, #tpu.memory_space<hbm>>
      tpu.wait_dma2 semaphore(%arg9 : memref<!tpu.dma_semaphore, #tpu.memory_space<semaphore_mem>>) src(%dma_wait3A_175 : memref<2x40xi32, #tpu.memory_space<hbm>>) dst(%dma_wait3A_171 : memref<2x40xi32, #tpu.memory_space<vmem>>)
      %dma_wait3A_176 = arith.constant 4 : i32
      %dma_wait3A_177 = arith.constant 0 : i32
      %dma_wait3A_178 = arith.constant 0 : i32
      %dma_wait3A_179 = tpu.memref_slice %arg6[%dma_wait3A_176, %dma_wait3A_177, %dma_wait3A_178] : memref<5x2x40xi32, #tpu.memory_space<vmem>> -> memref<1x2x40xi32, #tpu.memory_space<vmem>>
      %dma_wait3A_180 = tpu.memref_squeeze %dma_wait3A_179 : memref<1x2x40xi32, #tpu.memory_space<vmem>> -> memref<2x40xi32, #tpu.memory_space<vmem>>
      %dma_wait3A_181 = arith.constant 0 : i32
      %dma_wait3A_182 = arith.constant 0 : i32
      %dma_wait3A_183 = tpu.memref_slice %arg3[%add3A_91, %dma_wait3A_181, %dma_wait3A_182] : memref<8000x2x40xi32, #tpu.memory_space<hbm>> -> memref<1x2x40xi32, #tpu.memory_space<hbm>>
      %dma_wait3A_184 = tpu.memref_squeeze %dma_wait3A_183 : memref<1x2x40xi32, #tpu.memory_space<hbm>> -> memref<2x40xi32, #tpu.memory_space<hbm>>
      %dma_wait3A_185 = arith.constant 0 : i32
      %dma_wait3A_186 = arith.constant 0 : i32
      %dma_wait3A_187 = tpu.memref_slice %arg6[%dma_wait3A_176, %dma_wait3A_185, %dma_wait3A_186] : memref<5x2x40xi32, #tpu.memory_space<vmem>> -> memref<1x2x40xi32, #tpu.memory_space<vmem>>
      %dma_wait3A_188 = tpu.memref_squeeze %dma_wait3A_187 : memref<1x2x40xi32, #tpu.memory_space<vmem>> -> memref<2x40xi32, #tpu.memory_space<vmem>>
      %dma_wait3A_189 = arith.constant 0 : i32
      %dma_wait3A_190 = arith.constant 0 : i32
      %dma_wait3A_191 = tpu.memref_slice %arg3[%add3A_91, %dma_wait3A_189, %dma_wait3A_190] : memref<8000x2x40xi32, #tpu.memory_space<hbm>> -> memref<1x2x40xi32, #tpu.memory_space<hbm>>
      %dma_wait3A_192 = tpu.memref_squeeze %dma_wait3A_191 : memref<1x2x40xi32, #tpu.memory_space<hbm>> -> memref<2x40xi32, #tpu.memory_space<hbm>>
      tpu.wait_dma2 semaphore(%arg9 : memref<!tpu.dma_semaphore, #tpu.memory_space<semaphore_mem>>) src(%dma_wait3A_192 : memref<2x40xi32, #tpu.memory_space<hbm>>) dst(%dma_wait3A_188 : memref<2x40xi32, #tpu.memory_space<vmem>>)
      %dma_start3A_193 = arith.constant 0 : i32
      %dma_start3A_194 = arith.constant 0 : i32
      %dma_start3A_195 = arith.constant 0 : i32
      %dma_start3A_196 = arith.constant 0 : i32
      %dma_start3A_197 = arith.constant 0 : i32
      %dma_start3A_198 = tpu.memref_slice %arg7[%dma_start3A_195, %dma_start3A_196, %dma_start3A_197] : memref<5x40x128xf32, #tpu.memory_space<vmem>> -> memref<1x40x128xf32, #tpu.memory_space<vmem>>
      %dma_start3A_199 = tpu.memref_squeeze %dma_start3A_198 : memref<1x40x128xf32, #tpu.memory_space<vmem>> -> memref<40x128xf32, #tpu.memory_space<vmem>>
      %dma_start3A_200 = arith.constant 0 : i32
      %dma_start3A_201 = tpu.memref_slice %arg6[%dma_start3A_193, %dma_start3A_194, %dma_start3A_200] : memref<5x2x40xi32, #tpu.memory_space<vmem>> -> memref<1x1x40xi32, #tpu.memory_space<vmem>>
      %dma_start3A_202 = tpu.memref_squeeze %dma_start3A_201 : memref<1x1x40xi32, #tpu.memory_space<vmem>> -> memref<40xi32, #tpu.memory_space<vmem>>
      %dma_start3A_203 = arith.constant 0 : i32
      %dma_start3A_204 = arith.constant 0 : i32
      %dma_start3A_205 = tpu.memref_slice %arg2[%dma_start3A_203, %dma_start3A_204] : memref<10000x128xf32, #tpu.memory_space<hbm>> -> memref<10000x128xf32, #tpu.memory_space<hbm>>
      tpu.enqueue_indirect_dma source(%dma_start3A_205 : memref<10000x128xf32, #tpu.memory_space<hbm>>) target(%dma_start3A_199 : memref<40x128xf32, #tpu.memory_space<vmem>>) offsets(%dma_start3A_202 : memref<40xi32, #tpu.memory_space<vmem>>) semaphore(%arg10 : memref<!tpu.dma_semaphore, #tpu.memory_space<semaphore_mem>>)
      %dma_start3A_206 = arith.constant 1 : i32
      %dma_start3A_207 = arith.constant 0 : i32
      %dma_start3A_208 = arith.constant 1 : i32
      %dma_start3A_209 = arith.constant 0 : i32
      %dma_start3A_210 = arith.constant 0 : i32
      %dma_start3A_211 = tpu.memref_slice %arg7[%dma_start3A_208, %dma_start3A_209, %dma_start3A_210] : memref<5x40x128xf32, #tpu.memory_space<vmem>> -> memref<1x40x128xf32, #tpu.memory_space<vmem>>
      %dma_start3A_212 = tpu.memref_squeeze %dma_start3A_211 : memref<1x40x128xf32, #tpu.memory_space<vmem>> -> memref<40x128xf32, #tpu.memory_space<vmem>>
      %dma_start3A_213 = arith.constant 0 : i32
      %dma_start3A_214 = tpu.memref_slice %arg6[%dma_start3A_206, %dma_start3A_207, %dma_start3A_213] : memref<5x2x40xi32, #tpu.memory_space<vmem>> -> memref<1x1x40xi32, #tpu.memory_space<vmem>>
      %dma_start3A_215 = tpu.memref_squeeze %dma_start3A_214 : memref<1x1x40xi32, #tpu.memory_space<vmem>> -> memref<40xi32, #tpu.memory_space<vmem>>
      %dma_start3A_216 = arith.constant 0 : i32
      %dma_start3A_217 = arith.constant 0 : i32
      %dma_start3A_218 = tpu.memref_slice %arg2[%dma_start3A_216, %dma_start3A_217] : memref<10000x128xf32, #tpu.memory_space<hbm>> -> memref<10000x128xf32, #tpu.memory_space<hbm>>
      tpu.enqueue_indirect_dma source(%dma_start3A_218 : memref<10000x128xf32, #tpu.memory_space<hbm>>) target(%dma_start3A_212 : memref<40x128xf32, #tpu.memory_space<vmem>>) offsets(%dma_start3A_215 : memref<40xi32, #tpu.memory_space<vmem>>) semaphore(%arg10 : memref<!tpu.dma_semaphore, #tpu.memory_space<semaphore_mem>>)
      %dma_start3A_219 = arith.constant 2 : i32
      %dma_start3A_220 = arith.constant 0 : i32
      %dma_start3A_221 = arith.constant 2 : i32
      %dma_start3A_222 = arith.constant 0 : i32
      %dma_start3A_223 = arith.constant 0 : i32
      %dma_start3A_224 = tpu.memref_slice %arg7[%dma_start3A_221, %dma_start3A_222, %dma_start3A_223] : memref<5x40x128xf32, #tpu.memory_space<vmem>> -> memref<1x40x128xf32, #tpu.memory_space<vmem>>
      %dma_start3A_225 = tpu.memref_squeeze %dma_start3A_224 : memref<1x40x128xf32, #tpu.memory_space<vmem>> -> memref<40x128xf32, #tpu.memory_space<vmem>>
      %dma_start3A_226 = arith.constant 0 : i32
      %dma_start3A_227 = tpu.memref_slice %arg6[%dma_start3A_219, %dma_start3A_220, %dma_start3A_226] : memref<5x2x40xi32, #tpu.memory_space<vmem>> -> memref<1x1x40xi32, #tpu.memory_space<vmem>>
      %dma_start3A_228 = tpu.memref_squeeze %dma_start3A_227 : memref<1x1x40xi32, #tpu.memory_space<vmem>> -> memref<40xi32, #tpu.memory_space<vmem>>
      %dma_start3A_229 = arith.constant 0 : i32
      %dma_start3A_230 = arith.constant 0 : i32
      %dma_start3A_231 = tpu.memref_slice %arg2[%dma_start3A_229, %dma_start3A_230] : memref<10000x128xf32, #tpu.memory_space<hbm>> -> memref<10000x128xf32, #tpu.memory_space<hbm>>
      tpu.enqueue_indirect_dma source(%dma_start3A_231 : memref<10000x128xf32, #tpu.memory_space<hbm>>) target(%dma_start3A_225 : memref<40x128xf32, #tpu.memory_space<vmem>>) offsets(%dma_start3A_228 : memref<40xi32, #tpu.memory_space<vmem>>) semaphore(%arg10 : memref<!tpu.dma_semaphore, #tpu.memory_space<semaphore_mem>>)
      %dma_start3A_232 = arith.constant 3 : i32
      %dma_start3A_233 = arith.constant 0 : i32
      %dma_start3A_234 = arith.constant 3 : i32
      %dma_start3A_235 = arith.constant 0 : i32
      %dma_start3A_236 = arith.constant 0 : i32
      %dma_start3A_237 = tpu.memref_slice %arg7[%dma_start3A_234, %dma_start3A_235, %dma_start3A_236] : memref<5x40x128xf32, #tpu.memory_space<vmem>> -> memref<1x40x128xf32, #tpu.memory_space<vmem>>
      %dma_start3A_238 = tpu.memref_squeeze %dma_start3A_237 : memref<1x40x128xf32, #tpu.memory_space<vmem>> -> memref<40x128xf32, #tpu.memory_space<vmem>>
      %dma_start3A_239 = arith.constant 0 : i32
      %dma_start3A_240 = tpu.memref_slice %arg6[%dma_start3A_232, %dma_start3A_233, %dma_start3A_239] : memref<5x2x40xi32, #tpu.memory_space<vmem>> -> memref<1x1x40xi32, #tpu.memory_space<vmem>>
      %dma_start3A_241 = tpu.memref_squeeze %dma_start3A_240 : memref<1x1x40xi32, #tpu.memory_space<vmem>> -> memref<40xi32, #tpu.memory_space<vmem>>
      %dma_start3A_242 = arith.constant 0 : i32
      %dma_start3A_243 = arith.constant 0 : i32
      %dma_start3A_244 = tpu.memref_slice %arg2[%dma_start3A_242, %dma_start3A_243] : memref<10000x128xf32, #tpu.memory_space<hbm>> -> memref<10000x128xf32, #tpu.memory_space<hbm>>
      tpu.enqueue_indirect_dma source(%dma_start3A_244 : memref<10000x128xf32, #tpu.memory_space<hbm>>) target(%dma_start3A_238 : memref<40x128xf32, #tpu.memory_space<vmem>>) offsets(%dma_start3A_241 : memref<40xi32, #tpu.memory_space<vmem>>) semaphore(%arg10 : memref<!tpu.dma_semaphore, #tpu.memory_space<semaphore_mem>>)
      %dma_start3A_245 = arith.constant 4 : i32
      %dma_start3A_246 = arith.constant 0 : i32
      %dma_start3A_247 = arith.constant 4 : i32
      %dma_start3A_248 = arith.constant 0 : i32
      %dma_start3A_249 = arith.constant 0 : i32
      %dma_start3A_250 = tpu.memref_slice %arg7[%dma_start3A_247, %dma_start3A_248, %dma_start3A_249] : memref<5x40x128xf32, #tpu.memory_space<vmem>> -> memref<1x40x128xf32, #tpu.memory_space<vmem>>
      %dma_start3A_251 = tpu.memref_squeeze %dma_start3A_250 : memref<1x40x128xf32, #tpu.memory_space<vmem>> -> memref<40x128xf32, #tpu.memory_space<vmem>>
      %dma_start3A_252 = arith.constant 0 : i32
      %dma_start3A_253 = tpu.memref_slice %arg6[%dma_start3A_245, %dma_start3A_246, %dma_start3A_252] : memref<5x2x40xi32, #tpu.memory_space<vmem>> -> memref<1x1x40xi32, #tpu.memory_space<vmem>>
      %dma_start3A_254 = tpu.memref_squeeze %dma_start3A_253 : memref<1x1x40xi32, #tpu.memory_space<vmem>> -> memref<40xi32, #tpu.memory_space<vmem>>
      %dma_start3A_255 = arith.constant 0 : i32
      %dma_start3A_256 = arith.constant 0 : i32
      %dma_start3A_257 = tpu.memref_slice %arg2[%dma_start3A_255, %dma_start3A_256] : memref<10000x128xf32, #tpu.memory_space<hbm>> -> memref<10000x128xf32, #tpu.memory_space<hbm>>
      tpu.enqueue_indirect_dma source(%dma_start3A_257 : memref<10000x128xf32, #tpu.memory_space<hbm>>) target(%dma_start3A_251 : memref<40x128xf32, #tpu.memory_space<vmem>>) offsets(%dma_start3A_254 : memref<40xi32, #tpu.memory_space<vmem>>) semaphore(%arg10 : memref<!tpu.dma_semaphore, #tpu.memory_space<semaphore_mem>>)
      %dma_wait3A_258 = arith.constant 0 : i32
      %dma_wait3A_259 = arith.constant 0 : i32
      %dma_wait3A_260 = arith.constant 0 : i32
      %dma_wait3A_261 = arith.constant 0 : i32
      %dma_wait3A_262 = arith.constant 0 : i32
      %dma_wait3A_263 = tpu.memref_slice %arg7[%dma_wait3A_260, %dma_wait3A_261, %dma_wait3A_262] : memref<5x40x128xf32, #tpu.memory_space<vmem>> -> memref<1x40x128xf32, #tpu.memory_space<vmem>>
      %dma_wait3A_264 = tpu.memref_squeeze %dma_wait3A_263 : memref<1x40x128xf32, #tpu.memory_space<vmem>> -> memref<40x128xf32, #tpu.memory_space<vmem>>
      %dma_wait3A_265 = arith.constant 0 : i32
      %dma_wait3A_266 = tpu.memref_slice %arg6[%dma_wait3A_258, %dma_wait3A_259, %dma_wait3A_265] : memref<5x2x40xi32, #tpu.memory_space<vmem>> -> memref<1x1x40xi32, #tpu.memory_space<vmem>>
      %dma_wait3A_267 = tpu.memref_squeeze %dma_wait3A_266 : memref<1x1x40xi32, #tpu.memory_space<vmem>> -> memref<40xi32, #tpu.memory_space<vmem>>
      %dma_wait3A_268 = arith.constant 0 : i32
      %dma_wait3A_269 = arith.constant 0 : i32
      %dma_wait3A_270 = tpu.memref_slice %arg2[%dma_wait3A_268, %dma_wait3A_269] : memref<10000x128xf32, #tpu.memory_space<hbm>> -> memref<10000x128xf32, #tpu.memory_space<hbm>>
      tpu.wait_indirect_dma semaphore(%arg10 : memref<!tpu.dma_semaphore, #tpu.memory_space<semaphore_mem>>) src(%dma_wait3A_270 : memref<10000x128xf32, #tpu.memory_space<hbm>>) dst(%dma_wait3A_264 : memref<40x128xf32, #tpu.memory_space<vmem>>)
      %dma_wait3A_271 = arith.constant 1 : i32
      %dma_wait3A_272 = arith.constant 0 : i32
      %dma_wait3A_273 = arith.constant 1 : i32
      %dma_wait3A_274 = arith.constant 0 : i32
      %dma_wait3A_275 = arith.constant 0 : i32
      %dma_wait3A_276 = tpu.memref_slice %arg7[%dma_wait3A_273, %dma_wait3A_274, %dma_wait3A_275] : memref<5x40x128xf32, #tpu.memory_space<vmem>> -> memref<1x40x128xf32, #tpu.memory_space<vmem>>
      %dma_wait3A_277 = tpu.memref_squeeze %dma_wait3A_276 : memref<1x40x128xf32, #tpu.memory_space<vmem>> -> memref<40x128xf32, #tpu.memory_space<vmem>>
      %dma_wait3A_278 = arith.constant 0 : i32
      %dma_wait3A_279 = tpu.memref_slice %arg6[%dma_wait3A_271, %dma_wait3A_272, %dma_wait3A_278] : memref<5x2x40xi32, #tpu.memory_space<vmem>> -> memref<1x1x40xi32, #tpu.memory_space<vmem>>
      %dma_wait3A_280 = tpu.memref_squeeze %dma_wait3A_279 : memref<1x1x40xi32, #tpu.memory_space<vmem>> -> memref<40xi32, #tpu.memory_space<vmem>>
      %dma_wait3A_281 = arith.constant 0 : i32
      %dma_wait3A_282 = arith.constant 0 : i32
      %dma_wait3A_283 = tpu.memref_slice %arg2[%dma_wait3A_281, %dma_wait3A_282] : memref<10000x128xf32, #tpu.memory_space<hbm>> -> memref<10000x128xf32, #tpu.memory_space<hbm>>
      tpu.wait_indirect_dma semaphore(%arg10 : memref<!tpu.dma_semaphore, #tpu.memory_space<semaphore_mem>>) src(%dma_wait3A_283 : memref<10000x128xf32, #tpu.memory_space<hbm>>) dst(%dma_wait3A_277 : memref<40x128xf32, #tpu.memory_space<vmem>>)
      %dma_wait3A_284 = arith.constant 2 : i32
      %dma_wait3A_285 = arith.constant 0 : i32
      %dma_wait3A_286 = arith.constant 2 : i32
      %dma_wait3A_287 = arith.constant 0 : i32
      %dma_wait3A_288 = arith.constant 0 : i32
      %dma_wait3A_289 = tpu.memref_slice %arg7[%dma_wait3A_286, %dma_wait3A_287, %dma_wait3A_288] : memref<5x40x128xf32, #tpu.memory_space<vmem>> -> memref<1x40x128xf32, #tpu.memory_space<vmem>>
      %dma_wait3A_290 = tpu.memref_squeeze %dma_wait3A_289 : memref<1x40x128xf32, #tpu.memory_space<vmem>> -> memref<40x128xf32, #tpu.memory_space<vmem>>
      %dma_wait3A_291 = arith.constant 0 : i32
      %dma_wait3A_292 = tpu.memref_slice %arg6[%dma_wait3A_284, %dma_wait3A_285, %dma_wait3A_291] : memref<5x2x40xi32, #tpu.memory_space<vmem>> -> memref<1x1x40xi32, #tpu.memory_space<vmem>>
      %dma_wait3A_293 = tpu.memref_squeeze %dma_wait3A_292 : memref<1x1x40xi32, #tpu.memory_space<vmem>> -> memref<40xi32, #tpu.memory_space<vmem>>
      %dma_wait3A_294 = arith.constant 0 : i32
      %dma_wait3A_295 = arith.constant 0 : i32
      %dma_wait3A_296 = tpu.memref_slice %arg2[%dma_wait3A_294, %dma_wait3A_295] : memref<10000x128xf32, #tpu.memory_space<hbm>> -> memref<10000x128xf32, #tpu.memory_space<hbm>>
      tpu.wait_indirect_dma semaphore(%arg10 : memref<!tpu.dma_semaphore, #tpu.memory_space<semaphore_mem>>) src(%dma_wait3A_296 : memref<10000x128xf32, #tpu.memory_space<hbm>>) dst(%dma_wait3A_290 : memref<40x128xf32, #tpu.memory_space<vmem>>)
      %dma_wait3A_297 = arith.constant 3 : i32
      %dma_wait3A_298 = arith.constant 0 : i32
      %dma_wait3A_299 = arith.constant 3 : i32
      %dma_wait3A_300 = arith.constant 0 : i32
      %dma_wait3A_301 = arith.constant 0 : i32
      %dma_wait3A_302 = tpu.memref_slice %arg7[%dma_wait3A_299, %dma_wait3A_300, %dma_wait3A_301] : memref<5x40x128xf32, #tpu.memory_space<vmem>> -> memref<1x40x128xf32, #tpu.memory_space<vmem>>
      %dma_wait3A_303 = tpu.memref_squeeze %dma_wait3A_302 : memref<1x40x128xf32, #tpu.memory_space<vmem>> -> memref<40x128xf32, #tpu.memory_space<vmem>>
      %dma_wait3A_304 = arith.constant 0 : i32
      %dma_wait3A_305 = tpu.memref_slice %arg6[%dma_wait3A_297, %dma_wait3A_298, %dma_wait3A_304] : memref<5x2x40xi32, #tpu.memory_space<vmem>> -> memref<1x1x40xi32, #tpu.memory_space<vmem>>
      %dma_wait3A_306 = tpu.memref_squeeze %dma_wait3A_305 : memref<1x1x40xi32, #tpu.memory_space<vmem>> -> memref<40xi32, #tpu.memory_space<vmem>>
      %dma_wait3A_307 = arith.constant 0 : i32
      %dma_wait3A_308 = arith.constant 0 : i32
      %dma_wait3A_309 = tpu.memref_slice %arg2[%dma_wait3A_307, %dma_wait3A_308] : memref<10000x128xf32, #tpu.memory_space<hbm>> -> memref<10000x128xf32, #tpu.memory_space<hbm>>
      tpu.wait_indirect_dma semaphore(%arg10 : memref<!tpu.dma_semaphore, #tpu.memory_space<semaphore_mem>>) src(%dma_wait3A_309 : memref<10000x128xf32, #tpu.memory_space<hbm>>) dst(%dma_wait3A_303 : memref<40x128xf32, #tpu.memory_space<vmem>>)
      %dma_wait3A_310 = arith.constant 4 : i32
      %dma_wait3A_311 = arith.constant 0 : i32
      %dma_wait3A_312 = arith.constant 4 : i32
      %dma_wait3A_313 = arith.constant 0 : i32
      %dma_wait3A_314 = arith.constant 0 : i32
      %dma_wait3A_315 = tpu.memref_slice %arg7[%dma_wait3A_312, %dma_wait3A_313, %dma_wait3A_314] : memref<5x40x128xf32, #tpu.memory_space<vmem>> -> memref<1x40x128xf32, #tpu.memory_space<vmem>>
      %dma_wait3A_316 = tpu.memref_squeeze %dma_wait3A_315 : memref<1x40x128xf32, #tpu.memory_space<vmem>> -> memref<40x128xf32, #tpu.memory_space<vmem>>
      %dma_wait3A_317 = arith.constant 0 : i32
      %dma_wait3A_318 = tpu.memref_slice %arg6[%dma_wait3A_310, %dma_wait3A_311, %dma_wait3A_317] : memref<5x2x40xi32, #tpu.memory_space<vmem>> -> memref<1x1x40xi32, #tpu.memory_space<vmem>>
      %dma_wait3A_319 = tpu.memref_squeeze %dma_wait3A_318 : memref<1x1x40xi32, #tpu.memory_space<vmem>> -> memref<40xi32, #tpu.memory_space<vmem>>
      %dma_wait3A_320 = arith.constant 0 : i32
      %dma_wait3A_321 = arith.constant 0 : i32
      %dma_wait3A_322 = tpu.memref_slice %arg2[%dma_wait3A_320, %dma_wait3A_321] : memref<10000x128xf32, #tpu.memory_space<hbm>> -> memref<10000x128xf32, #tpu.memory_space<hbm>>
      tpu.wait_indirect_dma semaphore(%arg10 : memref<!tpu.dma_semaphore, #tpu.memory_space<semaphore_mem>>) src(%dma_wait3A_322 : memref<10000x128xf32, #tpu.memory_space<hbm>>) dst(%dma_wait3A_316 : memref<40x128xf32, #tpu.memory_space<vmem>>)
      %dma_start3A_323 = arith.constant 0 : i32
      %dma_start3A_324 = arith.constant 0 : i32
      %dma_start3A_325 = arith.constant 1 : i32
      %dma_start3A_326 = arith.constant 0 : i32
      %dma_start3A_327 = arith.constant 0 : i32
      %dma_start3A_328 = tpu.memref_slice %arg7[%dma_start3A_323, %dma_start3A_326, %dma_start3A_327] : memref<5x40x128xf32, #tpu.memory_space<vmem>> -> memref<1x40x128xf32, #tpu.memory_space<vmem>>
      %dma_start3A_329 = tpu.memref_squeeze %dma_start3A_328 : memref<1x40x128xf32, #tpu.memory_space<vmem>> -> memref<40x128xf32, #tpu.memory_space<vmem>>
      %dma_start3A_330 = arith.constant 0 : i32
      %dma_start3A_331 = tpu.memref_slice %arg6[%dma_start3A_324, %dma_start3A_325, %dma_start3A_330] : memref<5x2x40xi32, #tpu.memory_space<vmem>> -> memref<1x1x40xi32, #tpu.memory_space<vmem>>
      %dma_start3A_332 = tpu.memref_squeeze %dma_start3A_331 : memref<1x1x40xi32, #tpu.memory_space<vmem>> -> memref<40xi32, #tpu.memory_space<vmem>>
      %dma_start3A_333 = arith.constant 0 : i32
      %dma_start3A_334 = arith.constant 0 : i32
      %dma_start3A_335 = tpu.memref_slice %arg8[%dma_start3A_333, %dma_start3A_334] : memref<10112x128xf32, #tpu.memory_space<vmem_shared>> -> memref<10112x128xf32, #tpu.memory_space<vmem_shared>>
      tpu.enqueue_indirect_dma source(%dma_start3A_329 : memref<40x128xf32, #tpu.memory_space<vmem>>) target(%dma_start3A_335 : memref<10112x128xf32, #tpu.memory_space<vmem_shared>>) offsets(%dma_start3A_332 : memref<40xi32, #tpu.memory_space<vmem>>) semaphore(%arg11 : memref<!tpu.dma_semaphore, #tpu.memory_space<semaphore_mem>>) {add = true}
      %dma_start3A_336 = arith.constant 1 : i32
      %dma_start3A_337 = arith.constant 1 : i32
      %dma_start3A_338 = arith.constant 1 : i32
      %dma_start3A_339 = arith.constant 0 : i32
      %dma_start3A_340 = arith.constant 0 : i32
      %dma_start3A_341 = tpu.memref_slice %arg7[%dma_start3A_336, %dma_start3A_339, %dma_start3A_340] : memref<5x40x128xf32, #tpu.memory_space<vmem>> -> memref<1x40x128xf32, #tpu.memory_space<vmem>>
      %dma_start3A_342 = tpu.memref_squeeze %dma_start3A_341 : memref<1x40x128xf32, #tpu.memory_space<vmem>> -> memref<40x128xf32, #tpu.memory_space<vmem>>
      %dma_start3A_343 = arith.constant 0 : i32
      %dma_start3A_344 = tpu.memref_slice %arg6[%dma_start3A_337, %dma_start3A_338, %dma_start3A_343] : memref<5x2x40xi32, #tpu.memory_space<vmem>> -> memref<1x1x40xi32, #tpu.memory_space<vmem>>
      %dma_start3A_345 = tpu.memref_squeeze %dma_start3A_344 : memref<1x1x40xi32, #tpu.memory_space<vmem>> -> memref<40xi32, #tpu.memory_space<vmem>>
      %dma_start3A_346 = arith.constant 0 : i32
      %dma_start3A_347 = arith.constant 0 : i32
      %dma_start3A_348 = tpu.memref_slice %arg8[%dma_start3A_346, %dma_start3A_347] : memref<10112x128xf32, #tpu.memory_space<vmem_shared>> -> memref<10112x128xf32, #tpu.memory_space<vmem_shared>>
      tpu.enqueue_indirect_dma source(%dma_start3A_342 : memref<40x128xf32, #tpu.memory_space<vmem>>) target(%dma_start3A_348 : memref<10112x128xf32, #tpu.memory_space<vmem_shared>>) offsets(%dma_start3A_345 : memref<40xi32, #tpu.memory_space<vmem>>) semaphore(%arg11 : memref<!tpu.dma_semaphore, #tpu.memory_space<semaphore_mem>>) {add = true}
      %dma_start3A_349 = arith.constant 2 : i32
      %dma_start3A_350 = arith.constant 2 : i32
      %dma_start3A_351 = arith.constant 1 : i32
      %dma_start3A_352 = arith.constant 0 : i32
      %dma_start3A_353 = arith.constant 0 : i32
      %dma_start3A_354 = tpu.memref_slice %arg7[%dma_start3A_349, %dma_start3A_352, %dma_start3A_353] : memref<5x40x128xf32, #tpu.memory_space<vmem>> -> memref<1x40x128xf32, #tpu.memory_space<vmem>>
      %dma_start3A_355 = tpu.memref_squeeze %dma_start3A_354 : memref<1x40x128xf32, #tpu.memory_space<vmem>> -> memref<40x128xf32, #tpu.memory_space<vmem>>
      %dma_start3A_356 = arith.constant 0 : i32
      %dma_start3A_357 = tpu.memref_slice %arg6[%dma_start3A_350, %dma_start3A_351, %dma_start3A_356] : memref<5x2x40xi32, #tpu.memory_space<vmem>> -> memref<1x1x40xi32, #tpu.memory_space<vmem>>
      %dma_start3A_358 = tpu.memref_squeeze %dma_start3A_357 : memref<1x1x40xi32, #tpu.memory_space<vmem>> -> memref<40xi32, #tpu.memory_space<vmem>>
      %dma_start3A_359 = arith.constant 0 : i32
      %dma_start3A_360 = arith.constant 0 : i32
      %dma_start3A_361 = tpu.memref_slice %arg8[%dma_start3A_359, %dma_start3A_360] : memref<10112x128xf32, #tpu.memory_space<vmem_shared>> -> memref<10112x128xf32, #tpu.memory_space<vmem_shared>>
      tpu.enqueue_indirect_dma source(%dma_start3A_355 : memref<40x128xf32, #tpu.memory_space<vmem>>) target(%dma_start3A_361 : memref<10112x128xf32, #tpu.memory_space<vmem_shared>>) offsets(%dma_start3A_358 : memref<40xi32, #tpu.memory_space<vmem>>) semaphore(%arg11 : memref<!tpu.dma_semaphore, #tpu.memory_space<semaphore_mem>>) {add = true}
      %dma_start3A_362 = arith.constant 3 : i32
      %dma_start3A_363 = arith.constant 3 : i32
      %dma_start3A_364 = arith.constant 1 : i32
      %dma_start3A_365 = arith.constant 0 : i32
      %dma_start3A_366 = arith.constant 0 : i32
      %dma_start3A_367 = tpu.memref_slice %arg7[%dma_start3A_362, %dma_start3A_365, %dma_start3A_366] : memref<5x40x128xf32, #tpu.memory_space<vmem>> -> memref<1x40x128xf32, #tpu.memory_space<vmem>>
      %dma_start3A_368 = tpu.memref_squeeze %dma_start3A_367 : memref<1x40x128xf32, #tpu.memory_space<vmem>> -> memref<40x128xf32, #tpu.memory_space<vmem>>
      %dma_start3A_369 = arith.constant 0 : i32
      %dma_start3A_370 = tpu.memref_slice %arg6[%dma_start3A_363, %dma_start3A_364, %dma_start3A_369] : memref<5x2x40xi32, #tpu.memory_space<vmem>> -> memref<1x1x40xi32, #tpu.memory_space<vmem>>
      %dma_start3A_371 = tpu.memref_squeeze %dma_start3A_370 : memref<1x1x40xi32, #tpu.memory_space<vmem>> -> memref<40xi32, #tpu.memory_space<vmem>>
      %dma_start3A_372 = arith.constant 0 : i32
      %dma_start3A_373 = arith.constant 0 : i32
      %dma_start3A_374 = tpu.memref_slice %arg8[%dma_start3A_372, %dma_start3A_373] : memref<10112x128xf32, #tpu.memory_space<vmem_shared>> -> memref<10112x128xf32, #tpu.memory_space<vmem_shared>>
      tpu.enqueue_indirect_dma source(%dma_start3A_368 : memref<40x128xf32, #tpu.memory_space<vmem>>) target(%dma_start3A_374 : memref<10112x128xf32, #tpu.memory_space<vmem_shared>>) offsets(%dma_start3A_371 : memref<40xi32, #tpu.memory_space<vmem>>) semaphore(%arg11 : memref<!tpu.dma_semaphore, #tpu.memory_space<semaphore_mem>>) {add = true}
      %dma_start3A_375 = arith.constant 4 : i32
      %dma_start3A_376 = arith.constant 4 : i32
      %dma_start3A_377 = arith.constant 1 : i32
      %dma_start3A_378 = arith.constant 0 : i32
      %dma_start3A_379 = arith.constant 0 : i32
      %dma_start3A_380 = tpu.memref_slice %arg7[%dma_start3A_375, %dma_start3A_378, %dma_start3A_379] : memref<5x40x128xf32, #tpu.memory_space<vmem>> -> memref<1x40x128xf32, #tpu.memory_space<vmem>>
      %dma_start3A_381 = tpu.memref_squeeze %dma_start3A_380 : memref<1x40x128xf32, #tpu.memory_space<vmem>> -> memref<40x128xf32, #tpu.memory_space<vmem>>
      %dma_start3A_382 = arith.constant 0 : i32
      %dma_start3A_383 = tpu.memref_slice %arg6[%dma_start3A_376, %dma_start3A_377, %dma_start3A_382] : memref<5x2x40xi32, #tpu.memory_space<vmem>> -> memref<1x1x40xi32, #tpu.memory_space<vmem>>
      %dma_start3A_384 = tpu.memref_squeeze %dma_start3A_383 : memref<1x1x40xi32, #tpu.memory_space<vmem>> -> memref<40xi32, #tpu.memory_space<vmem>>
      %dma_start3A_385 = arith.constant 0 : i32
      %dma_start3A_386 = arith.constant 0 : i32
      %dma_start3A_387 = tpu.memref_slice %arg8[%dma_start3A_385, %dma_start3A_386] : memref<10112x128xf32, #tpu.memory_space<vmem_shared>> -> memref<10112x128xf32, #tpu.memory_space<vmem_shared>>
      tpu.enqueue_indirect_dma source(%dma_start3A_381 : memref<40x128xf32, #tpu.memory_space<vmem>>) target(%dma_start3A_387 : memref<10112x128xf32, #tpu.memory_space<vmem_shared>>) offsets(%dma_start3A_384 : memref<40xi32, #tpu.memory_space<vmem>>) semaphore(%arg11 : memref<!tpu.dma_semaphore, #tpu.memory_space<semaphore_mem>>) {add = true}
      %dma_wait3A_388 = arith.constant 0 : i32
      %dma_wait3A_389 = arith.constant 0 : i32
      %dma_wait3A_390 = arith.constant 1 : i32
      %dma_wait3A_391 = arith.constant 0 : i32
      %dma_wait3A_392 = arith.constant 0 : i32
      %dma_wait3A_393 = tpu.memref_slice %arg7[%dma_wait3A_388, %dma_wait3A_391, %dma_wait3A_392] : memref<5x40x128xf32, #tpu.memory_space<vmem>> -> memref<1x40x128xf32, #tpu.memory_space<vmem>>
      %dma_wait3A_394 = tpu.memref_squeeze %dma_wait3A_393 : memref<1x40x128xf32, #tpu.memory_space<vmem>> -> memref<40x128xf32, #tpu.memory_space<vmem>>
      %dma_wait3A_395 = arith.constant 0 : i32
      %dma_wait3A_396 = tpu.memref_slice %arg6[%dma_wait3A_389, %dma_wait3A_390, %dma_wait3A_395] : memref<5x2x40xi32, #tpu.memory_space<vmem>> -> memref<1x1x40xi32, #tpu.memory_space<vmem>>
      %dma_wait3A_397 = tpu.memref_squeeze %dma_wait3A_396 : memref<1x1x40xi32, #tpu.memory_space<vmem>> -> memref<40xi32, #tpu.memory_space<vmem>>
      %dma_wait3A_398 = arith.constant 0 : i32
      %dma_wait3A_399 = arith.constant 0 : i32
      %dma_wait3A_400 = tpu.memref_slice %arg8[%dma_wait3A_398, %dma_wait3A_399] : memref<10112x128xf32, #tpu.memory_space<vmem_shared>> -> memref<10112x128xf32, #tpu.memory_space<vmem_shared>>
      tpu.wait_indirect_dma semaphore(%arg11 : memref<!tpu.dma_semaphore, #tpu.memory_space<semaphore_mem>>) src(%dma_wait3A_394 : memref<40x128xf32, #tpu.memory_space<vmem>>) dst(%dma_wait3A_400 : memref<10112x128xf32, #tpu.memory_space<vmem_shared>>)
      %dma_wait3A_401 = arith.constant 1 : i32
      %dma_wait3A_402 = arith.constant 1 : i32
      %dma_wait3A_403 = arith.constant 1 : i32
      %dma_wait3A_404 = arith.constant 0 : i32
      %dma_wait3A_405 = arith.constant 0 : i32
      %dma_wait3A_406 = tpu.memref_slice %arg7[%dma_wait3A_401, %dma_wait3A_404, %dma_wait3A_405] : memref<5x40x128xf32, #tpu.memory_space<vmem>> -> memref<1x40x128xf32, #tpu.memory_space<vmem>>
      %dma_wait3A_407 = tpu.memref_squeeze %dma_wait3A_406 : memref<1x40x128xf32, #tpu.memory_space<vmem>> -> memref<40x128xf32, #tpu.memory_space<vmem>>
      %dma_wait3A_408 = arith.constant 0 : i32
      %dma_wait3A_409 = tpu.memref_slice %arg6[%dma_wait3A_402, %dma_wait3A_403, %dma_wait3A_408] : memref<5x2x40xi32, #tpu.memory_space<vmem>> -> memref<1x1x40xi32, #tpu.memory_space<vmem>>
      %dma_wait3A_410 = tpu.memref_squeeze %dma_wait3A_409 : memref<1x1x40xi32, #tpu.memory_space<vmem>> -> memref<40xi32, #tpu.memory_space<vmem>>
      %dma_wait3A_411 = arith.constant 0 : i32
      %dma_wait3A_412 = arith.constant 0 : i32
      %dma_wait3A_413 = tpu.memref_slice %arg8[%dma_wait3A_411, %dma_wait3A_412] : memref<10112x128xf32, #tpu.memory_space<vmem_shared>> -> memref<10112x128xf32, #tpu.memory_space<vmem_shared>>
      tpu.wait_indirect_dma semaphore(%arg11 : memref<!tpu.dma_semaphore, #tpu.memory_space<semaphore_mem>>) src(%dma_wait3A_407 : memref<40x128xf32, #tpu.memory_space<vmem>>) dst(%dma_wait3A_413 : memref<10112x128xf32, #tpu.memory_space<vmem_shared>>)
      %dma_wait3A_414 = arith.constant 2 : i32
      %dma_wait3A_415 = arith.constant 2 : i32
      %dma_wait3A_416 = arith.constant 1 : i32
      %dma_wait3A_417 = arith.constant 0 : i32
      %dma_wait3A_418 = arith.constant 0 : i32
      %dma_wait3A_419 = tpu.memref_slice %arg7[%dma_wait3A_414, %dma_wait3A_417, %dma_wait3A_418] : memref<5x40x128xf32, #tpu.memory_space<vmem>> -> memref<1x40x128xf32, #tpu.memory_space<vmem>>
      %dma_wait3A_420 = tpu.memref_squeeze %dma_wait3A_419 : memref<1x40x128xf32, #tpu.memory_space<vmem>> -> memref<40x128xf32, #tpu.memory_space<vmem>>
      %dma_wait3A_421 = arith.constant 0 : i32
      %dma_wait3A_422 = tpu.memref_slice %arg6[%dma_wait3A_415, %dma_wait3A_416, %dma_wait3A_421] : memref<5x2x40xi32, #tpu.memory_space<vmem>> -> memref<1x1x40xi32, #tpu.memory_space<vmem>>
      %dma_wait3A_423 = tpu.memref_squeeze %dma_wait3A_422 : memref<1x1x40xi32, #tpu.memory_space<vmem>> -> memref<40xi32, #tpu.memory_space<vmem>>
      %dma_wait3A_424 = arith.constant 0 : i32
      %dma_wait3A_425 = arith.constant 0 : i32
      %dma_wait3A_426 = tpu.memref_slice %arg8[%dma_wait3A_424, %dma_wait3A_425] : memref<10112x128xf32, #tpu.memory_space<vmem_shared>> -> memref<10112x128xf32, #tpu.memory_space<vmem_shared>>
      tpu.wait_indirect_dma semaphore(%arg11 : memref<!tpu.dma_semaphore, #tpu.memory_space<semaphore_mem>>) src(%dma_wait3A_420 : memref<40x128xf32, #tpu.memory_space<vmem>>) dst(%dma_wait3A_426 : memref<10112x128xf32, #tpu.memory_space<vmem_shared>>)
      %dma_wait3A_427 = arith.constant 3 : i32
      %dma_wait3A_428 = arith.constant 3 : i32
      %dma_wait3A_429 = arith.constant 1 : i32
      %dma_wait3A_430 = arith.constant 0 : i32
      %dma_wait3A_431 = arith.constant 0 : i32
      %dma_wait3A_432 = tpu.memref_slice %arg7[%dma_wait3A_427, %dma_wait3A_430, %dma_wait3A_431] : memref<5x40x128xf32, #tpu.memory_space<vmem>> -> memref<1x40x128xf32, #tpu.memory_space<vmem>>
      %dma_wait3A_433 = tpu.memref_squeeze %dma_wait3A_432 : memref<1x40x128xf32, #tpu.memory_space<vmem>> -> memref<40x128xf32, #tpu.memory_space<vmem>>
      %dma_wait3A_434 = arith.constant 0 : i32
      %dma_wait3A_435 = tpu.memref_slice %arg6[%dma_wait3A_428, %dma_wait3A_429, %dma_wait3A_434] : memref<5x2x40xi32, #tpu.memory_space<vmem>> -> memref<1x1x40xi32, #tpu.memory_space<vmem>>
      %dma_wait3A_436 = tpu.memref_squeeze %dma_wait3A_435 : memref<1x1x40xi32, #tpu.memory_space<vmem>> -> memref<40xi32, #tpu.memory_space<vmem>>
      %dma_wait3A_437 = arith.constant 0 : i32
      %dma_wait3A_438 = arith.constant 0 : i32
      %dma_wait3A_439 = tpu.memref_slice %arg8[%dma_wait3A_437, %dma_wait3A_438] : memref<10112x128xf32, #tpu.memory_space<vmem_shared>> -> memref<10112x128xf32, #tpu.memory_space<vmem_shared>>
      tpu.wait_indirect_dma semaphore(%arg11 : memref<!tpu.dma_semaphore, #tpu.memory_space<semaphore_mem>>) src(%dma_wait3A_433 : memref<40x128xf32, #tpu.memory_space<vmem>>) dst(%dma_wait3A_439 : memref<10112x128xf32, #tpu.memory_space<vmem_shared>>)
      %dma_wait3A_440 = arith.constant 4 : i32
      %dma_wait3A_441 = arith.constant 4 : i32
      %dma_wait3A_442 = arith.constant 1 : i32
      %dma_wait3A_443 = arith.constant 0 : i32
      %dma_wait3A_444 = arith.constant 0 : i32
      %dma_wait3A_445 = tpu.memref_slice %arg7[%dma_wait3A_440, %dma_wait3A_443, %dma_wait3A_444] : memref<5x40x128xf32, #tpu.memory_space<vmem>> -> memref<1x40x128xf32, #tpu.memory_space<vmem>>
      %dma_wait3A_446 = tpu.memref_squeeze %dma_wait3A_445 : memref<1x40x128xf32, #tpu.memory_space<vmem>> -> memref<40x128xf32, #tpu.memory_space<vmem>>
      %dma_wait3A_447 = arith.constant 0 : i32
      %dma_wait3A_448 = tpu.memref_slice %arg6[%dma_wait3A_441, %dma_wait3A_442, %dma_wait3A_447] : memref<5x2x40xi32, #tpu.memory_space<vmem>> -> memref<1x1x40xi32, #tpu.memory_space<vmem>>
      %dma_wait3A_449 = tpu.memref_squeeze %dma_wait3A_448 : memref<1x1x40xi32, #tpu.memory_space<vmem>> -> memref<40xi32, #tpu.memory_space<vmem>>
      %dma_wait3A_450 = arith.constant 0 : i32
      %dma_wait3A_451 = arith.constant 0 : i32
      %dma_wait3A_452 = tpu.memref_slice %arg8[%dma_wait3A_450, %dma_wait3A_451] : memref<10112x128xf32, #tpu.memory_space<vmem_shared>> -> memref<10112x128xf32, #tpu.memory_space<vmem_shared>>
      tpu.wait_indirect_dma semaphore(%arg11 : memref<!tpu.dma_semaphore, #tpu.memory_space<semaphore_mem>>) src(%dma_wait3A_446 : memref<40x128xf32, #tpu.memory_space<vmem>>) dst(%dma_wait3A_452 : memref<10112x128xf32, #tpu.memory_space<vmem_shared>>)
    }
    %scan3A_7 = arith.constant 50 : i32
    %barrier3A_8 = arith.constant 0 : index
    tpu.barrier barrier_id(%barrier3A_8)
    "tpu.region"() ({
      %run_scoped3A = tpu.sem_alloc : memref<!tpu.dma_semaphore, #tpu.memory_space<semaphore_mem>>
      %dma_start3A = arith.constant 0 : i32
      %dma_start3A_9 = tpu.memref_slice %arg5[%arg0, %mul3A_2, %dma_start3A] : memref<2x10112x128xf32, #tpu.memory_space<hbm>> -> memref<1x632x128xf32, #tpu.memory_space<hbm>>
      %dma_start3A_10 = tpu.memref_squeeze %dma_start3A_9 : memref<1x632x128xf32, #tpu.memory_space<hbm>> -> memref<632x128xf32, #tpu.memory_space<hbm>>
      %dma_start3A_11 = arith.constant 0 : i32
      %dma_start3A_12 = tpu.memref_slice %arg8[%mul3A_2, %dma_start3A_11] : memref<10112x128xf32, #tpu.memory_space<vmem_shared>> -> memref<632x128xf32, #tpu.memory_space<vmem_shared>>
      tpu.enqueue_dma source(%dma_start3A_12 : memref<632x128xf32, #tpu.memory_space<vmem_shared>>) target(%dma_start3A_10 : memref<632x128xf32, #tpu.memory_space<hbm>>) target_semaphore(%run_scoped3A : memref<!tpu.dma_semaphore, #tpu.memory_space<semaphore_mem>>)
      %dma_wait3A = arith.constant 0 : i32
      %dma_wait3A_13 = tpu.memref_slice %arg5[%arg0, %mul3A_2, %dma_wait3A] : memref<2x10112x128xf32, #tpu.memory_space<hbm>> -> memref<1x632x128xf32, #tpu.memory_space<hbm>>
      %dma_wait3A_14 = tpu.memref_squeeze %dma_wait3A_13 : memref<1x632x128xf32, #tpu.memory_space<hbm>> -> memref<632x128xf32, #tpu.memory_space<hbm>>
      %dma_wait3A_15 = arith.constant 0 : i32
      %dma_wait3A_16 = tpu.memref_slice %arg8[%mul3A_2, %dma_wait3A_15] : memref<10112x128xf32, #tpu.memory_space<vmem_shared>> -> memref<632x128xf32, #tpu.memory_space<vmem_shared>>
      tpu.wait_dma2 semaphore(%run_scoped3A : memref<!tpu.dma_semaphore, #tpu.memory_space<semaphore_mem>>) src(%dma_wait3A_16 : memref<632x128xf32, #tpu.memory_space<vmem_shared>>) dst(%dma_wait3A_14 : memref<632x128xf32, #tpu.memory_space<hbm>>)
      tpu.yield
    }) : () -> ()
    return
  }
}

#map = affine_map<(d0, d1) -> (0, 0)>
#map1 = affine_map<(d0, d1) -> (0, 0, 0)>
module attributes {stable_mosaic.version = 14 : i64} {
  func.func @segsum(%arg0: i32, %arg1: i32, %arg2: memref<10000x128xf32, #tpu.memory_space<hbm>>, %arg3: memref<8000x2x40xi32, #tpu.memory_space<hbm>>, %arg4: memref<632x128xf32, #tpu.memory_space<hbm>>, %arg5: memref<2x10112x128xf32, #tpu.memory_space<hbm>>, %arg6: memref<5x2x40xi32, #tpu.memory_space<vmem>>, %arg7: memref<5x40x128xf32, #tpu.memory_space<vmem>>, %arg8: memref<10112x128xf32, #tpu.memory_space<vmem_shared>>, %arg9: memref<!tpu.dma_semaphore, #tpu.memory_space<semaphore_mem>>, %arg10: memref<!tpu.dma_semaphore, #tpu.memory_space<semaphore_mem>>, %arg11: memref<!tpu.dma_semaphore, #tpu.memory_space<semaphore_mem>>) attributes {dimension_semantics = [#tpu.dimension_semantics<core_parallel>, #tpu.dimension_semantics<subcore_parallel>], iteration_bounds = array<i64: 2, 16>, scalar_prefetch = 0 : i64, scratch_operands = 6 : i64, tpu.core_type = #tpu.core_type<sc_vector_subcore>, window_params = [{transform_indices = #map}, {transform_indices = #map1}, {transform_indices = #map}, {transform_indices = #map1}]} {
    %mul3A = arith.constant 16 : i32
    %mul3A_0 = arith.muli %arg0, %mul3A : i32
    %add3A = arith.addi %mul3A_0, %arg1 : i32
    %mul3A_1 = arith.constant 632 : i32
    %mul3A_2 = arith.muli %arg1, %mul3A_1 : i32
    "tpu.region"() ({
      %run_scoped3A = tpu.sem_alloc : memref<!tpu.dma_semaphore, #tpu.memory_space<semaphore_mem>>
      %dma_start3A = arith.constant 0 : i32
      %dma_start3A_9 = tpu.memref_slice %arg8[%mul3A_2, %dma_start3A] : memref<10112x128xf32, #tpu.memory_space<vmem_shared>> -> memref<632x128xf32, #tpu.memory_space<vmem_shared>>
      tpu.enqueue_dma source(%arg4 : memref<632x128xf32, #tpu.memory_space<hbm>>) target(%dma_start3A_9 : memref<632x128xf32, #tpu.memory_space<vmem_shared>>) target_semaphore(%run_scoped3A : memref<!tpu.dma_semaphore, #tpu.memory_space<semaphore_mem>>)
      %dma_wait3A = arith.constant 0 : i32
      %dma_wait3A_10 = tpu.memref_slice %arg8[%mul3A_2, %dma_wait3A] : memref<10112x128xf32, #tpu.memory_space<vmem_shared>> -> memref<632x128xf32, #tpu.memory_space<vmem_shared>>
      tpu.wait_dma2 semaphore(%run_scoped3A : memref<!tpu.dma_semaphore, #tpu.memory_space<semaphore_mem>>) src(%arg4 : memref<632x128xf32, #tpu.memory_space<hbm>>) dst(%dma_wait3A_10 : memref<632x128xf32, #tpu.memory_space<vmem_shared>>)
      tpu.yield
    }) : () -> ()
    %barrier3A = arith.constant 0 : index
    tpu.barrier barrier_id(%barrier3A)
    %scan3A = arith.constant 0 : i32
    %scan3A_3 = arith.constant 0 : i32
    %scan3A_4 = arith.constant 50 : i32
    %scan3A_5 = arith.addi %scan3A_3, %scan3A_4 : i32
    %scan3A_6 = arith.constant 1 : i32
    scf.for %scan3A_9 = %scan3A_3 to %scan3A_5 step %scan3A_6  : i32 {
      %mul3A_10 = arith.constant 250 : i32
      %mul3A_11 = arith.muli %add3A, %mul3A_10 : i32
      %mul3A_12 = arith.constant 5 : i32
      %mul3A_13 = arith.muli %scan3A_9, %mul3A_12 : i32
      %add3A_14 = arith.addi %mul3A_11, %mul3A_13 : i32
      %add3A_15 = arith.constant 0 : i32
      %add3A_16 = arith.addi %add3A_14, %add3A_15 : i32
      %dma_start3A = arith.constant 0 : i32
      %dma_start3A_17 = arith.constant 0 : i32
      %dma_start3A_18 = arith.constant 0 : i32
      %dma_start3A_19 = tpu.memref_slice %arg6[%dma_start3A, %dma_start3A_17, %dma_start3A_18] : memref<5x2x40xi32, #tpu.memory_space<vmem>> -> memref<1x2x40xi32, #tpu.memory_space<vmem>>
      %dma_start3A_20 = tpu.memref_squeeze %dma_start3A_19 : memref<1x2x40xi32, #tpu.memory_space<vmem>> -> memref<2x40xi32, #tpu.memory_space<vmem>>
      %dma_start3A_21 = arith.constant 0 : i32
      %dma_start3A_22 = arith.constant 0 : i32
      %dma_start3A_23 = tpu.memref_slice %arg3[%add3A_16, %dma_start3A_21, %dma_start3A_22] : memref<8000x2x40xi32, #tpu.memory_space<hbm>> -> memref<1x2x40xi32, #tpu.memory_space<hbm>>
      %dma_start3A_24 = tpu.memref_squeeze %dma_start3A_23 : memref<1x2x40xi32, #tpu.memory_space<hbm>> -> memref<2x40xi32, #tpu.memory_space<hbm>>
      %dma_start3A_25 = arith.constant 0 : i32
      %dma_start3A_26 = arith.constant 0 : i32
      %dma_start3A_27 = tpu.memref_slice %arg6[%dma_start3A, %dma_start3A_25, %dma_start3A_26] : memref<5x2x40xi32, #tpu.memory_space<vmem>> -> memref<1x2x40xi32, #tpu.memory_space<vmem>>
      %dma_start3A_28 = tpu.memref_squeeze %dma_start3A_27 : memref<1x2x40xi32, #tpu.memory_space<vmem>> -> memref<2x40xi32, #tpu.memory_space<vmem>>
      %dma_start3A_29 = arith.constant 0 : i32
      %dma_start3A_30 = arith.constant 0 : i32
      %dma_start3A_31 = tpu.memref_slice %arg3[%add3A_16, %dma_start3A_29, %dma_start3A_30] : memref<8000x2x40xi32, #tpu.memory_space<hbm>> -> memref<1x2x40xi32, #tpu.memory_space<hbm>>
      %dma_start3A_32 = tpu.memref_squeeze %dma_start3A_31 : memref<1x2x40xi32, #tpu.memory_space<hbm>> -> memref<2x40xi32, #tpu.memory_space<hbm>>
      tpu.enqueue_dma source(%dma_start3A_32 : memref<2x40xi32, #tpu.memory_space<hbm>>) target(%dma_start3A_28 : memref<2x40xi32, #tpu.memory_space<vmem>>) target_semaphore(%arg9 : memref<!tpu.dma_semaphore, #tpu.memory_space<semaphore_mem>>)
      %add3A_33 = arith.constant 1 : i32
      %add3A_34 = arith.addi %add3A_14, %add3A_33 : i32
      %dma_start3A_35 = arith.constant 1 : i32
      %dma_start3A_36 = arith.constant 0 : i32
      %dma_start3A_37 = arith.constant 0 : i32
      %dma_start3A_38 = tpu.memref_slice %arg6[%dma_start3A_35, %dma_start3A_36, %dma_start3A_37] : memref<5x2x40xi32, #tpu.memory_space<vmem>> -> memref<1x2x40xi32, #tpu.memory_space<vmem>>
      %dma_start3A_39 = tpu.memref_squeeze %dma_start3A_38 : memref<1x2x40xi32, #tpu.memory_space<vmem>> -> memref<2x40xi32, #tpu.memory_space<vmem>>
      %dma_start3A_40 = arith.constant 0 : i32
      %dma_start3A_41 = arith.constant 0 : i32
      %dma_start3A_42 = tpu.memref_slice %arg3[%add3A_34, %dma_start3A_40, %dma_start3A_41] : memref<8000x2x40xi32, #tpu.memory_space<hbm>> -> memref<1x2x40xi32, #tpu.memory_space<hbm>>
      %dma_start3A_43 = tpu.memref_squeeze %dma_start3A_42 : memref<1x2x40xi32, #tpu.memory_space<hbm>> -> memref<2x40xi32, #tpu.memory_space<hbm>>
      %dma_start3A_44 = arith.constant 0 : i32
      %dma_start3A_45 = arith.constant 0 : i32
      %dma_start3A_46 = tpu.memref_slice %arg6[%dma_start3A_35, %dma_start3A_44, %dma_start3A_45] : memref<5x2x40xi32, #tpu.memory_space<vmem>> -> memref<1x2x40xi32, #tpu.memory_space<vmem>>
      %dma_start3A_47 = tpu.memref_squeeze %dma_start3A_46 : memref<1x2x40xi32, #tpu.memory_space<vmem>> -> memref<2x40xi32, #tpu.memory_space<vmem>>
      %dma_start3A_48 = arith.constant 0 : i32
      %dma_start3A_49 = arith.constant 0 : i32
      %dma_start3A_50 = tpu.memref_slice %arg3[%add3A_34, %dma_start3A_48, %dma_start3A_49] : memref<8000x2x40xi32, #tpu.memory_space<hbm>> -> memref<1x2x40xi32, #tpu.memory_space<hbm>>
      %dma_start3A_51 = tpu.memref_squeeze %dma_start3A_50 : memref<1x2x40xi32, #tpu.memory_space<hbm>> -> memref<2x40xi32, #tpu.memory_space<hbm>>
      tpu.enqueue_dma source(%dma_start3A_51 : memref<2x40xi32, #tpu.memory_space<hbm>>) target(%dma_start3A_47 : memref<2x40xi32, #tpu.memory_space<vmem>>) target_semaphore(%arg9 : memref<!tpu.dma_semaphore, #tpu.memory_space<semaphore_mem>>)
      %add3A_52 = arith.constant 2 : i32
      %add3A_53 = arith.addi %add3A_14, %add3A_52 : i32
      %dma_start3A_54 = arith.constant 2 : i32
      %dma_start3A_55 = arith.constant 0 : i32
      %dma_start3A_56 = arith.constant 0 : i32
      %dma_start3A_57 = tpu.memref_slice %arg6[%dma_start3A_54, %dma_start3A_55, %dma_start3A_56] : memref<5x2x40xi32, #tpu.memory_space<vmem>> -> memref<1x2x40xi32, #tpu.memory_space<vmem>>
      %dma_start3A_58 = tpu.memref_squeeze %dma_start3A_57 : memref<1x2x40xi32, #tpu.memory_space<vmem>> -> memref<2x40xi32, #tpu.memory_space<vmem>>
      %dma_start3A_59 = arith.constant 0 : i32
      %dma_start3A_60 = arith.constant 0 : i32
      %dma_start3A_61 = tpu.memref_slice %arg3[%add3A_53, %dma_start3A_59, %dma_start3A_60] : memref<8000x2x40xi32, #tpu.memory_space<hbm>> -> memref<1x2x40xi32, #tpu.memory_space<hbm>>
      %dma_start3A_62 = tpu.memref_squeeze %dma_start3A_61 : memref<1x2x40xi32, #tpu.memory_space<hbm>> -> memref<2x40xi32, #tpu.memory_space<hbm>>
      %dma_start3A_63 = arith.constant 0 : i32
      %dma_start3A_64 = arith.constant 0 : i32
      %dma_start3A_65 = tpu.memref_slice %arg6[%dma_start3A_54, %dma_start3A_63, %dma_start3A_64] : memref<5x2x40xi32, #tpu.memory_space<vmem>> -> memref<1x2x40xi32, #tpu.memory_space<vmem>>
      %dma_start3A_66 = tpu.memref_squeeze %dma_start3A_65 : memref<1x2x40xi32, #tpu.memory_space<vmem>> -> memref<2x40xi32, #tpu.memory_space<vmem>>
      %dma_start3A_67 = arith.constant 0 : i32
      %dma_start3A_68 = arith.constant 0 : i32
      %dma_start3A_69 = tpu.memref_slice %arg3[%add3A_53, %dma_start3A_67, %dma_start3A_68] : memref<8000x2x40xi32, #tpu.memory_space<hbm>> -> memref<1x2x40xi32, #tpu.memory_space<hbm>>
      %dma_start3A_70 = tpu.memref_squeeze %dma_start3A_69 : memref<1x2x40xi32, #tpu.memory_space<hbm>> -> memref<2x40xi32, #tpu.memory_space<hbm>>
      tpu.enqueue_dma source(%dma_start3A_70 : memref<2x40xi32, #tpu.memory_space<hbm>>) target(%dma_start3A_66 : memref<2x40xi32, #tpu.memory_space<vmem>>) target_semaphore(%arg9 : memref<!tpu.dma_semaphore, #tpu.memory_space<semaphore_mem>>)
      %add3A_71 = arith.constant 3 : i32
      %add3A_72 = arith.addi %add3A_14, %add3A_71 : i32
      %dma_start3A_73 = arith.constant 3 : i32
      %dma_start3A_74 = arith.constant 0 : i32
      %dma_start3A_75 = arith.constant 0 : i32
      %dma_start3A_76 = tpu.memref_slice %arg6[%dma_start3A_73, %dma_start3A_74, %dma_start3A_75] : memref<5x2x40xi32, #tpu.memory_space<vmem>> -> memref<1x2x40xi32, #tpu.memory_space<vmem>>
      %dma_start3A_77 = tpu.memref_squeeze %dma_start3A_76 : memref<1x2x40xi32, #tpu.memory_space<vmem>> -> memref<2x40xi32, #tpu.memory_space<vmem>>
      %dma_start3A_78 = arith.constant 0 : i32
      %dma_start3A_79 = arith.constant 0 : i32
      %dma_start3A_80 = tpu.memref_slice %arg3[%add3A_72, %dma_start3A_78, %dma_start3A_79] : memref<8000x2x40xi32, #tpu.memory_space<hbm>> -> memref<1x2x40xi32, #tpu.memory_space<hbm>>
      %dma_start3A_81 = tpu.memref_squeeze %dma_start3A_80 : memref<1x2x40xi32, #tpu.memory_space<hbm>> -> memref<2x40xi32, #tpu.memory_space<hbm>>
      %dma_start3A_82 = arith.constant 0 : i32
      %dma_start3A_83 = arith.constant 0 : i32
      %dma_start3A_84 = tpu.memref_slice %arg6[%dma_start3A_73, %dma_start3A_82, %dma_start3A_83] : memref<5x2x40xi32, #tpu.memory_space<vmem>> -> memref<1x2x40xi32, #tpu.memory_space<vmem>>
      %dma_start3A_85 = tpu.memref_squeeze %dma_start3A_84 : memref<1x2x40xi32, #tpu.memory_space<vmem>> -> memref<2x40xi32, #tpu.memory_space<vmem>>
      %dma_start3A_86 = arith.constant 0 : i32
      %dma_start3A_87 = arith.constant 0 : i32
      %dma_start3A_88 = tpu.memref_slice %arg3[%add3A_72, %dma_start3A_86, %dma_start3A_87] : memref<8000x2x40xi32, #tpu.memory_space<hbm>> -> memref<1x2x40xi32, #tpu.memory_space<hbm>>
      %dma_start3A_89 = tpu.memref_squeeze %dma_start3A_88 : memref<1x2x40xi32, #tpu.memory_space<hbm>> -> memref<2x40xi32, #tpu.memory_space<hbm>>
      tpu.enqueue_dma source(%dma_start3A_89 : memref<2x40xi32, #tpu.memory_space<hbm>>) target(%dma_start3A_85 : memref<2x40xi32, #tpu.memory_space<vmem>>) target_semaphore(%arg9 : memref<!tpu.dma_semaphore, #tpu.memory_space<semaphore_mem>>)
      %add3A_90 = arith.constant 4 : i32
      %add3A_91 = arith.addi %add3A_14, %add3A_90 : i32
      %dma_start3A_92 = arith.constant 4 : i32
      %dma_start3A_93 = arith.constant 0 : i32
      %dma_start3A_94 = arith.constant 0 : i32
      %dma_start3A_95 = tpu.memref_slice %arg6[%dma_start3A_92, %dma_start3A_93, %dma_start3A_94] : memref<5x2x40xi32, #tpu.memory_space<vmem>> -> memref<1x2x40xi32, #tpu.memory_space<vmem>>
      %dma_start3A_96 = tpu.memref_squeeze %dma_start3A_95 : memref<1x2x40xi32, #tpu.memory_space<vmem>> -> memref<2x40xi32, #tpu.memory_space<vmem>>
      %dma_start3A_97 = arith.constant 0 : i32
      %dma_start3A_98 = arith.constant 0 : i32
      %dma_start3A_99 = tpu.memref_slice %arg3[%add3A_91, %dma_start3A_97, %dma_start3A_98] : memref<8000x2x40xi32, #tpu.memory_space<hbm>> -> memref<1x2x40xi32, #tpu.memory_space<hbm>>
      %dma_start3A_100 = tpu.memref_squeeze %dma_start3A_99 : memref<1x2x40xi32, #tpu.memory_space<hbm>> -> memref<2x40xi32, #tpu.memory_space<hbm>>
      %dma_start3A_101 = arith.constant 0 : i32
      %dma_start3A_102 = arith.constant 0 : i32
      %dma_start3A_103 = tpu.memref_slice %arg6[%dma_start3A_92, %dma_start3A_101, %dma_start3A_102] : memref<5x2x40xi32, #tpu.memory_space<vmem>> -> memref<1x2x40xi32, #tpu.memory_space<vmem>>
      %dma_start3A_104 = tpu.memref_squeeze %dma_start3A_103 : memref<1x2x40xi32, #tpu.memory_space<vmem>> -> memref<2x40xi32, #tpu.memory_space<vmem>>
      %dma_start3A_105 = arith.constant 0 : i32
      %dma_start3A_106 = arith.constant 0 : i32
      %dma_start3A_107 = tpu.memref_slice %arg3[%add3A_91, %dma_start3A_105, %dma_start3A_106] : memref<8000x2x40xi32, #tpu.memory_space<hbm>> -> memref<1x2x40xi32, #tpu.memory_space<hbm>>
      %dma_start3A_108 = tpu.memref_squeeze %dma_start3A_107 : memref<1x2x40xi32, #tpu.memory_space<hbm>> -> memref<2x40xi32, #tpu.memory_space<hbm>>
      tpu.enqueue_dma source(%dma_start3A_108 : memref<2x40xi32, #tpu.memory_space<hbm>>) target(%dma_start3A_104 : memref<2x40xi32, #tpu.memory_space<vmem>>) target_semaphore(%arg9 : memref<!tpu.dma_semaphore, #tpu.memory_space<semaphore_mem>>)
      %dma_wait3A = arith.constant 0 : i32
      %dma_wait3A_109 = arith.constant 0 : i32
      %dma_wait3A_110 = arith.constant 0 : i32
      %dma_wait3A_111 = tpu.memref_slice %arg6[%dma_wait3A, %dma_wait3A_109, %dma_wait3A_110] : memref<5x2x40xi32, #tpu.memory_space<vmem>> -> memref<1x2x40xi32, #tpu.memory_space<vmem>>
      %dma_wait3A_112 = tpu.memref_squeeze %dma_wait3A_111 : memref<1x2x40xi32, #tpu.memory_space<vmem>> -> memref<2x40xi32, #tpu.memory_space<vmem>>
      %dma_wait3A_113 = arith.constant 0 : i32
      %dma_wait3A_114 = arith.constant 0 : i32
      %dma_wait3A_115 = tpu.memref_slice %arg3[%add3A_16, %dma_wait3A_113, %dma_wait3A_114] : memref<8000x2x40xi32, #tpu.memory_space<hbm>> -> memref<1x2x40xi32, #tpu.memory_space<hbm>>
      %dma_wait3A_116 = tpu.memref_squeeze %dma_wait3A_115 : memref<1x2x40xi32, #tpu.memory_space<hbm>> -> memref<2x40xi32, #tpu.memory_space<hbm>>
      %dma_wait3A_117 = arith.constant 0 : i32
      %dma_wait3A_118 = arith.constant 0 : i32
      %dma_wait3A_119 = tpu.memref_slice %arg6[%dma_wait3A, %dma_wait3A_117, %dma_wait3A_118] : memref<5x2x40xi32, #tpu.memory_space<vmem>> -> memref<1x2x40xi32, #tpu.memory_space<vmem>>
      %dma_wait3A_120 = tpu.memref_squeeze %dma_wait3A_119 : memref<1x2x40xi32, #tpu.memory_space<vmem>> -> memref<2x40xi32, #tpu.memory_space<vmem>>
      %dma_wait3A_121 = arith.constant 0 : i32
      %dma_wait3A_122 = arith.constant 0 : i32
      %dma_wait3A_123 = tpu.memref_slice %arg3[%add3A_16, %dma_wait3A_121, %dma_wait3A_122] : memref<8000x2x40xi32, #tpu.memory_space<hbm>> -> memref<1x2x40xi32, #tpu.memory_space<hbm>>
      %dma_wait3A_124 = tpu.memref_squeeze %dma_wait3A_123 : memref<1x2x40xi32, #tpu.memory_space<hbm>> -> memref<2x40xi32, #tpu.memory_space<hbm>>
      tpu.wait_dma2 semaphore(%arg9 : memref<!tpu.dma_semaphore, #tpu.memory_space<semaphore_mem>>) src(%dma_wait3A_124 : memref<2x40xi32, #tpu.memory_space<hbm>>) dst(%dma_wait3A_120 : memref<2x40xi32, #tpu.memory_space<vmem>>)
      %dma_wait3A_125 = arith.constant 1 : i32
      %dma_wait3A_126 = arith.constant 0 : i32
      %dma_wait3A_127 = arith.constant 0 : i32
      %dma_wait3A_128 = tpu.memref_slice %arg6[%dma_wait3A_125, %dma_wait3A_126, %dma_wait3A_127] : memref<5x2x40xi32, #tpu.memory_space<vmem>> -> memref<1x2x40xi32, #tpu.memory_space<vmem>>
      %dma_wait3A_129 = tpu.memref_squeeze %dma_wait3A_128 : memref<1x2x40xi32, #tpu.memory_space<vmem>> -> memref<2x40xi32, #tpu.memory_space<vmem>>
      %dma_wait3A_130 = arith.constant 0 : i32
      %dma_wait3A_131 = arith.constant 0 : i32
      %dma_wait3A_132 = tpu.memref_slice %arg3[%add3A_34, %dma_wait3A_130, %dma_wait3A_131] : memref<8000x2x40xi32, #tpu.memory_space<hbm>> -> memref<1x2x40xi32, #tpu.memory_space<hbm>>
      %dma_wait3A_133 = tpu.memref_squeeze %dma_wait3A_132 : memref<1x2x40xi32, #tpu.memory_space<hbm>> -> memref<2x40xi32, #tpu.memory_space<hbm>>
      %dma_wait3A_134 = arith.constant 0 : i32
      %dma_wait3A_135 = arith.constant 0 : i32
      %dma_wait3A_136 = tpu.memref_slice %arg6[%dma_wait3A_125, %dma_wait3A_134, %dma_wait3A_135] : memref<5x2x40xi32, #tpu.memory_space<vmem>> -> memref<1x2x40xi32, #tpu.memory_space<vmem>>
      %dma_wait3A_137 = tpu.memref_squeeze %dma_wait3A_136 : memref<1x2x40xi32, #tpu.memory_space<vmem>> -> memref<2x40xi32, #tpu.memory_space<vmem>>
      %dma_wait3A_138 = arith.constant 0 : i32
      %dma_wait3A_139 = arith.constant 0 : i32
      %dma_wait3A_140 = tpu.memref_slice %arg3[%add3A_34, %dma_wait3A_138, %dma_wait3A_139] : memref<8000x2x40xi32, #tpu.memory_space<hbm>> -> memref<1x2x40xi32, #tpu.memory_space<hbm>>
      %dma_wait3A_141 = tpu.memref_squeeze %dma_wait3A_140 : memref<1x2x40xi32, #tpu.memory_space<hbm>> -> memref<2x40xi32, #tpu.memory_space<hbm>>
      tpu.wait_dma2 semaphore(%arg9 : memref<!tpu.dma_semaphore, #tpu.memory_space<semaphore_mem>>) src(%dma_wait3A_141 : memref<2x40xi32, #tpu.memory_space<hbm>>) dst(%dma_wait3A_137 : memref<2x40xi32, #tpu.memory_space<vmem>>)
      %dma_wait3A_142 = arith.constant 2 : i32
      %dma_wait3A_143 = arith.constant 0 : i32
      %dma_wait3A_144 = arith.constant 0 : i32
      %dma_wait3A_145 = tpu.memref_slice %arg6[%dma_wait3A_142, %dma_wait3A_143, %dma_wait3A_144] : memref<5x2x40xi32, #tpu.memory_space<vmem>> -> memref<1x2x40xi32, #tpu.memory_space<vmem>>
      %dma_wait3A_146 = tpu.memref_squeeze %dma_wait3A_145 : memref<1x2x40xi32, #tpu.memory_space<vmem>> -> memref<2x40xi32, #tpu.memory_space<vmem>>
      %dma_wait3A_147 = arith.constant 0 : i32
      %dma_wait3A_148 = arith.constant 0 : i32
      %dma_wait3A_149 = tpu.memref_slice %arg3[%add3A_53, %dma_wait3A_147, %dma_wait3A_148] : memref<8000x2x40xi32, #tpu.memory_space<hbm>> -> memref<1x2x40xi32, #tpu.memory_space<hbm>>
      %dma_wait3A_150 = tpu.memref_squeeze %dma_wait3A_149 : memref<1x2x40xi32, #tpu.memory_space<hbm>> -> memref<2x40xi32, #tpu.memory_space<hbm>>
      %dma_wait3A_151 = arith.constant 0 : i32
      %dma_wait3A_152 = arith.constant 0 : i32
      %dma_wait3A_153 = tpu.memref_slice %arg6[%dma_wait3A_142, %dma_wait3A_151, %dma_wait3A_152] : memref<5x2x40xi32, #tpu.memory_space<vmem>> -> memref<1x2x40xi32, #tpu.memory_space<vmem>>
      %dma_wait3A_154 = tpu.memref_squeeze %dma_wait3A_153 : memref<1x2x40xi32, #tpu.memory_space<vmem>> -> memref<2x40xi32, #tpu.memory_space<vmem>>
      %dma_wait3A_155 = arith.constant 0 : i32
      %dma_wait3A_156 = arith.constant 0 : i32
      %dma_wait3A_157 = tpu.memref_slice %arg3[%add3A_53, %dma_wait3A_155, %dma_wait3A_156] : memref<8000x2x40xi32, #tpu.memory_space<hbm>> -> memref<1x2x40xi32, #tpu.memory_space<hbm>>
      %dma_wait3A_158 = tpu.memref_squeeze %dma_wait3A_157 : memref<1x2x40xi32, #tpu.memory_space<hbm>> -> memref<2x40xi32, #tpu.memory_space<hbm>>
      tpu.wait_dma2 semaphore(%arg9 : memref<!tpu.dma_semaphore, #tpu.memory_space<semaphore_mem>>) src(%dma_wait3A_158 : memref<2x40xi32, #tpu.memory_space<hbm>>) dst(%dma_wait3A_154 : memref<2x40xi32, #tpu.memory_space<vmem>>)
      %dma_wait3A_159 = arith.constant 3 : i32
      %dma_wait3A_160 = arith.constant 0 : i32
      %dma_wait3A_161 = arith.constant 0 : i32
      %dma_wait3A_162 = tpu.memref_slice %arg6[%dma_wait3A_159, %dma_wait3A_160, %dma_wait3A_161] : memref<5x2x40xi32, #tpu.memory_space<vmem>> -> memref<1x2x40xi32, #tpu.memory_space<vmem>>
      %dma_wait3A_163 = tpu.memref_squeeze %dma_wait3A_162 : memref<1x2x40xi32, #tpu.memory_space<vmem>> -> memref<2x40xi32, #tpu.memory_space<vmem>>
      %dma_wait3A_164 = arith.constant 0 : i32
      %dma_wait3A_165 = arith.constant 0 : i32
      %dma_wait3A_166 = tpu.memref_slice %arg3[%add3A_72, %dma_wait3A_164, %dma_wait3A_165] : memref<8000x2x40xi32, #tpu.memory_space<hbm>> -> memref<1x2x40xi32, #tpu.memory_space<hbm>>
      %dma_wait3A_167 = tpu.memref_squeeze %dma_wait3A_166 : memref<1x2x40xi32, #tpu.memory_space<hbm>> -> memref<2x40xi32, #tpu.memory_space<hbm>>
      %dma_wait3A_168 = arith.constant 0 : i32
      %dma_wait3A_169 = arith.constant 0 : i32
      %dma_wait3A_170 = tpu.memref_slice %arg6[%dma_wait3A_159, %dma_wait3A_168, %dma_wait3A_169] : memref<5x2x40xi32, #tpu.memory_space<vmem>> -> memref<1x2x40xi32, #tpu.memory_space<vmem>>
      %dma_wait3A_171 = tpu.memref_squeeze %dma_wait3A_170 : memref<1x2x40xi32, #tpu.memory_space<vmem>> -> memref<2x40xi32, #tpu.memory_space<vmem>>
      %dma_wait3A_172 = arith.constant 0 : i32
      %dma_wait3A_173 = arith.constant 0 : i32
      %dma_wait3A_174 = tpu.memref_slice %arg3[%add3A_72, %dma_wait3A_172, %dma_wait3A_173] : memref<8000x2x40xi32, #tpu.memory_space<hbm>> -> memref<1x2x40xi32, #tpu.memory_space<hbm>>
      %dma_wait3A_175 = tpu.memref_squeeze %dma_wait3A_174 : memref<1x2x40xi32, #tpu.memory_space<hbm>> -> memref<2x40xi32, #tpu.memory_space<hbm>>
      tpu.wait_dma2 semaphore(%arg9 : memref<!tpu.dma_semaphore, #tpu.memory_space<semaphore_mem>>) src(%dma_wait3A_175 : memref<2x40xi32, #tpu.memory_space<hbm>>) dst(%dma_wait3A_171 : memref<2x40xi32, #tpu.memory_space<vmem>>)
      %dma_wait3A_176 = arith.constant 4 : i32
      %dma_wait3A_177 = arith.constant 0 : i32
      %dma_wait3A_178 = arith.constant 0 : i32
      %dma_wait3A_179 = tpu.memref_slice %arg6[%dma_wait3A_176, %dma_wait3A_177, %dma_wait3A_178] : memref<5x2x40xi32, #tpu.memory_space<vmem>> -> memref<1x2x40xi32, #tpu.memory_space<vmem>>
      %dma_wait3A_180 = tpu.memref_squeeze %dma_wait3A_179 : memref<1x2x40xi32, #tpu.memory_space<vmem>> -> memref<2x40xi32, #tpu.memory_space<vmem>>
      %dma_wait3A_181 = arith.constant 0 : i32
      %dma_wait3A_182 = arith.constant 0 : i32
      %dma_wait3A_183 = tpu.memref_slice %arg3[%add3A_91, %dma_wait3A_181, %dma_wait3A_182] : memref<8000x2x40xi32, #tpu.memory_space<hbm>> -> memref<1x2x40xi32, #tpu.memory_space<hbm>>
      %dma_wait3A_184 = tpu.memref_squeeze %dma_wait3A_183 : memref<1x2x40xi32, #tpu.memory_space<hbm>> -> memref<2x40xi32, #tpu.memory_space<hbm>>
      %dma_wait3A_185 = arith.constant 0 : i32
      %dma_wait3A_186 = arith.constant 0 : i32
      %dma_wait3A_187 = tpu.memref_slice %arg6[%dma_wait3A_176, %dma_wait3A_185, %dma_wait3A_186] : memref<5x2x40xi32, #tpu.memory_space<vmem>> -> memref<1x2x40xi32, #tpu.memory_space<vmem>>
      %dma_wait3A_188 = tpu.memref_squeeze %dma_wait3A_187 : memref<1x2x40xi32, #tpu.memory_space<vmem>> -> memref<2x40xi32, #tpu.memory_space<vmem>>
      %dma_wait3A_189 = arith.constant 0 : i32
      %dma_wait3A_190 = arith.constant 0 : i32
      %dma_wait3A_191 = tpu.memref_slice %arg3[%add3A_91, %dma_wait3A_189, %dma_wait3A_190] : memref<8000x2x40xi32, #tpu.memory_space<hbm>> -> memref<1x2x40xi32, #tpu.memory_space<hbm>>
      %dma_wait3A_192 = tpu.memref_squeeze %dma_wait3A_191 : memref<1x2x40xi32, #tpu.memory_space<hbm>> -> memref<2x40xi32, #tpu.memory_space<hbm>>
      tpu.wait_dma2 semaphore(%arg9 : memref<!tpu.dma_semaphore, #tpu.memory_space<semaphore_mem>>) src(%dma_wait3A_192 : memref<2x40xi32, #tpu.memory_space<hbm>>) dst(%dma_wait3A_188 : memref<2x40xi32, #tpu.memory_space<vmem>>)
      %dma_start3A_193 = arith.constant 0 : i32
      %dma_start3A_194 = arith.constant 0 : i32
      %dma_start3A_195 = arith.constant 0 : i32
      %dma_start3A_196 = arith.constant 0 : i32
      %dma_start3A_197 = arith.constant 0 : i32
      %dma_start3A_198 = tpu.memref_slice %arg7[%dma_start3A_195, %dma_start3A_196, %dma_start3A_197] : memref<5x40x128xf32, #tpu.memory_space<vmem>> -> memref<1x40x128xf32, #tpu.memory_space<vmem>>
      %dma_start3A_199 = tpu.memref_squeeze %dma_start3A_198 : memref<1x40x128xf32, #tpu.memory_space<vmem>> -> memref<40x128xf32, #tpu.memory_space<vmem>>
      %dma_start3A_200 = arith.constant 0 : i32
      %dma_start3A_201 = tpu.memref_slice %arg6[%dma_start3A_193, %dma_start3A_194, %dma_start3A_200] : memref<5x2x40xi32, #tpu.memory_space<vmem>> -> memref<1x1x40xi32, #tpu.memory_space<vmem>>
      %dma_start3A_202 = tpu.memref_squeeze %dma_start3A_201 : memref<1x1x40xi32, #tpu.memory_space<vmem>> -> memref<40xi32, #tpu.memory_space<vmem>>
      %dma_start3A_203 = arith.constant 0 : i32
      %dma_start3A_204 = arith.constant 0 : i32
      %dma_start3A_205 = tpu.memref_slice %arg2[%dma_start3A_203, %dma_start3A_204] : memref<10000x128xf32, #tpu.memory_space<hbm>> -> memref<10000x128xf32, #tpu.memory_space<hbm>>
      tpu.enqueue_indirect_dma source(%dma_start3A_205 : memref<10000x128xf32, #tpu.memory_space<hbm>>) target(%dma_start3A_199 : memref<40x128xf32, #tpu.memory_space<vmem>>) offsets(%dma_start3A_202 : memref<40xi32, #tpu.memory_space<vmem>>) semaphore(%arg10 : memref<!tpu.dma_semaphore, #tpu.memory_space<semaphore_mem>>)
      %dma_start3A_206 = arith.constant 1 : i32
      %dma_start3A_207 = arith.constant 0 : i32
      %dma_start3A_208 = arith.constant 1 : i32
      %dma_start3A_209 = arith.constant 0 : i32
      %dma_start3A_210 = arith.constant 0 : i32
      %dma_start3A_211 = tpu.memref_slice %arg7[%dma_start3A_208, %dma_start3A_209, %dma_start3A_210] : memref<5x40x128xf32, #tpu.memory_space<vmem>> -> memref<1x40x128xf32, #tpu.memory_space<vmem>>
      %dma_start3A_212 = tpu.memref_squeeze %dma_start3A_211 : memref<1x40x128xf32, #tpu.memory_space<vmem>> -> memref<40x128xf32, #tpu.memory_space<vmem>>
      %dma_start3A_213 = arith.constant 0 : i32
      %dma_start3A_214 = tpu.memref_slice %arg6[%dma_start3A_206, %dma_start3A_207, %dma_start3A_213] : memref<5x2x40xi32, #tpu.memory_space<vmem>> -> memref<1x1x40xi32, #tpu.memory_space<vmem>>
      %dma_start3A_215 = tpu.memref_squeeze %dma_start3A_214 : memref<1x1x40xi32, #tpu.memory_space<vmem>> -> memref<40xi32, #tpu.memory_space<vmem>>
      %dma_start3A_216 = arith.constant 0 : i32
      %dma_start3A_217 = arith.constant 0 : i32
      %dma_start3A_218 = tpu.memref_slice %arg2[%dma_start3A_216, %dma_start3A_217] : memref<10000x128xf32, #tpu.memory_space<hbm>> -> memref<10000x128xf32, #tpu.memory_space<hbm>>
      tpu.enqueue_indirect_dma source(%dma_start3A_218 : memref<10000x128xf32, #tpu.memory_space<hbm>>) target(%dma_start3A_212 : memref<40x128xf32, #tpu.memory_space<vmem>>) offsets(%dma_start3A_215 : memref<40xi32, #tpu.memory_space<vmem>>) semaphore(%arg10 : memref<!tpu.dma_semaphore, #tpu.memory_space<semaphore_mem>>)
      %dma_start3A_219 = arith.constant 2 : i32
      %dma_start3A_220 = arith.constant 0 : i32
      %dma_start3A_221 = arith.constant 2 : i32
      %dma_start3A_222 = arith.constant 0 : i32
      %dma_start3A_223 = arith.constant 0 : i32
      %dma_start3A_224 = tpu.memref_slice %arg7[%dma_start3A_221, %dma_start3A_222, %dma_start3A_223] : memref<5x40x128xf32, #tpu.memory_space<vmem>> -> memref<1x40x128xf32, #tpu.memory_space<vmem>>
      %dma_start3A_225 = tpu.memref_squeeze %dma_start3A_224 : memref<1x40x128xf32, #tpu.memory_space<vmem>> -> memref<40x128xf32, #tpu.memory_space<vmem>>
      %dma_start3A_226 = arith.constant 0 : i32
      %dma_start3A_227 = tpu.memref_slice %arg6[%dma_start3A_219, %dma_start3A_220, %dma_start3A_226] : memref<5x2x40xi32, #tpu.memory_space<vmem>> -> memref<1x1x40xi32, #tpu.memory_space<vmem>>
      %dma_start3A_228 = tpu.memref_squeeze %dma_start3A_227 : memref<1x1x40xi32, #tpu.memory_space<vmem>> -> memref<40xi32, #tpu.memory_space<vmem>>
      %dma_start3A_229 = arith.constant 0 : i32
      %dma_start3A_230 = arith.constant 0 : i32
      %dma_start3A_231 = tpu.memref_slice %arg2[%dma_start3A_229, %dma_start3A_230] : memref<10000x128xf32, #tpu.memory_space<hbm>> -> memref<10000x128xf32, #tpu.memory_space<hbm>>
      tpu.enqueue_indirect_dma source(%dma_start3A_231 : memref<10000x128xf32, #tpu.memory_space<hbm>>) target(%dma_start3A_225 : memref<40x128xf32, #tpu.memory_space<vmem>>) offsets(%dma_start3A_228 : memref<40xi32, #tpu.memory_space<vmem>>) semaphore(%arg10 : memref<!tpu.dma_semaphore, #tpu.memory_space<semaphore_mem>>)
      %dma_start3A_232 = arith.constant 3 : i32
      %dma_start3A_233 = arith.constant 0 : i32
      %dma_start3A_234 = arith.constant 3 : i32
      %dma_start3A_235 = arith.constant 0 : i32
      %dma_start3A_236 = arith.constant 0 : i32
      %dma_start3A_237 = tpu.memref_slice %arg7[%dma_start3A_234, %dma_start3A_235, %dma_start3A_236] : memref<5x40x128xf32, #tpu.memory_space<vmem>> -> memref<1x40x128xf32, #tpu.memory_space<vmem>>
      %dma_start3A_238 = tpu.memref_squeeze %dma_start3A_237 : memref<1x40x128xf32, #tpu.memory_space<vmem>> -> memref<40x128xf32, #tpu.memory_space<vmem>>
      %dma_start3A_239 = arith.constant 0 : i32
      %dma_start3A_240 = tpu.memref_slice %arg6[%dma_start3A_232, %dma_start3A_233, %dma_start3A_239] : memref<5x2x40xi32, #tpu.memory_space<vmem>> -> memref<1x1x40xi32, #tpu.memory_space<vmem>>
      %dma_start3A_241 = tpu.memref_squeeze %dma_start3A_240 : memref<1x1x40xi32, #tpu.memory_space<vmem>> -> memref<40xi32, #tpu.memory_space<vmem>>
      %dma_start3A_242 = arith.constant 0 : i32
      %dma_start3A_243 = arith.constant 0 : i32
      %dma_start3A_244 = tpu.memref_slice %arg2[%dma_start3A_242, %dma_start3A_243] : memref<10000x128xf32, #tpu.memory_space<hbm>> -> memref<10000x128xf32, #tpu.memory_space<hbm>>
      tpu.enqueue_indirect_dma source(%dma_start3A_244 : memref<10000x128xf32, #tpu.memory_space<hbm>>) target(%dma_start3A_238 : memref<40x128xf32, #tpu.memory_space<vmem>>) offsets(%dma_start3A_241 : memref<40xi32, #tpu.memory_space<vmem>>) semaphore(%arg10 : memref<!tpu.dma_semaphore, #tpu.memory_space<semaphore_mem>>)
      %dma_start3A_245 = arith.constant 4 : i32
      %dma_start3A_246 = arith.constant 0 : i32
      %dma_start3A_247 = arith.constant 4 : i32
      %dma_start3A_248 = arith.constant 0 : i32
      %dma_start3A_249 = arith.constant 0 : i32
      %dma_start3A_250 = tpu.memref_slice %arg7[%dma_start3A_247, %dma_start3A_248, %dma_start3A_249] : memref<5x40x128xf32, #tpu.memory_space<vmem>> -> memref<1x40x128xf32, #tpu.memory_space<vmem>>
      %dma_start3A_251 = tpu.memref_squeeze %dma_start3A_250 : memref<1x40x128xf32, #tpu.memory_space<vmem>> -> memref<40x128xf32, #tpu.memory_space<vmem>>
      %dma_start3A_252 = arith.constant 0 : i32
      %dma_start3A_253 = tpu.memref_slice %arg6[%dma_start3A_245, %dma_start3A_246, %dma_start3A_252] : memref<5x2x40xi32, #tpu.memory_space<vmem>> -> memref<1x1x40xi32, #tpu.memory_space<vmem>>
      %dma_start3A_254 = tpu.memref_squeeze %dma_start3A_253 : memref<1x1x40xi32, #tpu.memory_space<vmem>> -> memref<40xi32, #tpu.memory_space<vmem>>
      %dma_start3A_255 = arith.constant 0 : i32
      %dma_start3A_256 = arith.constant 0 : i32
      %dma_start3A_257 = tpu.memref_slice %arg2[%dma_start3A_255, %dma_start3A_256] : memref<10000x128xf32, #tpu.memory_space<hbm>> -> memref<10000x128xf32, #tpu.memory_space<hbm>>
      tpu.enqueue_indirect_dma source(%dma_start3A_257 : memref<10000x128xf32, #tpu.memory_space<hbm>>) target(%dma_start3A_251 : memref<40x128xf32, #tpu.memory_space<vmem>>) offsets(%dma_start3A_254 : memref<40xi32, #tpu.memory_space<vmem>>) semaphore(%arg10 : memref<!tpu.dma_semaphore, #tpu.memory_space<semaphore_mem>>)
      %dma_wait3A_258 = arith.constant 0 : i32
      %dma_wait3A_259 = arith.constant 0 : i32
      %dma_wait3A_260 = arith.constant 0 : i32
      %dma_wait3A_261 = arith.constant 0 : i32
      %dma_wait3A_262 = arith.constant 0 : i32
      %dma_wait3A_263 = tpu.memref_slice %arg7[%dma_wait3A_260, %dma_wait3A_261, %dma_wait3A_262] : memref<5x40x128xf32, #tpu.memory_space<vmem>> -> memref<1x40x128xf32, #tpu.memory_space<vmem>>
      %dma_wait3A_264 = tpu.memref_squeeze %dma_wait3A_263 : memref<1x40x128xf32, #tpu.memory_space<vmem>> -> memref<40x128xf32, #tpu.memory_space<vmem>>
      %dma_wait3A_265 = arith.constant 0 : i32
      %dma_wait3A_266 = tpu.memref_slice %arg6[%dma_wait3A_258, %dma_wait3A_259, %dma_wait3A_265] : memref<5x2x40xi32, #tpu.memory_space<vmem>> -> memref<1x1x40xi32, #tpu.memory_space<vmem>>
      %dma_wait3A_267 = tpu.memref_squeeze %dma_wait3A_266 : memref<1x1x40xi32, #tpu.memory_space<vmem>> -> memref<40xi32, #tpu.memory_space<vmem>>
      %dma_wait3A_268 = arith.constant 0 : i32
      %dma_wait3A_269 = arith.constant 0 : i32
      %dma_wait3A_270 = tpu.memref_slice %arg2[%dma_wait3A_268, %dma_wait3A_269] : memref<10000x128xf32, #tpu.memory_space<hbm>> -> memref<10000x128xf32, #tpu.memory_space<hbm>>
      tpu.wait_indirect_dma semaphore(%arg10 : memref<!tpu.dma_semaphore, #tpu.memory_space<semaphore_mem>>) src(%dma_wait3A_270 : memref<10000x128xf32, #tpu.memory_space<hbm>>) dst(%dma_wait3A_264 : memref<40x128xf32, #tpu.memory_space<vmem>>)
      %dma_wait3A_271 = arith.constant 1 : i32
      %dma_wait3A_272 = arith.constant 0 : i32
      %dma_wait3A_273 = arith.constant 1 : i32
      %dma_wait3A_274 = arith.constant 0 : i32
      %dma_wait3A_275 = arith.constant 0 : i32
      %dma_wait3A_276 = tpu.memref_slice %arg7[%dma_wait3A_273, %dma_wait3A_274, %dma_wait3A_275] : memref<5x40x128xf32, #tpu.memory_space<vmem>> -> memref<1x40x128xf32, #tpu.memory_space<vmem>>
      %dma_wait3A_277 = tpu.memref_squeeze %dma_wait3A_276 : memref<1x40x128xf32, #tpu.memory_space<vmem>> -> memref<40x128xf32, #tpu.memory_space<vmem>>
      %dma_wait3A_278 = arith.constant 0 : i32
      %dma_wait3A_279 = tpu.memref_slice %arg6[%dma_wait3A_271, %dma_wait3A_272, %dma_wait3A_278] : memref<5x2x40xi32, #tpu.memory_space<vmem>> -> memref<1x1x40xi32, #tpu.memory_space<vmem>>
      %dma_wait3A_280 = tpu.memref_squeeze %dma_wait3A_279 : memref<1x1x40xi32, #tpu.memory_space<vmem>> -> memref<40xi32, #tpu.memory_space<vmem>>
      %dma_wait3A_281 = arith.constant 0 : i32
      %dma_wait3A_282 = arith.constant 0 : i32
      %dma_wait3A_283 = tpu.memref_slice %arg2[%dma_wait3A_281, %dma_wait3A_282] : memref<10000x128xf32, #tpu.memory_space<hbm>> -> memref<10000x128xf32, #tpu.memory_space<hbm>>
      tpu.wait_indirect_dma semaphore(%arg10 : memref<!tpu.dma_semaphore, #tpu.memory_space<semaphore_mem>>) src(%dma_wait3A_283 : memref<10000x128xf32, #tpu.memory_space<hbm>>) dst(%dma_wait3A_277 : memref<40x128xf32, #tpu.memory_space<vmem>>)
      %dma_wait3A_284 = arith.constant 2 : i32
      %dma_wait3A_285 = arith.constant 0 : i32
      %dma_wait3A_286 = arith.constant 2 : i32
      %dma_wait3A_287 = arith.constant 0 : i32
      %dma_wait3A_288 = arith.constant 0 : i32
      %dma_wait3A_289 = tpu.memref_slice %arg7[%dma_wait3A_286, %dma_wait3A_287, %dma_wait3A_288] : memref<5x40x128xf32, #tpu.memory_space<vmem>> -> memref<1x40x128xf32, #tpu.memory_space<vmem>>
      %dma_wait3A_290 = tpu.memref_squeeze %dma_wait3A_289 : memref<1x40x128xf32, #tpu.memory_space<vmem>> -> memref<40x128xf32, #tpu.memory_space<vmem>>
      %dma_wait3A_291 = arith.constant 0 : i32
      %dma_wait3A_292 = tpu.memref_slice %arg6[%dma_wait3A_284, %dma_wait3A_285, %dma_wait3A_291] : memref<5x2x40xi32, #tpu.memory_space<vmem>> -> memref<1x1x40xi32, #tpu.memory_space<vmem>>
      %dma_wait3A_293 = tpu.memref_squeeze %dma_wait3A_292 : memref<1x1x40xi32, #tpu.memory_space<vmem>> -> memref<40xi32, #tpu.memory_space<vmem>>
      %dma_wait3A_294 = arith.constant 0 : i32
      %dma_wait3A_295 = arith.constant 0 : i32
      %dma_wait3A_296 = tpu.memref_slice %arg2[%dma_wait3A_294, %dma_wait3A_295] : memref<10000x128xf32, #tpu.memory_space<hbm>> -> memref<10000x128xf32, #tpu.memory_space<hbm>>
      tpu.wait_indirect_dma semaphore(%arg10 : memref<!tpu.dma_semaphore, #tpu.memory_space<semaphore_mem>>) src(%dma_wait3A_296 : memref<10000x128xf32, #tpu.memory_space<hbm>>) dst(%dma_wait3A_290 : memref<40x128xf32, #tpu.memory_space<vmem>>)
      %dma_wait3A_297 = arith.constant 3 : i32
      %dma_wait3A_298 = arith.constant 0 : i32
      %dma_wait3A_299 = arith.constant 3 : i32
      %dma_wait3A_300 = arith.constant 0 : i32
      %dma_wait3A_301 = arith.constant 0 : i32
      %dma_wait3A_302 = tpu.memref_slice %arg7[%dma_wait3A_299, %dma_wait3A_300, %dma_wait3A_301] : memref<5x40x128xf32, #tpu.memory_space<vmem>> -> memref<1x40x128xf32, #tpu.memory_space<vmem>>
      %dma_wait3A_303 = tpu.memref_squeeze %dma_wait3A_302 : memref<1x40x128xf32, #tpu.memory_space<vmem>> -> memref<40x128xf32, #tpu.memory_space<vmem>>
      %dma_wait3A_304 = arith.constant 0 : i32
      %dma_wait3A_305 = tpu.memref_slice %arg6[%dma_wait3A_297, %dma_wait3A_298, %dma_wait3A_304] : memref<5x2x40xi32, #tpu.memory_space<vmem>> -> memref<1x1x40xi32, #tpu.memory_space<vmem>>
      %dma_wait3A_306 = tpu.memref_squeeze %dma_wait3A_305 : memref<1x1x40xi32, #tpu.memory_space<vmem>> -> memref<40xi32, #tpu.memory_space<vmem>>
      %dma_wait3A_307 = arith.constant 0 : i32
      %dma_wait3A_308 = arith.constant 0 : i32
      %dma_wait3A_309 = tpu.memref_slice %arg2[%dma_wait3A_307, %dma_wait3A_308] : memref<10000x128xf32, #tpu.memory_space<hbm>> -> memref<10000x128xf32, #tpu.memory_space<hbm>>
      tpu.wait_indirect_dma semaphore(%arg10 : memref<!tpu.dma_semaphore, #tpu.memory_space<semaphore_mem>>) src(%dma_wait3A_309 : memref<10000x128xf32, #tpu.memory_space<hbm>>) dst(%dma_wait3A_303 : memref<40x128xf32, #tpu.memory_space<vmem>>)
      %dma_wait3A_310 = arith.constant 4 : i32
      %dma_wait3A_311 = arith.constant 0 : i32
      %dma_wait3A_312 = arith.constant 4 : i32
      %dma_wait3A_313 = arith.constant 0 : i32
      %dma_wait3A_314 = arith.constant 0 : i32
      %dma_wait3A_315 = tpu.memref_slice %arg7[%dma_wait3A_312, %dma_wait3A_313, %dma_wait3A_314] : memref<5x40x128xf32, #tpu.memory_space<vmem>> -> memref<1x40x128xf32, #tpu.memory_space<vmem>>
      %dma_wait3A_316 = tpu.memref_squeeze %dma_wait3A_315 : memref<1x40x128xf32, #tpu.memory_space<vmem>> -> memref<40x128xf32, #tpu.memory_space<vmem>>
      %dma_wait3A_317 = arith.constant 0 : i32
      %dma_wait3A_318 = tpu.memref_slice %arg6[%dma_wait3A_310, %dma_wait3A_311, %dma_wait3A_317] : memref<5x2x40xi32, #tpu.memory_space<vmem>> -> memref<1x1x40xi32, #tpu.memory_space<vmem>>
      %dma_wait3A_319 = tpu.memref_squeeze %dma_wait3A_318 : memref<1x1x40xi32, #tpu.memory_space<vmem>> -> memref<40xi32, #tpu.memory_space<vmem>>
      %dma_wait3A_320 = arith.constant 0 : i32
      %dma_wait3A_321 = arith.constant 0 : i32
      %dma_wait3A_322 = tpu.memref_slice %arg2[%dma_wait3A_320, %dma_wait3A_321] : memref<10000x128xf32, #tpu.memory_space<hbm>> -> memref<10000x128xf32, #tpu.memory_space<hbm>>
      tpu.wait_indirect_dma semaphore(%arg10 : memref<!tpu.dma_semaphore, #tpu.memory_space<semaphore_mem>>) src(%dma_wait3A_322 : memref<10000x128xf32, #tpu.memory_space<hbm>>) dst(%dma_wait3A_316 : memref<40x128xf32, #tpu.memory_space<vmem>>)
      %dma_start3A_323 = arith.constant 0 : i32
      %dma_start3A_324 = arith.constant 0 : i32
      %dma_start3A_325 = arith.constant 1 : i32
      %dma_start3A_326 = arith.constant 0 : i32
      %dma_start3A_327 = arith.constant 0 : i32
      %dma_start3A_328 = tpu.memref_slice %arg7[%dma_start3A_323, %dma_start3A_326, %dma_start3A_327] : memref<5x40x128xf32, #tpu.memory_space<vmem>> -> memref<1x40x128xf32, #tpu.memory_space<vmem>>
      %dma_start3A_329 = tpu.memref_squeeze %dma_start3A_328 : memref<1x40x128xf32, #tpu.memory_space<vmem>> -> memref<40x128xf32, #tpu.memory_space<vmem>>
      %dma_start3A_330 = arith.constant 0 : i32
      %dma_start3A_331 = tpu.memref_slice %arg6[%dma_start3A_324, %dma_start3A_325, %dma_start3A_330] : memref<5x2x40xi32, #tpu.memory_space<vmem>> -> memref<1x1x40xi32, #tpu.memory_space<vmem>>
      %dma_start3A_332 = tpu.memref_squeeze %dma_start3A_331 : memref<1x1x40xi32, #tpu.memory_space<vmem>> -> memref<40xi32, #tpu.memory_space<vmem>>
      %dma_start3A_333 = arith.constant 0 : i32
      %dma_start3A_334 = arith.constant 0 : i32
      %dma_start3A_335 = tpu.memref_slice %arg8[%dma_start3A_333, %dma_start3A_334] : memref<10112x128xf32, #tpu.memory_space<vmem_shared>> -> memref<10112x128xf32, #tpu.memory_space<vmem_shared>>
      tpu.enqueue_indirect_dma source(%dma_start3A_329 : memref<40x128xf32, #tpu.memory_space<vmem>>) target(%dma_start3A_335 : memref<10112x128xf32, #tpu.memory_space<vmem_shared>>) offsets(%dma_start3A_332 : memref<40xi32, #tpu.memory_space<vmem>>) semaphore(%arg11 : memref<!tpu.dma_semaphore, #tpu.memory_space<semaphore_mem>>) {add = true}
      %dma_start3A_336 = arith.constant 1 : i32
      %dma_start3A_337 = arith.constant 1 : i32
      %dma_start3A_338 = arith.constant 1 : i32
      %dma_start3A_339 = arith.constant 0 : i32
      %dma_start3A_340 = arith.constant 0 : i32
      %dma_start3A_341 = tpu.memref_slice %arg7[%dma_start3A_336, %dma_start3A_339, %dma_start3A_340] : memref<5x40x128xf32, #tpu.memory_space<vmem>> -> memref<1x40x128xf32, #tpu.memory_space<vmem>>
      %dma_start3A_342 = tpu.memref_squeeze %dma_start3A_341 : memref<1x40x128xf32, #tpu.memory_space<vmem>> -> memref<40x128xf32, #tpu.memory_space<vmem>>
      %dma_start3A_343 = arith.constant 0 : i32
      %dma_start3A_344 = tpu.memref_slice %arg6[%dma_start3A_337, %dma_start3A_338, %dma_start3A_343] : memref<5x2x40xi32, #tpu.memory_space<vmem>> -> memref<1x1x40xi32, #tpu.memory_space<vmem>>
      %dma_start3A_345 = tpu.memref_squeeze %dma_start3A_344 : memref<1x1x40xi32, #tpu.memory_space<vmem>> -> memref<40xi32, #tpu.memory_space<vmem>>
      %dma_start3A_346 = arith.constant 0 : i32
      %dma_start3A_347 = arith.constant 0 : i32
      %dma_start3A_348 = tpu.memref_slice %arg8[%dma_start3A_346, %dma_start3A_347] : memref<10112x128xf32, #tpu.memory_space<vmem_shared>> -> memref<10112x128xf32, #tpu.memory_space<vmem_shared>>
      tpu.enqueue_indirect_dma source(%dma_start3A_342 : memref<40x128xf32, #tpu.memory_space<vmem>>) target(%dma_start3A_348 : memref<10112x128xf32, #tpu.memory_space<vmem_shared>>) offsets(%dma_start3A_345 : memref<40xi32, #tpu.memory_space<vmem>>) semaphore(%arg11 : memref<!tpu.dma_semaphore, #tpu.memory_space<semaphore_mem>>) {add = true}
      %dma_start3A_349 = arith.constant 2 : i32
      %dma_start3A_350 = arith.constant 2 : i32
      %dma_start3A_351 = arith.constant 1 : i32
      %dma_start3A_352 = arith.constant 0 : i32
      %dma_start3A_353 = arith.constant 0 : i32
      %dma_start3A_354 = tpu.memref_slice %arg7[%dma_start3A_349, %dma_start3A_352, %dma_start3A_353] : memref<5x40x128xf32, #tpu.memory_space<vmem>> -> memref<1x40x128xf32, #tpu.memory_space<vmem>>
      %dma_start3A_355 = tpu.memref_squeeze %dma_start3A_354 : memref<1x40x128xf32, #tpu.memory_space<vmem>> -> memref<40x128xf32, #tpu.memory_space<vmem>>
      %dma_start3A_356 = arith.constant 0 : i32
      %dma_start3A_357 = tpu.memref_slice %arg6[%dma_start3A_350, %dma_start3A_351, %dma_start3A_356] : memref<5x2x40xi32, #tpu.memory_space<vmem>> -> memref<1x1x40xi32, #tpu.memory_space<vmem>>
      %dma_start3A_358 = tpu.memref_squeeze %dma_start3A_357 : memref<1x1x40xi32, #tpu.memory_space<vmem>> -> memref<40xi32, #tpu.memory_space<vmem>>
      %dma_start3A_359 = arith.constant 0 : i32
      %dma_start3A_360 = arith.constant 0 : i32
      %dma_start3A_361 = tpu.memref_slice %arg8[%dma_start3A_359, %dma_start3A_360] : memref<10112x128xf32, #tpu.memory_space<vmem_shared>> -> memref<10112x128xf32, #tpu.memory_space<vmem_shared>>
      tpu.enqueue_indirect_dma source(%dma_start3A_355 : memref<40x128xf32, #tpu.memory_space<vmem>>) target(%dma_start3A_361 : memref<10112x128xf32, #tpu.memory_space<vmem_shared>>) offsets(%dma_start3A_358 : memref<40xi32, #tpu.memory_space<vmem>>) semaphore(%arg11 : memref<!tpu.dma_semaphore, #tpu.memory_space<semaphore_mem>>) {add = true}
      %dma_start3A_362 = arith.constant 3 : i32
      %dma_start3A_363 = arith.constant 3 : i32
      %dma_start3A_364 = arith.constant 1 : i32
      %dma_start3A_365 = arith.constant 0 : i32
      %dma_start3A_366 = arith.constant 0 : i32
      %dma_start3A_367 = tpu.memref_slice %arg7[%dma_start3A_362, %dma_start3A_365, %dma_start3A_366] : memref<5x40x128xf32, #tpu.memory_space<vmem>> -> memref<1x40x128xf32, #tpu.memory_space<vmem>>
      %dma_start3A_368 = tpu.memref_squeeze %dma_start3A_367 : memref<1x40x128xf32, #tpu.memory_space<vmem>> -> memref<40x128xf32, #tpu.memory_space<vmem>>
      %dma_start3A_369 = arith.constant 0 : i32
      %dma_start3A_370 = tpu.memref_slice %arg6[%dma_start3A_363, %dma_start3A_364, %dma_start3A_369] : memref<5x2x40xi32, #tpu.memory_space<vmem>> -> memref<1x1x40xi32, #tpu.memory_space<vmem>>
      %dma_start3A_371 = tpu.memref_squeeze %dma_start3A_370 : memref<1x1x40xi32, #tpu.memory_space<vmem>> -> memref<40xi32, #tpu.memory_space<vmem>>
      %dma_start3A_372 = arith.constant 0 : i32
      %dma_start3A_373 = arith.constant 0 : i32
      %dma_start3A_374 = tpu.memref_slice %arg8[%dma_start3A_372, %dma_start3A_373] : memref<10112x128xf32, #tpu.memory_space<vmem_shared>> -> memref<10112x128xf32, #tpu.memory_space<vmem_shared>>
      tpu.enqueue_indirect_dma source(%dma_start3A_368 : memref<40x128xf32, #tpu.memory_space<vmem>>) target(%dma_start3A_374 : memref<10112x128xf32, #tpu.memory_space<vmem_shared>>) offsets(%dma_start3A_371 : memref<40xi32, #tpu.memory_space<vmem>>) semaphore(%arg11 : memref<!tpu.dma_semaphore, #tpu.memory_space<semaphore_mem>>) {add = true}
      %dma_start3A_375 = arith.constant 4 : i32
      %dma_start3A_376 = arith.constant 4 : i32
      %dma_start3A_377 = arith.constant 1 : i32
      %dma_start3A_378 = arith.constant 0 : i32
      %dma_start3A_379 = arith.constant 0 : i32
      %dma_start3A_380 = tpu.memref_slice %arg7[%dma_start3A_375, %dma_start3A_378, %dma_start3A_379] : memref<5x40x128xf32, #tpu.memory_space<vmem>> -> memref<1x40x128xf32, #tpu.memory_space<vmem>>
      %dma_start3A_381 = tpu.memref_squeeze %dma_start3A_380 : memref<1x40x128xf32, #tpu.memory_space<vmem>> -> memref<40x128xf32, #tpu.memory_space<vmem>>
      %dma_start3A_382 = arith.constant 0 : i32
      %dma_start3A_383 = tpu.memref_slice %arg6[%dma_start3A_376, %dma_start3A_377, %dma_start3A_382] : memref<5x2x40xi32, #tpu.memory_space<vmem>> -> memref<1x1x40xi32, #tpu.memory_space<vmem>>
      %dma_start3A_384 = tpu.memref_squeeze %dma_start3A_383 : memref<1x1x40xi32, #tpu.memory_space<vmem>> -> memref<40xi32, #tpu.memory_space<vmem>>
      %dma_start3A_385 = arith.constant 0 : i32
      %dma_start3A_386 = arith.constant 0 : i32
      %dma_start3A_387 = tpu.memref_slice %arg8[%dma_start3A_385, %dma_start3A_386] : memref<10112x128xf32, #tpu.memory_space<vmem_shared>> -> memref<10112x128xf32, #tpu.memory_space<vmem_shared>>
      tpu.enqueue_indirect_dma source(%dma_start3A_381 : memref<40x128xf32, #tpu.memory_space<vmem>>) target(%dma_start3A_387 : memref<10112x128xf32, #tpu.memory_space<vmem_shared>>) offsets(%dma_start3A_384 : memref<40xi32, #tpu.memory_space<vmem>>) semaphore(%arg11 : memref<!tpu.dma_semaphore, #tpu.memory_space<semaphore_mem>>) {add = true}
      %dma_wait3A_388 = arith.constant 0 : i32
      %dma_wait3A_389 = arith.constant 0 : i32
      %dma_wait3A_390 = arith.constant 1 : i32
      %dma_wait3A_391 = arith.constant 0 : i32
      %dma_wait3A_392 = arith.constant 0 : i32
      %dma_wait3A_393 = tpu.memref_slice %arg7[%dma_wait3A_388, %dma_wait3A_391, %dma_wait3A_392] : memref<5x40x128xf32, #tpu.memory_space<vmem>> -> memref<1x40x128xf32, #tpu.memory_space<vmem>>
      %dma_wait3A_394 = tpu.memref_squeeze %dma_wait3A_393 : memref<1x40x128xf32, #tpu.memory_space<vmem>> -> memref<40x128xf32, #tpu.memory_space<vmem>>
      %dma_wait3A_395 = arith.constant 0 : i32
      %dma_wait3A_396 = tpu.memref_slice %arg6[%dma_wait3A_389, %dma_wait3A_390, %dma_wait3A_395] : memref<5x2x40xi32, #tpu.memory_space<vmem>> -> memref<1x1x40xi32, #tpu.memory_space<vmem>>
      %dma_wait3A_397 = tpu.memref_squeeze %dma_wait3A_396 : memref<1x1x40xi32, #tpu.memory_space<vmem>> -> memref<40xi32, #tpu.memory_space<vmem>>
      %dma_wait3A_398 = arith.constant 0 : i32
      %dma_wait3A_399 = arith.constant 0 : i32
      %dma_wait3A_400 = tpu.memref_slice %arg8[%dma_wait3A_398, %dma_wait3A_399] : memref<10112x128xf32, #tpu.memory_space<vmem_shared>> -> memref<10112x128xf32, #tpu.memory_space<vmem_shared>>
      tpu.wait_indirect_dma semaphore(%arg11 : memref<!tpu.dma_semaphore, #tpu.memory_space<semaphore_mem>>) src(%dma_wait3A_394 : memref<40x128xf32, #tpu.memory_space<vmem>>) dst(%dma_wait3A_400 : memref<10112x128xf32, #tpu.memory_space<vmem_shared>>)
      %dma_wait3A_401 = arith.constant 1 : i32
      %dma_wait3A_402 = arith.constant 1 : i32
      %dma_wait3A_403 = arith.constant 1 : i32
      %dma_wait3A_404 = arith.constant 0 : i32
      %dma_wait3A_405 = arith.constant 0 : i32
      %dma_wait3A_406 = tpu.memref_slice %arg7[%dma_wait3A_401, %dma_wait3A_404, %dma_wait3A_405] : memref<5x40x128xf32, #tpu.memory_space<vmem>> -> memref<1x40x128xf32, #tpu.memory_space<vmem>>
      %dma_wait3A_407 = tpu.memref_squeeze %dma_wait3A_406 : memref<1x40x128xf32, #tpu.memory_space<vmem>> -> memref<40x128xf32, #tpu.memory_space<vmem>>
      %dma_wait3A_408 = arith.constant 0 : i32
      %dma_wait3A_409 = tpu.memref_slice %arg6[%dma_wait3A_402, %dma_wait3A_403, %dma_wait3A_408] : memref<5x2x40xi32, #tpu.memory_space<vmem>> -> memref<1x1x40xi32, #tpu.memory_space<vmem>>
      %dma_wait3A_410 = tpu.memref_squeeze %dma_wait3A_409 : memref<1x1x40xi32, #tpu.memory_space<vmem>> -> memref<40xi32, #tpu.memory_space<vmem>>
      %dma_wait3A_411 = arith.constant 0 : i32
      %dma_wait3A_412 = arith.constant 0 : i32
      %dma_wait3A_413 = tpu.memref_slice %arg8[%dma_wait3A_411, %dma_wait3A_412] : memref<10112x128xf32, #tpu.memory_space<vmem_shared>> -> memref<10112x128xf32, #tpu.memory_space<vmem_shared>>
      tpu.wait_indirect_dma semaphore(%arg11 : memref<!tpu.dma_semaphore, #tpu.memory_space<semaphore_mem>>) src(%dma_wait3A_407 : memref<40x128xf32, #tpu.memory_space<vmem>>) dst(%dma_wait3A_413 : memref<10112x128xf32, #tpu.memory_space<vmem_shared>>)
      %dma_wait3A_414 = arith.constant 2 : i32
      %dma_wait3A_415 = arith.constant 2 : i32
      %dma_wait3A_416 = arith.constant 1 : i32
      %dma_wait3A_417 = arith.constant 0 : i32
      %dma_wait3A_418 = arith.constant 0 : i32
      %dma_wait3A_419 = tpu.memref_slice %arg7[%dma_wait3A_414, %dma_wait3A_417, %dma_wait3A_418] : memref<5x40x128xf32, #tpu.memory_space<vmem>> -> memref<1x40x128xf32, #tpu.memory_space<vmem>>
      %dma_wait3A_420 = tpu.memref_squeeze %dma_wait3A_419 : memref<1x40x128xf32, #tpu.memory_space<vmem>> -> memref<40x128xf32, #tpu.memory_space<vmem>>
      %dma_wait3A_421 = arith.constant 0 : i32
      %dma_wait3A_422 = tpu.memref_slice %arg6[%dma_wait3A_415, %dma_wait3A_416, %dma_wait3A_421] : memref<5x2x40xi32, #tpu.memory_space<vmem>> -> memref<1x1x40xi32, #tpu.memory_space<vmem>>
      %dma_wait3A_423 = tpu.memref_squeeze %dma_wait3A_422 : memref<1x1x40xi32, #tpu.memory_space<vmem>> -> memref<40xi32, #tpu.memory_space<vmem>>
      %dma_wait3A_424 = arith.constant 0 : i32
      %dma_wait3A_425 = arith.constant 0 : i32
      %dma_wait3A_426 = tpu.memref_slice %arg8[%dma_wait3A_424, %dma_wait3A_425] : memref<10112x128xf32, #tpu.memory_space<vmem_shared>> -> memref<10112x128xf32, #tpu.memory_space<vmem_shared>>
      tpu.wait_indirect_dma semaphore(%arg11 : memref<!tpu.dma_semaphore, #tpu.memory_space<semaphore_mem>>) src(%dma_wait3A_420 : memref<40x128xf32, #tpu.memory_space<vmem>>) dst(%dma_wait3A_426 : memref<10112x128xf32, #tpu.memory_space<vmem_shared>>)
      %dma_wait3A_427 = arith.constant 3 : i32
      %dma_wait3A_428 = arith.constant 3 : i32
      %dma_wait3A_429 = arith.constant 1 : i32
      %dma_wait3A_430 = arith.constant 0 : i32
      %dma_wait3A_431 = arith.constant 0 : i32
      %dma_wait3A_432 = tpu.memref_slice %arg7[%dma_wait3A_427, %dma_wait3A_430, %dma_wait3A_431] : memref<5x40x128xf32, #tpu.memory_space<vmem>> -> memref<1x40x128xf32, #tpu.memory_space<vmem>>
      %dma_wait3A_433 = tpu.memref_squeeze %dma_wait3A_432 : memref<1x40x128xf32, #tpu.memory_space<vmem>> -> memref<40x128xf32, #tpu.memory_space<vmem>>
      %dma_wait3A_434 = arith.constant 0 : i32
      %dma_wait3A_435 = tpu.memref_slice %arg6[%dma_wait3A_428, %dma_wait3A_429, %dma_wait3A_434] : memref<5x2x40xi32, #tpu.memory_space<vmem>> -> memref<1x1x40xi32, #tpu.memory_space<vmem>>
      %dma_wait3A_436 = tpu.memref_squeeze %dma_wait3A_435 : memref<1x1x40xi32, #tpu.memory_space<vmem>> -> memref<40xi32, #tpu.memory_space<vmem>>
      %dma_wait3A_437 = arith.constant 0 : i32
      %dma_wait3A_438 = arith.constant 0 : i32
      %dma_wait3A_439 = tpu.memref_slice %arg8[%dma_wait3A_437, %dma_wait3A_438] : memref<10112x128xf32, #tpu.memory_space<vmem_shared>> -> memref<10112x128xf32, #tpu.memory_space<vmem_shared>>
      tpu.wait_indirect_dma semaphore(%arg11 : memref<!tpu.dma_semaphore, #tpu.memory_space<semaphore_mem>>) src(%dma_wait3A_433 : memref<40x128xf32, #tpu.memory_space<vmem>>) dst(%dma_wait3A_439 : memref<10112x128xf32, #tpu.memory_space<vmem_shared>>)
      %dma_wait3A_440 = arith.constant 4 : i32
      %dma_wait3A_441 = arith.constant 4 : i32
      %dma_wait3A_442 = arith.constant 1 : i32
      %dma_wait3A_443 = arith.constant 0 : i32
      %dma_wait3A_444 = arith.constant 0 : i32
      %dma_wait3A_445 = tpu.memref_slice %arg7[%dma_wait3A_440, %dma_wait3A_443, %dma_wait3A_444] : memref<5x40x128xf32, #tpu.memory_space<vmem>> -> memref<1x40x128xf32, #tpu.memory_space<vmem>>
      %dma_wait3A_446 = tpu.memref_squeeze %dma_wait3A_445 : memref<1x40x128xf32, #tpu.memory_space<vmem>> -> memref<40x128xf32, #tpu.memory_space<vmem>>
      %dma_wait3A_447 = arith.constant 0 : i32
      %dma_wait3A_448 = tpu.memref_slice %arg6[%dma_wait3A_441, %dma_wait3A_442, %dma_wait3A_447] : memref<5x2x40xi32, #tpu.memory_space<vmem>> -> memref<1x1x40xi32, #tpu.memory_space<vmem>>
      %dma_wait3A_449 = tpu.memref_squeeze %dma_wait3A_448 : memref<1x1x40xi32, #tpu.memory_space<vmem>> -> memref<40xi32, #tpu.memory_space<vmem>>
      %dma_wait3A_450 = arith.constant 0 : i32
      %dma_wait3A_451 = arith.constant 0 : i32
      %dma_wait3A_452 = tpu.memref_slice %arg8[%dma_wait3A_450, %dma_wait3A_451] : memref<10112x128xf32, #tpu.memory_space<vmem_shared>> -> memref<10112x128xf32, #tpu.memory_space<vmem_shared>>
      tpu.wait_indirect_dma semaphore(%arg11 : memref<!tpu.dma_semaphore, #tpu.memory_space<semaphore_mem>>) src(%dma_wait3A_446 : memref<40x128xf32, #tpu.memory_space<vmem>>) dst(%dma_wait3A_452 : memref<10112x128xf32, #tpu.memory_space<vmem_shared>>)
    }
    %scan3A_7 = arith.constant 50 : i32
    %barrier3A_8 = arith.constant 0 : index
    tpu.barrier barrier_id(%barrier3A_8)
    "tpu.region"() ({
      %run_scoped3A = tpu.sem_alloc : memref<!tpu.dma_semaphore, #tpu.memory_space<semaphore_mem>>
      %dma_start3A = arith.constant 0 : i32
      %dma_start3A_9 = tpu.memref_slice %arg5[%arg0, %mul3A_2, %dma_start3A] : memref<2x10112x128xf32, #tpu.memory_space<hbm>> -> memref<1x632x128xf32, #tpu.memory_space<hbm>>
      %dma_start3A_10 = tpu.memref_squeeze %dma_start3A_9 : memref<1x632x128xf32, #tpu.memory_space<hbm>> -> memref<632x128xf32, #tpu.memory_space<hbm>>
      %dma_start3A_11 = arith.constant 0 : i32
      %dma_start3A_12 = tpu.memref_slice %arg8[%mul3A_2, %dma_start3A_11] : memref<10112x128xf32, #tpu.memory_space<vmem_shared>> -> memref<632x128xf32, #tpu.memory_space<vmem_shared>>
      tpu.enqueue_dma source(%dma_start3A_12 : memref<632x128xf32, #tpu.memory_space<vmem_shared>>) target(%dma_start3A_10 : memref<632x128xf32, #tpu.memory_space<hbm>>) target_semaphore(%run_scoped3A : memref<!tpu.dma_semaphore, #tpu.memory_space<semaphore_mem>>)
      %dma_wait3A = arith.constant 0 : i32
      %dma_wait3A_13 = tpu.memref_slice %arg5[%arg0, %mul3A_2, %dma_wait3A] : memref<2x10112x128xf32, #tpu.memory_space<hbm>> -> memref<1x632x128xf32, #tpu.memory_space<hbm>>
      %dma_wait3A_14 = tpu.memref_squeeze %dma_wait3A_13 : memref<1x632x128xf32, #tpu.memory_space<hbm>> -> memref<632x128xf32, #tpu.memory_space<hbm>>
      %dma_wait3A_15 = arith.constant 0 : i32
      %dma_wait3A_16 = tpu.memref_slice %arg8[%mul3A_2, %dma_wait3A_15] : memref<10112x128xf32, #tpu.memory_space<vmem_shared>> -> memref<632x128xf32, #tpu.memory_space<vmem_shared>>
      tpu.wait_dma2 semaphore(%run_scoped3A : memref<!tpu.dma_semaphore, #tpu.memory_space<semaphore_mem>>) src(%dma_wait3A_16 : memref<632x128xf32, #tpu.memory_space<vmem_shared>>) dst(%dma_wait3A_14 : memref<632x128xf32, #tpu.memory_space<hbm>>)
      tpu.yield
    }) : () -> ()
    return
  }
}

#map = affine_map<(d0, d1) -> (0, 0)>
#map1 = affine_map<(d0, d1) -> (0, 0, 0)>
module attributes {stable_mosaic.version = 14 : i64} {
  func.func @segsum(%arg0: i32, %arg1: i32, %arg2: memref<10000x128xf32, #tpu.memory_space<hbm>>, %arg3: memref<8000x2x40xi32, #tpu.memory_space<hbm>>, %arg4: memref<632x128xf32, #tpu.memory_space<hbm>>, %arg5: memref<2x10112x128xf32, #tpu.memory_space<hbm>>, %arg6: memref<5x2x40xi32, #tpu.memory_space<vmem>>, %arg7: memref<5x40x128xf32, #tpu.memory_space<vmem>>, %arg8: memref<10112x128xf32, #tpu.memory_space<vmem_shared>>, %arg9: memref<!tpu.dma_semaphore, #tpu.memory_space<semaphore_mem>>, %arg10: memref<!tpu.dma_semaphore, #tpu.memory_space<semaphore_mem>>, %arg11: memref<!tpu.dma_semaphore, #tpu.memory_space<semaphore_mem>>) attributes {dimension_semantics = [#tpu.dimension_semantics<core_parallel>, #tpu.dimension_semantics<subcore_parallel>], iteration_bounds = array<i64: 2, 16>, scalar_prefetch = 0 : i64, scratch_operands = 6 : i64, tpu.core_type = #tpu.core_type<sc_vector_subcore>, window_params = [{transform_indices = #map}, {transform_indices = #map1}, {transform_indices = #map}, {transform_indices = #map1}]} {
    %mul3A = arith.constant 16 : i32
    %mul3A_0 = arith.muli %arg0, %mul3A : i32
    %add3A = arith.addi %mul3A_0, %arg1 : i32
    %mul3A_1 = arith.constant 632 : i32
    %mul3A_2 = arith.muli %arg1, %mul3A_1 : i32
    "tpu.region"() ({
      %run_scoped3A = tpu.sem_alloc : memref<!tpu.dma_semaphore, #tpu.memory_space<semaphore_mem>>
      %dma_start3A = arith.constant 0 : i32
      %dma_start3A_9 = tpu.memref_slice %arg8[%mul3A_2, %dma_start3A] : memref<10112x128xf32, #tpu.memory_space<vmem_shared>> -> memref<632x128xf32, #tpu.memory_space<vmem_shared>>
      tpu.enqueue_dma source(%arg4 : memref<632x128xf32, #tpu.memory_space<hbm>>) target(%dma_start3A_9 : memref<632x128xf32, #tpu.memory_space<vmem_shared>>) target_semaphore(%run_scoped3A : memref<!tpu.dma_semaphore, #tpu.memory_space<semaphore_mem>>)
      %dma_wait3A = arith.constant 0 : i32
      %dma_wait3A_10 = tpu.memref_slice %arg8[%mul3A_2, %dma_wait3A] : memref<10112x128xf32, #tpu.memory_space<vmem_shared>> -> memref<632x128xf32, #tpu.memory_space<vmem_shared>>
      tpu.wait_dma2 semaphore(%run_scoped3A : memref<!tpu.dma_semaphore, #tpu.memory_space<semaphore_mem>>) src(%arg4 : memref<632x128xf32, #tpu.memory_space<hbm>>) dst(%dma_wait3A_10 : memref<632x128xf32, #tpu.memory_space<vmem_shared>>)
      tpu.yield
    }) : () -> ()
    %barrier3A = arith.constant 0 : index
    tpu.barrier barrier_id(%barrier3A)
    %scan3A = arith.constant 0 : i32
    %scan3A_3 = arith.constant 0 : i32
    %scan3A_4 = arith.constant 50 : i32
    %scan3A_5 = arith.addi %scan3A_3, %scan3A_4 : i32
    %scan3A_6 = arith.constant 1 : i32
    scf.for %scan3A_9 = %scan3A_3 to %scan3A_5 step %scan3A_6  : i32 {
      %mul3A_10 = arith.constant 250 : i32
      %mul3A_11 = arith.muli %add3A, %mul3A_10 : i32
      %mul3A_12 = arith.constant 5 : i32
      %mul3A_13 = arith.muli %scan3A_9, %mul3A_12 : i32
      %add3A_14 = arith.addi %mul3A_11, %mul3A_13 : i32
      %add3A_15 = arith.constant 0 : i32
      %add3A_16 = arith.addi %add3A_14, %add3A_15 : i32
      %dma_start3A = arith.constant 0 : i32
      %dma_start3A_17 = arith.constant 0 : i32
      %dma_start3A_18 = arith.constant 0 : i32
      %dma_start3A_19 = tpu.memref_slice %arg6[%dma_start3A, %dma_start3A_17, %dma_start3A_18] : memref<5x2x40xi32, #tpu.memory_space<vmem>> -> memref<1x2x40xi32, #tpu.memory_space<vmem>>
      %dma_start3A_20 = tpu.memref_squeeze %dma_start3A_19 : memref<1x2x40xi32, #tpu.memory_space<vmem>> -> memref<2x40xi32, #tpu.memory_space<vmem>>
      %dma_start3A_21 = arith.constant 0 : i32
      %dma_start3A_22 = arith.constant 0 : i32
      %dma_start3A_23 = tpu.memref_slice %arg3[%add3A_16, %dma_start3A_21, %dma_start3A_22] : memref<8000x2x40xi32, #tpu.memory_space<hbm>> -> memref<1x2x40xi32, #tpu.memory_space<hbm>>
      %dma_start3A_24 = tpu.memref_squeeze %dma_start3A_23 : memref<1x2x40xi32, #tpu.memory_space<hbm>> -> memref<2x40xi32, #tpu.memory_space<hbm>>
      %dma_start3A_25 = arith.constant 0 : i32
      %dma_start3A_26 = arith.constant 0 : i32
      %dma_start3A_27 = tpu.memref_slice %arg6[%dma_start3A, %dma_start3A_25, %dma_start3A_26] : memref<5x2x40xi32, #tpu.memory_space<vmem>> -> memref<1x2x40xi32, #tpu.memory_space<vmem>>
      %dma_start3A_28 = tpu.memref_squeeze %dma_start3A_27 : memref<1x2x40xi32, #tpu.memory_space<vmem>> -> memref<2x40xi32, #tpu.memory_space<vmem>>
      %dma_start3A_29 = arith.constant 0 : i32
      %dma_start3A_30 = arith.constant 0 : i32
      %dma_start3A_31 = tpu.memref_slice %arg3[%add3A_16, %dma_start3A_29, %dma_start3A_30] : memref<8000x2x40xi32, #tpu.memory_space<hbm>> -> memref<1x2x40xi32, #tpu.memory_space<hbm>>
      %dma_start3A_32 = tpu.memref_squeeze %dma_start3A_31 : memref<1x2x40xi32, #tpu.memory_space<hbm>> -> memref<2x40xi32, #tpu.memory_space<hbm>>
      tpu.enqueue_dma source(%dma_start3A_32 : memref<2x40xi32, #tpu.memory_space<hbm>>) target(%dma_start3A_28 : memref<2x40xi32, #tpu.memory_space<vmem>>) target_semaphore(%arg9 : memref<!tpu.dma_semaphore, #tpu.memory_space<semaphore_mem>>)
      %add3A_33 = arith.constant 1 : i32
      %add3A_34 = arith.addi %add3A_14, %add3A_33 : i32
      %dma_start3A_35 = arith.constant 1 : i32
      %dma_start3A_36 = arith.constant 0 : i32
      %dma_start3A_37 = arith.constant 0 : i32
      %dma_start3A_38 = tpu.memref_slice %arg6[%dma_start3A_35, %dma_start3A_36, %dma_start3A_37] : memref<5x2x40xi32, #tpu.memory_space<vmem>> -> memref<1x2x40xi32, #tpu.memory_space<vmem>>
      %dma_start3A_39 = tpu.memref_squeeze %dma_start3A_38 : memref<1x2x40xi32, #tpu.memory_space<vmem>> -> memref<2x40xi32, #tpu.memory_space<vmem>>
      %dma_start3A_40 = arith.constant 0 : i32
      %dma_start3A_41 = arith.constant 0 : i32
      %dma_start3A_42 = tpu.memref_slice %arg3[%add3A_34, %dma_start3A_40, %dma_start3A_41] : memref<8000x2x40xi32, #tpu.memory_space<hbm>> -> memref<1x2x40xi32, #tpu.memory_space<hbm>>
      %dma_start3A_43 = tpu.memref_squeeze %dma_start3A_42 : memref<1x2x40xi32, #tpu.memory_space<hbm>> -> memref<2x40xi32, #tpu.memory_space<hbm>>
      %dma_start3A_44 = arith.constant 0 : i32
      %dma_start3A_45 = arith.constant 0 : i32
      %dma_start3A_46 = tpu.memref_slice %arg6[%dma_start3A_35, %dma_start3A_44, %dma_start3A_45] : memref<5x2x40xi32, #tpu.memory_space<vmem>> -> memref<1x2x40xi32, #tpu.memory_space<vmem>>
      %dma_start3A_47 = tpu.memref_squeeze %dma_start3A_46 : memref<1x2x40xi32, #tpu.memory_space<vmem>> -> memref<2x40xi32, #tpu.memory_space<vmem>>
      %dma_start3A_48 = arith.constant 0 : i32
      %dma_start3A_49 = arith.constant 0 : i32
      %dma_start3A_50 = tpu.memref_slice %arg3[%add3A_34, %dma_start3A_48, %dma_start3A_49] : memref<8000x2x40xi32, #tpu.memory_space<hbm>> -> memref<1x2x40xi32, #tpu.memory_space<hbm>>
      %dma_start3A_51 = tpu.memref_squeeze %dma_start3A_50 : memref<1x2x40xi32, #tpu.memory_space<hbm>> -> memref<2x40xi32, #tpu.memory_space<hbm>>
      tpu.enqueue_dma source(%dma_start3A_51 : memref<2x40xi32, #tpu.memory_space<hbm>>) target(%dma_start3A_47 : memref<2x40xi32, #tpu.memory_space<vmem>>) target_semaphore(%arg9 : memref<!tpu.dma_semaphore, #tpu.memory_space<semaphore_mem>>)
      %add3A_52 = arith.constant 2 : i32
      %add3A_53 = arith.addi %add3A_14, %add3A_52 : i32
      %dma_start3A_54 = arith.constant 2 : i32
      %dma_start3A_55 = arith.constant 0 : i32
      %dma_start3A_56 = arith.constant 0 : i32
      %dma_start3A_57 = tpu.memref_slice %arg6[%dma_start3A_54, %dma_start3A_55, %dma_start3A_56] : memref<5x2x40xi32, #tpu.memory_space<vmem>> -> memref<1x2x40xi32, #tpu.memory_space<vmem>>
      %dma_start3A_58 = tpu.memref_squeeze %dma_start3A_57 : memref<1x2x40xi32, #tpu.memory_space<vmem>> -> memref<2x40xi32, #tpu.memory_space<vmem>>
      %dma_start3A_59 = arith.constant 0 : i32
      %dma_start3A_60 = arith.constant 0 : i32
      %dma_start3A_61 = tpu.memref_slice %arg3[%add3A_53, %dma_start3A_59, %dma_start3A_60] : memref<8000x2x40xi32, #tpu.memory_space<hbm>> -> memref<1x2x40xi32, #tpu.memory_space<hbm>>
      %dma_start3A_62 = tpu.memref_squeeze %dma_start3A_61 : memref<1x2x40xi32, #tpu.memory_space<hbm>> -> memref<2x40xi32, #tpu.memory_space<hbm>>
      %dma_start3A_63 = arith.constant 0 : i32
      %dma_start3A_64 = arith.constant 0 : i32
      %dma_start3A_65 = tpu.memref_slice %arg6[%dma_start3A_54, %dma_start3A_63, %dma_start3A_64] : memref<5x2x40xi32, #tpu.memory_space<vmem>> -> memref<1x2x40xi32, #tpu.memory_space<vmem>>
      %dma_start3A_66 = tpu.memref_squeeze %dma_start3A_65 : memref<1x2x40xi32, #tpu.memory_space<vmem>> -> memref<2x40xi32, #tpu.memory_space<vmem>>
      %dma_start3A_67 = arith.constant 0 : i32
      %dma_start3A_68 = arith.constant 0 : i32
      %dma_start3A_69 = tpu.memref_slice %arg3[%add3A_53, %dma_start3A_67, %dma_start3A_68] : memref<8000x2x40xi32, #tpu.memory_space<hbm>> -> memref<1x2x40xi32, #tpu.memory_space<hbm>>
      %dma_start3A_70 = tpu.memref_squeeze %dma_start3A_69 : memref<1x2x40xi32, #tpu.memory_space<hbm>> -> memref<2x40xi32, #tpu.memory_space<hbm>>
      tpu.enqueue_dma source(%dma_start3A_70 : memref<2x40xi32, #tpu.memory_space<hbm>>) target(%dma_start3A_66 : memref<2x40xi32, #tpu.memory_space<vmem>>) target_semaphore(%arg9 : memref<!tpu.dma_semaphore, #tpu.memory_space<semaphore_mem>>)
      %add3A_71 = arith.constant 3 : i32
      %add3A_72 = arith.addi %add3A_14, %add3A_71 : i32
      %dma_start3A_73 = arith.constant 3 : i32
      %dma_start3A_74 = arith.constant 0 : i32
      %dma_start3A_75 = arith.constant 0 : i32
      %dma_start3A_76 = tpu.memref_slice %arg6[%dma_start3A_73, %dma_start3A_74, %dma_start3A_75] : memref<5x2x40xi32, #tpu.memory_space<vmem>> -> memref<1x2x40xi32, #tpu.memory_space<vmem>>
      %dma_start3A_77 = tpu.memref_squeeze %dma_start3A_76 : memref<1x2x40xi32, #tpu.memory_space<vmem>> -> memref<2x40xi32, #tpu.memory_space<vmem>>
      %dma_start3A_78 = arith.constant 0 : i32
      %dma_start3A_79 = arith.constant 0 : i32
      %dma_start3A_80 = tpu.memref_slice %arg3[%add3A_72, %dma_start3A_78, %dma_start3A_79] : memref<8000x2x40xi32, #tpu.memory_space<hbm>> -> memref<1x2x40xi32, #tpu.memory_space<hbm>>
      %dma_start3A_81 = tpu.memref_squeeze %dma_start3A_80 : memref<1x2x40xi32, #tpu.memory_space<hbm>> -> memref<2x40xi32, #tpu.memory_space<hbm>>
      %dma_start3A_82 = arith.constant 0 : i32
      %dma_start3A_83 = arith.constant 0 : i32
      %dma_start3A_84 = tpu.memref_slice %arg6[%dma_start3A_73, %dma_start3A_82, %dma_start3A_83] : memref<5x2x40xi32, #tpu.memory_space<vmem>> -> memref<1x2x40xi32, #tpu.memory_space<vmem>>
      %dma_start3A_85 = tpu.memref_squeeze %dma_start3A_84 : memref<1x2x40xi32, #tpu.memory_space<vmem>> -> memref<2x40xi32, #tpu.memory_space<vmem>>
      %dma_start3A_86 = arith.constant 0 : i32
      %dma_start3A_87 = arith.constant 0 : i32
      %dma_start3A_88 = tpu.memref_slice %arg3[%add3A_72, %dma_start3A_86, %dma_start3A_87] : memref<8000x2x40xi32, #tpu.memory_space<hbm>> -> memref<1x2x40xi32, #tpu.memory_space<hbm>>
      %dma_start3A_89 = tpu.memref_squeeze %dma_start3A_88 : memref<1x2x40xi32, #tpu.memory_space<hbm>> -> memref<2x40xi32, #tpu.memory_space<hbm>>
      tpu.enqueue_dma source(%dma_start3A_89 : memref<2x40xi32, #tpu.memory_space<hbm>>) target(%dma_start3A_85 : memref<2x40xi32, #tpu.memory_space<vmem>>) target_semaphore(%arg9 : memref<!tpu.dma_semaphore, #tpu.memory_space<semaphore_mem>>)
      %add3A_90 = arith.constant 4 : i32
      %add3A_91 = arith.addi %add3A_14, %add3A_90 : i32
      %dma_start3A_92 = arith.constant 4 : i32
      %dma_start3A_93 = arith.constant 0 : i32
      %dma_start3A_94 = arith.constant 0 : i32
      %dma_start3A_95 = tpu.memref_slice %arg6[%dma_start3A_92, %dma_start3A_93, %dma_start3A_94] : memref<5x2x40xi32, #tpu.memory_space<vmem>> -> memref<1x2x40xi32, #tpu.memory_space<vmem>>
      %dma_start3A_96 = tpu.memref_squeeze %dma_start3A_95 : memref<1x2x40xi32, #tpu.memory_space<vmem>> -> memref<2x40xi32, #tpu.memory_space<vmem>>
      %dma_start3A_97 = arith.constant 0 : i32
      %dma_start3A_98 = arith.constant 0 : i32
      %dma_start3A_99 = tpu.memref_slice %arg3[%add3A_91, %dma_start3A_97, %dma_start3A_98] : memref<8000x2x40xi32, #tpu.memory_space<hbm>> -> memref<1x2x40xi32, #tpu.memory_space<hbm>>
      %dma_start3A_100 = tpu.memref_squeeze %dma_start3A_99 : memref<1x2x40xi32, #tpu.memory_space<hbm>> -> memref<2x40xi32, #tpu.memory_space<hbm>>
      %dma_start3A_101 = arith.constant 0 : i32
      %dma_start3A_102 = arith.constant 0 : i32
      %dma_start3A_103 = tpu.memref_slice %arg6[%dma_start3A_92, %dma_start3A_101, %dma_start3A_102] : memref<5x2x40xi32, #tpu.memory_space<vmem>> -> memref<1x2x40xi32, #tpu.memory_space<vmem>>
      %dma_start3A_104 = tpu.memref_squeeze %dma_start3A_103 : memref<1x2x40xi32, #tpu.memory_space<vmem>> -> memref<2x40xi32, #tpu.memory_space<vmem>>
      %dma_start3A_105 = arith.constant 0 : i32
      %dma_start3A_106 = arith.constant 0 : i32
      %dma_start3A_107 = tpu.memref_slice %arg3[%add3A_91, %dma_start3A_105, %dma_start3A_106] : memref<8000x2x40xi32, #tpu.memory_space<hbm>> -> memref<1x2x40xi32, #tpu.memory_space<hbm>>
      %dma_start3A_108 = tpu.memref_squeeze %dma_start3A_107 : memref<1x2x40xi32, #tpu.memory_space<hbm>> -> memref<2x40xi32, #tpu.memory_space<hbm>>
      tpu.enqueue_dma source(%dma_start3A_108 : memref<2x40xi32, #tpu.memory_space<hbm>>) target(%dma_start3A_104 : memref<2x40xi32, #tpu.memory_space<vmem>>) target_semaphore(%arg9 : memref<!tpu.dma_semaphore, #tpu.memory_space<semaphore_mem>>)
      %dma_wait3A = arith.constant 0 : i32
      %dma_wait3A_109 = arith.constant 0 : i32
      %dma_wait3A_110 = arith.constant 0 : i32
      %dma_wait3A_111 = tpu.memref_slice %arg6[%dma_wait3A, %dma_wait3A_109, %dma_wait3A_110] : memref<5x2x40xi32, #tpu.memory_space<vmem>> -> memref<1x2x40xi32, #tpu.memory_space<vmem>>
      %dma_wait3A_112 = tpu.memref_squeeze %dma_wait3A_111 : memref<1x2x40xi32, #tpu.memory_space<vmem>> -> memref<2x40xi32, #tpu.memory_space<vmem>>
      %dma_wait3A_113 = arith.constant 0 : i32
      %dma_wait3A_114 = arith.constant 0 : i32
      %dma_wait3A_115 = tpu.memref_slice %arg3[%add3A_16, %dma_wait3A_113, %dma_wait3A_114] : memref<8000x2x40xi32, #tpu.memory_space<hbm>> -> memref<1x2x40xi32, #tpu.memory_space<hbm>>
      %dma_wait3A_116 = tpu.memref_squeeze %dma_wait3A_115 : memref<1x2x40xi32, #tpu.memory_space<hbm>> -> memref<2x40xi32, #tpu.memory_space<hbm>>
      %dma_wait3A_117 = arith.constant 0 : i32
      %dma_wait3A_118 = arith.constant 0 : i32
      %dma_wait3A_119 = tpu.memref_slice %arg6[%dma_wait3A, %dma_wait3A_117, %dma_wait3A_118] : memref<5x2x40xi32, #tpu.memory_space<vmem>> -> memref<1x2x40xi32, #tpu.memory_space<vmem>>
      %dma_wait3A_120 = tpu.memref_squeeze %dma_wait3A_119 : memref<1x2x40xi32, #tpu.memory_space<vmem>> -> memref<2x40xi32, #tpu.memory_space<vmem>>
      %dma_wait3A_121 = arith.constant 0 : i32
      %dma_wait3A_122 = arith.constant 0 : i32
      %dma_wait3A_123 = tpu.memref_slice %arg3[%add3A_16, %dma_wait3A_121, %dma_wait3A_122] : memref<8000x2x40xi32, #tpu.memory_space<hbm>> -> memref<1x2x40xi32, #tpu.memory_space<hbm>>
      %dma_wait3A_124 = tpu.memref_squeeze %dma_wait3A_123 : memref<1x2x40xi32, #tpu.memory_space<hbm>> -> memref<2x40xi32, #tpu.memory_space<hbm>>
      tpu.wait_dma2 semaphore(%arg9 : memref<!tpu.dma_semaphore, #tpu.memory_space<semaphore_mem>>) src(%dma_wait3A_124 : memref<2x40xi32, #tpu.memory_space<hbm>>) dst(%dma_wait3A_120 : memref<2x40xi32, #tpu.memory_space<vmem>>)
      %dma_wait3A_125 = arith.constant 1 : i32
      %dma_wait3A_126 = arith.constant 0 : i32
      %dma_wait3A_127 = arith.constant 0 : i32
      %dma_wait3A_128 = tpu.memref_slice %arg6[%dma_wait3A_125, %dma_wait3A_126, %dma_wait3A_127] : memref<5x2x40xi32, #tpu.memory_space<vmem>> -> memref<1x2x40xi32, #tpu.memory_space<vmem>>
      %dma_wait3A_129 = tpu.memref_squeeze %dma_wait3A_128 : memref<1x2x40xi32, #tpu.memory_space<vmem>> -> memref<2x40xi32, #tpu.memory_space<vmem>>
      %dma_wait3A_130 = arith.constant 0 : i32
      %dma_wait3A_131 = arith.constant 0 : i32
      %dma_wait3A_132 = tpu.memref_slice %arg3[%add3A_34, %dma_wait3A_130, %dma_wait3A_131] : memref<8000x2x40xi32, #tpu.memory_space<hbm>> -> memref<1x2x40xi32, #tpu.memory_space<hbm>>
      %dma_wait3A_133 = tpu.memref_squeeze %dma_wait3A_132 : memref<1x2x40xi32, #tpu.memory_space<hbm>> -> memref<2x40xi32, #tpu.memory_space<hbm>>
      %dma_wait3A_134 = arith.constant 0 : i32
      %dma_wait3A_135 = arith.constant 0 : i32
      %dma_wait3A_136 = tpu.memref_slice %arg6[%dma_wait3A_125, %dma_wait3A_134, %dma_wait3A_135] : memref<5x2x40xi32, #tpu.memory_space<vmem>> -> memref<1x2x40xi32, #tpu.memory_space<vmem>>
      %dma_wait3A_137 = tpu.memref_squeeze %dma_wait3A_136 : memref<1x2x40xi32, #tpu.memory_space<vmem>> -> memref<2x40xi32, #tpu.memory_space<vmem>>
      %dma_wait3A_138 = arith.constant 0 : i32
      %dma_wait3A_139 = arith.constant 0 : i32
      %dma_wait3A_140 = tpu.memref_slice %arg3[%add3A_34, %dma_wait3A_138, %dma_wait3A_139] : memref<8000x2x40xi32, #tpu.memory_space<hbm>> -> memref<1x2x40xi32, #tpu.memory_space<hbm>>
      %dma_wait3A_141 = tpu.memref_squeeze %dma_wait3A_140 : memref<1x2x40xi32, #tpu.memory_space<hbm>> -> memref<2x40xi32, #tpu.memory_space<hbm>>
      tpu.wait_dma2 semaphore(%arg9 : memref<!tpu.dma_semaphore, #tpu.memory_space<semaphore_mem>>) src(%dma_wait3A_141 : memref<2x40xi32, #tpu.memory_space<hbm>>) dst(%dma_wait3A_137 : memref<2x40xi32, #tpu.memory_space<vmem>>)
      %dma_wait3A_142 = arith.constant 2 : i32
      %dma_wait3A_143 = arith.constant 0 : i32
      %dma_wait3A_144 = arith.constant 0 : i32
      %dma_wait3A_145 = tpu.memref_slice %arg6[%dma_wait3A_142, %dma_wait3A_143, %dma_wait3A_144] : memref<5x2x40xi32, #tpu.memory_space<vmem>> -> memref<1x2x40xi32, #tpu.memory_space<vmem>>
      %dma_wait3A_146 = tpu.memref_squeeze %dma_wait3A_145 : memref<1x2x40xi32, #tpu.memory_space<vmem>> -> memref<2x40xi32, #tpu.memory_space<vmem>>
      %dma_wait3A_147 = arith.constant 0 : i32
      %dma_wait3A_148 = arith.constant 0 : i32
      %dma_wait3A_149 = tpu.memref_slice %arg3[%add3A_53, %dma_wait3A_147, %dma_wait3A_148] : memref<8000x2x40xi32, #tpu.memory_space<hbm>> -> memref<1x2x40xi32, #tpu.memory_space<hbm>>
      %dma_wait3A_150 = tpu.memref_squeeze %dma_wait3A_149 : memref<1x2x40xi32, #tpu.memory_space<hbm>> -> memref<2x40xi32, #tpu.memory_space<hbm>>
      %dma_wait3A_151 = arith.constant 0 : i32
      %dma_wait3A_152 = arith.constant 0 : i32
      %dma_wait3A_153 = tpu.memref_slice %arg6[%dma_wait3A_142, %dma_wait3A_151, %dma_wait3A_152] : memref<5x2x40xi32, #tpu.memory_space<vmem>> -> memref<1x2x40xi32, #tpu.memory_space<vmem>>
      %dma_wait3A_154 = tpu.memref_squeeze %dma_wait3A_153 : memref<1x2x40xi32, #tpu.memory_space<vmem>> -> memref<2x40xi32, #tpu.memory_space<vmem>>
      %dma_wait3A_155 = arith.constant 0 : i32
      %dma_wait3A_156 = arith.constant 0 : i32
      %dma_wait3A_157 = tpu.memref_slice %arg3[%add3A_53, %dma_wait3A_155, %dma_wait3A_156] : memref<8000x2x40xi32, #tpu.memory_space<hbm>> -> memref<1x2x40xi32, #tpu.memory_space<hbm>>
      %dma_wait3A_158 = tpu.memref_squeeze %dma_wait3A_157 : memref<1x2x40xi32, #tpu.memory_space<hbm>> -> memref<2x40xi32, #tpu.memory_space<hbm>>
      tpu.wait_dma2 semaphore(%arg9 : memref<!tpu.dma_semaphore, #tpu.memory_space<semaphore_mem>>) src(%dma_wait3A_158 : memref<2x40xi32, #tpu.memory_space<hbm>>) dst(%dma_wait3A_154 : memref<2x40xi32, #tpu.memory_space<vmem>>)
      %dma_wait3A_159 = arith.constant 3 : i32
      %dma_wait3A_160 = arith.constant 0 : i32
      %dma_wait3A_161 = arith.constant 0 : i32
      %dma_wait3A_162 = tpu.memref_slice %arg6[%dma_wait3A_159, %dma_wait3A_160, %dma_wait3A_161] : memref<5x2x40xi32, #tpu.memory_space<vmem>> -> memref<1x2x40xi32, #tpu.memory_space<vmem>>
      %dma_wait3A_163 = tpu.memref_squeeze %dma_wait3A_162 : memref<1x2x40xi32, #tpu.memory_space<vmem>> -> memref<2x40xi32, #tpu.memory_space<vmem>>
      %dma_wait3A_164 = arith.constant 0 : i32
      %dma_wait3A_165 = arith.constant 0 : i32
      %dma_wait3A_166 = tpu.memref_slice %arg3[%add3A_72, %dma_wait3A_164, %dma_wait3A_165] : memref<8000x2x40xi32, #tpu.memory_space<hbm>> -> memref<1x2x40xi32, #tpu.memory_space<hbm>>
      %dma_wait3A_167 = tpu.memref_squeeze %dma_wait3A_166 : memref<1x2x40xi32, #tpu.memory_space<hbm>> -> memref<2x40xi32, #tpu.memory_space<hbm>>
      %dma_wait3A_168 = arith.constant 0 : i32
      %dma_wait3A_169 = arith.constant 0 : i32
      %dma_wait3A_170 = tpu.memref_slice %arg6[%dma_wait3A_159, %dma_wait3A_168, %dma_wait3A_169] : memref<5x2x40xi32, #tpu.memory_space<vmem>> -> memref<1x2x40xi32, #tpu.memory_space<vmem>>
      %dma_wait3A_171 = tpu.memref_squeeze %dma_wait3A_170 : memref<1x2x40xi32, #tpu.memory_space<vmem>> -> memref<2x40xi32, #tpu.memory_space<vmem>>
      %dma_wait3A_172 = arith.constant 0 : i32
      %dma_wait3A_173 = arith.constant 0 : i32
      %dma_wait3A_174 = tpu.memref_slice %arg3[%add3A_72, %dma_wait3A_172, %dma_wait3A_173] : memref<8000x2x40xi32, #tpu.memory_space<hbm>> -> memref<1x2x40xi32, #tpu.memory_space<hbm>>
      %dma_wait3A_175 = tpu.memref_squeeze %dma_wait3A_174 : memref<1x2x40xi32, #tpu.memory_space<hbm>> -> memref<2x40xi32, #tpu.memory_space<hbm>>
      tpu.wait_dma2 semaphore(%arg9 : memref<!tpu.dma_semaphore, #tpu.memory_space<semaphore_mem>>) src(%dma_wait3A_175 : memref<2x40xi32, #tpu.memory_space<hbm>>) dst(%dma_wait3A_171 : memref<2x40xi32, #tpu.memory_space<vmem>>)
      %dma_wait3A_176 = arith.constant 4 : i32
      %dma_wait3A_177 = arith.constant 0 : i32
      %dma_wait3A_178 = arith.constant 0 : i32
      %dma_wait3A_179 = tpu.memref_slice %arg6[%dma_wait3A_176, %dma_wait3A_177, %dma_wait3A_178] : memref<5x2x40xi32, #tpu.memory_space<vmem>> -> memref<1x2x40xi32, #tpu.memory_space<vmem>>
      %dma_wait3A_180 = tpu.memref_squeeze %dma_wait3A_179 : memref<1x2x40xi32, #tpu.memory_space<vmem>> -> memref<2x40xi32, #tpu.memory_space<vmem>>
      %dma_wait3A_181 = arith.constant 0 : i32
      %dma_wait3A_182 = arith.constant 0 : i32
      %dma_wait3A_183 = tpu.memref_slice %arg3[%add3A_91, %dma_wait3A_181, %dma_wait3A_182] : memref<8000x2x40xi32, #tpu.memory_space<hbm>> -> memref<1x2x40xi32, #tpu.memory_space<hbm>>
      %dma_wait3A_184 = tpu.memref_squeeze %dma_wait3A_183 : memref<1x2x40xi32, #tpu.memory_space<hbm>> -> memref<2x40xi32, #tpu.memory_space<hbm>>
      %dma_wait3A_185 = arith.constant 0 : i32
      %dma_wait3A_186 = arith.constant 0 : i32
      %dma_wait3A_187 = tpu.memref_slice %arg6[%dma_wait3A_176, %dma_wait3A_185, %dma_wait3A_186] : memref<5x2x40xi32, #tpu.memory_space<vmem>> -> memref<1x2x40xi32, #tpu.memory_space<vmem>>
      %dma_wait3A_188 = tpu.memref_squeeze %dma_wait3A_187 : memref<1x2x40xi32, #tpu.memory_space<vmem>> -> memref<2x40xi32, #tpu.memory_space<vmem>>
      %dma_wait3A_189 = arith.constant 0 : i32
      %dma_wait3A_190 = arith.constant 0 : i32
      %dma_wait3A_191 = tpu.memref_slice %arg3[%add3A_91, %dma_wait3A_189, %dma_wait3A_190] : memref<8000x2x40xi32, #tpu.memory_space<hbm>> -> memref<1x2x40xi32, #tpu.memory_space<hbm>>
      %dma_wait3A_192 = tpu.memref_squeeze %dma_wait3A_191 : memref<1x2x40xi32, #tpu.memory_space<hbm>> -> memref<2x40xi32, #tpu.memory_space<hbm>>
      tpu.wait_dma2 semaphore(%arg9 : memref<!tpu.dma_semaphore, #tpu.memory_space<semaphore_mem>>) src(%dma_wait3A_192 : memref<2x40xi32, #tpu.memory_space<hbm>>) dst(%dma_wait3A_188 : memref<2x40xi32, #tpu.memory_space<vmem>>)
      %dma_start3A_193 = arith.constant 0 : i32
      %dma_start3A_194 = arith.constant 0 : i32
      %dma_start3A_195 = arith.constant 0 : i32
      %dma_start3A_196 = arith.constant 0 : i32
      %dma_start3A_197 = arith.constant 0 : i32
      %dma_start3A_198 = tpu.memref_slice %arg7[%dma_start3A_195, %dma_start3A_196, %dma_start3A_197] : memref<5x40x128xf32, #tpu.memory_space<vmem>> -> memref<1x40x128xf32, #tpu.memory_space<vmem>>
      %dma_start3A_199 = tpu.memref_squeeze %dma_start3A_198 : memref<1x40x128xf32, #tpu.memory_space<vmem>> -> memref<40x128xf32, #tpu.memory_space<vmem>>
      %dma_start3A_200 = arith.constant 0 : i32
      %dma_start3A_201 = tpu.memref_slice %arg6[%dma_start3A_193, %dma_start3A_194, %dma_start3A_200] : memref<5x2x40xi32, #tpu.memory_space<vmem>> -> memref<1x1x40xi32, #tpu.memory_space<vmem>>
      %dma_start3A_202 = tpu.memref_squeeze %dma_start3A_201 : memref<1x1x40xi32, #tpu.memory_space<vmem>> -> memref<40xi32, #tpu.memory_space<vmem>>
      %dma_start3A_203 = arith.constant 0 : i32
      %dma_start3A_204 = arith.constant 0 : i32
      %dma_start3A_205 = tpu.memref_slice %arg2[%dma_start3A_203, %dma_start3A_204] : memref<10000x128xf32, #tpu.memory_space<hbm>> -> memref<10000x128xf32, #tpu.memory_space<hbm>>
      tpu.enqueue_indirect_dma source(%dma_start3A_205 : memref<10000x128xf32, #tpu.memory_space<hbm>>) target(%dma_start3A_199 : memref<40x128xf32, #tpu.memory_space<vmem>>) offsets(%dma_start3A_202 : memref<40xi32, #tpu.memory_space<vmem>>) semaphore(%arg10 : memref<!tpu.dma_semaphore, #tpu.memory_space<semaphore_mem>>)
      %dma_start3A_206 = arith.constant 1 : i32
      %dma_start3A_207 = arith.constant 0 : i32
      %dma_start3A_208 = arith.constant 1 : i32
      %dma_start3A_209 = arith.constant 0 : i32
      %dma_start3A_210 = arith.constant 0 : i32
      %dma_start3A_211 = tpu.memref_slice %arg7[%dma_start3A_208, %dma_start3A_209, %dma_start3A_210] : memref<5x40x128xf32, #tpu.memory_space<vmem>> -> memref<1x40x128xf32, #tpu.memory_space<vmem>>
      %dma_start3A_212 = tpu.memref_squeeze %dma_start3A_211 : memref<1x40x128xf32, #tpu.memory_space<vmem>> -> memref<40x128xf32, #tpu.memory_space<vmem>>
      %dma_start3A_213 = arith.constant 0 : i32
      %dma_start3A_214 = tpu.memref_slice %arg6[%dma_start3A_206, %dma_start3A_207, %dma_start3A_213] : memref<5x2x40xi32, #tpu.memory_space<vmem>> -> memref<1x1x40xi32, #tpu.memory_space<vmem>>
      %dma_start3A_215 = tpu.memref_squeeze %dma_start3A_214 : memref<1x1x40xi32, #tpu.memory_space<vmem>> -> memref<40xi32, #tpu.memory_space<vmem>>
      %dma_start3A_216 = arith.constant 0 : i32
      %dma_start3A_217 = arith.constant 0 : i32
      %dma_start3A_218 = tpu.memref_slice %arg2[%dma_start3A_216, %dma_start3A_217] : memref<10000x128xf32, #tpu.memory_space<hbm>> -> memref<10000x128xf32, #tpu.memory_space<hbm>>
      tpu.enqueue_indirect_dma source(%dma_start3A_218 : memref<10000x128xf32, #tpu.memory_space<hbm>>) target(%dma_start3A_212 : memref<40x128xf32, #tpu.memory_space<vmem>>) offsets(%dma_start3A_215 : memref<40xi32, #tpu.memory_space<vmem>>) semaphore(%arg10 : memref<!tpu.dma_semaphore, #tpu.memory_space<semaphore_mem>>)
      %dma_start3A_219 = arith.constant 2 : i32
      %dma_start3A_220 = arith.constant 0 : i32
      %dma_start3A_221 = arith.constant 2 : i32
      %dma_start3A_222 = arith.constant 0 : i32
      %dma_start3A_223 = arith.constant 0 : i32
      %dma_start3A_224 = tpu.memref_slice %arg7[%dma_start3A_221, %dma_start3A_222, %dma_start3A_223] : memref<5x40x128xf32, #tpu.memory_space<vmem>> -> memref<1x40x128xf32, #tpu.memory_space<vmem>>
      %dma_start3A_225 = tpu.memref_squeeze %dma_start3A_224 : memref<1x40x128xf32, #tpu.memory_space<vmem>> -> memref<40x128xf32, #tpu.memory_space<vmem>>
      %dma_start3A_226 = arith.constant 0 : i32
      %dma_start3A_227 = tpu.memref_slice %arg6[%dma_start3A_219, %dma_start3A_220, %dma_start3A_226] : memref<5x2x40xi32, #tpu.memory_space<vmem>> -> memref<1x1x40xi32, #tpu.memory_space<vmem>>
      %dma_start3A_228 = tpu.memref_squeeze %dma_start3A_227 : memref<1x1x40xi32, #tpu.memory_space<vmem>> -> memref<40xi32, #tpu.memory_space<vmem>>
      %dma_start3A_229 = arith.constant 0 : i32
      %dma_start3A_230 = arith.constant 0 : i32
      %dma_start3A_231 = tpu.memref_slice %arg2[%dma_start3A_229, %dma_start3A_230] : memref<10000x128xf32, #tpu.memory_space<hbm>> -> memref<10000x128xf32, #tpu.memory_space<hbm>>
      tpu.enqueue_indirect_dma source(%dma_start3A_231 : memref<10000x128xf32, #tpu.memory_space<hbm>>) target(%dma_start3A_225 : memref<40x128xf32, #tpu.memory_space<vmem>>) offsets(%dma_start3A_228 : memref<40xi32, #tpu.memory_space<vmem>>) semaphore(%arg10 : memref<!tpu.dma_semaphore, #tpu.memory_space<semaphore_mem>>)
      %dma_start3A_232 = arith.constant 3 : i32
      %dma_start3A_233 = arith.constant 0 : i32
      %dma_start3A_234 = arith.constant 3 : i32
      %dma_start3A_235 = arith.constant 0 : i32
      %dma_start3A_236 = arith.constant 0 : i32
      %dma_start3A_237 = tpu.memref_slice %arg7[%dma_start3A_234, %dma_start3A_235, %dma_start3A_236] : memref<5x40x128xf32, #tpu.memory_space<vmem>> -> memref<1x40x128xf32, #tpu.memory_space<vmem>>
      %dma_start3A_238 = tpu.memref_squeeze %dma_start3A_237 : memref<1x40x128xf32, #tpu.memory_space<vmem>> -> memref<40x128xf32, #tpu.memory_space<vmem>>
      %dma_start3A_239 = arith.constant 0 : i32
      %dma_start3A_240 = tpu.memref_slice %arg6[%dma_start3A_232, %dma_start3A_233, %dma_start3A_239] : memref<5x2x40xi32, #tpu.memory_space<vmem>> -> memref<1x1x40xi32, #tpu.memory_space<vmem>>
      %dma_start3A_241 = tpu.memref_squeeze %dma_start3A_240 : memref<1x1x40xi32, #tpu.memory_space<vmem>> -> memref<40xi32, #tpu.memory_space<vmem>>
      %dma_start3A_242 = arith.constant 0 : i32
      %dma_start3A_243 = arith.constant 0 : i32
      %dma_start3A_244 = tpu.memref_slice %arg2[%dma_start3A_242, %dma_start3A_243] : memref<10000x128xf32, #tpu.memory_space<hbm>> -> memref<10000x128xf32, #tpu.memory_space<hbm>>
      tpu.enqueue_indirect_dma source(%dma_start3A_244 : memref<10000x128xf32, #tpu.memory_space<hbm>>) target(%dma_start3A_238 : memref<40x128xf32, #tpu.memory_space<vmem>>) offsets(%dma_start3A_241 : memref<40xi32, #tpu.memory_space<vmem>>) semaphore(%arg10 : memref<!tpu.dma_semaphore, #tpu.memory_space<semaphore_mem>>)
      %dma_start3A_245 = arith.constant 4 : i32
      %dma_start3A_246 = arith.constant 0 : i32
      %dma_start3A_247 = arith.constant 4 : i32
      %dma_start3A_248 = arith.constant 0 : i32
      %dma_start3A_249 = arith.constant 0 : i32
      %dma_start3A_250 = tpu.memref_slice %arg7[%dma_start3A_247, %dma_start3A_248, %dma_start3A_249] : memref<5x40x128xf32, #tpu.memory_space<vmem>> -> memref<1x40x128xf32, #tpu.memory_space<vmem>>
      %dma_start3A_251 = tpu.memref_squeeze %dma_start3A_250 : memref<1x40x128xf32, #tpu.memory_space<vmem>> -> memref<40x128xf32, #tpu.memory_space<vmem>>
      %dma_start3A_252 = arith.constant 0 : i32
      %dma_start3A_253 = tpu.memref_slice %arg6[%dma_start3A_245, %dma_start3A_246, %dma_start3A_252] : memref<5x2x40xi32, #tpu.memory_space<vmem>> -> memref<1x1x40xi32, #tpu.memory_space<vmem>>
      %dma_start3A_254 = tpu.memref_squeeze %dma_start3A_253 : memref<1x1x40xi32, #tpu.memory_space<vmem>> -> memref<40xi32, #tpu.memory_space<vmem>>
      %dma_start3A_255 = arith.constant 0 : i32
      %dma_start3A_256 = arith.constant 0 : i32
      %dma_start3A_257 = tpu.memref_slice %arg2[%dma_start3A_255, %dma_start3A_256] : memref<10000x128xf32, #tpu.memory_space<hbm>> -> memref<10000x128xf32, #tpu.memory_space<hbm>>
      tpu.enqueue_indirect_dma source(%dma_start3A_257 : memref<10000x128xf32, #tpu.memory_space<hbm>>) target(%dma_start3A_251 : memref<40x128xf32, #tpu.memory_space<vmem>>) offsets(%dma_start3A_254 : memref<40xi32, #tpu.memory_space<vmem>>) semaphore(%arg10 : memref<!tpu.dma_semaphore, #tpu.memory_space<semaphore_mem>>)
      %dma_wait3A_258 = arith.constant 0 : i32
      %dma_wait3A_259 = arith.constant 0 : i32
      %dma_wait3A_260 = arith.constant 0 : i32
      %dma_wait3A_261 = arith.constant 0 : i32
      %dma_wait3A_262 = arith.constant 0 : i32
      %dma_wait3A_263 = tpu.memref_slice %arg7[%dma_wait3A_260, %dma_wait3A_261, %dma_wait3A_262] : memref<5x40x128xf32, #tpu.memory_space<vmem>> -> memref<1x40x128xf32, #tpu.memory_space<vmem>>
      %dma_wait3A_264 = tpu.memref_squeeze %dma_wait3A_263 : memref<1x40x128xf32, #tpu.memory_space<vmem>> -> memref<40x128xf32, #tpu.memory_space<vmem>>
      %dma_wait3A_265 = arith.constant 0 : i32
      %dma_wait3A_266 = tpu.memref_slice %arg6[%dma_wait3A_258, %dma_wait3A_259, %dma_wait3A_265] : memref<5x2x40xi32, #tpu.memory_space<vmem>> -> memref<1x1x40xi32, #tpu.memory_space<vmem>>
      %dma_wait3A_267 = tpu.memref_squeeze %dma_wait3A_266 : memref<1x1x40xi32, #tpu.memory_space<vmem>> -> memref<40xi32, #tpu.memory_space<vmem>>
      %dma_wait3A_268 = arith.constant 0 : i32
      %dma_wait3A_269 = arith.constant 0 : i32
      %dma_wait3A_270 = tpu.memref_slice %arg2[%dma_wait3A_268, %dma_wait3A_269] : memref<10000x128xf32, #tpu.memory_space<hbm>> -> memref<10000x128xf32, #tpu.memory_space<hbm>>
      tpu.wait_indirect_dma semaphore(%arg10 : memref<!tpu.dma_semaphore, #tpu.memory_space<semaphore_mem>>) src(%dma_wait3A_270 : memref<10000x128xf32, #tpu.memory_space<hbm>>) dst(%dma_wait3A_264 : memref<40x128xf32, #tpu.memory_space<vmem>>)
      %dma_wait3A_271 = arith.constant 1 : i32
      %dma_wait3A_272 = arith.constant 0 : i32
      %dma_wait3A_273 = arith.constant 1 : i32
      %dma_wait3A_274 = arith.constant 0 : i32
      %dma_wait3A_275 = arith.constant 0 : i32
      %dma_wait3A_276 = tpu.memref_slice %arg7[%dma_wait3A_273, %dma_wait3A_274, %dma_wait3A_275] : memref<5x40x128xf32, #tpu.memory_space<vmem>> -> memref<1x40x128xf32, #tpu.memory_space<vmem>>
      %dma_wait3A_277 = tpu.memref_squeeze %dma_wait3A_276 : memref<1x40x128xf32, #tpu.memory_space<vmem>> -> memref<40x128xf32, #tpu.memory_space<vmem>>
      %dma_wait3A_278 = arith.constant 0 : i32
      %dma_wait3A_279 = tpu.memref_slice %arg6[%dma_wait3A_271, %dma_wait3A_272, %dma_wait3A_278] : memref<5x2x40xi32, #tpu.memory_space<vmem>> -> memref<1x1x40xi32, #tpu.memory_space<vmem>>
      %dma_wait3A_280 = tpu.memref_squeeze %dma_wait3A_279 : memref<1x1x40xi32, #tpu.memory_space<vmem>> -> memref<40xi32, #tpu.memory_space<vmem>>
      %dma_wait3A_281 = arith.constant 0 : i32
      %dma_wait3A_282 = arith.constant 0 : i32
      %dma_wait3A_283 = tpu.memref_slice %arg2[%dma_wait3A_281, %dma_wait3A_282] : memref<10000x128xf32, #tpu.memory_space<hbm>> -> memref<10000x128xf32, #tpu.memory_space<hbm>>
      tpu.wait_indirect_dma semaphore(%arg10 : memref<!tpu.dma_semaphore, #tpu.memory_space<semaphore_mem>>) src(%dma_wait3A_283 : memref<10000x128xf32, #tpu.memory_space<hbm>>) dst(%dma_wait3A_277 : memref<40x128xf32, #tpu.memory_space<vmem>>)
      %dma_wait3A_284 = arith.constant 2 : i32
      %dma_wait3A_285 = arith.constant 0 : i32
      %dma_wait3A_286 = arith.constant 2 : i32
      %dma_wait3A_287 = arith.constant 0 : i32
      %dma_wait3A_288 = arith.constant 0 : i32
      %dma_wait3A_289 = tpu.memref_slice %arg7[%dma_wait3A_286, %dma_wait3A_287, %dma_wait3A_288] : memref<5x40x128xf32, #tpu.memory_space<vmem>> -> memref<1x40x128xf32, #tpu.memory_space<vmem>>
      %dma_wait3A_290 = tpu.memref_squeeze %dma_wait3A_289 : memref<1x40x128xf32, #tpu.memory_space<vmem>> -> memref<40x128xf32, #tpu.memory_space<vmem>>
      %dma_wait3A_291 = arith.constant 0 : i32
      %dma_wait3A_292 = tpu.memref_slice %arg6[%dma_wait3A_284, %dma_wait3A_285, %dma_wait3A_291] : memref<5x2x40xi32, #tpu.memory_space<vmem>> -> memref<1x1x40xi32, #tpu.memory_space<vmem>>
      %dma_wait3A_293 = tpu.memref_squeeze %dma_wait3A_292 : memref<1x1x40xi32, #tpu.memory_space<vmem>> -> memref<40xi32, #tpu.memory_space<vmem>>
      %dma_wait3A_294 = arith.constant 0 : i32
      %dma_wait3A_295 = arith.constant 0 : i32
      %dma_wait3A_296 = tpu.memref_slice %arg2[%dma_wait3A_294, %dma_wait3A_295] : memref<10000x128xf32, #tpu.memory_space<hbm>> -> memref<10000x128xf32, #tpu.memory_space<hbm>>
      tpu.wait_indirect_dma semaphore(%arg10 : memref<!tpu.dma_semaphore, #tpu.memory_space<semaphore_mem>>) src(%dma_wait3A_296 : memref<10000x128xf32, #tpu.memory_space<hbm>>) dst(%dma_wait3A_290 : memref<40x128xf32, #tpu.memory_space<vmem>>)
      %dma_wait3A_297 = arith.constant 3 : i32
      %dma_wait3A_298 = arith.constant 0 : i32
      %dma_wait3A_299 = arith.constant 3 : i32
      %dma_wait3A_300 = arith.constant 0 : i32
      %dma_wait3A_301 = arith.constant 0 : i32
      %dma_wait3A_302 = tpu.memref_slice %arg7[%dma_wait3A_299, %dma_wait3A_300, %dma_wait3A_301] : memref<5x40x128xf32, #tpu.memory_space<vmem>> -> memref<1x40x128xf32, #tpu.memory_space<vmem>>
      %dma_wait3A_303 = tpu.memref_squeeze %dma_wait3A_302 : memref<1x40x128xf32, #tpu.memory_space<vmem>> -> memref<40x128xf32, #tpu.memory_space<vmem>>
      %dma_wait3A_304 = arith.constant 0 : i32
      %dma_wait3A_305 = tpu.memref_slice %arg6[%dma_wait3A_297, %dma_wait3A_298, %dma_wait3A_304] : memref<5x2x40xi32, #tpu.memory_space<vmem>> -> memref<1x1x40xi32, #tpu.memory_space<vmem>>
      %dma_wait3A_306 = tpu.memref_squeeze %dma_wait3A_305 : memref<1x1x40xi32, #tpu.memory_space<vmem>> -> memref<40xi32, #tpu.memory_space<vmem>>
      %dma_wait3A_307 = arith.constant 0 : i32
      %dma_wait3A_308 = arith.constant 0 : i32
      %dma_wait3A_309 = tpu.memref_slice %arg2[%dma_wait3A_307, %dma_wait3A_308] : memref<10000x128xf32, #tpu.memory_space<hbm>> -> memref<10000x128xf32, #tpu.memory_space<hbm>>
      tpu.wait_indirect_dma semaphore(%arg10 : memref<!tpu.dma_semaphore, #tpu.memory_space<semaphore_mem>>) src(%dma_wait3A_309 : memref<10000x128xf32, #tpu.memory_space<hbm>>) dst(%dma_wait3A_303 : memref<40x128xf32, #tpu.memory_space<vmem>>)
      %dma_wait3A_310 = arith.constant 4 : i32
      %dma_wait3A_311 = arith.constant 0 : i32
      %dma_wait3A_312 = arith.constant 4 : i32
      %dma_wait3A_313 = arith.constant 0 : i32
      %dma_wait3A_314 = arith.constant 0 : i32
      %dma_wait3A_315 = tpu.memref_slice %arg7[%dma_wait3A_312, %dma_wait3A_313, %dma_wait3A_314] : memref<5x40x128xf32, #tpu.memory_space<vmem>> -> memref<1x40x128xf32, #tpu.memory_space<vmem>>
      %dma_wait3A_316 = tpu.memref_squeeze %dma_wait3A_315 : memref<1x40x128xf32, #tpu.memory_space<vmem>> -> memref<40x128xf32, #tpu.memory_space<vmem>>
      %dma_wait3A_317 = arith.constant 0 : i32
      %dma_wait3A_318 = tpu.memref_slice %arg6[%dma_wait3A_310, %dma_wait3A_311, %dma_wait3A_317] : memref<5x2x40xi32, #tpu.memory_space<vmem>> -> memref<1x1x40xi32, #tpu.memory_space<vmem>>
      %dma_wait3A_319 = tpu.memref_squeeze %dma_wait3A_318 : memref<1x1x40xi32, #tpu.memory_space<vmem>> -> memref<40xi32, #tpu.memory_space<vmem>>
      %dma_wait3A_320 = arith.constant 0 : i32
      %dma_wait3A_321 = arith.constant 0 : i32
      %dma_wait3A_322 = tpu.memref_slice %arg2[%dma_wait3A_320, %dma_wait3A_321] : memref<10000x128xf32, #tpu.memory_space<hbm>> -> memref<10000x128xf32, #tpu.memory_space<hbm>>
      tpu.wait_indirect_dma semaphore(%arg10 : memref<!tpu.dma_semaphore, #tpu.memory_space<semaphore_mem>>) src(%dma_wait3A_322 : memref<10000x128xf32, #tpu.memory_space<hbm>>) dst(%dma_wait3A_316 : memref<40x128xf32, #tpu.memory_space<vmem>>)
      %dma_start3A_323 = arith.constant 0 : i32
      %dma_start3A_324 = arith.constant 0 : i32
      %dma_start3A_325 = arith.constant 1 : i32
      %dma_start3A_326 = arith.constant 0 : i32
      %dma_start3A_327 = arith.constant 0 : i32
      %dma_start3A_328 = tpu.memref_slice %arg7[%dma_start3A_323, %dma_start3A_326, %dma_start3A_327] : memref<5x40x128xf32, #tpu.memory_space<vmem>> -> memref<1x40x128xf32, #tpu.memory_space<vmem>>
      %dma_start3A_329 = tpu.memref_squeeze %dma_start3A_328 : memref<1x40x128xf32, #tpu.memory_space<vmem>> -> memref<40x128xf32, #tpu.memory_space<vmem>>
      %dma_start3A_330 = arith.constant 0 : i32
      %dma_start3A_331 = tpu.memref_slice %arg6[%dma_start3A_324, %dma_start3A_325, %dma_start3A_330] : memref<5x2x40xi32, #tpu.memory_space<vmem>> -> memref<1x1x40xi32, #tpu.memory_space<vmem>>
      %dma_start3A_332 = tpu.memref_squeeze %dma_start3A_331 : memref<1x1x40xi32, #tpu.memory_space<vmem>> -> memref<40xi32, #tpu.memory_space<vmem>>
      %dma_start3A_333 = arith.constant 0 : i32
      %dma_start3A_334 = arith.constant 0 : i32
      %dma_start3A_335 = tpu.memref_slice %arg8[%dma_start3A_333, %dma_start3A_334] : memref<10112x128xf32, #tpu.memory_space<vmem_shared>> -> memref<10112x128xf32, #tpu.memory_space<vmem_shared>>
      tpu.enqueue_indirect_dma source(%dma_start3A_329 : memref<40x128xf32, #tpu.memory_space<vmem>>) target(%dma_start3A_335 : memref<10112x128xf32, #tpu.memory_space<vmem_shared>>) offsets(%dma_start3A_332 : memref<40xi32, #tpu.memory_space<vmem>>) semaphore(%arg11 : memref<!tpu.dma_semaphore, #tpu.memory_space<semaphore_mem>>) {add = true}
      %dma_start3A_336 = arith.constant 1 : i32
      %dma_start3A_337 = arith.constant 1 : i32
      %dma_start3A_338 = arith.constant 1 : i32
      %dma_start3A_339 = arith.constant 0 : i32
      %dma_start3A_340 = arith.constant 0 : i32
      %dma_start3A_341 = tpu.memref_slice %arg7[%dma_start3A_336, %dma_start3A_339, %dma_start3A_340] : memref<5x40x128xf32, #tpu.memory_space<vmem>> -> memref<1x40x128xf32, #tpu.memory_space<vmem>>
      %dma_start3A_342 = tpu.memref_squeeze %dma_start3A_341 : memref<1x40x128xf32, #tpu.memory_space<vmem>> -> memref<40x128xf32, #tpu.memory_space<vmem>>
      %dma_start3A_343 = arith.constant 0 : i32
      %dma_start3A_344 = tpu.memref_slice %arg6[%dma_start3A_337, %dma_start3A_338, %dma_start3A_343] : memref<5x2x40xi32, #tpu.memory_space<vmem>> -> memref<1x1x40xi32, #tpu.memory_space<vmem>>
      %dma_start3A_345 = tpu.memref_squeeze %dma_start3A_344 : memref<1x1x40xi32, #tpu.memory_space<vmem>> -> memref<40xi32, #tpu.memory_space<vmem>>
      %dma_start3A_346 = arith.constant 0 : i32
      %dma_start3A_347 = arith.constant 0 : i32
      %dma_start3A_348 = tpu.memref_slice %arg8[%dma_start3A_346, %dma_start3A_347] : memref<10112x128xf32, #tpu.memory_space<vmem_shared>> -> memref<10112x128xf32, #tpu.memory_space<vmem_shared>>
      tpu.enqueue_indirect_dma source(%dma_start3A_342 : memref<40x128xf32, #tpu.memory_space<vmem>>) target(%dma_start3A_348 : memref<10112x128xf32, #tpu.memory_space<vmem_shared>>) offsets(%dma_start3A_345 : memref<40xi32, #tpu.memory_space<vmem>>) semaphore(%arg11 : memref<!tpu.dma_semaphore, #tpu.memory_space<semaphore_mem>>) {add = true}
      %dma_start3A_349 = arith.constant 2 : i32
      %dma_start3A_350 = arith.constant 2 : i32
      %dma_start3A_351 = arith.constant 1 : i32
      %dma_start3A_352 = arith.constant 0 : i32
      %dma_start3A_353 = arith.constant 0 : i32
      %dma_start3A_354 = tpu.memref_slice %arg7[%dma_start3A_349, %dma_start3A_352, %dma_start3A_353] : memref<5x40x128xf32, #tpu.memory_space<vmem>> -> memref<1x40x128xf32, #tpu.memory_space<vmem>>
      %dma_start3A_355 = tpu.memref_squeeze %dma_start3A_354 : memref<1x40x128xf32, #tpu.memory_space<vmem>> -> memref<40x128xf32, #tpu.memory_space<vmem>>
      %dma_start3A_356 = arith.constant 0 : i32
      %dma_start3A_357 = tpu.memref_slice %arg6[%dma_start3A_350, %dma_start3A_351, %dma_start3A_356] : memref<5x2x40xi32, #tpu.memory_space<vmem>> -> memref<1x1x40xi32, #tpu.memory_space<vmem>>
      %dma_start3A_358 = tpu.memref_squeeze %dma_start3A_357 : memref<1x1x40xi32, #tpu.memory_space<vmem>> -> memref<40xi32, #tpu.memory_space<vmem>>
      %dma_start3A_359 = arith.constant 0 : i32
      %dma_start3A_360 = arith.constant 0 : i32
      %dma_start3A_361 = tpu.memref_slice %arg8[%dma_start3A_359, %dma_start3A_360] : memref<10112x128xf32, #tpu.memory_space<vmem_shared>> -> memref<10112x128xf32, #tpu.memory_space<vmem_shared>>
      tpu.enqueue_indirect_dma source(%dma_start3A_355 : memref<40x128xf32, #tpu.memory_space<vmem>>) target(%dma_start3A_361 : memref<10112x128xf32, #tpu.memory_space<vmem_shared>>) offsets(%dma_start3A_358 : memref<40xi32, #tpu.memory_space<vmem>>) semaphore(%arg11 : memref<!tpu.dma_semaphore, #tpu.memory_space<semaphore_mem>>) {add = true}
      %dma_start3A_362 = arith.constant 3 : i32
      %dma_start3A_363 = arith.constant 3 : i32
      %dma_start3A_364 = arith.constant 1 : i32
      %dma_start3A_365 = arith.constant 0 : i32
      %dma_start3A_366 = arith.constant 0 : i32
      %dma_start3A_367 = tpu.memref_slice %arg7[%dma_start3A_362, %dma_start3A_365, %dma_start3A_366] : memref<5x40x128xf32, #tpu.memory_space<vmem>> -> memref<1x40x128xf32, #tpu.memory_space<vmem>>
      %dma_start3A_368 = tpu.memref_squeeze %dma_start3A_367 : memref<1x40x128xf32, #tpu.memory_space<vmem>> -> memref<40x128xf32, #tpu.memory_space<vmem>>
      %dma_start3A_369 = arith.constant 0 : i32
      %dma_start3A_370 = tpu.memref_slice %arg6[%dma_start3A_363, %dma_start3A_364, %dma_start3A_369] : memref<5x2x40xi32, #tpu.memory_space<vmem>> -> memref<1x1x40xi32, #tpu.memory_space<vmem>>
      %dma_start3A_371 = tpu.memref_squeeze %dma_start3A_370 : memref<1x1x40xi32, #tpu.memory_space<vmem>> -> memref<40xi32, #tpu.memory_space<vmem>>
      %dma_start3A_372 = arith.constant 0 : i32
      %dma_start3A_373 = arith.constant 0 : i32
      %dma_start3A_374 = tpu.memref_slice %arg8[%dma_start3A_372, %dma_start3A_373] : memref<10112x128xf32, #tpu.memory_space<vmem_shared>> -> memref<10112x128xf32, #tpu.memory_space<vmem_shared>>
      tpu.enqueue_indirect_dma source(%dma_start3A_368 : memref<40x128xf32, #tpu.memory_space<vmem>>) target(%dma_start3A_374 : memref<10112x128xf32, #tpu.memory_space<vmem_shared>>) offsets(%dma_start3A_371 : memref<40xi32, #tpu.memory_space<vmem>>) semaphore(%arg11 : memref<!tpu.dma_semaphore, #tpu.memory_space<semaphore_mem>>) {add = true}
      %dma_start3A_375 = arith.constant 4 : i32
      %dma_start3A_376 = arith.constant 4 : i32
      %dma_start3A_377 = arith.constant 1 : i32
      %dma_start3A_378 = arith.constant 0 : i32
      %dma_start3A_379 = arith.constant 0 : i32
      %dma_start3A_380 = tpu.memref_slice %arg7[%dma_start3A_375, %dma_start3A_378, %dma_start3A_379] : memref<5x40x128xf32, #tpu.memory_space<vmem>> -> memref<1x40x128xf32, #tpu.memory_space<vmem>>
      %dma_start3A_381 = tpu.memref_squeeze %dma_start3A_380 : memref<1x40x128xf32, #tpu.memory_space<vmem>> -> memref<40x128xf32, #tpu.memory_space<vmem>>
      %dma_start3A_382 = arith.constant 0 : i32
      %dma_start3A_383 = tpu.memref_slice %arg6[%dma_start3A_376, %dma_start3A_377, %dma_start3A_382] : memref<5x2x40xi32, #tpu.memory_space<vmem>> -> memref<1x1x40xi32, #tpu.memory_space<vmem>>
      %dma_start3A_384 = tpu.memref_squeeze %dma_start3A_383 : memref<1x1x40xi32, #tpu.memory_space<vmem>> -> memref<40xi32, #tpu.memory_space<vmem>>
      %dma_start3A_385 = arith.constant 0 : i32
      %dma_start3A_386 = arith.constant 0 : i32
      %dma_start3A_387 = tpu.memref_slice %arg8[%dma_start3A_385, %dma_start3A_386] : memref<10112x128xf32, #tpu.memory_space<vmem_shared>> -> memref<10112x128xf32, #tpu.memory_space<vmem_shared>>
      tpu.enqueue_indirect_dma source(%dma_start3A_381 : memref<40x128xf32, #tpu.memory_space<vmem>>) target(%dma_start3A_387 : memref<10112x128xf32, #tpu.memory_space<vmem_shared>>) offsets(%dma_start3A_384 : memref<40xi32, #tpu.memory_space<vmem>>) semaphore(%arg11 : memref<!tpu.dma_semaphore, #tpu.memory_space<semaphore_mem>>) {add = true}
      %dma_wait3A_388 = arith.constant 0 : i32
      %dma_wait3A_389 = arith.constant 0 : i32
      %dma_wait3A_390 = arith.constant 1 : i32
      %dma_wait3A_391 = arith.constant 0 : i32
      %dma_wait3A_392 = arith.constant 0 : i32
      %dma_wait3A_393 = tpu.memref_slice %arg7[%dma_wait3A_388, %dma_wait3A_391, %dma_wait3A_392] : memref<5x40x128xf32, #tpu.memory_space<vmem>> -> memref<1x40x128xf32, #tpu.memory_space<vmem>>
      %dma_wait3A_394 = tpu.memref_squeeze %dma_wait3A_393 : memref<1x40x128xf32, #tpu.memory_space<vmem>> -> memref<40x128xf32, #tpu.memory_space<vmem>>
      %dma_wait3A_395 = arith.constant 0 : i32
      %dma_wait3A_396 = tpu.memref_slice %arg6[%dma_wait3A_389, %dma_wait3A_390, %dma_wait3A_395] : memref<5x2x40xi32, #tpu.memory_space<vmem>> -> memref<1x1x40xi32, #tpu.memory_space<vmem>>
      %dma_wait3A_397 = tpu.memref_squeeze %dma_wait3A_396 : memref<1x1x40xi32, #tpu.memory_space<vmem>> -> memref<40xi32, #tpu.memory_space<vmem>>
      %dma_wait3A_398 = arith.constant 0 : i32
      %dma_wait3A_399 = arith.constant 0 : i32
      %dma_wait3A_400 = tpu.memref_slice %arg8[%dma_wait3A_398, %dma_wait3A_399] : memref<10112x128xf32, #tpu.memory_space<vmem_shared>> -> memref<10112x128xf32, #tpu.memory_space<vmem_shared>>
      tpu.wait_indirect_dma semaphore(%arg11 : memref<!tpu.dma_semaphore, #tpu.memory_space<semaphore_mem>>) src(%dma_wait3A_394 : memref<40x128xf32, #tpu.memory_space<vmem>>) dst(%dma_wait3A_400 : memref<10112x128xf32, #tpu.memory_space<vmem_shared>>)
      %dma_wait3A_401 = arith.constant 1 : i32
      %dma_wait3A_402 = arith.constant 1 : i32
      %dma_wait3A_403 = arith.constant 1 : i32
      %dma_wait3A_404 = arith.constant 0 : i32
      %dma_wait3A_405 = arith.constant 0 : i32
      %dma_wait3A_406 = tpu.memref_slice %arg7[%dma_wait3A_401, %dma_wait3A_404, %dma_wait3A_405] : memref<5x40x128xf32, #tpu.memory_space<vmem>> -> memref<1x40x128xf32, #tpu.memory_space<vmem>>
      %dma_wait3A_407 = tpu.memref_squeeze %dma_wait3A_406 : memref<1x40x128xf32, #tpu.memory_space<vmem>> -> memref<40x128xf32, #tpu.memory_space<vmem>>
      %dma_wait3A_408 = arith.constant 0 : i32
      %dma_wait3A_409 = tpu.memref_slice %arg6[%dma_wait3A_402, %dma_wait3A_403, %dma_wait3A_408] : memref<5x2x40xi32, #tpu.memory_space<vmem>> -> memref<1x1x40xi32, #tpu.memory_space<vmem>>
      %dma_wait3A_410 = tpu.memref_squeeze %dma_wait3A_409 : memref<1x1x40xi32, #tpu.memory_space<vmem>> -> memref<40xi32, #tpu.memory_space<vmem>>
      %dma_wait3A_411 = arith.constant 0 : i32
      %dma_wait3A_412 = arith.constant 0 : i32
      %dma_wait3A_413 = tpu.memref_slice %arg8[%dma_wait3A_411, %dma_wait3A_412] : memref<10112x128xf32, #tpu.memory_space<vmem_shared>> -> memref<10112x128xf32, #tpu.memory_space<vmem_shared>>
      tpu.wait_indirect_dma semaphore(%arg11 : memref<!tpu.dma_semaphore, #tpu.memory_space<semaphore_mem>>) src(%dma_wait3A_407 : memref<40x128xf32, #tpu.memory_space<vmem>>) dst(%dma_wait3A_413 : memref<10112x128xf32, #tpu.memory_space<vmem_shared>>)
      %dma_wait3A_414 = arith.constant 2 : i32
      %dma_wait3A_415 = arith.constant 2 : i32
      %dma_wait3A_416 = arith.constant 1 : i32
      %dma_wait3A_417 = arith.constant 0 : i32
      %dma_wait3A_418 = arith.constant 0 : i32
      %dma_wait3A_419 = tpu.memref_slice %arg7[%dma_wait3A_414, %dma_wait3A_417, %dma_wait3A_418] : memref<5x40x128xf32, #tpu.memory_space<vmem>> -> memref<1x40x128xf32, #tpu.memory_space<vmem>>
      %dma_wait3A_420 = tpu.memref_squeeze %dma_wait3A_419 : memref<1x40x128xf32, #tpu.memory_space<vmem>> -> memref<40x128xf32, #tpu.memory_space<vmem>>
      %dma_wait3A_421 = arith.constant 0 : i32
      %dma_wait3A_422 = tpu.memref_slice %arg6[%dma_wait3A_415, %dma_wait3A_416, %dma_wait3A_421] : memref<5x2x40xi32, #tpu.memory_space<vmem>> -> memref<1x1x40xi32, #tpu.memory_space<vmem>>
      %dma_wait3A_423 = tpu.memref_squeeze %dma_wait3A_422 : memref<1x1x40xi32, #tpu.memory_space<vmem>> -> memref<40xi32, #tpu.memory_space<vmem>>
      %dma_wait3A_424 = arith.constant 0 : i32
      %dma_wait3A_425 = arith.constant 0 : i32
      %dma_wait3A_426 = tpu.memref_slice %arg8[%dma_wait3A_424, %dma_wait3A_425] : memref<10112x128xf32, #tpu.memory_space<vmem_shared>> -> memref<10112x128xf32, #tpu.memory_space<vmem_shared>>
      tpu.wait_indirect_dma semaphore(%arg11 : memref<!tpu.dma_semaphore, #tpu.memory_space<semaphore_mem>>) src(%dma_wait3A_420 : memref<40x128xf32, #tpu.memory_space<vmem>>) dst(%dma_wait3A_426 : memref<10112x128xf32, #tpu.memory_space<vmem_shared>>)
      %dma_wait3A_427 = arith.constant 3 : i32
      %dma_wait3A_428 = arith.constant 3 : i32
      %dma_wait3A_429 = arith.constant 1 : i32
      %dma_wait3A_430 = arith.constant 0 : i32
      %dma_wait3A_431 = arith.constant 0 : i32
      %dma_wait3A_432 = tpu.memref_slice %arg7[%dma_wait3A_427, %dma_wait3A_430, %dma_wait3A_431] : memref<5x40x128xf32, #tpu.memory_space<vmem>> -> memref<1x40x128xf32, #tpu.memory_space<vmem>>
      %dma_wait3A_433 = tpu.memref_squeeze %dma_wait3A_432 : memref<1x40x128xf32, #tpu.memory_space<vmem>> -> memref<40x128xf32, #tpu.memory_space<vmem>>
      %dma_wait3A_434 = arith.constant 0 : i32
      %dma_wait3A_435 = tpu.memref_slice %arg6[%dma_wait3A_428, %dma_wait3A_429, %dma_wait3A_434] : memref<5x2x40xi32, #tpu.memory_space<vmem>> -> memref<1x1x40xi32, #tpu.memory_space<vmem>>
      %dma_wait3A_436 = tpu.memref_squeeze %dma_wait3A_435 : memref<1x1x40xi32, #tpu.memory_space<vmem>> -> memref<40xi32, #tpu.memory_space<vmem>>
      %dma_wait3A_437 = arith.constant 0 : i32
      %dma_wait3A_438 = arith.constant 0 : i32
      %dma_wait3A_439 = tpu.memref_slice %arg8[%dma_wait3A_437, %dma_wait3A_438] : memref<10112x128xf32, #tpu.memory_space<vmem_shared>> -> memref<10112x128xf32, #tpu.memory_space<vmem_shared>>
      tpu.wait_indirect_dma semaphore(%arg11 : memref<!tpu.dma_semaphore, #tpu.memory_space<semaphore_mem>>) src(%dma_wait3A_433 : memref<40x128xf32, #tpu.memory_space<vmem>>) dst(%dma_wait3A_439 : memref<10112x128xf32, #tpu.memory_space<vmem_shared>>)
      %dma_wait3A_440 = arith.constant 4 : i32
      %dma_wait3A_441 = arith.constant 4 : i32
      %dma_wait3A_442 = arith.constant 1 : i32
      %dma_wait3A_443 = arith.constant 0 : i32
      %dma_wait3A_444 = arith.constant 0 : i32
      %dma_wait3A_445 = tpu.memref_slice %arg7[%dma_wait3A_440, %dma_wait3A_443, %dma_wait3A_444] : memref<5x40x128xf32, #tpu.memory_space<vmem>> -> memref<1x40x128xf32, #tpu.memory_space<vmem>>
      %dma_wait3A_446 = tpu.memref_squeeze %dma_wait3A_445 : memref<1x40x128xf32, #tpu.memory_space<vmem>> -> memref<40x128xf32, #tpu.memory_space<vmem>>
      %dma_wait3A_447 = arith.constant 0 : i32
      %dma_wait3A_448 = tpu.memref_slice %arg6[%dma_wait3A_441, %dma_wait3A_442, %dma_wait3A_447] : memref<5x2x40xi32, #tpu.memory_space<vmem>> -> memref<1x1x40xi32, #tpu.memory_space<vmem>>
      %dma_wait3A_449 = tpu.memref_squeeze %dma_wait3A_448 : memref<1x1x40xi32, #tpu.memory_space<vmem>> -> memref<40xi32, #tpu.memory_space<vmem>>
      %dma_wait3A_450 = arith.constant 0 : i32
      %dma_wait3A_451 = arith.constant 0 : i32
      %dma_wait3A_452 = tpu.memref_slice %arg8[%dma_wait3A_450, %dma_wait3A_451] : memref<10112x128xf32, #tpu.memory_space<vmem_shared>> -> memref<10112x128xf32, #tpu.memory_space<vmem_shared>>
      tpu.wait_indirect_dma semaphore(%arg11 : memref<!tpu.dma_semaphore, #tpu.memory_space<semaphore_mem>>) src(%dma_wait3A_446 : memref<40x128xf32, #tpu.memory_space<vmem>>) dst(%dma_wait3A_452 : memref<10112x128xf32, #tpu.memory_space<vmem_shared>>)
    }
    %scan3A_7 = arith.constant 50 : i32
    %barrier3A_8 = arith.constant 0 : index
    tpu.barrier barrier_id(%barrier3A_8)
    "tpu.region"() ({
      %run_scoped3A = tpu.sem_alloc : memref<!tpu.dma_semaphore, #tpu.memory_space<semaphore_mem>>
      %dma_start3A = arith.constant 0 : i32
      %dma_start3A_9 = tpu.memref_slice %arg5[%arg0, %mul3A_2, %dma_start3A] : memref<2x10112x128xf32, #tpu.memory_space<hbm>> -> memref<1x632x128xf32, #tpu.memory_space<hbm>>
      %dma_start3A_10 = tpu.memref_squeeze %dma_start3A_9 : memref<1x632x128xf32, #tpu.memory_space<hbm>> -> memref<632x128xf32, #tpu.memory_space<hbm>>
      %dma_start3A_11 = arith.constant 0 : i32
      %dma_start3A_12 = tpu.memref_slice %arg8[%mul3A_2, %dma_start3A_11] : memref<10112x128xf32, #tpu.memory_space<vmem_shared>> -> memref<632x128xf32, #tpu.memory_space<vmem_shared>>
      tpu.enqueue_dma source(%dma_start3A_12 : memref<632x128xf32, #tpu.memory_space<vmem_shared>>) target(%dma_start3A_10 : memref<632x128xf32, #tpu.memory_space<hbm>>) target_semaphore(%run_scoped3A : memref<!tpu.dma_semaphore, #tpu.memory_space<semaphore_mem>>)
      %dma_wait3A = arith.constant 0 : i32
      %dma_wait3A_13 = tpu.memref_slice %arg5[%arg0, %mul3A_2, %dma_wait3A] : memref<2x10112x128xf32, #tpu.memory_space<hbm>> -> memref<1x632x128xf32, #tpu.memory_space<hbm>>
      %dma_wait3A_14 = tpu.memref_squeeze %dma_wait3A_13 : memref<1x632x128xf32, #tpu.memory_space<hbm>> -> memref<632x128xf32, #tpu.memory_space<hbm>>
      %dma_wait3A_15 = arith.constant 0 : i32
      %dma_wait3A_16 = tpu.memref_slice %arg8[%mul3A_2, %dma_wait3A_15] : memref<10112x128xf32, #tpu.memory_space<vmem_shared>> -> memref<632x128xf32, #tpu.memory_space<vmem_shared>>
      tpu.wait_dma2 semaphore(%run_scoped3A : memref<!tpu.dma_semaphore, #tpu.memory_space<semaphore_mem>>) src(%dma_wait3A_16 : memref<632x128xf32, #tpu.memory_space<vmem_shared>>) dst(%dma_wait3A_14 : memref<632x128xf32, #tpu.memory_space<hbm>>)
      tpu.yield
    }) : () -> ()
    return
  }
}

#map = affine_map<(d0, d1) -> (0, 0)>
#map1 = affine_map<(d0, d1) -> (0, 0, 0)>
module attributes {stable_mosaic.version = 14 : i64} {
  func.func @segsum(%arg0: i32, %arg1: i32, %arg2: memref<10000x128xf32, #tpu.memory_space<hbm>>, %arg3: memref<8000x2x40xi32, #tpu.memory_space<hbm>>, %arg4: memref<632x128xf32, #tpu.memory_space<hbm>>, %arg5: memref<2x10112x128xf32, #tpu.memory_space<hbm>>, %arg6: memref<5x2x40xi32, #tpu.memory_space<vmem>>, %arg7: memref<5x40x128xf32, #tpu.memory_space<vmem>>, %arg8: memref<10112x128xf32, #tpu.memory_space<vmem_shared>>, %arg9: memref<!tpu.dma_semaphore, #tpu.memory_space<semaphore_mem>>, %arg10: memref<!tpu.dma_semaphore, #tpu.memory_space<semaphore_mem>>, %arg11: memref<!tpu.dma_semaphore, #tpu.memory_space<semaphore_mem>>) attributes {dimension_semantics = [#tpu.dimension_semantics<core_parallel>, #tpu.dimension_semantics<subcore_parallel>], iteration_bounds = array<i64: 2, 16>, scalar_prefetch = 0 : i64, scratch_operands = 6 : i64, tpu.core_type = #tpu.core_type<sc_vector_subcore>, window_params = [{transform_indices = #map}, {transform_indices = #map1}, {transform_indices = #map}, {transform_indices = #map1}]} {
    %mul3A = arith.constant 16 : i32
    %mul3A_0 = arith.muli %arg0, %mul3A : i32
    %add3A = arith.addi %mul3A_0, %arg1 : i32
    %mul3A_1 = arith.constant 632 : i32
    %mul3A_2 = arith.muli %arg1, %mul3A_1 : i32
    "tpu.region"() ({
      %run_scoped3A = tpu.sem_alloc : memref<!tpu.dma_semaphore, #tpu.memory_space<semaphore_mem>>
      %dma_start3A = arith.constant 0 : i32
      %dma_start3A_9 = tpu.memref_slice %arg8[%mul3A_2, %dma_start3A] : memref<10112x128xf32, #tpu.memory_space<vmem_shared>> -> memref<632x128xf32, #tpu.memory_space<vmem_shared>>
      tpu.enqueue_dma source(%arg4 : memref<632x128xf32, #tpu.memory_space<hbm>>) target(%dma_start3A_9 : memref<632x128xf32, #tpu.memory_space<vmem_shared>>) target_semaphore(%run_scoped3A : memref<!tpu.dma_semaphore, #tpu.memory_space<semaphore_mem>>)
      %dma_wait3A = arith.constant 0 : i32
      %dma_wait3A_10 = tpu.memref_slice %arg8[%mul3A_2, %dma_wait3A] : memref<10112x128xf32, #tpu.memory_space<vmem_shared>> -> memref<632x128xf32, #tpu.memory_space<vmem_shared>>
      tpu.wait_dma2 semaphore(%run_scoped3A : memref<!tpu.dma_semaphore, #tpu.memory_space<semaphore_mem>>) src(%arg4 : memref<632x128xf32, #tpu.memory_space<hbm>>) dst(%dma_wait3A_10 : memref<632x128xf32, #tpu.memory_space<vmem_shared>>)
      tpu.yield
    }) : () -> ()
    %barrier3A = arith.constant 0 : index
    tpu.barrier barrier_id(%barrier3A)
    %scan3A = arith.constant 0 : i32
    %scan3A_3 = arith.constant 0 : i32
    %scan3A_4 = arith.constant 50 : i32
    %scan3A_5 = arith.addi %scan3A_3, %scan3A_4 : i32
    %scan3A_6 = arith.constant 1 : i32
    scf.for %scan3A_9 = %scan3A_3 to %scan3A_5 step %scan3A_6  : i32 {
      %mul3A_10 = arith.constant 250 : i32
      %mul3A_11 = arith.muli %add3A, %mul3A_10 : i32
      %mul3A_12 = arith.constant 5 : i32
      %mul3A_13 = arith.muli %scan3A_9, %mul3A_12 : i32
      %add3A_14 = arith.addi %mul3A_11, %mul3A_13 : i32
      %add3A_15 = arith.constant 0 : i32
      %add3A_16 = arith.addi %add3A_14, %add3A_15 : i32
      %dma_start3A = arith.constant 0 : i32
      %dma_start3A_17 = arith.constant 0 : i32
      %dma_start3A_18 = arith.constant 0 : i32
      %dma_start3A_19 = tpu.memref_slice %arg6[%dma_start3A, %dma_start3A_17, %dma_start3A_18] : memref<5x2x40xi32, #tpu.memory_space<vmem>> -> memref<1x2x40xi32, #tpu.memory_space<vmem>>
      %dma_start3A_20 = tpu.memref_squeeze %dma_start3A_19 : memref<1x2x40xi32, #tpu.memory_space<vmem>> -> memref<2x40xi32, #tpu.memory_space<vmem>>
      %dma_start3A_21 = arith.constant 0 : i32
      %dma_start3A_22 = arith.constant 0 : i32
      %dma_start3A_23 = tpu.memref_slice %arg3[%add3A_16, %dma_start3A_21, %dma_start3A_22] : memref<8000x2x40xi32, #tpu.memory_space<hbm>> -> memref<1x2x40xi32, #tpu.memory_space<hbm>>
      %dma_start3A_24 = tpu.memref_squeeze %dma_start3A_23 : memref<1x2x40xi32, #tpu.memory_space<hbm>> -> memref<2x40xi32, #tpu.memory_space<hbm>>
      %dma_start3A_25 = arith.constant 0 : i32
      %dma_start3A_26 = arith.constant 0 : i32
      %dma_start3A_27 = tpu.memref_slice %arg6[%dma_start3A, %dma_start3A_25, %dma_start3A_26] : memref<5x2x40xi32, #tpu.memory_space<vmem>> -> memref<1x2x40xi32, #tpu.memory_space<vmem>>
      %dma_start3A_28 = tpu.memref_squeeze %dma_start3A_27 : memref<1x2x40xi32, #tpu.memory_space<vmem>> -> memref<2x40xi32, #tpu.memory_space<vmem>>
      %dma_start3A_29 = arith.constant 0 : i32
      %dma_start3A_30 = arith.constant 0 : i32
      %dma_start3A_31 = tpu.memref_slice %arg3[%add3A_16, %dma_start3A_29, %dma_start3A_30] : memref<8000x2x40xi32, #tpu.memory_space<hbm>> -> memref<1x2x40xi32, #tpu.memory_space<hbm>>
      %dma_start3A_32 = tpu.memref_squeeze %dma_start3A_31 : memref<1x2x40xi32, #tpu.memory_space<hbm>> -> memref<2x40xi32, #tpu.memory_space<hbm>>
      tpu.enqueue_dma source(%dma_start3A_32 : memref<2x40xi32, #tpu.memory_space<hbm>>) target(%dma_start3A_28 : memref<2x40xi32, #tpu.memory_space<vmem>>) target_semaphore(%arg9 : memref<!tpu.dma_semaphore, #tpu.memory_space<semaphore_mem>>)
      %add3A_33 = arith.constant 1 : i32
      %add3A_34 = arith.addi %add3A_14, %add3A_33 : i32
      %dma_start3A_35 = arith.constant 1 : i32
      %dma_start3A_36 = arith.constant 0 : i32
      %dma_start3A_37 = arith.constant 0 : i32
      %dma_start3A_38 = tpu.memref_slice %arg6[%dma_start3A_35, %dma_start3A_36, %dma_start3A_37] : memref<5x2x40xi32, #tpu.memory_space<vmem>> -> memref<1x2x40xi32, #tpu.memory_space<vmem>>
      %dma_start3A_39 = tpu.memref_squeeze %dma_start3A_38 : memref<1x2x40xi32, #tpu.memory_space<vmem>> -> memref<2x40xi32, #tpu.memory_space<vmem>>
      %dma_start3A_40 = arith.constant 0 : i32
      %dma_start3A_41 = arith.constant 0 : i32
      %dma_start3A_42 = tpu.memref_slice %arg3[%add3A_34, %dma_start3A_40, %dma_start3A_41] : memref<8000x2x40xi32, #tpu.memory_space<hbm>> -> memref<1x2x40xi32, #tpu.memory_space<hbm>>
      %dma_start3A_43 = tpu.memref_squeeze %dma_start3A_42 : memref<1x2x40xi32, #tpu.memory_space<hbm>> -> memref<2x40xi32, #tpu.memory_space<hbm>>
      %dma_start3A_44 = arith.constant 0 : i32
      %dma_start3A_45 = arith.constant 0 : i32
      %dma_start3A_46 = tpu.memref_slice %arg6[%dma_start3A_35, %dma_start3A_44, %dma_start3A_45] : memref<5x2x40xi32, #tpu.memory_space<vmem>> -> memref<1x2x40xi32, #tpu.memory_space<vmem>>
      %dma_start3A_47 = tpu.memref_squeeze %dma_start3A_46 : memref<1x2x40xi32, #tpu.memory_space<vmem>> -> memref<2x40xi32, #tpu.memory_space<vmem>>
      %dma_start3A_48 = arith.constant 0 : i32
      %dma_start3A_49 = arith.constant 0 : i32
      %dma_start3A_50 = tpu.memref_slice %arg3[%add3A_34, %dma_start3A_48, %dma_start3A_49] : memref<8000x2x40xi32, #tpu.memory_space<hbm>> -> memref<1x2x40xi32, #tpu.memory_space<hbm>>
      %dma_start3A_51 = tpu.memref_squeeze %dma_start3A_50 : memref<1x2x40xi32, #tpu.memory_space<hbm>> -> memref<2x40xi32, #tpu.memory_space<hbm>>
      tpu.enqueue_dma source(%dma_start3A_51 : memref<2x40xi32, #tpu.memory_space<hbm>>) target(%dma_start3A_47 : memref<2x40xi32, #tpu.memory_space<vmem>>) target_semaphore(%arg9 : memref<!tpu.dma_semaphore, #tpu.memory_space<semaphore_mem>>)
      %add3A_52 = arith.constant 2 : i32
      %add3A_53 = arith.addi %add3A_14, %add3A_52 : i32
      %dma_start3A_54 = arith.constant 2 : i32
      %dma_start3A_55 = arith.constant 0 : i32
      %dma_start3A_56 = arith.constant 0 : i32
      %dma_start3A_57 = tpu.memref_slice %arg6[%dma_start3A_54, %dma_start3A_55, %dma_start3A_56] : memref<5x2x40xi32, #tpu.memory_space<vmem>> -> memref<1x2x40xi32, #tpu.memory_space<vmem>>
      %dma_start3A_58 = tpu.memref_squeeze %dma_start3A_57 : memref<1x2x40xi32, #tpu.memory_space<vmem>> -> memref<2x40xi32, #tpu.memory_space<vmem>>
      %dma_start3A_59 = arith.constant 0 : i32
      %dma_start3A_60 = arith.constant 0 : i32
      %dma_start3A_61 = tpu.memref_slice %arg3[%add3A_53, %dma_start3A_59, %dma_start3A_60] : memref<8000x2x40xi32, #tpu.memory_space<hbm>> -> memref<1x2x40xi32, #tpu.memory_space<hbm>>
      %dma_start3A_62 = tpu.memref_squeeze %dma_start3A_61 : memref<1x2x40xi32, #tpu.memory_space<hbm>> -> memref<2x40xi32, #tpu.memory_space<hbm>>
      %dma_start3A_63 = arith.constant 0 : i32
      %dma_start3A_64 = arith.constant 0 : i32
      %dma_start3A_65 = tpu.memref_slice %arg6[%dma_start3A_54, %dma_start3A_63, %dma_start3A_64] : memref<5x2x40xi32, #tpu.memory_space<vmem>> -> memref<1x2x40xi32, #tpu.memory_space<vmem>>
      %dma_start3A_66 = tpu.memref_squeeze %dma_start3A_65 : memref<1x2x40xi32, #tpu.memory_space<vmem>> -> memref<2x40xi32, #tpu.memory_space<vmem>>
      %dma_start3A_67 = arith.constant 0 : i32
      %dma_start3A_68 = arith.constant 0 : i32
      %dma_start3A_69 = tpu.memref_slice %arg3[%add3A_53, %dma_start3A_67, %dma_start3A_68] : memref<8000x2x40xi32, #tpu.memory_space<hbm>> -> memref<1x2x40xi32, #tpu.memory_space<hbm>>
      %dma_start3A_70 = tpu.memref_squeeze %dma_start3A_69 : memref<1x2x40xi32, #tpu.memory_space<hbm>> -> memref<2x40xi32, #tpu.memory_space<hbm>>
      tpu.enqueue_dma source(%dma_start3A_70 : memref<2x40xi32, #tpu.memory_space<hbm>>) target(%dma_start3A_66 : memref<2x40xi32, #tpu.memory_space<vmem>>) target_semaphore(%arg9 : memref<!tpu.dma_semaphore, #tpu.memory_space<semaphore_mem>>)
      %add3A_71 = arith.constant 3 : i32
      %add3A_72 = arith.addi %add3A_14, %add3A_71 : i32
      %dma_start3A_73 = arith.constant 3 : i32
      %dma_start3A_74 = arith.constant 0 : i32
      %dma_start3A_75 = arith.constant 0 : i32
      %dma_start3A_76 = tpu.memref_slice %arg6[%dma_start3A_73, %dma_start3A_74, %dma_start3A_75] : memref<5x2x40xi32, #tpu.memory_space<vmem>> -> memref<1x2x40xi32, #tpu.memory_space<vmem>>
      %dma_start3A_77 = tpu.memref_squeeze %dma_start3A_76 : memref<1x2x40xi32, #tpu.memory_space<vmem>> -> memref<2x40xi32, #tpu.memory_space<vmem>>
      %dma_start3A_78 = arith.constant 0 : i32
      %dma_start3A_79 = arith.constant 0 : i32
      %dma_start3A_80 = tpu.memref_slice %arg3[%add3A_72, %dma_start3A_78, %dma_start3A_79] : memref<8000x2x40xi32, #tpu.memory_space<hbm>> -> memref<1x2x40xi32, #tpu.memory_space<hbm>>
      %dma_start3A_81 = tpu.memref_squeeze %dma_start3A_80 : memref<1x2x40xi32, #tpu.memory_space<hbm>> -> memref<2x40xi32, #tpu.memory_space<hbm>>
      %dma_start3A_82 = arith.constant 0 : i32
      %dma_start3A_83 = arith.constant 0 : i32
      %dma_start3A_84 = tpu.memref_slice %arg6[%dma_start3A_73, %dma_start3A_82, %dma_start3A_83] : memref<5x2x40xi32, #tpu.memory_space<vmem>> -> memref<1x2x40xi32, #tpu.memory_space<vmem>>
      %dma_start3A_85 = tpu.memref_squeeze %dma_start3A_84 : memref<1x2x40xi32, #tpu.memory_space<vmem>> -> memref<2x40xi32, #tpu.memory_space<vmem>>
      %dma_start3A_86 = arith.constant 0 : i32
      %dma_start3A_87 = arith.constant 0 : i32
      %dma_start3A_88 = tpu.memref_slice %arg3[%add3A_72, %dma_start3A_86, %dma_start3A_87] : memref<8000x2x40xi32, #tpu.memory_space<hbm>> -> memref<1x2x40xi32, #tpu.memory_space<hbm>>
      %dma_start3A_89 = tpu.memref_squeeze %dma_start3A_88 : memref<1x2x40xi32, #tpu.memory_space<hbm>> -> memref<2x40xi32, #tpu.memory_space<hbm>>
      tpu.enqueue_dma source(%dma_start3A_89 : memref<2x40xi32, #tpu.memory_space<hbm>>) target(%dma_start3A_85 : memref<2x40xi32, #tpu.memory_space<vmem>>) target_semaphore(%arg9 : memref<!tpu.dma_semaphore, #tpu.memory_space<semaphore_mem>>)
      %add3A_90 = arith.constant 4 : i32
      %add3A_91 = arith.addi %add3A_14, %add3A_90 : i32
      %dma_start3A_92 = arith.constant 4 : i32
      %dma_start3A_93 = arith.constant 0 : i32
      %dma_start3A_94 = arith.constant 0 : i32
      %dma_start3A_95 = tpu.memref_slice %arg6[%dma_start3A_92, %dma_start3A_93, %dma_start3A_94] : memref<5x2x40xi32, #tpu.memory_space<vmem>> -> memref<1x2x40xi32, #tpu.memory_space<vmem>>
      %dma_start3A_96 = tpu.memref_squeeze %dma_start3A_95 : memref<1x2x40xi32, #tpu.memory_space<vmem>> -> memref<2x40xi32, #tpu.memory_space<vmem>>
      %dma_start3A_97 = arith.constant 0 : i32
      %dma_start3A_98 = arith.constant 0 : i32
      %dma_start3A_99 = tpu.memref_slice %arg3[%add3A_91, %dma_start3A_97, %dma_start3A_98] : memref<8000x2x40xi32, #tpu.memory_space<hbm>> -> memref<1x2x40xi32, #tpu.memory_space<hbm>>
      %dma_start3A_100 = tpu.memref_squeeze %dma_start3A_99 : memref<1x2x40xi32, #tpu.memory_space<hbm>> -> memref<2x40xi32, #tpu.memory_space<hbm>>
      %dma_start3A_101 = arith.constant 0 : i32
      %dma_start3A_102 = arith.constant 0 : i32
      %dma_start3A_103 = tpu.memref_slice %arg6[%dma_start3A_92, %dma_start3A_101, %dma_start3A_102] : memref<5x2x40xi32, #tpu.memory_space<vmem>> -> memref<1x2x40xi32, #tpu.memory_space<vmem>>
      %dma_start3A_104 = tpu.memref_squeeze %dma_start3A_103 : memref<1x2x40xi32, #tpu.memory_space<vmem>> -> memref<2x40xi32, #tpu.memory_space<vmem>>
      %dma_start3A_105 = arith.constant 0 : i32
      %dma_start3A_106 = arith.constant 0 : i32
      %dma_start3A_107 = tpu.memref_slice %arg3[%add3A_91, %dma_start3A_105, %dma_start3A_106] : memref<8000x2x40xi32, #tpu.memory_space<hbm>> -> memref<1x2x40xi32, #tpu.memory_space<hbm>>
      %dma_start3A_108 = tpu.memref_squeeze %dma_start3A_107 : memref<1x2x40xi32, #tpu.memory_space<hbm>> -> memref<2x40xi32, #tpu.memory_space<hbm>>
      tpu.enqueue_dma source(%dma_start3A_108 : memref<2x40xi32, #tpu.memory_space<hbm>>) target(%dma_start3A_104 : memref<2x40xi32, #tpu.memory_space<vmem>>) target_semaphore(%arg9 : memref<!tpu.dma_semaphore, #tpu.memory_space<semaphore_mem>>)
      %dma_wait3A = arith.constant 0 : i32
      %dma_wait3A_109 = arith.constant 0 : i32
      %dma_wait3A_110 = arith.constant 0 : i32
      %dma_wait3A_111 = tpu.memref_slice %arg6[%dma_wait3A, %dma_wait3A_109, %dma_wait3A_110] : memref<5x2x40xi32, #tpu.memory_space<vmem>> -> memref<1x2x40xi32, #tpu.memory_space<vmem>>
      %dma_wait3A_112 = tpu.memref_squeeze %dma_wait3A_111 : memref<1x2x40xi32, #tpu.memory_space<vmem>> -> memref<2x40xi32, #tpu.memory_space<vmem>>
      %dma_wait3A_113 = arith.constant 0 : i32
      %dma_wait3A_114 = arith.constant 0 : i32
      %dma_wait3A_115 = tpu.memref_slice %arg3[%add3A_16, %dma_wait3A_113, %dma_wait3A_114] : memref<8000x2x40xi32, #tpu.memory_space<hbm>> -> memref<1x2x40xi32, #tpu.memory_space<hbm>>
      %dma_wait3A_116 = tpu.memref_squeeze %dma_wait3A_115 : memref<1x2x40xi32, #tpu.memory_space<hbm>> -> memref<2x40xi32, #tpu.memory_space<hbm>>
      %dma_wait3A_117 = arith.constant 0 : i32
      %dma_wait3A_118 = arith.constant 0 : i32
      %dma_wait3A_119 = tpu.memref_slice %arg6[%dma_wait3A, %dma_wait3A_117, %dma_wait3A_118] : memref<5x2x40xi32, #tpu.memory_space<vmem>> -> memref<1x2x40xi32, #tpu.memory_space<vmem>>
      %dma_wait3A_120 = tpu.memref_squeeze %dma_wait3A_119 : memref<1x2x40xi32, #tpu.memory_space<vmem>> -> memref<2x40xi32, #tpu.memory_space<vmem>>
      %dma_wait3A_121 = arith.constant 0 : i32
      %dma_wait3A_122 = arith.constant 0 : i32
      %dma_wait3A_123 = tpu.memref_slice %arg3[%add3A_16, %dma_wait3A_121, %dma_wait3A_122] : memref<8000x2x40xi32, #tpu.memory_space<hbm>> -> memref<1x2x40xi32, #tpu.memory_space<hbm>>
      %dma_wait3A_124 = tpu.memref_squeeze %dma_wait3A_123 : memref<1x2x40xi32, #tpu.memory_space<hbm>> -> memref<2x40xi32, #tpu.memory_space<hbm>>
      tpu.wait_dma2 semaphore(%arg9 : memref<!tpu.dma_semaphore, #tpu.memory_space<semaphore_mem>>) src(%dma_wait3A_124 : memref<2x40xi32, #tpu.memory_space<hbm>>) dst(%dma_wait3A_120 : memref<2x40xi32, #tpu.memory_space<vmem>>)
      %dma_wait3A_125 = arith.constant 1 : i32
      %dma_wait3A_126 = arith.constant 0 : i32
      %dma_wait3A_127 = arith.constant 0 : i32
      %dma_wait3A_128 = tpu.memref_slice %arg6[%dma_wait3A_125, %dma_wait3A_126, %dma_wait3A_127] : memref<5x2x40xi32, #tpu.memory_space<vmem>> -> memref<1x2x40xi32, #tpu.memory_space<vmem>>
      %dma_wait3A_129 = tpu.memref_squeeze %dma_wait3A_128 : memref<1x2x40xi32, #tpu.memory_space<vmem>> -> memref<2x40xi32, #tpu.memory_space<vmem>>
      %dma_wait3A_130 = arith.constant 0 : i32
      %dma_wait3A_131 = arith.constant 0 : i32
      %dma_wait3A_132 = tpu.memref_slice %arg3[%add3A_34, %dma_wait3A_130, %dma_wait3A_131] : memref<8000x2x40xi32, #tpu.memory_space<hbm>> -> memref<1x2x40xi32, #tpu.memory_space<hbm>>
      %dma_wait3A_133 = tpu.memref_squeeze %dma_wait3A_132 : memref<1x2x40xi32, #tpu.memory_space<hbm>> -> memref<2x40xi32, #tpu.memory_space<hbm>>
      %dma_wait3A_134 = arith.constant 0 : i32
      %dma_wait3A_135 = arith.constant 0 : i32
      %dma_wait3A_136 = tpu.memref_slice %arg6[%dma_wait3A_125, %dma_wait3A_134, %dma_wait3A_135] : memref<5x2x40xi32, #tpu.memory_space<vmem>> -> memref<1x2x40xi32, #tpu.memory_space<vmem>>
      %dma_wait3A_137 = tpu.memref_squeeze %dma_wait3A_136 : memref<1x2x40xi32, #tpu.memory_space<vmem>> -> memref<2x40xi32, #tpu.memory_space<vmem>>
      %dma_wait3A_138 = arith.constant 0 : i32
      %dma_wait3A_139 = arith.constant 0 : i32
      %dma_wait3A_140 = tpu.memref_slice %arg3[%add3A_34, %dma_wait3A_138, %dma_wait3A_139] : memref<8000x2x40xi32, #tpu.memory_space<hbm>> -> memref<1x2x40xi32, #tpu.memory_space<hbm>>
      %dma_wait3A_141 = tpu.memref_squeeze %dma_wait3A_140 : memref<1x2x40xi32, #tpu.memory_space<hbm>> -> memref<2x40xi32, #tpu.memory_space<hbm>>
      tpu.wait_dma2 semaphore(%arg9 : memref<!tpu.dma_semaphore, #tpu.memory_space<semaphore_mem>>) src(%dma_wait3A_141 : memref<2x40xi32, #tpu.memory_space<hbm>>) dst(%dma_wait3A_137 : memref<2x40xi32, #tpu.memory_space<vmem>>)
      %dma_wait3A_142 = arith.constant 2 : i32
      %dma_wait3A_143 = arith.constant 0 : i32
      %dma_wait3A_144 = arith.constant 0 : i32
      %dma_wait3A_145 = tpu.memref_slice %arg6[%dma_wait3A_142, %dma_wait3A_143, %dma_wait3A_144] : memref<5x2x40xi32, #tpu.memory_space<vmem>> -> memref<1x2x40xi32, #tpu.memory_space<vmem>>
      %dma_wait3A_146 = tpu.memref_squeeze %dma_wait3A_145 : memref<1x2x40xi32, #tpu.memory_space<vmem>> -> memref<2x40xi32, #tpu.memory_space<vmem>>
      %dma_wait3A_147 = arith.constant 0 : i32
      %dma_wait3A_148 = arith.constant 0 : i32
      %dma_wait3A_149 = tpu.memref_slice %arg3[%add3A_53, %dma_wait3A_147, %dma_wait3A_148] : memref<8000x2x40xi32, #tpu.memory_space<hbm>> -> memref<1x2x40xi32, #tpu.memory_space<hbm>>
      %dma_wait3A_150 = tpu.memref_squeeze %dma_wait3A_149 : memref<1x2x40xi32, #tpu.memory_space<hbm>> -> memref<2x40xi32, #tpu.memory_space<hbm>>
      %dma_wait3A_151 = arith.constant 0 : i32
      %dma_wait3A_152 = arith.constant 0 : i32
      %dma_wait3A_153 = tpu.memref_slice %arg6[%dma_wait3A_142, %dma_wait3A_151, %dma_wait3A_152] : memref<5x2x40xi32, #tpu.memory_space<vmem>> -> memref<1x2x40xi32, #tpu.memory_space<vmem>>
      %dma_wait3A_154 = tpu.memref_squeeze %dma_wait3A_153 : memref<1x2x40xi32, #tpu.memory_space<vmem>> -> memref<2x40xi32, #tpu.memory_space<vmem>>
      %dma_wait3A_155 = arith.constant 0 : i32
      %dma_wait3A_156 = arith.constant 0 : i32
      %dma_wait3A_157 = tpu.memref_slice %arg3[%add3A_53, %dma_wait3A_155, %dma_wait3A_156] : memref<8000x2x40xi32, #tpu.memory_space<hbm>> -> memref<1x2x40xi32, #tpu.memory_space<hbm>>
      %dma_wait3A_158 = tpu.memref_squeeze %dma_wait3A_157 : memref<1x2x40xi32, #tpu.memory_space<hbm>> -> memref<2x40xi32, #tpu.memory_space<hbm>>
      tpu.wait_dma2 semaphore(%arg9 : memref<!tpu.dma_semaphore, #tpu.memory_space<semaphore_mem>>) src(%dma_wait3A_158 : memref<2x40xi32, #tpu.memory_space<hbm>>) dst(%dma_wait3A_154 : memref<2x40xi32, #tpu.memory_space<vmem>>)
      %dma_wait3A_159 = arith.constant 3 : i32
      %dma_wait3A_160 = arith.constant 0 : i32
      %dma_wait3A_161 = arith.constant 0 : i32
      %dma_wait3A_162 = tpu.memref_slice %arg6[%dma_wait3A_159, %dma_wait3A_160, %dma_wait3A_161] : memref<5x2x40xi32, #tpu.memory_space<vmem>> -> memref<1x2x40xi32, #tpu.memory_space<vmem>>
      %dma_wait3A_163 = tpu.memref_squeeze %dma_wait3A_162 : memref<1x2x40xi32, #tpu.memory_space<vmem>> -> memref<2x40xi32, #tpu.memory_space<vmem>>
      %dma_wait3A_164 = arith.constant 0 : i32
      %dma_wait3A_165 = arith.constant 0 : i32
      %dma_wait3A_166 = tpu.memref_slice %arg3[%add3A_72, %dma_wait3A_164, %dma_wait3A_165] : memref<8000x2x40xi32, #tpu.memory_space<hbm>> -> memref<1x2x40xi32, #tpu.memory_space<hbm>>
      %dma_wait3A_167 = tpu.memref_squeeze %dma_wait3A_166 : memref<1x2x40xi32, #tpu.memory_space<hbm>> -> memref<2x40xi32, #tpu.memory_space<hbm>>
      %dma_wait3A_168 = arith.constant 0 : i32
      %dma_wait3A_169 = arith.constant 0 : i32
      %dma_wait3A_170 = tpu.memref_slice %arg6[%dma_wait3A_159, %dma_wait3A_168, %dma_wait3A_169] : memref<5x2x40xi32, #tpu.memory_space<vmem>> -> memref<1x2x40xi32, #tpu.memory_space<vmem>>
      %dma_wait3A_171 = tpu.memref_squeeze %dma_wait3A_170 : memref<1x2x40xi32, #tpu.memory_space<vmem>> -> memref<2x40xi32, #tpu.memory_space<vmem>>
      %dma_wait3A_172 = arith.constant 0 : i32
      %dma_wait3A_173 = arith.constant 0 : i32
      %dma_wait3A_174 = tpu.memref_slice %arg3[%add3A_72, %dma_wait3A_172, %dma_wait3A_173] : memref<8000x2x40xi32, #tpu.memory_space<hbm>> -> memref<1x2x40xi32, #tpu.memory_space<hbm>>
      %dma_wait3A_175 = tpu.memref_squeeze %dma_wait3A_174 : memref<1x2x40xi32, #tpu.memory_space<hbm>> -> memref<2x40xi32, #tpu.memory_space<hbm>>
      tpu.wait_dma2 semaphore(%arg9 : memref<!tpu.dma_semaphore, #tpu.memory_space<semaphore_mem>>) src(%dma_wait3A_175 : memref<2x40xi32, #tpu.memory_space<hbm>>) dst(%dma_wait3A_171 : memref<2x40xi32, #tpu.memory_space<vmem>>)
      %dma_wait3A_176 = arith.constant 4 : i32
      %dma_wait3A_177 = arith.constant 0 : i32
      %dma_wait3A_178 = arith.constant 0 : i32
      %dma_wait3A_179 = tpu.memref_slice %arg6[%dma_wait3A_176, %dma_wait3A_177, %dma_wait3A_178] : memref<5x2x40xi32, #tpu.memory_space<vmem>> -> memref<1x2x40xi32, #tpu.memory_space<vmem>>
      %dma_wait3A_180 = tpu.memref_squeeze %dma_wait3A_179 : memref<1x2x40xi32, #tpu.memory_space<vmem>> -> memref<2x40xi32, #tpu.memory_space<vmem>>
      %dma_wait3A_181 = arith.constant 0 : i32
      %dma_wait3A_182 = arith.constant 0 : i32
      %dma_wait3A_183 = tpu.memref_slice %arg3[%add3A_91, %dma_wait3A_181, %dma_wait3A_182] : memref<8000x2x40xi32, #tpu.memory_space<hbm>> -> memref<1x2x40xi32, #tpu.memory_space<hbm>>
      %dma_wait3A_184 = tpu.memref_squeeze %dma_wait3A_183 : memref<1x2x40xi32, #tpu.memory_space<hbm>> -> memref<2x40xi32, #tpu.memory_space<hbm>>
      %dma_wait3A_185 = arith.constant 0 : i32
      %dma_wait3A_186 = arith.constant 0 : i32
      %dma_wait3A_187 = tpu.memref_slice %arg6[%dma_wait3A_176, %dma_wait3A_185, %dma_wait3A_186] : memref<5x2x40xi32, #tpu.memory_space<vmem>> -> memref<1x2x40xi32, #tpu.memory_space<vmem>>
      %dma_wait3A_188 = tpu.memref_squeeze %dma_wait3A_187 : memref<1x2x40xi32, #tpu.memory_space<vmem>> -> memref<2x40xi32, #tpu.memory_space<vmem>>
      %dma_wait3A_189 = arith.constant 0 : i32
      %dma_wait3A_190 = arith.constant 0 : i32
      %dma_wait3A_191 = tpu.memref_slice %arg3[%add3A_91, %dma_wait3A_189, %dma_wait3A_190] : memref<8000x2x40xi32, #tpu.memory_space<hbm>> -> memref<1x2x40xi32, #tpu.memory_space<hbm>>
      %dma_wait3A_192 = tpu.memref_squeeze %dma_wait3A_191 : memref<1x2x40xi32, #tpu.memory_space<hbm>> -> memref<2x40xi32, #tpu.memory_space<hbm>>
      tpu.wait_dma2 semaphore(%arg9 : memref<!tpu.dma_semaphore, #tpu.memory_space<semaphore_mem>>) src(%dma_wait3A_192 : memref<2x40xi32, #tpu.memory_space<hbm>>) dst(%dma_wait3A_188 : memref<2x40xi32, #tpu.memory_space<vmem>>)
      %dma_start3A_193 = arith.constant 0 : i32
      %dma_start3A_194 = arith.constant 0 : i32
      %dma_start3A_195 = arith.constant 0 : i32
      %dma_start3A_196 = arith.constant 0 : i32
      %dma_start3A_197 = arith.constant 0 : i32
      %dma_start3A_198 = tpu.memref_slice %arg7[%dma_start3A_195, %dma_start3A_196, %dma_start3A_197] : memref<5x40x128xf32, #tpu.memory_space<vmem>> -> memref<1x40x128xf32, #tpu.memory_space<vmem>>
      %dma_start3A_199 = tpu.memref_squeeze %dma_start3A_198 : memref<1x40x128xf32, #tpu.memory_space<vmem>> -> memref<40x128xf32, #tpu.memory_space<vmem>>
      %dma_start3A_200 = arith.constant 0 : i32
      %dma_start3A_201 = tpu.memref_slice %arg6[%dma_start3A_193, %dma_start3A_194, %dma_start3A_200] : memref<5x2x40xi32, #tpu.memory_space<vmem>> -> memref<1x1x40xi32, #tpu.memory_space<vmem>>
      %dma_start3A_202 = tpu.memref_squeeze %dma_start3A_201 : memref<1x1x40xi32, #tpu.memory_space<vmem>> -> memref<40xi32, #tpu.memory_space<vmem>>
      %dma_start3A_203 = arith.constant 0 : i32
      %dma_start3A_204 = arith.constant 0 : i32
      %dma_start3A_205 = tpu.memref_slice %arg2[%dma_start3A_203, %dma_start3A_204] : memref<10000x128xf32, #tpu.memory_space<hbm>> -> memref<10000x128xf32, #tpu.memory_space<hbm>>
      tpu.enqueue_indirect_dma source(%dma_start3A_205 : memref<10000x128xf32, #tpu.memory_space<hbm>>) target(%dma_start3A_199 : memref<40x128xf32, #tpu.memory_space<vmem>>) offsets(%dma_start3A_202 : memref<40xi32, #tpu.memory_space<vmem>>) semaphore(%arg10 : memref<!tpu.dma_semaphore, #tpu.memory_space<semaphore_mem>>)
      %dma_start3A_206 = arith.constant 1 : i32
      %dma_start3A_207 = arith.constant 0 : i32
      %dma_start3A_208 = arith.constant 1 : i32
      %dma_start3A_209 = arith.constant 0 : i32
      %dma_start3A_210 = arith.constant 0 : i32
      %dma_start3A_211 = tpu.memref_slice %arg7[%dma_start3A_208, %dma_start3A_209, %dma_start3A_210] : memref<5x40x128xf32, #tpu.memory_space<vmem>> -> memref<1x40x128xf32, #tpu.memory_space<vmem>>
      %dma_start3A_212 = tpu.memref_squeeze %dma_start3A_211 : memref<1x40x128xf32, #tpu.memory_space<vmem>> -> memref<40x128xf32, #tpu.memory_space<vmem>>
      %dma_start3A_213 = arith.constant 0 : i32
      %dma_start3A_214 = tpu.memref_slice %arg6[%dma_start3A_206, %dma_start3A_207, %dma_start3A_213] : memref<5x2x40xi32, #tpu.memory_space<vmem>> -> memref<1x1x40xi32, #tpu.memory_space<vmem>>
      %dma_start3A_215 = tpu.memref_squeeze %dma_start3A_214 : memref<1x1x40xi32, #tpu.memory_space<vmem>> -> memref<40xi32, #tpu.memory_space<vmem>>
      %dma_start3A_216 = arith.constant 0 : i32
      %dma_start3A_217 = arith.constant 0 : i32
      %dma_start3A_218 = tpu.memref_slice %arg2[%dma_start3A_216, %dma_start3A_217] : memref<10000x128xf32, #tpu.memory_space<hbm>> -> memref<10000x128xf32, #tpu.memory_space<hbm>>
      tpu.enqueue_indirect_dma source(%dma_start3A_218 : memref<10000x128xf32, #tpu.memory_space<hbm>>) target(%dma_start3A_212 : memref<40x128xf32, #tpu.memory_space<vmem>>) offsets(%dma_start3A_215 : memref<40xi32, #tpu.memory_space<vmem>>) semaphore(%arg10 : memref<!tpu.dma_semaphore, #tpu.memory_space<semaphore_mem>>)
      %dma_start3A_219 = arith.constant 2 : i32
      %dma_start3A_220 = arith.constant 0 : i32
      %dma_start3A_221 = arith.constant 2 : i32
      %dma_start3A_222 = arith.constant 0 : i32
      %dma_start3A_223 = arith.constant 0 : i32
      %dma_start3A_224 = tpu.memref_slice %arg7[%dma_start3A_221, %dma_start3A_222, %dma_start3A_223] : memref<5x40x128xf32, #tpu.memory_space<vmem>> -> memref<1x40x128xf32, #tpu.memory_space<vmem>>
      %dma_start3A_225 = tpu.memref_squeeze %dma_start3A_224 : memref<1x40x128xf32, #tpu.memory_space<vmem>> -> memref<40x128xf32, #tpu.memory_space<vmem>>
      %dma_start3A_226 = arith.constant 0 : i32
      %dma_start3A_227 = tpu.memref_slice %arg6[%dma_start3A_219, %dma_start3A_220, %dma_start3A_226] : memref<5x2x40xi32, #tpu.memory_space<vmem>> -> memref<1x1x40xi32, #tpu.memory_space<vmem>>
      %dma_start3A_228 = tpu.memref_squeeze %dma_start3A_227 : memref<1x1x40xi32, #tpu.memory_space<vmem>> -> memref<40xi32, #tpu.memory_space<vmem>>
      %dma_start3A_229 = arith.constant 0 : i32
      %dma_start3A_230 = arith.constant 0 : i32
      %dma_start3A_231 = tpu.memref_slice %arg2[%dma_start3A_229, %dma_start3A_230] : memref<10000x128xf32, #tpu.memory_space<hbm>> -> memref<10000x128xf32, #tpu.memory_space<hbm>>
      tpu.enqueue_indirect_dma source(%dma_start3A_231 : memref<10000x128xf32, #tpu.memory_space<hbm>>) target(%dma_start3A_225 : memref<40x128xf32, #tpu.memory_space<vmem>>) offsets(%dma_start3A_228 : memref<40xi32, #tpu.memory_space<vmem>>) semaphore(%arg10 : memref<!tpu.dma_semaphore, #tpu.memory_space<semaphore_mem>>)
      %dma_start3A_232 = arith.constant 3 : i32
      %dma_start3A_233 = arith.constant 0 : i32
      %dma_start3A_234 = arith.constant 3 : i32
      %dma_start3A_235 = arith.constant 0 : i32
      %dma_start3A_236 = arith.constant 0 : i32
      %dma_start3A_237 = tpu.memref_slice %arg7[%dma_start3A_234, %dma_start3A_235, %dma_start3A_236] : memref<5x40x128xf32, #tpu.memory_space<vmem>> -> memref<1x40x128xf32, #tpu.memory_space<vmem>>
      %dma_start3A_238 = tpu.memref_squeeze %dma_start3A_237 : memref<1x40x128xf32, #tpu.memory_space<vmem>> -> memref<40x128xf32, #tpu.memory_space<vmem>>
      %dma_start3A_239 = arith.constant 0 : i32
      %dma_start3A_240 = tpu.memref_slice %arg6[%dma_start3A_232, %dma_start3A_233, %dma_start3A_239] : memref<5x2x40xi32, #tpu.memory_space<vmem>> -> memref<1x1x40xi32, #tpu.memory_space<vmem>>
      %dma_start3A_241 = tpu.memref_squeeze %dma_start3A_240 : memref<1x1x40xi32, #tpu.memory_space<vmem>> -> memref<40xi32, #tpu.memory_space<vmem>>
      %dma_start3A_242 = arith.constant 0 : i32
      %dma_start3A_243 = arith.constant 0 : i32
      %dma_start3A_244 = tpu.memref_slice %arg2[%dma_start3A_242, %dma_start3A_243] : memref<10000x128xf32, #tpu.memory_space<hbm>> -> memref<10000x128xf32, #tpu.memory_space<hbm>>
      tpu.enqueue_indirect_dma source(%dma_start3A_244 : memref<10000x128xf32, #tpu.memory_space<hbm>>) target(%dma_start3A_238 : memref<40x128xf32, #tpu.memory_space<vmem>>) offsets(%dma_start3A_241 : memref<40xi32, #tpu.memory_space<vmem>>) semaphore(%arg10 : memref<!tpu.dma_semaphore, #tpu.memory_space<semaphore_mem>>)
      %dma_start3A_245 = arith.constant 4 : i32
      %dma_start3A_246 = arith.constant 0 : i32
      %dma_start3A_247 = arith.constant 4 : i32
      %dma_start3A_248 = arith.constant 0 : i32
      %dma_start3A_249 = arith.constant 0 : i32
      %dma_start3A_250 = tpu.memref_slice %arg7[%dma_start3A_247, %dma_start3A_248, %dma_start3A_249] : memref<5x40x128xf32, #tpu.memory_space<vmem>> -> memref<1x40x128xf32, #tpu.memory_space<vmem>>
      %dma_start3A_251 = tpu.memref_squeeze %dma_start3A_250 : memref<1x40x128xf32, #tpu.memory_space<vmem>> -> memref<40x128xf32, #tpu.memory_space<vmem>>
      %dma_start3A_252 = arith.constant 0 : i32
      %dma_start3A_253 = tpu.memref_slice %arg6[%dma_start3A_245, %dma_start3A_246, %dma_start3A_252] : memref<5x2x40xi32, #tpu.memory_space<vmem>> -> memref<1x1x40xi32, #tpu.memory_space<vmem>>
      %dma_start3A_254 = tpu.memref_squeeze %dma_start3A_253 : memref<1x1x40xi32, #tpu.memory_space<vmem>> -> memref<40xi32, #tpu.memory_space<vmem>>
      %dma_start3A_255 = arith.constant 0 : i32
      %dma_start3A_256 = arith.constant 0 : i32
      %dma_start3A_257 = tpu.memref_slice %arg2[%dma_start3A_255, %dma_start3A_256] : memref<10000x128xf32, #tpu.memory_space<hbm>> -> memref<10000x128xf32, #tpu.memory_space<hbm>>
      tpu.enqueue_indirect_dma source(%dma_start3A_257 : memref<10000x128xf32, #tpu.memory_space<hbm>>) target(%dma_start3A_251 : memref<40x128xf32, #tpu.memory_space<vmem>>) offsets(%dma_start3A_254 : memref<40xi32, #tpu.memory_space<vmem>>) semaphore(%arg10 : memref<!tpu.dma_semaphore, #tpu.memory_space<semaphore_mem>>)
      %dma_wait3A_258 = arith.constant 0 : i32
      %dma_wait3A_259 = arith.constant 0 : i32
      %dma_wait3A_260 = arith.constant 0 : i32
      %dma_wait3A_261 = arith.constant 0 : i32
      %dma_wait3A_262 = arith.constant 0 : i32
      %dma_wait3A_263 = tpu.memref_slice %arg7[%dma_wait3A_260, %dma_wait3A_261, %dma_wait3A_262] : memref<5x40x128xf32, #tpu.memory_space<vmem>> -> memref<1x40x128xf32, #tpu.memory_space<vmem>>
      %dma_wait3A_264 = tpu.memref_squeeze %dma_wait3A_263 : memref<1x40x128xf32, #tpu.memory_space<vmem>> -> memref<40x128xf32, #tpu.memory_space<vmem>>
      %dma_wait3A_265 = arith.constant 0 : i32
      %dma_wait3A_266 = tpu.memref_slice %arg6[%dma_wait3A_258, %dma_wait3A_259, %dma_wait3A_265] : memref<5x2x40xi32, #tpu.memory_space<vmem>> -> memref<1x1x40xi32, #tpu.memory_space<vmem>>
      %dma_wait3A_267 = tpu.memref_squeeze %dma_wait3A_266 : memref<1x1x40xi32, #tpu.memory_space<vmem>> -> memref<40xi32, #tpu.memory_space<vmem>>
      %dma_wait3A_268 = arith.constant 0 : i32
      %dma_wait3A_269 = arith.constant 0 : i32
      %dma_wait3A_270 = tpu.memref_slice %arg2[%dma_wait3A_268, %dma_wait3A_269] : memref<10000x128xf32, #tpu.memory_space<hbm>> -> memref<10000x128xf32, #tpu.memory_space<hbm>>
      tpu.wait_indirect_dma semaphore(%arg10 : memref<!tpu.dma_semaphore, #tpu.memory_space<semaphore_mem>>) src(%dma_wait3A_270 : memref<10000x128xf32, #tpu.memory_space<hbm>>) dst(%dma_wait3A_264 : memref<40x128xf32, #tpu.memory_space<vmem>>)
      %dma_wait3A_271 = arith.constant 1 : i32
      %dma_wait3A_272 = arith.constant 0 : i32
      %dma_wait3A_273 = arith.constant 1 : i32
      %dma_wait3A_274 = arith.constant 0 : i32
      %dma_wait3A_275 = arith.constant 0 : i32
      %dma_wait3A_276 = tpu.memref_slice %arg7[%dma_wait3A_273, %dma_wait3A_274, %dma_wait3A_275] : memref<5x40x128xf32, #tpu.memory_space<vmem>> -> memref<1x40x128xf32, #tpu.memory_space<vmem>>
      %dma_wait3A_277 = tpu.memref_squeeze %dma_wait3A_276 : memref<1x40x128xf32, #tpu.memory_space<vmem>> -> memref<40x128xf32, #tpu.memory_space<vmem>>
      %dma_wait3A_278 = arith.constant 0 : i32
      %dma_wait3A_279 = tpu.memref_slice %arg6[%dma_wait3A_271, %dma_wait3A_272, %dma_wait3A_278] : memref<5x2x40xi32, #tpu.memory_space<vmem>> -> memref<1x1x40xi32, #tpu.memory_space<vmem>>
      %dma_wait3A_280 = tpu.memref_squeeze %dma_wait3A_279 : memref<1x1x40xi32, #tpu.memory_space<vmem>> -> memref<40xi32, #tpu.memory_space<vmem>>
      %dma_wait3A_281 = arith.constant 0 : i32
      %dma_wait3A_282 = arith.constant 0 : i32
      %dma_wait3A_283 = tpu.memref_slice %arg2[%dma_wait3A_281, %dma_wait3A_282] : memref<10000x128xf32, #tpu.memory_space<hbm>> -> memref<10000x128xf32, #tpu.memory_space<hbm>>
      tpu.wait_indirect_dma semaphore(%arg10 : memref<!tpu.dma_semaphore, #tpu.memory_space<semaphore_mem>>) src(%dma_wait3A_283 : memref<10000x128xf32, #tpu.memory_space<hbm>>) dst(%dma_wait3A_277 : memref<40x128xf32, #tpu.memory_space<vmem>>)
      %dma_wait3A_284 = arith.constant 2 : i32
      %dma_wait3A_285 = arith.constant 0 : i32
      %dma_wait3A_286 = arith.constant 2 : i32
      %dma_wait3A_287 = arith.constant 0 : i32
      %dma_wait3A_288 = arith.constant 0 : i32
      %dma_wait3A_289 = tpu.memref_slice %arg7[%dma_wait3A_286, %dma_wait3A_287, %dma_wait3A_288] : memref<5x40x128xf32, #tpu.memory_space<vmem>> -> memref<1x40x128xf32, #tpu.memory_space<vmem>>
      %dma_wait3A_290 = tpu.memref_squeeze %dma_wait3A_289 : memref<1x40x128xf32, #tpu.memory_space<vmem>> -> memref<40x128xf32, #tpu.memory_space<vmem>>
      %dma_wait3A_291 = arith.constant 0 : i32
      %dma_wait3A_292 = tpu.memref_slice %arg6[%dma_wait3A_284, %dma_wait3A_285, %dma_wait3A_291] : memref<5x2x40xi32, #tpu.memory_space<vmem>> -> memref<1x1x40xi32, #tpu.memory_space<vmem>>
      %dma_wait3A_293 = tpu.memref_squeeze %dma_wait3A_292 : memref<1x1x40xi32, #tpu.memory_space<vmem>> -> memref<40xi32, #tpu.memory_space<vmem>>
      %dma_wait3A_294 = arith.constant 0 : i32
      %dma_wait3A_295 = arith.constant 0 : i32
      %dma_wait3A_296 = tpu.memref_slice %arg2[%dma_wait3A_294, %dma_wait3A_295] : memref<10000x128xf32, #tpu.memory_space<hbm>> -> memref<10000x128xf32, #tpu.memory_space<hbm>>
      tpu.wait_indirect_dma semaphore(%arg10 : memref<!tpu.dma_semaphore, #tpu.memory_space<semaphore_mem>>) src(%dma_wait3A_296 : memref<10000x128xf32, #tpu.memory_space<hbm>>) dst(%dma_wait3A_290 : memref<40x128xf32, #tpu.memory_space<vmem>>)
      %dma_wait3A_297 = arith.constant 3 : i32
      %dma_wait3A_298 = arith.constant 0 : i32
      %dma_wait3A_299 = arith.constant 3 : i32
      %dma_wait3A_300 = arith.constant 0 : i32
      %dma_wait3A_301 = arith.constant 0 : i32
      %dma_wait3A_302 = tpu.memref_slice %arg7[%dma_wait3A_299, %dma_wait3A_300, %dma_wait3A_301] : memref<5x40x128xf32, #tpu.memory_space<vmem>> -> memref<1x40x128xf32, #tpu.memory_space<vmem>>
      %dma_wait3A_303 = tpu.memref_squeeze %dma_wait3A_302 : memref<1x40x128xf32, #tpu.memory_space<vmem>> -> memref<40x128xf32, #tpu.memory_space<vmem>>
      %dma_wait3A_304 = arith.constant 0 : i32
      %dma_wait3A_305 = tpu.memref_slice %arg6[%dma_wait3A_297, %dma_wait3A_298, %dma_wait3A_304] : memref<5x2x40xi32, #tpu.memory_space<vmem>> -> memref<1x1x40xi32, #tpu.memory_space<vmem>>
      %dma_wait3A_306 = tpu.memref_squeeze %dma_wait3A_305 : memref<1x1x40xi32, #tpu.memory_space<vmem>> -> memref<40xi32, #tpu.memory_space<vmem>>
      %dma_wait3A_307 = arith.constant 0 : i32
      %dma_wait3A_308 = arith.constant 0 : i32
      %dma_wait3A_309 = tpu.memref_slice %arg2[%dma_wait3A_307, %dma_wait3A_308] : memref<10000x128xf32, #tpu.memory_space<hbm>> -> memref<10000x128xf32, #tpu.memory_space<hbm>>
      tpu.wait_indirect_dma semaphore(%arg10 : memref<!tpu.dma_semaphore, #tpu.memory_space<semaphore_mem>>) src(%dma_wait3A_309 : memref<10000x128xf32, #tpu.memory_space<hbm>>) dst(%dma_wait3A_303 : memref<40x128xf32, #tpu.memory_space<vmem>>)
      %dma_wait3A_310 = arith.constant 4 : i32
      %dma_wait3A_311 = arith.constant 0 : i32
      %dma_wait3A_312 = arith.constant 4 : i32
      %dma_wait3A_313 = arith.constant 0 : i32
      %dma_wait3A_314 = arith.constant 0 : i32
      %dma_wait3A_315 = tpu.memref_slice %arg7[%dma_wait3A_312, %dma_wait3A_313, %dma_wait3A_314] : memref<5x40x128xf32, #tpu.memory_space<vmem>> -> memref<1x40x128xf32, #tpu.memory_space<vmem>>
      %dma_wait3A_316 = tpu.memref_squeeze %dma_wait3A_315 : memref<1x40x128xf32, #tpu.memory_space<vmem>> -> memref<40x128xf32, #tpu.memory_space<vmem>>
      %dma_wait3A_317 = arith.constant 0 : i32
      %dma_wait3A_318 = tpu.memref_slice %arg6[%dma_wait3A_310, %dma_wait3A_311, %dma_wait3A_317] : memref<5x2x40xi32, #tpu.memory_space<vmem>> -> memref<1x1x40xi32, #tpu.memory_space<vmem>>
      %dma_wait3A_319 = tpu.memref_squeeze %dma_wait3A_318 : memref<1x1x40xi32, #tpu.memory_space<vmem>> -> memref<40xi32, #tpu.memory_space<vmem>>
      %dma_wait3A_320 = arith.constant 0 : i32
      %dma_wait3A_321 = arith.constant 0 : i32
      %dma_wait3A_322 = tpu.memref_slice %arg2[%dma_wait3A_320, %dma_wait3A_321] : memref<10000x128xf32, #tpu.memory_space<hbm>> -> memref<10000x128xf32, #tpu.memory_space<hbm>>
      tpu.wait_indirect_dma semaphore(%arg10 : memref<!tpu.dma_semaphore, #tpu.memory_space<semaphore_mem>>) src(%dma_wait3A_322 : memref<10000x128xf32, #tpu.memory_space<hbm>>) dst(%dma_wait3A_316 : memref<40x128xf32, #tpu.memory_space<vmem>>)
      %dma_start3A_323 = arith.constant 0 : i32
      %dma_start3A_324 = arith.constant 0 : i32
      %dma_start3A_325 = arith.constant 1 : i32
      %dma_start3A_326 = arith.constant 0 : i32
      %dma_start3A_327 = arith.constant 0 : i32
      %dma_start3A_328 = tpu.memref_slice %arg7[%dma_start3A_323, %dma_start3A_326, %dma_start3A_327] : memref<5x40x128xf32, #tpu.memory_space<vmem>> -> memref<1x40x128xf32, #tpu.memory_space<vmem>>
      %dma_start3A_329 = tpu.memref_squeeze %dma_start3A_328 : memref<1x40x128xf32, #tpu.memory_space<vmem>> -> memref<40x128xf32, #tpu.memory_space<vmem>>
      %dma_start3A_330 = arith.constant 0 : i32
      %dma_start3A_331 = tpu.memref_slice %arg6[%dma_start3A_324, %dma_start3A_325, %dma_start3A_330] : memref<5x2x40xi32, #tpu.memory_space<vmem>> -> memref<1x1x40xi32, #tpu.memory_space<vmem>>
      %dma_start3A_332 = tpu.memref_squeeze %dma_start3A_331 : memref<1x1x40xi32, #tpu.memory_space<vmem>> -> memref<40xi32, #tpu.memory_space<vmem>>
      %dma_start3A_333 = arith.constant 0 : i32
      %dma_start3A_334 = arith.constant 0 : i32
      %dma_start3A_335 = tpu.memref_slice %arg8[%dma_start3A_333, %dma_start3A_334] : memref<10112x128xf32, #tpu.memory_space<vmem_shared>> -> memref<10112x128xf32, #tpu.memory_space<vmem_shared>>
      tpu.enqueue_indirect_dma source(%dma_start3A_329 : memref<40x128xf32, #tpu.memory_space<vmem>>) target(%dma_start3A_335 : memref<10112x128xf32, #tpu.memory_space<vmem_shared>>) offsets(%dma_start3A_332 : memref<40xi32, #tpu.memory_space<vmem>>) semaphore(%arg11 : memref<!tpu.dma_semaphore, #tpu.memory_space<semaphore_mem>>) {add = true}
      %dma_start3A_336 = arith.constant 1 : i32
      %dma_start3A_337 = arith.constant 1 : i32
      %dma_start3A_338 = arith.constant 1 : i32
      %dma_start3A_339 = arith.constant 0 : i32
      %dma_start3A_340 = arith.constant 0 : i32
      %dma_start3A_341 = tpu.memref_slice %arg7[%dma_start3A_336, %dma_start3A_339, %dma_start3A_340] : memref<5x40x128xf32, #tpu.memory_space<vmem>> -> memref<1x40x128xf32, #tpu.memory_space<vmem>>
      %dma_start3A_342 = tpu.memref_squeeze %dma_start3A_341 : memref<1x40x128xf32, #tpu.memory_space<vmem>> -> memref<40x128xf32, #tpu.memory_space<vmem>>
      %dma_start3A_343 = arith.constant 0 : i32
      %dma_start3A_344 = tpu.memref_slice %arg6[%dma_start3A_337, %dma_start3A_338, %dma_start3A_343] : memref<5x2x40xi32, #tpu.memory_space<vmem>> -> memref<1x1x40xi32, #tpu.memory_space<vmem>>
      %dma_start3A_345 = tpu.memref_squeeze %dma_start3A_344 : memref<1x1x40xi32, #tpu.memory_space<vmem>> -> memref<40xi32, #tpu.memory_space<vmem>>
      %dma_start3A_346 = arith.constant 0 : i32
      %dma_start3A_347 = arith.constant 0 : i32
      %dma_start3A_348 = tpu.memref_slice %arg8[%dma_start3A_346, %dma_start3A_347] : memref<10112x128xf32, #tpu.memory_space<vmem_shared>> -> memref<10112x128xf32, #tpu.memory_space<vmem_shared>>
      tpu.enqueue_indirect_dma source(%dma_start3A_342 : memref<40x128xf32, #tpu.memory_space<vmem>>) target(%dma_start3A_348 : memref<10112x128xf32, #tpu.memory_space<vmem_shared>>) offsets(%dma_start3A_345 : memref<40xi32, #tpu.memory_space<vmem>>) semaphore(%arg11 : memref<!tpu.dma_semaphore, #tpu.memory_space<semaphore_mem>>) {add = true}
      %dma_start3A_349 = arith.constant 2 : i32
      %dma_start3A_350 = arith.constant 2 : i32
      %dma_start3A_351 = arith.constant 1 : i32
      %dma_start3A_352 = arith.constant 0 : i32
      %dma_start3A_353 = arith.constant 0 : i32
      %dma_start3A_354 = tpu.memref_slice %arg7[%dma_start3A_349, %dma_start3A_352, %dma_start3A_353] : memref<5x40x128xf32, #tpu.memory_space<vmem>> -> memref<1x40x128xf32, #tpu.memory_space<vmem>>
      %dma_start3A_355 = tpu.memref_squeeze %dma_start3A_354 : memref<1x40x128xf32, #tpu.memory_space<vmem>> -> memref<40x128xf32, #tpu.memory_space<vmem>>
      %dma_start3A_356 = arith.constant 0 : i32
      %dma_start3A_357 = tpu.memref_slice %arg6[%dma_start3A_350, %dma_start3A_351, %dma_start3A_356] : memref<5x2x40xi32, #tpu.memory_space<vmem>> -> memref<1x1x40xi32, #tpu.memory_space<vmem>>
      %dma_start3A_358 = tpu.memref_squeeze %dma_start3A_357 : memref<1x1x40xi32, #tpu.memory_space<vmem>> -> memref<40xi32, #tpu.memory_space<vmem>>
      %dma_start3A_359 = arith.constant 0 : i32
      %dma_start3A_360 = arith.constant 0 : i32
      %dma_start3A_361 = tpu.memref_slice %arg8[%dma_start3A_359, %dma_start3A_360] : memref<10112x128xf32, #tpu.memory_space<vmem_shared>> -> memref<10112x128xf32, #tpu.memory_space<vmem_shared>>
      tpu.enqueue_indirect_dma source(%dma_start3A_355 : memref<40x128xf32, #tpu.memory_space<vmem>>) target(%dma_start3A_361 : memref<10112x128xf32, #tpu.memory_space<vmem_shared>>) offsets(%dma_start3A_358 : memref<40xi32, #tpu.memory_space<vmem>>) semaphore(%arg11 : memref<!tpu.dma_semaphore, #tpu.memory_space<semaphore_mem>>) {add = true}
      %dma_start3A_362 = arith.constant 3 : i32
      %dma_start3A_363 = arith.constant 3 : i32
      %dma_start3A_364 = arith.constant 1 : i32
      %dma_start3A_365 = arith.constant 0 : i32
      %dma_start3A_366 = arith.constant 0 : i32
      %dma_start3A_367 = tpu.memref_slice %arg7[%dma_start3A_362, %dma_start3A_365, %dma_start3A_366] : memref<5x40x128xf32, #tpu.memory_space<vmem>> -> memref<1x40x128xf32, #tpu.memory_space<vmem>>
      %dma_start3A_368 = tpu.memref_squeeze %dma_start3A_367 : memref<1x40x128xf32, #tpu.memory_space<vmem>> -> memref<40x128xf32, #tpu.memory_space<vmem>>
      %dma_start3A_369 = arith.constant 0 : i32
      %dma_start3A_370 = tpu.memref_slice %arg6[%dma_start3A_363, %dma_start3A_364, %dma_start3A_369] : memref<5x2x40xi32, #tpu.memory_space<vmem>> -> memref<1x1x40xi32, #tpu.memory_space<vmem>>
      %dma_start3A_371 = tpu.memref_squeeze %dma_start3A_370 : memref<1x1x40xi32, #tpu.memory_space<vmem>> -> memref<40xi32, #tpu.memory_space<vmem>>
      %dma_start3A_372 = arith.constant 0 : i32
      %dma_start3A_373 = arith.constant 0 : i32
      %dma_start3A_374 = tpu.memref_slice %arg8[%dma_start3A_372, %dma_start3A_373] : memref<10112x128xf32, #tpu.memory_space<vmem_shared>> -> memref<10112x128xf32, #tpu.memory_space<vmem_shared>>
      tpu.enqueue_indirect_dma source(%dma_start3A_368 : memref<40x128xf32, #tpu.memory_space<vmem>>) target(%dma_start3A_374 : memref<10112x128xf32, #tpu.memory_space<vmem_shared>>) offsets(%dma_start3A_371 : memref<40xi32, #tpu.memory_space<vmem>>) semaphore(%arg11 : memref<!tpu.dma_semaphore, #tpu.memory_space<semaphore_mem>>) {add = true}
      %dma_start3A_375 = arith.constant 4 : i32
      %dma_start3A_376 = arith.constant 4 : i32
      %dma_start3A_377 = arith.constant 1 : i32
      %dma_start3A_378 = arith.constant 0 : i32
      %dma_start3A_379 = arith.constant 0 : i32
      %dma_start3A_380 = tpu.memref_slice %arg7[%dma_start3A_375, %dma_start3A_378, %dma_start3A_379] : memref<5x40x128xf32, #tpu.memory_space<vmem>> -> memref<1x40x128xf32, #tpu.memory_space<vmem>>
      %dma_start3A_381 = tpu.memref_squeeze %dma_start3A_380 : memref<1x40x128xf32, #tpu.memory_space<vmem>> -> memref<40x128xf32, #tpu.memory_space<vmem>>
      %dma_start3A_382 = arith.constant 0 : i32
      %dma_start3A_383 = tpu.memref_slice %arg6[%dma_start3A_376, %dma_start3A_377, %dma_start3A_382] : memref<5x2x40xi32, #tpu.memory_space<vmem>> -> memref<1x1x40xi32, #tpu.memory_space<vmem>>
      %dma_start3A_384 = tpu.memref_squeeze %dma_start3A_383 : memref<1x1x40xi32, #tpu.memory_space<vmem>> -> memref<40xi32, #tpu.memory_space<vmem>>
      %dma_start3A_385 = arith.constant 0 : i32
      %dma_start3A_386 = arith.constant 0 : i32
      %dma_start3A_387 = tpu.memref_slice %arg8[%dma_start3A_385, %dma_start3A_386] : memref<10112x128xf32, #tpu.memory_space<vmem_shared>> -> memref<10112x128xf32, #tpu.memory_space<vmem_shared>>
      tpu.enqueue_indirect_dma source(%dma_start3A_381 : memref<40x128xf32, #tpu.memory_space<vmem>>) target(%dma_start3A_387 : memref<10112x128xf32, #tpu.memory_space<vmem_shared>>) offsets(%dma_start3A_384 : memref<40xi32, #tpu.memory_space<vmem>>) semaphore(%arg11 : memref<!tpu.dma_semaphore, #tpu.memory_space<semaphore_mem>>) {add = true}
      %dma_wait3A_388 = arith.constant 0 : i32
      %dma_wait3A_389 = arith.constant 0 : i32
      %dma_wait3A_390 = arith.constant 1 : i32
      %dma_wait3A_391 = arith.constant 0 : i32
      %dma_wait3A_392 = arith.constant 0 : i32
      %dma_wait3A_393 = tpu.memref_slice %arg7[%dma_wait3A_388, %dma_wait3A_391, %dma_wait3A_392] : memref<5x40x128xf32, #tpu.memory_space<vmem>> -> memref<1x40x128xf32, #tpu.memory_space<vmem>>
      %dma_wait3A_394 = tpu.memref_squeeze %dma_wait3A_393 : memref<1x40x128xf32, #tpu.memory_space<vmem>> -> memref<40x128xf32, #tpu.memory_space<vmem>>
      %dma_wait3A_395 = arith.constant 0 : i32
      %dma_wait3A_396 = tpu.memref_slice %arg6[%dma_wait3A_389, %dma_wait3A_390, %dma_wait3A_395] : memref<5x2x40xi32, #tpu.memory_space<vmem>> -> memref<1x1x40xi32, #tpu.memory_space<vmem>>
      %dma_wait3A_397 = tpu.memref_squeeze %dma_wait3A_396 : memref<1x1x40xi32, #tpu.memory_space<vmem>> -> memref<40xi32, #tpu.memory_space<vmem>>
      %dma_wait3A_398 = arith.constant 0 : i32
      %dma_wait3A_399 = arith.constant 0 : i32
      %dma_wait3A_400 = tpu.memref_slice %arg8[%dma_wait3A_398, %dma_wait3A_399] : memref<10112x128xf32, #tpu.memory_space<vmem_shared>> -> memref<10112x128xf32, #tpu.memory_space<vmem_shared>>
      tpu.wait_indirect_dma semaphore(%arg11 : memref<!tpu.dma_semaphore, #tpu.memory_space<semaphore_mem>>) src(%dma_wait3A_394 : memref<40x128xf32, #tpu.memory_space<vmem>>) dst(%dma_wait3A_400 : memref<10112x128xf32, #tpu.memory_space<vmem_shared>>)
      %dma_wait3A_401 = arith.constant 1 : i32
      %dma_wait3A_402 = arith.constant 1 : i32
      %dma_wait3A_403 = arith.constant 1 : i32
      %dma_wait3A_404 = arith.constant 0 : i32
      %dma_wait3A_405 = arith.constant 0 : i32
      %dma_wait3A_406 = tpu.memref_slice %arg7[%dma_wait3A_401, %dma_wait3A_404, %dma_wait3A_405] : memref<5x40x128xf32, #tpu.memory_space<vmem>> -> memref<1x40x128xf32, #tpu.memory_space<vmem>>
      %dma_wait3A_407 = tpu.memref_squeeze %dma_wait3A_406 : memref<1x40x128xf32, #tpu.memory_space<vmem>> -> memref<40x128xf32, #tpu.memory_space<vmem>>
      %dma_wait3A_408 = arith.constant 0 : i32
      %dma_wait3A_409 = tpu.memref_slice %arg6[%dma_wait3A_402, %dma_wait3A_403, %dma_wait3A_408] : memref<5x2x40xi32, #tpu.memory_space<vmem>> -> memref<1x1x40xi32, #tpu.memory_space<vmem>>
      %dma_wait3A_410 = tpu.memref_squeeze %dma_wait3A_409 : memref<1x1x40xi32, #tpu.memory_space<vmem>> -> memref<40xi32, #tpu.memory_space<vmem>>
      %dma_wait3A_411 = arith.constant 0 : i32
      %dma_wait3A_412 = arith.constant 0 : i32
      %dma_wait3A_413 = tpu.memref_slice %arg8[%dma_wait3A_411, %dma_wait3A_412] : memref<10112x128xf32, #tpu.memory_space<vmem_shared>> -> memref<10112x128xf32, #tpu.memory_space<vmem_shared>>
      tpu.wait_indirect_dma semaphore(%arg11 : memref<!tpu.dma_semaphore, #tpu.memory_space<semaphore_mem>>) src(%dma_wait3A_407 : memref<40x128xf32, #tpu.memory_space<vmem>>) dst(%dma_wait3A_413 : memref<10112x128xf32, #tpu.memory_space<vmem_shared>>)
      %dma_wait3A_414 = arith.constant 2 : i32
      %dma_wait3A_415 = arith.constant 2 : i32
      %dma_wait3A_416 = arith.constant 1 : i32
      %dma_wait3A_417 = arith.constant 0 : i32
      %dma_wait3A_418 = arith.constant 0 : i32
      %dma_wait3A_419 = tpu.memref_slice %arg7[%dma_wait3A_414, %dma_wait3A_417, %dma_wait3A_418] : memref<5x40x128xf32, #tpu.memory_space<vmem>> -> memref<1x40x128xf32, #tpu.memory_space<vmem>>
      %dma_wait3A_420 = tpu.memref_squeeze %dma_wait3A_419 : memref<1x40x128xf32, #tpu.memory_space<vmem>> -> memref<40x128xf32, #tpu.memory_space<vmem>>
      %dma_wait3A_421 = arith.constant 0 : i32
      %dma_wait3A_422 = tpu.memref_slice %arg6[%dma_wait3A_415, %dma_wait3A_416, %dma_wait3A_421] : memref<5x2x40xi32, #tpu.memory_space<vmem>> -> memref<1x1x40xi32, #tpu.memory_space<vmem>>
      %dma_wait3A_423 = tpu.memref_squeeze %dma_wait3A_422 : memref<1x1x40xi32, #tpu.memory_space<vmem>> -> memref<40xi32, #tpu.memory_space<vmem>>
      %dma_wait3A_424 = arith.constant 0 : i32
      %dma_wait3A_425 = arith.constant 0 : i32
      %dma_wait3A_426 = tpu.memref_slice %arg8[%dma_wait3A_424, %dma_wait3A_425] : memref<10112x128xf32, #tpu.memory_space<vmem_shared>> -> memref<10112x128xf32, #tpu.memory_space<vmem_shared>>
      tpu.wait_indirect_dma semaphore(%arg11 : memref<!tpu.dma_semaphore, #tpu.memory_space<semaphore_mem>>) src(%dma_wait3A_420 : memref<40x128xf32, #tpu.memory_space<vmem>>) dst(%dma_wait3A_426 : memref<10112x128xf32, #tpu.memory_space<vmem_shared>>)
      %dma_wait3A_427 = arith.constant 3 : i32
      %dma_wait3A_428 = arith.constant 3 : i32
      %dma_wait3A_429 = arith.constant 1 : i32
      %dma_wait3A_430 = arith.constant 0 : i32
      %dma_wait3A_431 = arith.constant 0 : i32
      %dma_wait3A_432 = tpu.memref_slice %arg7[%dma_wait3A_427, %dma_wait3A_430, %dma_wait3A_431] : memref<5x40x128xf32, #tpu.memory_space<vmem>> -> memref<1x40x128xf32, #tpu.memory_space<vmem>>
      %dma_wait3A_433 = tpu.memref_squeeze %dma_wait3A_432 : memref<1x40x128xf32, #tpu.memory_space<vmem>> -> memref<40x128xf32, #tpu.memory_space<vmem>>
      %dma_wait3A_434 = arith.constant 0 : i32
      %dma_wait3A_435 = tpu.memref_slice %arg6[%dma_wait3A_428, %dma_wait3A_429, %dma_wait3A_434] : memref<5x2x40xi32, #tpu.memory_space<vmem>> -> memref<1x1x40xi32, #tpu.memory_space<vmem>>
      %dma_wait3A_436 = tpu.memref_squeeze %dma_wait3A_435 : memref<1x1x40xi32, #tpu.memory_space<vmem>> -> memref<40xi32, #tpu.memory_space<vmem>>
      %dma_wait3A_437 = arith.constant 0 : i32
      %dma_wait3A_438 = arith.constant 0 : i32
      %dma_wait3A_439 = tpu.memref_slice %arg8[%dma_wait3A_437, %dma_wait3A_438] : memref<10112x128xf32, #tpu.memory_space<vmem_shared>> -> memref<10112x128xf32, #tpu.memory_space<vmem_shared>>
      tpu.wait_indirect_dma semaphore(%arg11 : memref<!tpu.dma_semaphore, #tpu.memory_space<semaphore_mem>>) src(%dma_wait3A_433 : memref<40x128xf32, #tpu.memory_space<vmem>>) dst(%dma_wait3A_439 : memref<10112x128xf32, #tpu.memory_space<vmem_shared>>)
      %dma_wait3A_440 = arith.constant 4 : i32
      %dma_wait3A_441 = arith.constant 4 : i32
      %dma_wait3A_442 = arith.constant 1 : i32
      %dma_wait3A_443 = arith.constant 0 : i32
      %dma_wait3A_444 = arith.constant 0 : i32
      %dma_wait3A_445 = tpu.memref_slice %arg7[%dma_wait3A_440, %dma_wait3A_443, %dma_wait3A_444] : memref<5x40x128xf32, #tpu.memory_space<vmem>> -> memref<1x40x128xf32, #tpu.memory_space<vmem>>
      %dma_wait3A_446 = tpu.memref_squeeze %dma_wait3A_445 : memref<1x40x128xf32, #tpu.memory_space<vmem>> -> memref<40x128xf32, #tpu.memory_space<vmem>>
      %dma_wait3A_447 = arith.constant 0 : i32
      %dma_wait3A_448 = tpu.memref_slice %arg6[%dma_wait3A_441, %dma_wait3A_442, %dma_wait3A_447] : memref<5x2x40xi32, #tpu.memory_space<vmem>> -> memref<1x1x40xi32, #tpu.memory_space<vmem>>
      %dma_wait3A_449 = tpu.memref_squeeze %dma_wait3A_448 : memref<1x1x40xi32, #tpu.memory_space<vmem>> -> memref<40xi32, #tpu.memory_space<vmem>>
      %dma_wait3A_450 = arith.constant 0 : i32
      %dma_wait3A_451 = arith.constant 0 : i32
      %dma_wait3A_452 = tpu.memref_slice %arg8[%dma_wait3A_450, %dma_wait3A_451] : memref<10112x128xf32, #tpu.memory_space<vmem_shared>> -> memref<10112x128xf32, #tpu.memory_space<vmem_shared>>
      tpu.wait_indirect_dma semaphore(%arg11 : memref<!tpu.dma_semaphore, #tpu.memory_space<semaphore_mem>>) src(%dma_wait3A_446 : memref<40x128xf32, #tpu.memory_space<vmem>>) dst(%dma_wait3A_452 : memref<10112x128xf32, #tpu.memory_space<vmem_shared>>)
    }
    %scan3A_7 = arith.constant 50 : i32
    %barrier3A_8 = arith.constant 0 : index
    tpu.barrier barrier_id(%barrier3A_8)
    "tpu.region"() ({
      %run_scoped3A = tpu.sem_alloc : memref<!tpu.dma_semaphore, #tpu.memory_space<semaphore_mem>>
      %dma_start3A = arith.constant 0 : i32
      %dma_start3A_9 = tpu.memref_slice %arg5[%arg0, %mul3A_2, %dma_start3A] : memref<2x10112x128xf32, #tpu.memory_space<hbm>> -> memref<1x632x128xf32, #tpu.memory_space<hbm>>
      %dma_start3A_10 = tpu.memref_squeeze %dma_start3A_9 : memref<1x632x128xf32, #tpu.memory_space<hbm>> -> memref<632x128xf32, #tpu.memory_space<hbm>>
      %dma_start3A_11 = arith.constant 0 : i32
      %dma_start3A_12 = tpu.memref_slice %arg8[%mul3A_2, %dma_start3A_11] : memref<10112x128xf32, #tpu.memory_space<vmem_shared>> -> memref<632x128xf32, #tpu.memory_space<vmem_shared>>
      tpu.enqueue_dma source(%dma_start3A_12 : memref<632x128xf32, #tpu.memory_space<vmem_shared>>) target(%dma_start3A_10 : memref<632x128xf32, #tpu.memory_space<hbm>>) target_semaphore(%run_scoped3A : memref<!tpu.dma_semaphore, #tpu.memory_space<semaphore_mem>>)
      %dma_wait3A = arith.constant 0 : i32
      %dma_wait3A_13 = tpu.memref_slice %arg5[%arg0, %mul3A_2, %dma_wait3A] : memref<2x10112x128xf32, #tpu.memory_space<hbm>> -> memref<1x632x128xf32, #tpu.memory_space<hbm>>
      %dma_wait3A_14 = tpu.memref_squeeze %dma_wait3A_13 : memref<1x632x128xf32, #tpu.memory_space<hbm>> -> memref<632x128xf32, #tpu.memory_space<hbm>>
      %dma_wait3A_15 = arith.constant 0 : i32
      %dma_wait3A_16 = tpu.memref_slice %arg8[%mul3A_2, %dma_wait3A_15] : memref<10112x128xf32, #tpu.memory_space<vmem_shared>> -> memref<632x128xf32, #tpu.memory_space<vmem_shared>>
      tpu.wait_dma2 semaphore(%run_scoped3A : memref<!tpu.dma_semaphore, #tpu.memory_space<semaphore_mem>>) src(%dma_wait3A_16 : memref<632x128xf32, #tpu.memory_space<vmem_shared>>) dst(%dma_wait3A_14 : memref<632x128xf32, #tpu.memory_space<hbm>>)
      tpu.yield
    }) : () -> ()
    return
  }
}

module attributes {stable_mosaic.version = 14 : i64} {
  func.func @_enc_body(%arg0: i32, %arg1: memref<2000x128xf32, #tpu.memory_space<vmem>>, %arg2: memref<128x128xf32, #tpu.memory_space<vmem>>, %arg3: memref<1x128xf32, #tpu.memory_space<vmem>>, %arg4: memref<1x128xf32, #tpu.memory_space<vmem>>, %arg5: memref<2000x128xf32, #tpu.memory_space<vmem>>) attributes {dimension_semantics = [#tpu.dimension_semantics<arbitrary>], iteration_bounds = array<i64: 5>, scalar_prefetch = 0 : i64, scratch_operands = 0 : i64, tpu.core_type = #tpu.core_type<tc>, window_params = [{transform_indices = @transform_0, window_bounds = array<i64: 2000, 128>}, {pipeline_mode = #tpu.pipeline_mode<synchronous>, transform_indices = @transform_1, window_bounds = array<i64: 128, 128>}, {pipeline_mode = #tpu.pipeline_mode<synchronous>, transform_indices = @transform_2, window_bounds = array<i64: 1, 128>}, {pipeline_mode = #tpu.pipeline_mode<synchronous>, transform_indices = @transform_3, window_bounds = array<i64: 1, 128>}, {transform_indices = @transform_4, window_bounds = array<i64: 2000, 128>}]} {
    %get3A = arith.constant 0 : index
    %get3A_0 = arith.constant 0 : index
    %get3A_1 = vector.load %arg1[%get3A, %get3A_0] : memref<2000x128xf32, #tpu.memory_space<vmem>>, vector<2000x128xf32>
    %get3A_2 = arith.constant 0 : index
    %get3A_3 = arith.constant 0 : index
    %get3A_4 = vector.load %arg2[%get3A_2, %get3A_3] : memref<128x128xf32, #tpu.memory_space<vmem>>, vector<128x128xf32>
    %dot_general3A = arith.constant dense<0.000000e+00> : vector<2000x128xf32>
    %dot_general3A_5 = tpu.matmul %get3A_1, %get3A_4, %dot_general3A {dimension_numbers = #tpu.dot_dimension_numbers<[1], [0], [0], [1], [0, 0, 1, 1], [], []>, transpose_lhs_hint = false} : vector<2000x128xf32>, vector<128x128xf32>, vector<2000x128xf32> -> vector<2000x128xf32>
    %get3A_6 = arith.constant 0 : index
    %get3A_7 = arith.constant 0 : index
    %get3A_8 = vector.load %arg3[%get3A_6, %get3A_7] : memref<1x128xf32, #tpu.memory_space<vmem>>, vector<1x128xf32>
    %add3A = vector.broadcast %get3A_8 : vector<1x128xf32> to vector<2000x128xf32>
    %add3A_9 = arith.addf %dot_general3A_5, %add3A : vector<2000x128xf32>
    %get3A_10 = arith.constant 0 : index
    %get3A_11 = arith.constant 0 : index
    %get3A_12 = vector.load %arg4[%get3A_10, %get3A_11] : memref<1x128xf32, #tpu.memory_space<vmem>>, vector<1x128xf32>
    %add3A_13 = vector.broadcast %get3A_12 : vector<1x128xf32> to vector<2000x128xf32>
    %add3A_14 = arith.addf %add3A_9, %add3A_13 : vector<2000x128xf32>
    %swap3A = arith.constant 0 : index
    %swap3A_15 = arith.constant 0 : index
    %swap3A_16 = vector.load %arg5[%swap3A, %swap3A_15] : memref<2000x128xf32, #tpu.memory_space<vmem>>, vector<2000x128xf32>
    tpu.vector_store %arg5[%swap3A, %swap3A_15], %add3A_14 {strides = array<i32>} : memref<2000x128xf32, #tpu.memory_space<vmem>>, vector<2000x128xf32>,
    return
  }
  func.func @transform_0(%arg0: i32) -> (i32, i32) {
    %c0_i32 = arith.constant 0 : i32
    %c0_i32_0 = arith.constant 0 : i32
    return %arg0, %c0_i32 : i32, i32
  }
  func.func @transform_1(%arg0: i32) -> (i32, i32) {
    %c0_i32 = arith.constant 0 : i32
    %c0_i32_0 = arith.constant 0 : i32
    %c0_i32_1 = arith.constant 0 : i32
    return %c0_i32, %c0_i32_0 : i32, i32
  }
  func.func @transform_2(%arg0: i32) -> (i32, i32) {
    %c0_i32 = arith.constant 0 : i32
    %c0_i32_0 = arith.constant 0 : i32
    %c0_i32_1 = arith.constant 0 : i32
    return %c0_i32, %c0_i32_0 : i32, i32
  }
  func.func @transform_3(%arg0: i32) -> (i32, i32) {
    %c0_i32 = arith.constant 0 : i32
    %c0_i32_0 = arith.constant 0 : i32
    %c0_i32_1 = arith.constant 0 : i32
    return %c0_i32, %c0_i32_0 : i32, i32
  }
  func.func @transform_4(%arg0: i32) -> (i32, i32) {
    %c0_i32 = arith.constant 0 : i32
    %c0_i32_0 = arith.constant 0 : i32
    return %arg0, %c0_i32 : i32, i32
  }
}

module attributes {stable_mosaic.version = 14 : i64} {
  func.func @_layer_body(%arg0: i32, %arg1: i32, %arg2: memref<2000x128xf32, #tpu.memory_space<vmem>>, %arg3: memref<2x2000x128xf32, #tpu.memory_space<vmem>>, %arg4: memref<2000x1xi32, #tpu.memory_space<vmem>>, %arg5: memref<128x128xf32, #tpu.memory_space<vmem>>, %arg6: memref<128x256xf32, #tpu.memory_space<vmem>>, %arg7: memref<1x256xf32, #tpu.memory_space<vmem>>, %arg8: memref<256x128xf32, #tpu.memory_space<vmem>>, %arg9: memref<1x128xf32, #tpu.memory_space<vmem>>, %arg10: memref<1x1xf32, #tpu.memory_space<vmem>>, %arg11: memref<128x256xf32, #tpu.memory_space<vmem>>, %arg12: memref<1x256xf32, #tpu.memory_space<vmem>>, %arg13: memref<256x128xf32, #tpu.memory_space<vmem>>, %arg14: memref<1x128xf32, #tpu.memory_space<vmem>>, %arg15: memref<128x128xf32, #tpu.memory_space<vmem>>, %arg16: memref<2000x128xf32, #tpu.memory_space<vmem>>, %arg17: memref<10000x128xf32, #tpu.memory_space<vmem>>, %arg18: memref<128x128xf32, #tpu.memory_space<vmem>>, %arg19: memref<128x128xf32, #tpu.memory_space<vmem>>) attributes {dimension_semantics = [#tpu.dimension_semantics<arbitrary>, #tpu.dimension_semantics<arbitrary>], iteration_bounds = array<i64: 2, 5>, scalar_prefetch = 0 : i64, scratch_operands = 3 : i64, tpu.core_type = #tpu.core_type<tc>, window_params = [{transform_indices = @transform_0, window_bounds = array<i64: 2000, 128>}, {transform_indices = @transform_1, window_bounds = array<i64: 2, 2000, 128>}, {transform_indices = @transform_2, window_bounds = array<i64: 2000, 1>}, {pipeline_mode = #tpu.pipeline_mode<synchronous>, transform_indices = @transform_3, window_bounds = array<i64: 128, 128>}, {pipeline_mode = #tpu.pipeline_mode<synchronous>, transform_indices = @transform_4, window_bounds = array<i64: 128, 256>}, {pipeline_mode = #tpu.pipeline_mode<synchronous>, transform_indices = @transform_5, window_bounds = array<i64: 1, 256>}, {pipeline_mode = #tpu.pipeline_mode<synchronous>, transform_indices = @transform_6, window_bounds = array<i64: 256, 128>}, {pipeline_mode = #tpu.pipeline_mode<synchronous>, transform_indices = @transform_7, window_bounds = array<i64: 1, 128>}, {pipeline_mode = #tpu.pipeline_mode<synchronous>, transform_indices = @transform_8, window_bounds = array<i64: 1, 1>}, {pipeline_mode = #tpu.pipeline_mode<synchronous>, transform_indices = @transform_9, window_bounds = array<i64: 128, 256>}, {pipeline_mode = #tpu.pipeline_mode<synchronous>, transform_indices = @transform_10, window_bounds = array<i64: 1, 256>}, {pipeline_mode = #tpu.pipeline_mode<synchronous>, transform_indices = @transform_11, window_bounds = array<i64: 256, 128>}, {pipeline_mode = #tpu.pipeline_mode<synchronous>, transform_indices = @transform_12, window_bounds = array<i64: 1, 128>}, {pipeline_mode = #tpu.pipeline_mode<synchronous>, transform_indices = @transform_13, window_bounds = array<i64: 128, 128>}, {transform_indices = @transform_14, window_bounds = array<i64: 2000, 128>}]} {
    %get3A = arith.constant 0 : index
    %get3A_0 = arith.constant 0 : index
    %get3A_1 = vector.load %arg4[%get3A, %get3A_0] : memref<2000x1xi32, #tpu.memory_space<vmem>>, vector<2000x1xi32>
    %iota3A = tpu.iota {dimensions = array<i32: 1>} : vector<2000x128xi32>
    %eq3A = vector.broadcast %get3A_1 : vector<2000x1xi32> to vector<2000x128xi32>
    %eq3A_2 = arith.cmpi eq, %eq3A, %iota3A : vector<2000x128xi32>
    %convert_element_type3A = arith.extui %eq3A_2 : vector<2000x128xi1> to vector<2000x128xi32>
    %convert_element_type3A_3 = arith.sitofp %convert_element_type3A : vector<2000x128xi32> to vector<2000x128xf32>
    %eq3A_4 = arith.constant 0 : i32
    %eq3A_5 = arith.cmpi eq, %arg0, %eq3A_4 : i32
    %convert_element_type3A_6 = arith.extui %eq3A_5 : i1 to i32
    %cond3A = arith.constant 0 : i32
    %cond3A_7 = arith.cmpi ne, %convert_element_type3A_6, %cond3A : i32
    scf.if %cond3A_7 {
      %get3A_20 = arith.constant 0 : index
      %get3A_21 = arith.constant 0 : index
      %get3A_22 = arith.constant 0 : index
      %get3A_23 = vector.load %arg3[%get3A_20, %get3A_21, %get3A_22] : memref<2x2000x128xf32, #tpu.memory_space<vmem>>, vector<1x2000x128xf32>
      %get3A_24 = vector.shape_cast %get3A_23 : vector<1x2000x128xf32> to vector<2000x128xf32>
      %get3A_25 = arith.constant 1 : index
      %get3A_26 = arith.constant 0 : index
      %get3A_27 = arith.constant 0 : index
      %get3A_28 = vector.load %arg3[%get3A_25, %get3A_26, %get3A_27] : memref<2x2000x128xf32, #tpu.memory_space<vmem>>, vector<1x2000x128xf32>
      %get3A_29 = vector.shape_cast %get3A_28 : vector<1x2000x128xf32> to vector<2000x128xf32>
      %add3A = arith.addf %get3A_24, %get3A_29 : vector<2000x128xf32>
      %get3A_30 = arith.constant 0 : index
      %get3A_31 = arith.constant 0 : index
      %get3A_32 = vector.load %arg2[%get3A_30, %get3A_31] : memref<2000x128xf32, #tpu.memory_space<vmem>>, vector<2000x128xf32>
      %get3A_33 = arith.constant 0 : index
      %get3A_34 = arith.constant 0 : index
      %get3A_35 = vector.load %arg10[%get3A_33, %get3A_34] : memref<1x1xf32, #tpu.memory_space<vmem>>, vector<1x1xf32>
      %mul3A = vector.broadcast %get3A_35 : vector<1x1xf32> to vector<2000x128xf32>
      %mul3A_36 = arith.mulf %get3A_32, %mul3A : vector<2000x128xf32>
      %add3A_37 = arith.addf %mul3A_36, %add3A : vector<2000x128xf32>
      %get3A_38 = arith.constant 0 : index
      %get3A_39 = arith.constant 0 : index
      %get3A_40 = vector.load %arg6[%get3A_38, %get3A_39] : memref<128x256xf32, #tpu.memory_space<vmem>>, vector<128x256xf32>
      %dot_general3A = arith.constant dense<0.000000e+00> : vector<2000x256xf32>
      %dot_general3A_41 = tpu.matmul %add3A_37, %get3A_40, %dot_general3A {dimension_numbers = #tpu.dot_dimension_numbers<[1], [0], [0], [1], [0, 0, 1, 1], [], []>, transpose_lhs_hint = false} : vector<2000x128xf32>, vector<128x256xf32>, vector<2000x256xf32> -> vector<2000x256xf32>
      %get3A_42 = arith.constant 0 : index
      %get3A_43 = arith.constant 0 : index
      %get3A_44 = vector.load %arg7[%get3A_42, %get3A_43] : memref<1x256xf32, #tpu.memory_space<vmem>>, vector<1x256xf32>
      %add3A_45 = vector.broadcast %get3A_44 : vector<1x256xf32> to vector<2000x256xf32>
      %add3A_46 = arith.addf %dot_general3A_41, %add3A_45 : vector<2000x256xf32>
      %max3A = arith.constant 0.000000e+00 : f32
      %max3A_47 = vector.broadcast %max3A : f32 to vector<2000x256xf32>
      %max3A_48 = arith.maximumf %add3A_46, %max3A_47 : vector<2000x256xf32>
      %get3A_49 = arith.constant 0 : index
      %get3A_50 = arith.constant 0 : index
      %get3A_51 = vector.load %arg8[%get3A_49, %get3A_50] : memref<256x128xf32, #tpu.memory_space<vmem>>, vector<256x128xf32>
      %dot_general3A_52 = arith.constant dense<0.000000e+00> : vector<2000x128xf32>
      %dot_general3A_53 = tpu.matmul %max3A_48, %get3A_51, %dot_general3A_52 {dimension_numbers = #tpu.dot_dimension_numbers<[1], [0], [0], [1], [0, 0, 1, 1], [], []>, transpose_lhs_hint = false} : vector<2000x256xf32>, vector<256x128xf32>, vector<2000x128xf32> -> vector<2000x128xf32>
      %get3A_54 = arith.constant 0 : index
      %get3A_55 = arith.constant 0 : index
      %get3A_56 = vector.load %arg9[%get3A_54, %get3A_55] : memref<1x128xf32, #tpu.memory_space<vmem>>, vector<1x128xf32>
      %add3A_57 = vector.broadcast %get3A_56 : vector<1x128xf32> to vector<2000x128xf32>
      %add3A_58 = arith.addf %dot_general3A_53, %add3A_57 : vector<2000x128xf32>
      %max3A_59 = arith.constant 0.000000e+00 : f32
      %max3A_60 = vector.broadcast %max3A_59 : f32 to vector<2000x128xf32>
      %max3A_61 = arith.maximumf %add3A_58, %max3A_60 : vector<2000x128xf32>
      %mul3A_62 = arith.constant 2000 : i32
      %mul3A_63 = arith.muli %arg1, %mul3A_62 : i32
      %swap3A = arith.index_cast %mul3A_63 : i32 to index
      %swap3A_64 = arith.constant 0 : index
      %swap3A_65 = vector.load %arg17[%swap3A, %swap3A_64] : memref<10000x128xf32, #tpu.memory_space<vmem>>, vector<2000x128xf32>
      tpu.vector_store %arg17[%swap3A, %swap3A_64], %max3A_61 {strides = array<i32>} : memref<10000x128xf32, #tpu.memory_space<vmem>>, vector<2000x128xf32>,
      %dot_general3A_66 = arith.constant dense<0.000000e+00> : vector<128x128xf32>
      %dot_general3A_67 = tpu.matmul %convert_element_type3A_3, %max3A_61, %dot_general3A_66 {dimension_numbers = #tpu.dot_dimension_numbers<[0], [0], [1], [1], [0, 1, 1, 1], [], []>, transpose_lhs_hint = false} : vector<2000x128xf32>, vector<2000x128xf32>, vector<128x128xf32> -> vector<128x128xf32>
      %eq3A_68 = arith.constant 0 : i32
      %eq3A_69 = arith.cmpi eq, %arg1, %eq3A_68 : i32
      %convert_element_type3A_70 = arith.extui %eq3A_69 : i1 to i32
      %cond3A_71 = arith.constant 0 : i32
      %cond3A_72 = arith.cmpi ne, %convert_element_type3A_70, %cond3A_71 : i32
      scf.if %cond3A_72 {
        %swap3A_77 = arith.constant 0 : index
        %swap3A_78 = arith.constant 0 : index
        %swap3A_79 = vector.load %arg18[%swap3A_77, %swap3A_78] : memref<128x128xf32, #tpu.memory_space<vmem>>, vector<128x128xf32>
        tpu.vector_store %arg18[%swap3A_77, %swap3A_78], %dot_general3A_67 {strides = array<i32>} : memref<128x128xf32, #tpu.memory_space<vmem>>, vector<128x128xf32>,
      } else {
      }
      %gt3A = arith.constant 0 : i32
      %gt3A_73 = arith.cmpi sgt, %arg1, %gt3A : i32
      %convert_element_type3A_74 = arith.extui %gt3A_73 : i1 to i32
      %cond3A_75 = arith.constant 0 : i32
      %cond3A_76 = arith.cmpi ne, %convert_element_type3A_74, %cond3A_75 : i32
      scf.if %cond3A_76 {
        %get3A_77 = arith.constant 0 : index
        %get3A_78 = arith.constant 0 : index
        %get3A_79 = vector.load %arg18[%get3A_77, %get3A_78] : memref<128x128xf32, #tpu.memory_space<vmem>>, vector<128x128xf32>
        %add3A_80 = arith.addf %get3A_79, %dot_general3A_67 : vector<128x128xf32>
        %swap3A_81 = arith.constant 0 : index
        %swap3A_82 = arith.constant 0 : index
        %swap3A_83 = vector.load %arg18[%swap3A_81, %swap3A_82] : memref<128x128xf32, #tpu.memory_space<vmem>>, vector<128x128xf32>
        tpu.vector_store %arg18[%swap3A_81, %swap3A_82], %add3A_80 {strides = array<i32>} : memref<128x128xf32, #tpu.memory_space<vmem>>, vector<128x128xf32>,
      } else {
      }
    } else {
    }
    %eq3A_8 = arith.constant 1 : i32
    %eq3A_9 = arith.cmpi eq, %arg0, %eq3A_8 : i32
    %eq3A_10 = arith.constant 0 : i32
    %eq3A_11 = arith.cmpi eq, %arg1, %eq3A_10 : i32
    %and3A = arith.andi %eq3A_9, %eq3A_11 : i1
    %convert_element_type3A_12 = arith.extui %and3A : i1 to i32
    %cond3A_13 = arith.constant 0 : i32
    %cond3A_14 = arith.cmpi ne, %convert_element_type3A_12, %cond3A_13 : i32
    scf.if %cond3A_14 {
      %get3A_20 = arith.constant 0 : index
      %get3A_21 = arith.constant 0 : index
      %get3A_22 = vector.load %arg18[%get3A_20, %get3A_21] : memref<128x128xf32, #tpu.memory_space<vmem>>, vector<128x128xf32>
      %get3A_23 = arith.constant 0 : index
      %get3A_24 = arith.constant 0 : index
      %get3A_25 = vector.load %arg5[%get3A_23, %get3A_24] : memref<128x128xf32, #tpu.memory_space<vmem>>, vector<128x128xf32>
      %add3A = arith.addf %get3A_22, %get3A_25 : vector<128x128xf32>
      %get3A_26 = arith.constant 0 : index
      %get3A_27 = arith.constant 0 : index
      %get3A_28 = vector.load %arg11[%get3A_26, %get3A_27] : memref<128x256xf32, #tpu.memory_space<vmem>>, vector<128x256xf32>
      %dot_general3A = arith.constant dense<0.000000e+00> : vector<128x256xf32>
      %dot_general3A_29 = tpu.matmul %add3A, %get3A_28, %dot_general3A {dimension_numbers = #tpu.dot_dimension_numbers<[1], [0], [0], [1], [0, 0, 1, 1], [], []>, transpose_lhs_hint = false} : vector<128x128xf32>, vector<128x256xf32>, vector<128x256xf32> -> vector<128x256xf32>
      %get3A_30 = arith.constant 0 : index
      %get3A_31 = arith.constant 0 : index
      %get3A_32 = vector.load %arg12[%get3A_30, %get3A_31] : memref<1x256xf32, #tpu.memory_space<vmem>>, vector<1x256xf32>
      %add3A_33 = vector.broadcast %get3A_32 : vector<1x256xf32> to vector<128x256xf32>
      %add3A_34 = arith.addf %dot_general3A_29, %add3A_33 : vector<128x256xf32>
      %max3A = arith.constant 0.000000e+00 : f32
      %max3A_35 = vector.broadcast %max3A : f32 to vector<128x256xf32>
      %max3A_36 = arith.maximumf %add3A_34, %max3A_35 : vector<128x256xf32>
      %get3A_37 = arith.constant 0 : index
      %get3A_38 = arith.constant 0 : index
      %get3A_39 = vector.load %arg13[%get3A_37, %get3A_38] : memref<256x128xf32, #tpu.memory_space<vmem>>, vector<256x128xf32>
      %dot_general3A_40 = arith.constant dense<0.000000e+00> : vector<128x128xf32>
      %dot_general3A_41 = tpu.matmul %max3A_36, %get3A_39, %dot_general3A_40 {dimension_numbers = #tpu.dot_dimension_numbers<[1], [0], [0], [1], [0, 0, 1, 1], [], []>, transpose_lhs_hint = false} : vector<128x256xf32>, vector<256x128xf32>, vector<128x128xf32> -> vector<128x128xf32>
      %get3A_42 = arith.constant 0 : index
      %get3A_43 = arith.constant 0 : index
      %get3A_44 = vector.load %arg14[%get3A_42, %get3A_43] : memref<1x128xf32, #tpu.memory_space<vmem>>, vector<1x128xf32>
      %add3A_45 = vector.broadcast %get3A_44 : vector<1x128xf32> to vector<128x128xf32>
      %add3A_46 = arith.addf %dot_general3A_41, %add3A_45 : vector<128x128xf32>
      %max3A_47 = arith.constant 0.000000e+00 : f32
      %max3A_48 = vector.broadcast %max3A_47 : f32 to vector<128x128xf32>
      %max3A_49 = arith.maximumf %add3A_46, %max3A_48 : vector<128x128xf32>
      %swap3A = arith.constant 0 : index
      %swap3A_50 = arith.constant 0 : index
      %swap3A_51 = vector.load %arg19[%swap3A, %swap3A_50] : memref<128x128xf32, #tpu.memory_space<vmem>>, vector<128x128xf32>
      tpu.vector_store %arg19[%swap3A, %swap3A_50], %max3A_49 {strides = array<i32>} : memref<128x128xf32, #tpu.memory_space<vmem>>, vector<128x128xf32>,
      %swap3A_52 = arith.constant 0 : index
      %swap3A_53 = arith.constant 0 : index
      %swap3A_54 = vector.load %arg15[%swap3A_52, %swap3A_53] : memref<128x128xf32, #tpu.memory_space<vmem>>, vector<128x128xf32>
      tpu.vector_store %arg15[%swap3A_52, %swap3A_53], %max3A_49 {strides = array<i32>} : memref<128x128xf32, #tpu.memory_space<vmem>>, vector<128x128xf32>,
    } else {
    }
    %eq3A_15 = arith.constant 1 : i32
    %eq3A_16 = arith.cmpi eq, %arg0, %eq3A_15 : i32
    %convert_element_type3A_17 = arith.extui %eq3A_16 : i1 to i32
    %cond3A_18 = arith.constant 0 : i32
    %cond3A_19 = arith.cmpi ne, %convert_element_type3A_17, %cond3A_18 : i32
    scf.if %cond3A_19 {
      %mul3A = arith.constant 2000 : i32
      %mul3A_20 = arith.muli %arg1, %mul3A : i32
      %get3A_21 = arith.index_cast %mul3A_20 : i32 to index
      %get3A_22 = arith.constant 0 : index
      %get3A_23 = vector.load %arg17[%get3A_21, %get3A_22] : memref<10000x128xf32, #tpu.memory_space<vmem>>, vector<2000x128xf32>
      %get3A_24 = arith.constant 0 : index
      %get3A_25 = arith.constant 0 : index
      %get3A_26 = vector.load %arg19[%get3A_24, %get3A_25] : memref<128x128xf32, #tpu.memory_space<vmem>>, vector<128x128xf32>
      %dot_general3A = arith.constant dense<0.000000e+00> : vector<2000x128xf32>
      %dot_general3A_27 = tpu.matmul %convert_element_type3A_3, %get3A_26, %dot_general3A {dimension_numbers = #tpu.dot_dimension_numbers<[1], [0], [0], [1], [0, 0, 1, 1], [], []>, transpose_lhs_hint = false} : vector<2000x128xf32>, vector<128x128xf32>, vector<2000x128xf32> -> vector<2000x128xf32>
      %add3A = arith.addf %get3A_23, %dot_general3A_27 : vector<2000x128xf32>
      %swap3A = arith.constant 0 : index
      %swap3A_28 = arith.constant 0 : index
      %swap3A_29 = vector.load %arg16[%swap3A, %swap3A_28] : memref<2000x128xf32, #tpu.memory_space<vmem>>, vector<2000x128xf32>
      tpu.vector_store %arg16[%swap3A, %swap3A_28], %add3A {strides = array<i32>} : memref<2000x128xf32, #tpu.memory_space<vmem>>, vector<2000x128xf32>,
    } else {
    }
    return
  }
  func.func @transform_0(%arg0: i32, %arg1: i32) -> (i32, i32) {
    %eq3A = arith.constant 0 : i32
    %eq3A_0 = arith.cmpi eq, %arg0, %eq3A : i32
    %jit3A = arith.constant 0 : i32
    %select_n3A = arith.select %eq3A_0, %arg1, %jit3A : i32
    %c0_i32 = arith.constant 0 : i32
    %c0_i32_1 = arith.constant 0 : i32
    return %select_n3A, %c0_i32 : i32, i32
  }
  func.func @transform_1(%arg0: i32, %arg1: i32) -> (i32, i32, i32) {
    %eq3A = arith.constant 0 : i32
    %eq3A_0 = arith.cmpi eq, %arg0, %eq3A : i32
    %jit3A = arith.constant 0 : i32
    %select_n3A = arith.select %eq3A_0, %arg1, %jit3A : i32
    %c0_i32 = arith.constant 0 : i32
    %c0_i32_1 = arith.constant 0 : i32
    %c0_i32_2 = arith.constant 0 : i32
    return %c0_i32, %select_n3A, %c0_i32_1 : i32, i32, i32
  }
  func.func @transform_2(%arg0: i32, %arg1: i32) -> (i32, i32) {
    %c0_i32 = arith.constant 0 : i32
    %c0_i32_0 = arith.constant 0 : i32
    return %arg1, %c0_i32 : i32, i32
  }
  func.func @transform_3(%arg0: i32, %arg1: i32) -> (i32, i32) {
    %c0_i32 = arith.constant 0 : i32
    %c0_i32_0 = arith.constant 0 : i32
    %c0_i32_1 = arith.constant 0 : i32
    return %c0_i32, %c0_i32_0 : i32, i32
  }
  func.func @transform_4(%arg0: i32, %arg1: i32) -> (i32, i32) {
    %c0_i32 = arith.constant 0 : i32
    %c0_i32_0 = arith.constant 0 : i32
    %c0_i32_1 = arith.constant 0 : i32
    return %c0_i32, %c0_i32_0 : i32, i32
  }
  func.func @transform_5(%arg0: i32, %arg1: i32) -> (i32, i32) {
    %c0_i32 = arith.constant 0 : i32
    %c0_i32_0 = arith.constant 0 : i32
    %c0_i32_1 = arith.constant 0 : i32
    return %c0_i32, %c0_i32_0 : i32, i32
  }
  func.func @transform_6(%arg0: i32, %arg1: i32) -> (i32, i32) {
    %c0_i32 = arith.constant 0 : i32
    %c0_i32_0 = arith.constant 0 : i32
    %c0_i32_1 = arith.constant 0 : i32
    return %c0_i32, %c0_i32_0 : i32, i32
  }
  func.func @transform_7(%arg0: i32, %arg1: i32) -> (i32, i32) {
    %c0_i32 = arith.constant 0 : i32
    %c0_i32_0 = arith.constant 0 : i32
    %c0_i32_1 = arith.constant 0 : i32
    return %c0_i32, %c0_i32_0 : i32, i32
  }
  func.func @transform_8(%arg0: i32, %arg1: i32) -> (i32, i32) {
    %c0_i32 = arith.constant 0 : i32
    %c0_i32_0 = arith.constant 0 : i32
    %c0_i32_1 = arith.constant 0 : i32
    return %c0_i32, %c0_i32_0 : i32, i32
  }
  func.func @transform_9(%arg0: i32, %arg1: i32) -> (i32, i32) {
    %c0_i32 = arith.constant 0 : i32
    %c0_i32_0 = arith.constant 0 : i32
    %c0_i32_1 = arith.constant 0 : i32
    return %c0_i32, %c0_i32_0 : i32, i32
  }
  func.func @transform_10(%arg0: i32, %arg1: i32) -> (i32, i32) {
    %c0_i32 = arith.constant 0 : i32
    %c0_i32_0 = arith.constant 0 : i32
    %c0_i32_1 = arith.constant 0 : i32
    return %c0_i32, %c0_i32_0 : i32, i32
  }
  func.func @transform_11(%arg0: i32, %arg1: i32) -> (i32, i32) {
    %c0_i32 = arith.constant 0 : i32
    %c0_i32_0 = arith.constant 0 : i32
    %c0_i32_1 = arith.constant 0 : i32
    return %c0_i32, %c0_i32_0 : i32, i32
  }
  func.func @transform_12(%arg0: i32, %arg1: i32) -> (i32, i32) {
    %c0_i32 = arith.constant 0 : i32
    %c0_i32_0 = arith.constant 0 : i32
    %c0_i32_1 = arith.constant 0 : i32
    return %c0_i32, %c0_i32_0 : i32, i32
  }
  func.func @transform_13(%arg0: i32, %arg1: i32) -> (i32, i32) {
    %c0_i32 = arith.constant 0 : i32
    %c0_i32_0 = arith.constant 0 : i32
    %c0_i32_1 = arith.constant 0 : i32
    return %c0_i32, %c0_i32_0 : i32, i32
  }
  func.func @transform_14(%arg0: i32, %arg1: i32) -> (i32, i32) {
    %eq3A = arith.constant 1 : i32
    %eq3A_0 = arith.cmpi eq, %arg0, %eq3A : i32
    %jit3A = arith.constant 0 : i32
    %select_n3A = arith.select %eq3A_0, %arg1, %jit3A : i32
    %c0_i32 = arith.constant 0 : i32
    %c0_i32_1 = arith.constant 0 : i32
    return %select_n3A, %c0_i32 : i32, i32
  }
}

module attributes {stable_mosaic.version = 14 : i64} {
  func.func @_layer_body(%arg0: i32, %arg1: i32, %arg2: memref<2000x128xf32, #tpu.memory_space<vmem>>, %arg3: memref<2x2000x128xf32, #tpu.memory_space<vmem>>, %arg4: memref<2000x1xi32, #tpu.memory_space<vmem>>, %arg5: memref<128x128xf32, #tpu.memory_space<vmem>>, %arg6: memref<128x256xf32, #tpu.memory_space<vmem>>, %arg7: memref<1x256xf32, #tpu.memory_space<vmem>>, %arg8: memref<256x128xf32, #tpu.memory_space<vmem>>, %arg9: memref<1x128xf32, #tpu.memory_space<vmem>>, %arg10: memref<1x1xf32, #tpu.memory_space<vmem>>, %arg11: memref<128x256xf32, #tpu.memory_space<vmem>>, %arg12: memref<1x256xf32, #tpu.memory_space<vmem>>, %arg13: memref<256x128xf32, #tpu.memory_space<vmem>>, %arg14: memref<1x128xf32, #tpu.memory_space<vmem>>, %arg15: memref<128x128xf32, #tpu.memory_space<vmem>>, %arg16: memref<2000x128xf32, #tpu.memory_space<vmem>>, %arg17: memref<10000x128xf32, #tpu.memory_space<vmem>>, %arg18: memref<128x128xf32, #tpu.memory_space<vmem>>, %arg19: memref<128x128xf32, #tpu.memory_space<vmem>>) attributes {dimension_semantics = [#tpu.dimension_semantics<arbitrary>, #tpu.dimension_semantics<arbitrary>], iteration_bounds = array<i64: 2, 5>, scalar_prefetch = 0 : i64, scratch_operands = 3 : i64, tpu.core_type = #tpu.core_type<tc>, window_params = [{transform_indices = @transform_0, window_bounds = array<i64: 2000, 128>}, {transform_indices = @transform_1, window_bounds = array<i64: 2, 2000, 128>}, {transform_indices = @transform_2, window_bounds = array<i64: 2000, 1>}, {pipeline_mode = #tpu.pipeline_mode<synchronous>, transform_indices = @transform_3, window_bounds = array<i64: 128, 128>}, {pipeline_mode = #tpu.pipeline_mode<synchronous>, transform_indices = @transform_4, window_bounds = array<i64: 128, 256>}, {pipeline_mode = #tpu.pipeline_mode<synchronous>, transform_indices = @transform_5, window_bounds = array<i64: 1, 256>}, {pipeline_mode = #tpu.pipeline_mode<synchronous>, transform_indices = @transform_6, window_bounds = array<i64: 256, 128>}, {pipeline_mode = #tpu.pipeline_mode<synchronous>, transform_indices = @transform_7, window_bounds = array<i64: 1, 128>}, {pipeline_mode = #tpu.pipeline_mode<synchronous>, transform_indices = @transform_8, window_bounds = array<i64: 1, 1>}, {pipeline_mode = #tpu.pipeline_mode<synchronous>, transform_indices = @transform_9, window_bounds = array<i64: 128, 256>}, {pipeline_mode = #tpu.pipeline_mode<synchronous>, transform_indices = @transform_10, window_bounds = array<i64: 1, 256>}, {pipeline_mode = #tpu.pipeline_mode<synchronous>, transform_indices = @transform_11, window_bounds = array<i64: 256, 128>}, {pipeline_mode = #tpu.pipeline_mode<synchronous>, transform_indices = @transform_12, window_bounds = array<i64: 1, 128>}, {pipeline_mode = #tpu.pipeline_mode<synchronous>, transform_indices = @transform_13, window_bounds = array<i64: 128, 128>}, {transform_indices = @transform_14, window_bounds = array<i64: 2000, 128>}]} {
    %get3A = arith.constant 0 : index
    %get3A_0 = arith.constant 0 : index
    %get3A_1 = vector.load %arg4[%get3A, %get3A_0] : memref<2000x1xi32, #tpu.memory_space<vmem>>, vector<2000x1xi32>
    %iota3A = tpu.iota {dimensions = array<i32: 1>} : vector<2000x128xi32>
    %eq3A = vector.broadcast %get3A_1 : vector<2000x1xi32> to vector<2000x128xi32>
    %eq3A_2 = arith.cmpi eq, %eq3A, %iota3A : vector<2000x128xi32>
    %convert_element_type3A = arith.extui %eq3A_2 : vector<2000x128xi1> to vector<2000x128xi32>
    %convert_element_type3A_3 = arith.sitofp %convert_element_type3A : vector<2000x128xi32> to vector<2000x128xf32>
    %eq3A_4 = arith.constant 0 : i32
    %eq3A_5 = arith.cmpi eq, %arg0, %eq3A_4 : i32
    %convert_element_type3A_6 = arith.extui %eq3A_5 : i1 to i32
    %cond3A = arith.constant 0 : i32
    %cond3A_7 = arith.cmpi ne, %convert_element_type3A_6, %cond3A : i32
    scf.if %cond3A_7 {
      %get3A_20 = arith.constant 0 : index
      %get3A_21 = arith.constant 0 : index
      %get3A_22 = arith.constant 0 : index
      %get3A_23 = vector.load %arg3[%get3A_20, %get3A_21, %get3A_22] : memref<2x2000x128xf32, #tpu.memory_space<vmem>>, vector<1x2000x128xf32>
      %get3A_24 = vector.shape_cast %get3A_23 : vector<1x2000x128xf32> to vector<2000x128xf32>
      %get3A_25 = arith.constant 1 : index
      %get3A_26 = arith.constant 0 : index
      %get3A_27 = arith.constant 0 : index
      %get3A_28 = vector.load %arg3[%get3A_25, %get3A_26, %get3A_27] : memref<2x2000x128xf32, #tpu.memory_space<vmem>>, vector<1x2000x128xf32>
      %get3A_29 = vector.shape_cast %get3A_28 : vector<1x2000x128xf32> to vector<2000x128xf32>
      %add3A = arith.addf %get3A_24, %get3A_29 : vector<2000x128xf32>
      %get3A_30 = arith.constant 0 : index
      %get3A_31 = arith.constant 0 : index
      %get3A_32 = vector.load %arg2[%get3A_30, %get3A_31] : memref<2000x128xf32, #tpu.memory_space<vmem>>, vector<2000x128xf32>
      %get3A_33 = arith.constant 0 : index
      %get3A_34 = arith.constant 0 : index
      %get3A_35 = vector.load %arg10[%get3A_33, %get3A_34] : memref<1x1xf32, #tpu.memory_space<vmem>>, vector<1x1xf32>
      %mul3A = vector.broadcast %get3A_35 : vector<1x1xf32> to vector<2000x128xf32>
      %mul3A_36 = arith.mulf %get3A_32, %mul3A : vector<2000x128xf32>
      %add3A_37 = arith.addf %mul3A_36, %add3A : vector<2000x128xf32>
      %get3A_38 = arith.constant 0 : index
      %get3A_39 = arith.constant 0 : index
      %get3A_40 = vector.load %arg6[%get3A_38, %get3A_39] : memref<128x256xf32, #tpu.memory_space<vmem>>, vector<128x256xf32>
      %dot_general3A = arith.constant dense<0.000000e+00> : vector<2000x256xf32>
      %dot_general3A_41 = tpu.matmul %add3A_37, %get3A_40, %dot_general3A {dimension_numbers = #tpu.dot_dimension_numbers<[1], [0], [0], [1], [0, 0, 1, 1], [], []>, transpose_lhs_hint = false} : vector<2000x128xf32>, vector<128x256xf32>, vector<2000x256xf32> -> vector<2000x256xf32>
      %get3A_42 = arith.constant 0 : index
      %get3A_43 = arith.constant 0 : index
      %get3A_44 = vector.load %arg7[%get3A_42, %get3A_43] : memref<1x256xf32, #tpu.memory_space<vmem>>, vector<1x256xf32>
      %add3A_45 = vector.broadcast %get3A_44 : vector<1x256xf32> to vector<2000x256xf32>
      %add3A_46 = arith.addf %dot_general3A_41, %add3A_45 : vector<2000x256xf32>
      %max3A = arith.constant 0.000000e+00 : f32
      %max3A_47 = vector.broadcast %max3A : f32 to vector<2000x256xf32>
      %max3A_48 = arith.maximumf %add3A_46, %max3A_47 : vector<2000x256xf32>
      %get3A_49 = arith.constant 0 : index
      %get3A_50 = arith.constant 0 : index
      %get3A_51 = vector.load %arg8[%get3A_49, %get3A_50] : memref<256x128xf32, #tpu.memory_space<vmem>>, vector<256x128xf32>
      %dot_general3A_52 = arith.constant dense<0.000000e+00> : vector<2000x128xf32>
      %dot_general3A_53 = tpu.matmul %max3A_48, %get3A_51, %dot_general3A_52 {dimension_numbers = #tpu.dot_dimension_numbers<[1], [0], [0], [1], [0, 0, 1, 1], [], []>, transpose_lhs_hint = false} : vector<2000x256xf32>, vector<256x128xf32>, vector<2000x128xf32> -> vector<2000x128xf32>
      %get3A_54 = arith.constant 0 : index
      %get3A_55 = arith.constant 0 : index
      %get3A_56 = vector.load %arg9[%get3A_54, %get3A_55] : memref<1x128xf32, #tpu.memory_space<vmem>>, vector<1x128xf32>
      %add3A_57 = vector.broadcast %get3A_56 : vector<1x128xf32> to vector<2000x128xf32>
      %add3A_58 = arith.addf %dot_general3A_53, %add3A_57 : vector<2000x128xf32>
      %max3A_59 = arith.constant 0.000000e+00 : f32
      %max3A_60 = vector.broadcast %max3A_59 : f32 to vector<2000x128xf32>
      %max3A_61 = arith.maximumf %add3A_58, %max3A_60 : vector<2000x128xf32>
      %mul3A_62 = arith.constant 2000 : i32
      %mul3A_63 = arith.muli %arg1, %mul3A_62 : i32
      %swap3A = arith.index_cast %mul3A_63 : i32 to index
      %swap3A_64 = arith.constant 0 : index
      %swap3A_65 = vector.load %arg17[%swap3A, %swap3A_64] : memref<10000x128xf32, #tpu.memory_space<vmem>>, vector<2000x128xf32>
      tpu.vector_store %arg17[%swap3A, %swap3A_64], %max3A_61 {strides = array<i32>} : memref<10000x128xf32, #tpu.memory_space<vmem>>, vector<2000x128xf32>,
      %dot_general3A_66 = arith.constant dense<0.000000e+00> : vector<128x128xf32>
      %dot_general3A_67 = tpu.matmul %convert_element_type3A_3, %max3A_61, %dot_general3A_66 {dimension_numbers = #tpu.dot_dimension_numbers<[0], [0], [1], [1], [0, 1, 1, 1], [], []>, transpose_lhs_hint = false} : vector<2000x128xf32>, vector<2000x128xf32>, vector<128x128xf32> -> vector<128x128xf32>
      %eq3A_68 = arith.constant 0 : i32
      %eq3A_69 = arith.cmpi eq, %arg1, %eq3A_68 : i32
      %convert_element_type3A_70 = arith.extui %eq3A_69 : i1 to i32
      %cond3A_71 = arith.constant 0 : i32
      %cond3A_72 = arith.cmpi ne, %convert_element_type3A_70, %cond3A_71 : i32
      scf.if %cond3A_72 {
        %swap3A_77 = arith.constant 0 : index
        %swap3A_78 = arith.constant 0 : index
        %swap3A_79 = vector.load %arg18[%swap3A_77, %swap3A_78] : memref<128x128xf32, #tpu.memory_space<vmem>>, vector<128x128xf32>
        tpu.vector_store %arg18[%swap3A_77, %swap3A_78], %dot_general3A_67 {strides = array<i32>} : memref<128x128xf32, #tpu.memory_space<vmem>>, vector<128x128xf32>,
      } else {
      }
      %gt3A = arith.constant 0 : i32
      %gt3A_73 = arith.cmpi sgt, %arg1, %gt3A : i32
      %convert_element_type3A_74 = arith.extui %gt3A_73 : i1 to i32
      %cond3A_75 = arith.constant 0 : i32
      %cond3A_76 = arith.cmpi ne, %convert_element_type3A_74, %cond3A_75 : i32
      scf.if %cond3A_76 {
        %get3A_77 = arith.constant 0 : index
        %get3A_78 = arith.constant 0 : index
        %get3A_79 = vector.load %arg18[%get3A_77, %get3A_78] : memref<128x128xf32, #tpu.memory_space<vmem>>, vector<128x128xf32>
        %add3A_80 = arith.addf %get3A_79, %dot_general3A_67 : vector<128x128xf32>
        %swap3A_81 = arith.constant 0 : index
        %swap3A_82 = arith.constant 0 : index
        %swap3A_83 = vector.load %arg18[%swap3A_81, %swap3A_82] : memref<128x128xf32, #tpu.memory_space<vmem>>, vector<128x128xf32>
        tpu.vector_store %arg18[%swap3A_81, %swap3A_82], %add3A_80 {strides = array<i32>} : memref<128x128xf32, #tpu.memory_space<vmem>>, vector<128x128xf32>,
      } else {
      }
    } else {
    }
    %eq3A_8 = arith.constant 1 : i32
    %eq3A_9 = arith.cmpi eq, %arg0, %eq3A_8 : i32
    %eq3A_10 = arith.constant 0 : i32
    %eq3A_11 = arith.cmpi eq, %arg1, %eq3A_10 : i32
    %and3A = arith.andi %eq3A_9, %eq3A_11 : i1
    %convert_element_type3A_12 = arith.extui %and3A : i1 to i32
    %cond3A_13 = arith.constant 0 : i32
    %cond3A_14 = arith.cmpi ne, %convert_element_type3A_12, %cond3A_13 : i32
    scf.if %cond3A_14 {
      %get3A_20 = arith.constant 0 : index
      %get3A_21 = arith.constant 0 : index
      %get3A_22 = vector.load %arg18[%get3A_20, %get3A_21] : memref<128x128xf32, #tpu.memory_space<vmem>>, vector<128x128xf32>
      %get3A_23 = arith.constant 0 : index
      %get3A_24 = arith.constant 0 : index
      %get3A_25 = vector.load %arg5[%get3A_23, %get3A_24] : memref<128x128xf32, #tpu.memory_space<vmem>>, vector<128x128xf32>
      %add3A = arith.addf %get3A_22, %get3A_25 : vector<128x128xf32>
      %get3A_26 = arith.constant 0 : index
      %get3A_27 = arith.constant 0 : index
      %get3A_28 = vector.load %arg11[%get3A_26, %get3A_27] : memref<128x256xf32, #tpu.memory_space<vmem>>, vector<128x256xf32>
      %dot_general3A = arith.constant dense<0.000000e+00> : vector<128x256xf32>
      %dot_general3A_29 = tpu.matmul %add3A, %get3A_28, %dot_general3A {dimension_numbers = #tpu.dot_dimension_numbers<[1], [0], [0], [1], [0, 0, 1, 1], [], []>, transpose_lhs_hint = false} : vector<128x128xf32>, vector<128x256xf32>, vector<128x256xf32> -> vector<128x256xf32>
      %get3A_30 = arith.constant 0 : index
      %get3A_31 = arith.constant 0 : index
      %get3A_32 = vector.load %arg12[%get3A_30, %get3A_31] : memref<1x256xf32, #tpu.memory_space<vmem>>, vector<1x256xf32>
      %add3A_33 = vector.broadcast %get3A_32 : vector<1x256xf32> to vector<128x256xf32>
      %add3A_34 = arith.addf %dot_general3A_29, %add3A_33 : vector<128x256xf32>
      %max3A = arith.constant 0.000000e+00 : f32
      %max3A_35 = vector.broadcast %max3A : f32 to vector<128x256xf32>
      %max3A_36 = arith.maximumf %add3A_34, %max3A_35 : vector<128x256xf32>
      %get3A_37 = arith.constant 0 : index
      %get3A_38 = arith.constant 0 : index
      %get3A_39 = vector.load %arg13[%get3A_37, %get3A_38] : memref<256x128xf32, #tpu.memory_space<vmem>>, vector<256x128xf32>
      %dot_general3A_40 = arith.constant dense<0.000000e+00> : vector<128x128xf32>
      %dot_general3A_41 = tpu.matmul %max3A_36, %get3A_39, %dot_general3A_40 {dimension_numbers = #tpu.dot_dimension_numbers<[1], [0], [0], [1], [0, 0, 1, 1], [], []>, transpose_lhs_hint = false} : vector<128x256xf32>, vector<256x128xf32>, vector<128x128xf32> -> vector<128x128xf32>
      %get3A_42 = arith.constant 0 : index
      %get3A_43 = arith.constant 0 : index
      %get3A_44 = vector.load %arg14[%get3A_42, %get3A_43] : memref<1x128xf32, #tpu.memory_space<vmem>>, vector<1x128xf32>
      %add3A_45 = vector.broadcast %get3A_44 : vector<1x128xf32> to vector<128x128xf32>
      %add3A_46 = arith.addf %dot_general3A_41, %add3A_45 : vector<128x128xf32>
      %max3A_47 = arith.constant 0.000000e+00 : f32
      %max3A_48 = vector.broadcast %max3A_47 : f32 to vector<128x128xf32>
      %max3A_49 = arith.maximumf %add3A_46, %max3A_48 : vector<128x128xf32>
      %swap3A = arith.constant 0 : index
      %swap3A_50 = arith.constant 0 : index
      %swap3A_51 = vector.load %arg19[%swap3A, %swap3A_50] : memref<128x128xf32, #tpu.memory_space<vmem>>, vector<128x128xf32>
      tpu.vector_store %arg19[%swap3A, %swap3A_50], %max3A_49 {strides = array<i32>} : memref<128x128xf32, #tpu.memory_space<vmem>>, vector<128x128xf32>,
      %swap3A_52 = arith.constant 0 : index
      %swap3A_53 = arith.constant 0 : index
      %swap3A_54 = vector.load %arg15[%swap3A_52, %swap3A_53] : memref<128x128xf32, #tpu.memory_space<vmem>>, vector<128x128xf32>
      tpu.vector_store %arg15[%swap3A_52, %swap3A_53], %max3A_49 {strides = array<i32>} : memref<128x128xf32, #tpu.memory_space<vmem>>, vector<128x128xf32>,
    } else {
    }
    %eq3A_15 = arith.constant 1 : i32
    %eq3A_16 = arith.cmpi eq, %arg0, %eq3A_15 : i32
    %convert_element_type3A_17 = arith.extui %eq3A_16 : i1 to i32
    %cond3A_18 = arith.constant 0 : i32
    %cond3A_19 = arith.cmpi ne, %convert_element_type3A_17, %cond3A_18 : i32
    scf.if %cond3A_19 {
      %mul3A = arith.constant 2000 : i32
      %mul3A_20 = arith.muli %arg1, %mul3A : i32
      %get3A_21 = arith.index_cast %mul3A_20 : i32 to index
      %get3A_22 = arith.constant 0 : index
      %get3A_23 = vector.load %arg17[%get3A_21, %get3A_22] : memref<10000x128xf32, #tpu.memory_space<vmem>>, vector<2000x128xf32>
      %get3A_24 = arith.constant 0 : index
      %get3A_25 = arith.constant 0 : index
      %get3A_26 = vector.load %arg19[%get3A_24, %get3A_25] : memref<128x128xf32, #tpu.memory_space<vmem>>, vector<128x128xf32>
      %dot_general3A = arith.constant dense<0.000000e+00> : vector<2000x128xf32>
      %dot_general3A_27 = tpu.matmul %convert_element_type3A_3, %get3A_26, %dot_general3A {dimension_numbers = #tpu.dot_dimension_numbers<[1], [0], [0], [1], [0, 0, 1, 1], [], []>, transpose_lhs_hint = false} : vector<2000x128xf32>, vector<128x128xf32>, vector<2000x128xf32> -> vector<2000x128xf32>
      %add3A = arith.addf %get3A_23, %dot_general3A_27 : vector<2000x128xf32>
      %swap3A = arith.constant 0 : index
      %swap3A_28 = arith.constant 0 : index
      %swap3A_29 = vector.load %arg16[%swap3A, %swap3A_28] : memref<2000x128xf32, #tpu.memory_space<vmem>>, vector<2000x128xf32>
      tpu.vector_store %arg16[%swap3A, %swap3A_28], %add3A {strides = array<i32>} : memref<2000x128xf32, #tpu.memory_space<vmem>>, vector<2000x128xf32>,
    } else {
    }
    return
  }
  func.func @transform_0(%arg0: i32, %arg1: i32) -> (i32, i32) {
    %eq3A = arith.constant 0 : i32
    %eq3A_0 = arith.cmpi eq, %arg0, %eq3A : i32
    %jit3A = arith.constant 0 : i32
    %select_n3A = arith.select %eq3A_0, %arg1, %jit3A : i32
    %c0_i32 = arith.constant 0 : i32
    %c0_i32_1 = arith.constant 0 : i32
    return %select_n3A, %c0_i32 : i32, i32
  }
  func.func @transform_1(%arg0: i32, %arg1: i32) -> (i32, i32, i32) {
    %eq3A = arith.constant 0 : i32
    %eq3A_0 = arith.cmpi eq, %arg0, %eq3A : i32
    %jit3A = arith.constant 0 : i32
    %select_n3A = arith.select %eq3A_0, %arg1, %jit3A : i32
    %c0_i32 = arith.constant 0 : i32
    %c0_i32_1 = arith.constant 0 : i32
    %c0_i32_2 = arith.constant 0 : i32
    return %c0_i32, %select_n3A, %c0_i32_1 : i32, i32, i32
  }
  func.func @transform_2(%arg0: i32, %arg1: i32) -> (i32, i32) {
    %c0_i32 = arith.constant 0 : i32
    %c0_i32_0 = arith.constant 0 : i32
    return %arg1, %c0_i32 : i32, i32
  }
  func.func @transform_3(%arg0: i32, %arg1: i32) -> (i32, i32) {
    %c0_i32 = arith.constant 0 : i32
    %c0_i32_0 = arith.constant 0 : i32
    %c0_i32_1 = arith.constant 0 : i32
    return %c0_i32, %c0_i32_0 : i32, i32
  }
  func.func @transform_4(%arg0: i32, %arg1: i32) -> (i32, i32) {
    %c0_i32 = arith.constant 0 : i32
    %c0_i32_0 = arith.constant 0 : i32
    %c0_i32_1 = arith.constant 0 : i32
    return %c0_i32, %c0_i32_0 : i32, i32
  }
  func.func @transform_5(%arg0: i32, %arg1: i32) -> (i32, i32) {
    %c0_i32 = arith.constant 0 : i32
    %c0_i32_0 = arith.constant 0 : i32
    %c0_i32_1 = arith.constant 0 : i32
    return %c0_i32, %c0_i32_0 : i32, i32
  }
  func.func @transform_6(%arg0: i32, %arg1: i32) -> (i32, i32) {
    %c0_i32 = arith.constant 0 : i32
    %c0_i32_0 = arith.constant 0 : i32
    %c0_i32_1 = arith.constant 0 : i32
    return %c0_i32, %c0_i32_0 : i32, i32
  }
  func.func @transform_7(%arg0: i32, %arg1: i32) -> (i32, i32) {
    %c0_i32 = arith.constant 0 : i32
    %c0_i32_0 = arith.constant 0 : i32
    %c0_i32_1 = arith.constant 0 : i32
    return %c0_i32, %c0_i32_0 : i32, i32
  }
  func.func @transform_8(%arg0: i32, %arg1: i32) -> (i32, i32) {
    %c0_i32 = arith.constant 0 : i32
    %c0_i32_0 = arith.constant 0 : i32
    %c0_i32_1 = arith.constant 0 : i32
    return %c0_i32, %c0_i32_0 : i32, i32
  }
  func.func @transform_9(%arg0: i32, %arg1: i32) -> (i32, i32) {
    %c0_i32 = arith.constant 0 : i32
    %c0_i32_0 = arith.constant 0 : i32
    %c0_i32_1 = arith.constant 0 : i32
    return %c0_i32, %c0_i32_0 : i32, i32
  }
  func.func @transform_10(%arg0: i32, %arg1: i32) -> (i32, i32) {
    %c0_i32 = arith.constant 0 : i32
    %c0_i32_0 = arith.constant 0 : i32
    %c0_i32_1 = arith.constant 0 : i32
    return %c0_i32, %c0_i32_0 : i32, i32
  }
  func.func @transform_11(%arg0: i32, %arg1: i32) -> (i32, i32) {
    %c0_i32 = arith.constant 0 : i32
    %c0_i32_0 = arith.constant 0 : i32
    %c0_i32_1 = arith.constant 0 : i32
    return %c0_i32, %c0_i32_0 : i32, i32
  }
  func.func @transform_12(%arg0: i32, %arg1: i32) -> (i32, i32) {
    %c0_i32 = arith.constant 0 : i32
    %c0_i32_0 = arith.constant 0 : i32
    %c0_i32_1 = arith.constant 0 : i32
    return %c0_i32, %c0_i32_0 : i32, i32
  }
  func.func @transform_13(%arg0: i32, %arg1: i32) -> (i32, i32) {
    %c0_i32 = arith.constant 0 : i32
    %c0_i32_0 = arith.constant 0 : i32
    %c0_i32_1 = arith.constant 0 : i32
    return %c0_i32, %c0_i32_0 : i32, i32
  }
  func.func @transform_14(%arg0: i32, %arg1: i32) -> (i32, i32) {
    %eq3A = arith.constant 1 : i32
    %eq3A_0 = arith.cmpi eq, %arg0, %eq3A : i32
    %jit3A = arith.constant 0 : i32
    %select_n3A = arith.select %eq3A_0, %arg1, %jit3A : i32
    %c0_i32 = arith.constant 0 : i32
    %c0_i32_1 = arith.constant 0 : i32
    return %select_n3A, %c0_i32 : i32, i32
  }
}

module attributes {stable_mosaic.version = 14 : i64} {
  func.func @_layer_body(%arg0: i32, %arg1: i32, %arg2: memref<2000x128xf32, #tpu.memory_space<vmem>>, %arg3: memref<2x2000x128xf32, #tpu.memory_space<vmem>>, %arg4: memref<2000x1xi32, #tpu.memory_space<vmem>>, %arg5: memref<128x128xf32, #tpu.memory_space<vmem>>, %arg6: memref<128x256xf32, #tpu.memory_space<vmem>>, %arg7: memref<1x256xf32, #tpu.memory_space<vmem>>, %arg8: memref<256x128xf32, #tpu.memory_space<vmem>>, %arg9: memref<1x128xf32, #tpu.memory_space<vmem>>, %arg10: memref<1x1xf32, #tpu.memory_space<vmem>>, %arg11: memref<128x256xf32, #tpu.memory_space<vmem>>, %arg12: memref<1x256xf32, #tpu.memory_space<vmem>>, %arg13: memref<256x128xf32, #tpu.memory_space<vmem>>, %arg14: memref<1x128xf32, #tpu.memory_space<vmem>>, %arg15: memref<128x128xf32, #tpu.memory_space<vmem>>, %arg16: memref<2000x128xf32, #tpu.memory_space<vmem>>, %arg17: memref<10000x128xf32, #tpu.memory_space<vmem>>, %arg18: memref<128x128xf32, #tpu.memory_space<vmem>>, %arg19: memref<128x128xf32, #tpu.memory_space<vmem>>) attributes {dimension_semantics = [#tpu.dimension_semantics<arbitrary>, #tpu.dimension_semantics<arbitrary>], iteration_bounds = array<i64: 2, 5>, scalar_prefetch = 0 : i64, scratch_operands = 3 : i64, tpu.core_type = #tpu.core_type<tc>, window_params = [{transform_indices = @transform_0, window_bounds = array<i64: 2000, 128>}, {transform_indices = @transform_1, window_bounds = array<i64: 2, 2000, 128>}, {transform_indices = @transform_2, window_bounds = array<i64: 2000, 1>}, {pipeline_mode = #tpu.pipeline_mode<synchronous>, transform_indices = @transform_3, window_bounds = array<i64: 128, 128>}, {pipeline_mode = #tpu.pipeline_mode<synchronous>, transform_indices = @transform_4, window_bounds = array<i64: 128, 256>}, {pipeline_mode = #tpu.pipeline_mode<synchronous>, transform_indices = @transform_5, window_bounds = array<i64: 1, 256>}, {pipeline_mode = #tpu.pipeline_mode<synchronous>, transform_indices = @transform_6, window_bounds = array<i64: 256, 128>}, {pipeline_mode = #tpu.pipeline_mode<synchronous>, transform_indices = @transform_7, window_bounds = array<i64: 1, 128>}, {pipeline_mode = #tpu.pipeline_mode<synchronous>, transform_indices = @transform_8, window_bounds = array<i64: 1, 1>}, {pipeline_mode = #tpu.pipeline_mode<synchronous>, transform_indices = @transform_9, window_bounds = array<i64: 128, 256>}, {pipeline_mode = #tpu.pipeline_mode<synchronous>, transform_indices = @transform_10, window_bounds = array<i64: 1, 256>}, {pipeline_mode = #tpu.pipeline_mode<synchronous>, transform_indices = @transform_11, window_bounds = array<i64: 256, 128>}, {pipeline_mode = #tpu.pipeline_mode<synchronous>, transform_indices = @transform_12, window_bounds = array<i64: 1, 128>}, {pipeline_mode = #tpu.pipeline_mode<synchronous>, transform_indices = @transform_13, window_bounds = array<i64: 128, 128>}, {transform_indices = @transform_14, window_bounds = array<i64: 2000, 128>}]} {
    %get3A = arith.constant 0 : index
    %get3A_0 = arith.constant 0 : index
    %get3A_1 = vector.load %arg4[%get3A, %get3A_0] : memref<2000x1xi32, #tpu.memory_space<vmem>>, vector<2000x1xi32>
    %iota3A = tpu.iota {dimensions = array<i32: 1>} : vector<2000x128xi32>
    %eq3A = vector.broadcast %get3A_1 : vector<2000x1xi32> to vector<2000x128xi32>
    %eq3A_2 = arith.cmpi eq, %eq3A, %iota3A : vector<2000x128xi32>
    %convert_element_type3A = arith.extui %eq3A_2 : vector<2000x128xi1> to vector<2000x128xi32>
    %convert_element_type3A_3 = arith.sitofp %convert_element_type3A : vector<2000x128xi32> to vector<2000x128xf32>
    %eq3A_4 = arith.constant 0 : i32
    %eq3A_5 = arith.cmpi eq, %arg0, %eq3A_4 : i32
    %convert_element_type3A_6 = arith.extui %eq3A_5 : i1 to i32
    %cond3A = arith.constant 0 : i32
    %cond3A_7 = arith.cmpi ne, %convert_element_type3A_6, %cond3A : i32
    scf.if %cond3A_7 {
      %get3A_20 = arith.constant 0 : index
      %get3A_21 = arith.constant 0 : index
      %get3A_22 = arith.constant 0 : index
      %get3A_23 = vector.load %arg3[%get3A_20, %get3A_21, %get3A_22] : memref<2x2000x128xf32, #tpu.memory_space<vmem>>, vector<1x2000x128xf32>
      %get3A_24 = vector.shape_cast %get3A_23 : vector<1x2000x128xf32> to vector<2000x128xf32>
      %get3A_25 = arith.constant 1 : index
      %get3A_26 = arith.constant 0 : index
      %get3A_27 = arith.constant 0 : index
      %get3A_28 = vector.load %arg3[%get3A_25, %get3A_26, %get3A_27] : memref<2x2000x128xf32, #tpu.memory_space<vmem>>, vector<1x2000x128xf32>
      %get3A_29 = vector.shape_cast %get3A_28 : vector<1x2000x128xf32> to vector<2000x128xf32>
      %add3A = arith.addf %get3A_24, %get3A_29 : vector<2000x128xf32>
      %get3A_30 = arith.constant 0 : index
      %get3A_31 = arith.constant 0 : index
      %get3A_32 = vector.load %arg2[%get3A_30, %get3A_31] : memref<2000x128xf32, #tpu.memory_space<vmem>>, vector<2000x128xf32>
      %get3A_33 = arith.constant 0 : index
      %get3A_34 = arith.constant 0 : index
      %get3A_35 = vector.load %arg10[%get3A_33, %get3A_34] : memref<1x1xf32, #tpu.memory_space<vmem>>, vector<1x1xf32>
      %mul3A = vector.broadcast %get3A_35 : vector<1x1xf32> to vector<2000x128xf32>
      %mul3A_36 = arith.mulf %get3A_32, %mul3A : vector<2000x128xf32>
      %add3A_37 = arith.addf %mul3A_36, %add3A : vector<2000x128xf32>
      %get3A_38 = arith.constant 0 : index
      %get3A_39 = arith.constant 0 : index
      %get3A_40 = vector.load %arg6[%get3A_38, %get3A_39] : memref<128x256xf32, #tpu.memory_space<vmem>>, vector<128x256xf32>
      %dot_general3A = arith.constant dense<0.000000e+00> : vector<2000x256xf32>
      %dot_general3A_41 = tpu.matmul %add3A_37, %get3A_40, %dot_general3A {dimension_numbers = #tpu.dot_dimension_numbers<[1], [0], [0], [1], [0, 0, 1, 1], [], []>, transpose_lhs_hint = false} : vector<2000x128xf32>, vector<128x256xf32>, vector<2000x256xf32> -> vector<2000x256xf32>
      %get3A_42 = arith.constant 0 : index
      %get3A_43 = arith.constant 0 : index
      %get3A_44 = vector.load %arg7[%get3A_42, %get3A_43] : memref<1x256xf32, #tpu.memory_space<vmem>>, vector<1x256xf32>
      %add3A_45 = vector.broadcast %get3A_44 : vector<1x256xf32> to vector<2000x256xf32>
      %add3A_46 = arith.addf %dot_general3A_41, %add3A_45 : vector<2000x256xf32>
      %max3A = arith.constant 0.000000e+00 : f32
      %max3A_47 = vector.broadcast %max3A : f32 to vector<2000x256xf32>
      %max3A_48 = arith.maximumf %add3A_46, %max3A_47 : vector<2000x256xf32>
      %get3A_49 = arith.constant 0 : index
      %get3A_50 = arith.constant 0 : index
      %get3A_51 = vector.load %arg8[%get3A_49, %get3A_50] : memref<256x128xf32, #tpu.memory_space<vmem>>, vector<256x128xf32>
      %dot_general3A_52 = arith.constant dense<0.000000e+00> : vector<2000x128xf32>
      %dot_general3A_53 = tpu.matmul %max3A_48, %get3A_51, %dot_general3A_52 {dimension_numbers = #tpu.dot_dimension_numbers<[1], [0], [0], [1], [0, 0, 1, 1], [], []>, transpose_lhs_hint = false} : vector<2000x256xf32>, vector<256x128xf32>, vector<2000x128xf32> -> vector<2000x128xf32>
      %get3A_54 = arith.constant 0 : index
      %get3A_55 = arith.constant 0 : index
      %get3A_56 = vector.load %arg9[%get3A_54, %get3A_55] : memref<1x128xf32, #tpu.memory_space<vmem>>, vector<1x128xf32>
      %add3A_57 = vector.broadcast %get3A_56 : vector<1x128xf32> to vector<2000x128xf32>
      %add3A_58 = arith.addf %dot_general3A_53, %add3A_57 : vector<2000x128xf32>
      %max3A_59 = arith.constant 0.000000e+00 : f32
      %max3A_60 = vector.broadcast %max3A_59 : f32 to vector<2000x128xf32>
      %max3A_61 = arith.maximumf %add3A_58, %max3A_60 : vector<2000x128xf32>
      %mul3A_62 = arith.constant 2000 : i32
      %mul3A_63 = arith.muli %arg1, %mul3A_62 : i32
      %swap3A = arith.index_cast %mul3A_63 : i32 to index
      %swap3A_64 = arith.constant 0 : index
      %swap3A_65 = vector.load %arg17[%swap3A, %swap3A_64] : memref<10000x128xf32, #tpu.memory_space<vmem>>, vector<2000x128xf32>
      tpu.vector_store %arg17[%swap3A, %swap3A_64], %max3A_61 {strides = array<i32>} : memref<10000x128xf32, #tpu.memory_space<vmem>>, vector<2000x128xf32>,
      %dot_general3A_66 = arith.constant dense<0.000000e+00> : vector<128x128xf32>
      %dot_general3A_67 = tpu.matmul %convert_element_type3A_3, %max3A_61, %dot_general3A_66 {dimension_numbers = #tpu.dot_dimension_numbers<[0], [0], [1], [1], [0, 1, 1, 1], [], []>, transpose_lhs_hint = false} : vector<2000x128xf32>, vector<2000x128xf32>, vector<128x128xf32> -> vector<128x128xf32>
      %eq3A_68 = arith.constant 0 : i32
      %eq3A_69 = arith.cmpi eq, %arg1, %eq3A_68 : i32
      %convert_element_type3A_70 = arith.extui %eq3A_69 : i1 to i32
      %cond3A_71 = arith.constant 0 : i32
      %cond3A_72 = arith.cmpi ne, %convert_element_type3A_70, %cond3A_71 : i32
      scf.if %cond3A_72 {
        %swap3A_77 = arith.constant 0 : index
        %swap3A_78 = arith.constant 0 : index
        %swap3A_79 = vector.load %arg18[%swap3A_77, %swap3A_78] : memref<128x128xf32, #tpu.memory_space<vmem>>, vector<128x128xf32>
        tpu.vector_store %arg18[%swap3A_77, %swap3A_78], %dot_general3A_67 {strides = array<i32>} : memref<128x128xf32, #tpu.memory_space<vmem>>, vector<128x128xf32>,
      } else {
      }
      %gt3A = arith.constant 0 : i32
      %gt3A_73 = arith.cmpi sgt, %arg1, %gt3A : i32
      %convert_element_type3A_74 = arith.extui %gt3A_73 : i1 to i32
      %cond3A_75 = arith.constant 0 : i32
      %cond3A_76 = arith.cmpi ne, %convert_element_type3A_74, %cond3A_75 : i32
      scf.if %cond3A_76 {
        %get3A_77 = arith.constant 0 : index
        %get3A_78 = arith.constant 0 : index
        %get3A_79 = vector.load %arg18[%get3A_77, %get3A_78] : memref<128x128xf32, #tpu.memory_space<vmem>>, vector<128x128xf32>
        %add3A_80 = arith.addf %get3A_79, %dot_general3A_67 : vector<128x128xf32>
        %swap3A_81 = arith.constant 0 : index
        %swap3A_82 = arith.constant 0 : index
        %swap3A_83 = vector.load %arg18[%swap3A_81, %swap3A_82] : memref<128x128xf32, #tpu.memory_space<vmem>>, vector<128x128xf32>
        tpu.vector_store %arg18[%swap3A_81, %swap3A_82], %add3A_80 {strides = array<i32>} : memref<128x128xf32, #tpu.memory_space<vmem>>, vector<128x128xf32>,
      } else {
      }
    } else {
    }
    %eq3A_8 = arith.constant 1 : i32
    %eq3A_9 = arith.cmpi eq, %arg0, %eq3A_8 : i32
    %eq3A_10 = arith.constant 0 : i32
    %eq3A_11 = arith.cmpi eq, %arg1, %eq3A_10 : i32
    %and3A = arith.andi %eq3A_9, %eq3A_11 : i1
    %convert_element_type3A_12 = arith.extui %and3A : i1 to i32
    %cond3A_13 = arith.constant 0 : i32
    %cond3A_14 = arith.cmpi ne, %convert_element_type3A_12, %cond3A_13 : i32
    scf.if %cond3A_14 {
      %get3A_20 = arith.constant 0 : index
      %get3A_21 = arith.constant 0 : index
      %get3A_22 = vector.load %arg18[%get3A_20, %get3A_21] : memref<128x128xf32, #tpu.memory_space<vmem>>, vector<128x128xf32>
      %get3A_23 = arith.constant 0 : index
      %get3A_24 = arith.constant 0 : index
      %get3A_25 = vector.load %arg5[%get3A_23, %get3A_24] : memref<128x128xf32, #tpu.memory_space<vmem>>, vector<128x128xf32>
      %add3A = arith.addf %get3A_22, %get3A_25 : vector<128x128xf32>
      %get3A_26 = arith.constant 0 : index
      %get3A_27 = arith.constant 0 : index
      %get3A_28 = vector.load %arg11[%get3A_26, %get3A_27] : memref<128x256xf32, #tpu.memory_space<vmem>>, vector<128x256xf32>
      %dot_general3A = arith.constant dense<0.000000e+00> : vector<128x256xf32>
      %dot_general3A_29 = tpu.matmul %add3A, %get3A_28, %dot_general3A {dimension_numbers = #tpu.dot_dimension_numbers<[1], [0], [0], [1], [0, 0, 1, 1], [], []>, transpose_lhs_hint = false} : vector<128x128xf32>, vector<128x256xf32>, vector<128x256xf32> -> vector<128x256xf32>
      %get3A_30 = arith.constant 0 : index
      %get3A_31 = arith.constant 0 : index
      %get3A_32 = vector.load %arg12[%get3A_30, %get3A_31] : memref<1x256xf32, #tpu.memory_space<vmem>>, vector<1x256xf32>
      %add3A_33 = vector.broadcast %get3A_32 : vector<1x256xf32> to vector<128x256xf32>
      %add3A_34 = arith.addf %dot_general3A_29, %add3A_33 : vector<128x256xf32>
      %max3A = arith.constant 0.000000e+00 : f32
      %max3A_35 = vector.broadcast %max3A : f32 to vector<128x256xf32>
      %max3A_36 = arith.maximumf %add3A_34, %max3A_35 : vector<128x256xf32>
      %get3A_37 = arith.constant 0 : index
      %get3A_38 = arith.constant 0 : index
      %get3A_39 = vector.load %arg13[%get3A_37, %get3A_38] : memref<256x128xf32, #tpu.memory_space<vmem>>, vector<256x128xf32>
      %dot_general3A_40 = arith.constant dense<0.000000e+00> : vector<128x128xf32>
      %dot_general3A_41 = tpu.matmul %max3A_36, %get3A_39, %dot_general3A_40 {dimension_numbers = #tpu.dot_dimension_numbers<[1], [0], [0], [1], [0, 0, 1, 1], [], []>, transpose_lhs_hint = false} : vector<128x256xf32>, vector<256x128xf32>, vector<128x128xf32> -> vector<128x128xf32>
      %get3A_42 = arith.constant 0 : index
      %get3A_43 = arith.constant 0 : index
      %get3A_44 = vector.load %arg14[%get3A_42, %get3A_43] : memref<1x128xf32, #tpu.memory_space<vmem>>, vector<1x128xf32>
      %add3A_45 = vector.broadcast %get3A_44 : vector<1x128xf32> to vector<128x128xf32>
      %add3A_46 = arith.addf %dot_general3A_41, %add3A_45 : vector<128x128xf32>
      %max3A_47 = arith.constant 0.000000e+00 : f32
      %max3A_48 = vector.broadcast %max3A_47 : f32 to vector<128x128xf32>
      %max3A_49 = arith.maximumf %add3A_46, %max3A_48 : vector<128x128xf32>
      %swap3A = arith.constant 0 : index
      %swap3A_50 = arith.constant 0 : index
      %swap3A_51 = vector.load %arg19[%swap3A, %swap3A_50] : memref<128x128xf32, #tpu.memory_space<vmem>>, vector<128x128xf32>
      tpu.vector_store %arg19[%swap3A, %swap3A_50], %max3A_49 {strides = array<i32>} : memref<128x128xf32, #tpu.memory_space<vmem>>, vector<128x128xf32>,
      %swap3A_52 = arith.constant 0 : index
      %swap3A_53 = arith.constant 0 : index
      %swap3A_54 = vector.load %arg15[%swap3A_52, %swap3A_53] : memref<128x128xf32, #tpu.memory_space<vmem>>, vector<128x128xf32>
      tpu.vector_store %arg15[%swap3A_52, %swap3A_53], %max3A_49 {strides = array<i32>} : memref<128x128xf32, #tpu.memory_space<vmem>>, vector<128x128xf32>,
    } else {
    }
    %eq3A_15 = arith.constant 1 : i32
    %eq3A_16 = arith.cmpi eq, %arg0, %eq3A_15 : i32
    %convert_element_type3A_17 = arith.extui %eq3A_16 : i1 to i32
    %cond3A_18 = arith.constant 0 : i32
    %cond3A_19 = arith.cmpi ne, %convert_element_type3A_17, %cond3A_18 : i32
    scf.if %cond3A_19 {
      %mul3A = arith.constant 2000 : i32
      %mul3A_20 = arith.muli %arg1, %mul3A : i32
      %get3A_21 = arith.index_cast %mul3A_20 : i32 to index
      %get3A_22 = arith.constant 0 : index
      %get3A_23 = vector.load %arg17[%get3A_21, %get3A_22] : memref<10000x128xf32, #tpu.memory_space<vmem>>, vector<2000x128xf32>
      %get3A_24 = arith.constant 0 : index
      %get3A_25 = arith.constant 0 : index
      %get3A_26 = vector.load %arg19[%get3A_24, %get3A_25] : memref<128x128xf32, #tpu.memory_space<vmem>>, vector<128x128xf32>
      %dot_general3A = arith.constant dense<0.000000e+00> : vector<2000x128xf32>
      %dot_general3A_27 = tpu.matmul %convert_element_type3A_3, %get3A_26, %dot_general3A {dimension_numbers = #tpu.dot_dimension_numbers<[1], [0], [0], [1], [0, 0, 1, 1], [], []>, transpose_lhs_hint = false} : vector<2000x128xf32>, vector<128x128xf32>, vector<2000x128xf32> -> vector<2000x128xf32>
      %add3A = arith.addf %get3A_23, %dot_general3A_27 : vector<2000x128xf32>
      %swap3A = arith.constant 0 : index
      %swap3A_28 = arith.constant 0 : index
      %swap3A_29 = vector.load %arg16[%swap3A, %swap3A_28] : memref<2000x128xf32, #tpu.memory_space<vmem>>, vector<2000x128xf32>
      tpu.vector_store %arg16[%swap3A, %swap3A_28], %add3A {strides = array<i32>} : memref<2000x128xf32, #tpu.memory_space<vmem>>, vector<2000x128xf32>,
    } else {
    }
    return
  }
  func.func @transform_0(%arg0: i32, %arg1: i32) -> (i32, i32) {
    %eq3A = arith.constant 0 : i32
    %eq3A_0 = arith.cmpi eq, %arg0, %eq3A : i32
    %jit3A = arith.constant 0 : i32
    %select_n3A = arith.select %eq3A_0, %arg1, %jit3A : i32
    %c0_i32 = arith.constant 0 : i32
    %c0_i32_1 = arith.constant 0 : i32
    return %select_n3A, %c0_i32 : i32, i32
  }
  func.func @transform_1(%arg0: i32, %arg1: i32) -> (i32, i32, i32) {
    %eq3A = arith.constant 0 : i32
    %eq3A_0 = arith.cmpi eq, %arg0, %eq3A : i32
    %jit3A = arith.constant 0 : i32
    %select_n3A = arith.select %eq3A_0, %arg1, %jit3A : i32
    %c0_i32 = arith.constant 0 : i32
    %c0_i32_1 = arith.constant 0 : i32
    %c0_i32_2 = arith.constant 0 : i32
    return %c0_i32, %select_n3A, %c0_i32_1 : i32, i32, i32
  }
  func.func @transform_2(%arg0: i32, %arg1: i32) -> (i32, i32) {
    %c0_i32 = arith.constant 0 : i32
    %c0_i32_0 = arith.constant 0 : i32
    return %arg1, %c0_i32 : i32, i32
  }
  func.func @transform_3(%arg0: i32, %arg1: i32) -> (i32, i32) {
    %c0_i32 = arith.constant 0 : i32
    %c0_i32_0 = arith.constant 0 : i32
    %c0_i32_1 = arith.constant 0 : i32
    return %c0_i32, %c0_i32_0 : i32, i32
  }
  func.func @transform_4(%arg0: i32, %arg1: i32) -> (i32, i32) {
    %c0_i32 = arith.constant 0 : i32
    %c0_i32_0 = arith.constant 0 : i32
    %c0_i32_1 = arith.constant 0 : i32
    return %c0_i32, %c0_i32_0 : i32, i32
  }
  func.func @transform_5(%arg0: i32, %arg1: i32) -> (i32, i32) {
    %c0_i32 = arith.constant 0 : i32
    %c0_i32_0 = arith.constant 0 : i32
    %c0_i32_1 = arith.constant 0 : i32
    return %c0_i32, %c0_i32_0 : i32, i32
  }
  func.func @transform_6(%arg0: i32, %arg1: i32) -> (i32, i32) {
    %c0_i32 = arith.constant 0 : i32
    %c0_i32_0 = arith.constant 0 : i32
    %c0_i32_1 = arith.constant 0 : i32
    return %c0_i32, %c0_i32_0 : i32, i32
  }
  func.func @transform_7(%arg0: i32, %arg1: i32) -> (i32, i32) {
    %c0_i32 = arith.constant 0 : i32
    %c0_i32_0 = arith.constant 0 : i32
    %c0_i32_1 = arith.constant 0 : i32
    return %c0_i32, %c0_i32_0 : i32, i32
  }
  func.func @transform_8(%arg0: i32, %arg1: i32) -> (i32, i32) {
    %c0_i32 = arith.constant 0 : i32
    %c0_i32_0 = arith.constant 0 : i32
    %c0_i32_1 = arith.constant 0 : i32
    return %c0_i32, %c0_i32_0 : i32, i32
  }
  func.func @transform_9(%arg0: i32, %arg1: i32) -> (i32, i32) {
    %c0_i32 = arith.constant 0 : i32
    %c0_i32_0 = arith.constant 0 : i32
    %c0_i32_1 = arith.constant 0 : i32
    return %c0_i32, %c0_i32_0 : i32, i32
  }
  func.func @transform_10(%arg0: i32, %arg1: i32) -> (i32, i32) {
    %c0_i32 = arith.constant 0 : i32
    %c0_i32_0 = arith.constant 0 : i32
    %c0_i32_1 = arith.constant 0 : i32
    return %c0_i32, %c0_i32_0 : i32, i32
  }
  func.func @transform_11(%arg0: i32, %arg1: i32) -> (i32, i32) {
    %c0_i32 = arith.constant 0 : i32
    %c0_i32_0 = arith.constant 0 : i32
    %c0_i32_1 = arith.constant 0 : i32
    return %c0_i32, %c0_i32_0 : i32, i32
  }
  func.func @transform_12(%arg0: i32, %arg1: i32) -> (i32, i32) {
    %c0_i32 = arith.constant 0 : i32
    %c0_i32_0 = arith.constant 0 : i32
    %c0_i32_1 = arith.constant 0 : i32
    return %c0_i32, %c0_i32_0 : i32, i32
  }
  func.func @transform_13(%arg0: i32, %arg1: i32) -> (i32, i32) {
    %c0_i32 = arith.constant 0 : i32
    %c0_i32_0 = arith.constant 0 : i32
    %c0_i32_1 = arith.constant 0 : i32
    return %c0_i32, %c0_i32_0 : i32, i32
  }
  func.func @transform_14(%arg0: i32, %arg1: i32) -> (i32, i32) {
    %eq3A = arith.constant 1 : i32
    %eq3A_0 = arith.cmpi eq, %arg0, %eq3A : i32
    %jit3A = arith.constant 0 : i32
    %select_n3A = arith.select %eq3A_0, %arg1, %jit3A : i32
    %c0_i32 = arith.constant 0 : i32
    %c0_i32_1 = arith.constant 0 : i32
    return %select_n3A, %c0_i32 : i32, i32
  }
}

module attributes {stable_mosaic.version = 14 : i64} {
  func.func @_fin_body(%arg0: i32, %arg1: memref<2000x128xf32, #tpu.memory_space<vmem>>, %arg2: memref<2x2000x128xf32, #tpu.memory_space<vmem>>, %arg3: memref<2000x1xi32, #tpu.memory_space<vmem>>, %arg4: memref<128x256xf32, #tpu.memory_space<vmem>>, %arg5: memref<1x256xf32, #tpu.memory_space<vmem>>, %arg6: memref<256x128xf32, #tpu.memory_space<vmem>>, %arg7: memref<1x128xf32, #tpu.memory_space<vmem>>, %arg8: memref<1x1xf32, #tpu.memory_space<vmem>>, %arg9: memref<128x10xf32, #tpu.memory_space<vmem>>, %arg10: memref<1x10xf32, #tpu.memory_space<vmem>>, %arg11: memref<128x10xf32, #tpu.memory_space<vmem>>, %arg12: memref<128x128xf32, #tpu.memory_space<vmem>>, %arg13: memref<128x8xf32, #tpu.memory_space<vmem>>) attributes {dimension_semantics = [#tpu.dimension_semantics<arbitrary>], iteration_bounds = array<i64: 5>, scalar_prefetch = 0 : i64, scratch_operands = 2 : i64, tpu.core_type = #tpu.core_type<tc>, window_params = [{transform_indices = @transform_0, window_bounds = array<i64: 2000, 128>}, {transform_indices = @transform_1, window_bounds = array<i64: 2, 2000, 128>}, {transform_indices = @transform_2, window_bounds = array<i64: 2000, 1>}, {pipeline_mode = #tpu.pipeline_mode<synchronous>, transform_indices = @transform_3, window_bounds = array<i64: 128, 256>}, {pipeline_mode = #tpu.pipeline_mode<synchronous>, transform_indices = @transform_4, window_bounds = array<i64: 1, 256>}, {pipeline_mode = #tpu.pipeline_mode<synchronous>, transform_indices = @transform_5, window_bounds = array<i64: 256, 128>}, {pipeline_mode = #tpu.pipeline_mode<synchronous>, transform_indices = @transform_6, window_bounds = array<i64: 1, 128>}, {pipeline_mode = #tpu.pipeline_mode<synchronous>, transform_indices = @transform_7, window_bounds = array<i64: 1, 1>}, {pipeline_mode = #tpu.pipeline_mode<synchronous>, transform_indices = @transform_8, window_bounds = array<i64: 128, 10>}, {pipeline_mode = #tpu.pipeline_mode<synchronous>, transform_indices = @transform_9, window_bounds = array<i64: 1, 10>}, {pipeline_mode = #tpu.pipeline_mode<synchronous>, transform_indices = @transform_10, window_bounds = array<i64: 128, 10>}]} {
    %get3A = arith.constant 0 : index
    %get3A_0 = arith.constant 0 : index
    %get3A_1 = arith.constant 0 : index
    %get3A_2 = vector.load %arg2[%get3A, %get3A_0, %get3A_1] : memref<2x2000x128xf32, #tpu.memory_space<vmem>>, vector<1x2000x128xf32>
    %get3A_3 = vector.shape_cast %get3A_2 : vector<1x2000x128xf32> to vector<2000x128xf32>
    %get3A_4 = arith.constant 1 : index
    %get3A_5 = arith.constant 0 : index
    %get3A_6 = arith.constant 0 : index
    %get3A_7 = vector.load %arg2[%get3A_4, %get3A_5, %get3A_6] : memref<2x2000x128xf32, #tpu.memory_space<vmem>>, vector<1x2000x128xf32>
    %get3A_8 = vector.shape_cast %get3A_7 : vector<1x2000x128xf32> to vector<2000x128xf32>
    %add3A = arith.addf %get3A_3, %get3A_8 : vector<2000x128xf32>
    %get3A_9 = arith.constant 0 : index
    %get3A_10 = arith.constant 0 : index
    %get3A_11 = vector.load %arg1[%get3A_9, %get3A_10] : memref<2000x128xf32, #tpu.memory_space<vmem>>, vector<2000x128xf32>
    %get3A_12 = arith.constant 0 : index
    %get3A_13 = arith.constant 0 : index
    %get3A_14 = vector.load %arg8[%get3A_12, %get3A_13] : memref<1x1xf32, #tpu.memory_space<vmem>>, vector<1x1xf32>
    %mul3A = vector.broadcast %get3A_14 : vector<1x1xf32> to vector<2000x128xf32>
    %mul3A_15 = arith.mulf %get3A_11, %mul3A : vector<2000x128xf32>
    %add3A_16 = arith.addf %mul3A_15, %add3A : vector<2000x128xf32>
    %get3A_17 = arith.constant 0 : index
    %get3A_18 = arith.constant 0 : index
    %get3A_19 = vector.load %arg4[%get3A_17, %get3A_18] : memref<128x256xf32, #tpu.memory_space<vmem>>, vector<128x256xf32>
    %dot_general3A = arith.constant dense<0.000000e+00> : vector<2000x256xf32>
    %dot_general3A_20 = tpu.matmul %add3A_16, %get3A_19, %dot_general3A {dimension_numbers = #tpu.dot_dimension_numbers<[1], [0], [0], [1], [0, 0, 1, 1], [], []>, transpose_lhs_hint = false} : vector<2000x128xf32>, vector<128x256xf32>, vector<2000x256xf32> -> vector<2000x256xf32>
    %get3A_21 = arith.constant 0 : index
    %get3A_22 = arith.constant 0 : index
    %get3A_23 = vector.load %arg5[%get3A_21, %get3A_22] : memref<1x256xf32, #tpu.memory_space<vmem>>, vector<1x256xf32>
    %add3A_24 = vector.broadcast %get3A_23 : vector<1x256xf32> to vector<2000x256xf32>
    %add3A_25 = arith.addf %dot_general3A_20, %add3A_24 : vector<2000x256xf32>
    %max3A = arith.constant 0.000000e+00 : f32
    %max3A_26 = vector.broadcast %max3A : f32 to vector<2000x256xf32>
    %max3A_27 = arith.maximumf %add3A_25, %max3A_26 : vector<2000x256xf32>
    %get3A_28 = arith.constant 0 : index
    %get3A_29 = arith.constant 0 : index
    %get3A_30 = vector.load %arg6[%get3A_28, %get3A_29] : memref<256x128xf32, #tpu.memory_space<vmem>>, vector<256x128xf32>
    %dot_general3A_31 = arith.constant dense<0.000000e+00> : vector<2000x128xf32>
    %dot_general3A_32 = tpu.matmul %max3A_27, %get3A_30, %dot_general3A_31 {dimension_numbers = #tpu.dot_dimension_numbers<[1], [0], [0], [1], [0, 0, 1, 1], [], []>, transpose_lhs_hint = false} : vector<2000x256xf32>, vector<256x128xf32>, vector<2000x128xf32> -> vector<2000x128xf32>
    %get3A_33 = arith.constant 0 : index
    %get3A_34 = arith.constant 0 : index
    %get3A_35 = vector.load %arg7[%get3A_33, %get3A_34] : memref<1x128xf32, #tpu.memory_space<vmem>>, vector<1x128xf32>
    %add3A_36 = vector.broadcast %get3A_35 : vector<1x128xf32> to vector<2000x128xf32>
    %add3A_37 = arith.addf %dot_general3A_32, %add3A_36 : vector<2000x128xf32>
    %get3A_38 = arith.constant 0 : index
    %get3A_39 = arith.constant 0 : index
    %get3A_40 = vector.load %arg3[%get3A_38, %get3A_39] : memref<2000x1xi32, #tpu.memory_space<vmem>>, vector<2000x1xi32>
    %iota3A = tpu.iota {dimensions = array<i32: 1>} : vector<2000x128xi32>
    %eq3A = vector.broadcast %get3A_40 : vector<2000x1xi32> to vector<2000x128xi32>
    %eq3A_41 = arith.cmpi eq, %eq3A, %iota3A : vector<2000x128xi32>
    %convert_element_type3A = arith.extui %eq3A_41 : vector<2000x128xi1> to vector<2000x128xi32>
    %convert_element_type3A_42 = arith.sitofp %convert_element_type3A : vector<2000x128xi32> to vector<2000x128xf32>
    %dot_general3A_43 = arith.constant dense<0.000000e+00> : vector<128x128xf32>
    %dot_general3A_44 = tpu.matmul %convert_element_type3A_42, %add3A_37, %dot_general3A_43 {dimension_numbers = #tpu.dot_dimension_numbers<[0], [0], [1], [1], [0, 1, 1, 1], [], []>, transpose_lhs_hint = false} : vector<2000x128xf32>, vector<2000x128xf32>, vector<128x128xf32> -> vector<128x128xf32>
    %broadcast_in_dim3A = arith.constant 1.000000e+00 : f32
    %broadcast_in_dim3A_45 = vector.broadcast %broadcast_in_dim3A : f32 to vector<2000x8xf32>
    %dot_general3A_46 = arith.constant dense<0.000000e+00> : vector<128x8xf32>
    %dot_general3A_47 = tpu.matmul %convert_element_type3A_42, %broadcast_in_dim3A_45, %dot_general3A_46 {dimension_numbers = #tpu.dot_dimension_numbers<[0], [0], [1], [1], [0, 1, 1, 1], [], []>, transpose_lhs_hint = false} : vector<2000x128xf32>, vector<2000x8xf32>, vector<128x8xf32> -> vector<128x8xf32>
    %eq3A_48 = arith.constant 0 : i32
    %eq3A_49 = arith.cmpi eq, %arg0, %eq3A_48 : i32
    %convert_element_type3A_50 = arith.extui %eq3A_49 : i1 to i32
    %cond3A = arith.constant 0 : i32
    %cond3A_51 = arith.cmpi ne, %convert_element_type3A_50, %cond3A : i32
    scf.if %cond3A_51 {
      %swap3A = arith.constant 0 : index
      %swap3A_61 = arith.constant 0 : index
      %swap3A_62 = vector.load %arg12[%swap3A, %swap3A_61] : memref<128x128xf32, #tpu.memory_space<vmem>>, vector<128x128xf32>
      tpu.vector_store %arg12[%swap3A, %swap3A_61], %dot_general3A_44 {strides = array<i32>} : memref<128x128xf32, #tpu.memory_space<vmem>>, vector<128x128xf32>,
      %swap3A_63 = arith.constant 0 : index
      %swap3A_64 = arith.constant 0 : index
      %swap3A_65 = vector.load %arg13[%swap3A_63, %swap3A_64] : memref<128x8xf32, #tpu.memory_space<vmem>>, vector<128x8xf32>
      tpu.vector_store %arg13[%swap3A_63, %swap3A_64], %dot_general3A_47 {strides = array<i32>} : memref<128x8xf32, #tpu.memory_space<vmem>>, vector<128x8xf32>,
    } else {
    }
    %gt3A = arith.constant 0 : i32
    %gt3A_52 = arith.cmpi sgt, %arg0, %gt3A : i32
    %convert_element_type3A_53 = arith.extui %gt3A_52 : i1 to i32
    %cond3A_54 = arith.constant 0 : i32
    %cond3A_55 = arith.cmpi ne, %convert_element_type3A_53, %cond3A_54 : i32
    scf.if %cond3A_55 {
      %get3A_61 = arith.constant 0 : index
      %get3A_62 = arith.constant 0 : index
      %get3A_63 = vector.load %arg12[%get3A_61, %get3A_62] : memref<128x128xf32, #tpu.memory_space<vmem>>, vector<128x128xf32>
      %add3A_64 = arith.addf %get3A_63, %dot_general3A_44 : vector<128x128xf32>
      %swap3A = arith.constant 0 : index
      %swap3A_65 = arith.constant 0 : index
      %swap3A_66 = vector.load %arg12[%swap3A, %swap3A_65] : memref<128x128xf32, #tpu.memory_space<vmem>>, vector<128x128xf32>
      tpu.vector_store %arg12[%swap3A, %swap3A_65], %add3A_64 {strides = array<i32>} : memref<128x128xf32, #tpu.memory_space<vmem>>, vector<128x128xf32>,
      %get3A_67 = arith.constant 0 : index
      %get3A_68 = arith.constant 0 : index
      %get3A_69 = vector.load %arg13[%get3A_67, %get3A_68] : memref<128x8xf32, #tpu.memory_space<vmem>>, vector<128x8xf32>
      %add3A_70 = arith.addf %get3A_69, %dot_general3A_47 : vector<128x8xf32>
      %swap3A_71 = arith.constant 0 : index
      %swap3A_72 = arith.constant 0 : index
      %swap3A_73 = vector.load %arg13[%swap3A_71, %swap3A_72] : memref<128x8xf32, #tpu.memory_space<vmem>>, vector<128x8xf32>
      tpu.vector_store %arg13[%swap3A_71, %swap3A_72], %add3A_70 {strides = array<i32>} : memref<128x8xf32, #tpu.memory_space<vmem>>, vector<128x8xf32>,
    } else {
    }
    %eq3A_56 = arith.constant 4 : i32
    %eq3A_57 = arith.cmpi eq, %arg0, %eq3A_56 : i32
    %convert_element_type3A_58 = arith.extui %eq3A_57 : i1 to i32
    %cond3A_59 = arith.constant 0 : i32
    %cond3A_60 = arith.cmpi ne, %convert_element_type3A_58, %cond3A_59 : i32
    scf.if %cond3A_60 {
      %get3A_61 = arith.constant 0 : index
      %get3A_62 = arith.constant 0 : index
      %get3A_63 = vector.load %arg12[%get3A_61, %get3A_62] : memref<128x128xf32, #tpu.memory_space<vmem>>, vector<128x128xf32>
      %get3A_64 = arith.constant 0 : index
      %get3A_65 = arith.constant 0 : index
      %get3A_66 = vector.load %arg13[%get3A_64, %get3A_65] : memref<128x8xf32, #tpu.memory_space<vmem>>, vector<128x8xf32>
      %slice3A = vector.extract_strided_slice %get3A_66 {offsets = [0, 0], sizes = [128, 1], strides = [1, 1]} : vector<128x8xf32> to vector<128x1xf32>
      %max3A_67 = arith.constant 1.000000e+00 : f32
      %max3A_68 = vector.broadcast %max3A_67 : f32 to vector<128x1xf32>
      %max3A_69 = arith.maximumf %slice3A, %max3A_68 : vector<128x1xf32>
      %div3A = vector.broadcast %max3A_69 : vector<128x1xf32> to vector<128x128xf32>
      %div3A_70 = arith.divf %get3A_63, %div3A : vector<128x128xf32>
      %get3A_71 = arith.constant 0 : index
      %get3A_72 = arith.constant 0 : index
      %get3A_73 = vector.load %arg9[%get3A_71, %get3A_72] : memref<128x10xf32, #tpu.memory_space<vmem>>, vector<128x10xf32>
      %dot_general3A_74 = arith.constant dense<0.000000e+00> : vector<128x10xf32>
      %dot_general3A_75 = tpu.matmul %div3A_70, %get3A_73, %dot_general3A_74 {dimension_numbers = #tpu.dot_dimension_numbers<[1], [0], [0], [1], [0, 0, 1, 1], [], []>, transpose_lhs_hint = false} : vector<128x128xf32>, vector<128x10xf32>, vector<128x10xf32> -> vector<128x10xf32>
      %get3A_76 = arith.constant 0 : index
      %get3A_77 = arith.constant 0 : index
      %get3A_78 = vector.load %arg10[%get3A_76, %get3A_77] : memref<1x10xf32, #tpu.memory_space<vmem>>, vector<1x10xf32>
      %add3A_79 = vector.broadcast %get3A_78 : vector<1x10xf32> to vector<128x10xf32>
      %add3A_80 = arith.addf %dot_general3A_75, %add3A_79 : vector<128x10xf32>
      %swap3A = arith.constant 0 : index
      %swap3A_81 = arith.constant 0 : index
      %swap3A_82 = vector.load %arg11[%swap3A, %swap3A_81] : memref<128x10xf32, #tpu.memory_space<vmem>>, vector<128x10xf32>
      tpu.vector_store %arg11[%swap3A, %swap3A_81], %add3A_80 {strides = array<i32>} : memref<128x10xf32, #tpu.memory_space<vmem>>, vector<128x10xf32>,
    } else {
    }
    return
  }
  func.func @transform_0(%arg0: i32) -> (i32, i32) {
    %c0_i32 = arith.constant 0 : i32
    %c0_i32_0 = arith.constant 0 : i32
    return %arg0, %c0_i32 : i32, i32
  }
  func.func @transform_1(%arg0: i32) -> (i32, i32, i32) {
    %c0_i32 = arith.constant 0 : i32
    %c0_i32_0 = arith.constant 0 : i32
    %c0_i32_1 = arith.constant 0 : i32
    return %c0_i32, %arg0, %c0_i32_0 : i32, i32, i32
  }
  func.func @transform_2(%arg0: i32) -> (i32, i32) {
    %c0_i32 = arith.constant 0 : i32
    %c0_i32_0 = arith.constant 0 : i32
    return %arg0, %c0_i32 : i32, i32
  }
  func.func @transform_3(%arg0: i32) -> (i32, i32) {
    %c0_i32 = arith.constant 0 : i32
    %c0_i32_0 = arith.constant 0 : i32
    %c0_i32_1 = arith.constant 0 : i32
    return %c0_i32, %c0_i32_0 : i32, i32
  }
  func.func @transform_4(%arg0: i32) -> (i32, i32) {
    %c0_i32 = arith.constant 0 : i32
    %c0_i32_0 = arith.constant 0 : i32
    %c0_i32_1 = arith.constant 0 : i32
    return %c0_i32, %c0_i32_0 : i32, i32
  }
  func.func @transform_5(%arg0: i32) -> (i32, i32) {
    %c0_i32 = arith.constant 0 : i32
    %c0_i32_0 = arith.constant 0 : i32
    %c0_i32_1 = arith.constant 0 : i32
    return %c0_i32, %c0_i32_0 : i32, i32
  }
  func.func @transform_6(%arg0: i32) -> (i32, i32) {
    %c0_i32 = arith.constant 0 : i32
    %c0_i32_0 = arith.constant 0 : i32
    %c0_i32_1 = arith.constant 0 : i32
    return %c0_i32, %c0_i32_0 : i32, i32
  }
  func.func @transform_7(%arg0: i32) -> (i32, i32) {
    %c0_i32 = arith.constant 0 : i32
    %c0_i32_0 = arith.constant 0 : i32
    %c0_i32_1 = arith.constant 0 : i32
    return %c0_i32, %c0_i32_0 : i32, i32
  }
  func.func @transform_8(%arg0: i32) -> (i32, i32) {
    %c0_i32 = arith.constant 0 : i32
    %c0_i32_0 = arith.constant 0 : i32
    %c0_i32_1 = arith.constant 0 : i32
    return %c0_i32, %c0_i32_0 : i32, i32
  }
  func.func @transform_9(%arg0: i32) -> (i32, i32) {
    %c0_i32 = arith.constant 0 : i32
    %c0_i32_0 = arith.constant 0 : i32
    %c0_i32_1 = arith.constant 0 : i32
    return %c0_i32, %c0_i32_0 : i32, i32
  }
  func.func @transform_10(%arg0: i32) -> (i32, i32) {
    %c0_i32 = arith.constant 0 : i32
    %c0_i32_0 = arith.constant 0 : i32
    %c0_i32_1 = arith.constant 0 : i32
    return %c0_i32, %c0_i32_0 : i32, i32
  }
}

</mosaic_0001>

<sc_bundles>
// kernel: kernel.13.cloned.1.call-start
scs
__scs_entry_jumppad:
0x0: {  	(pc) =	sbr.rel $0x88, $3  }
0x1: {  	(tag) =	ssettag $0x0;
	lr =	simm.s32 $0x1  }
0x2: {  	[smem:$0x3F90] =	sst lr;
	_ =	strace $0xD0000000  }
0x3: {  	_ = 	snop  }
0x4: {  	_ = 	snop  }
0x5: {  	_ = 	snop  }
0x6: {  	_ = 	snop  }
0x7: {  	_ = 	snop  }
__scs_overlays_trampoline_lowered:
0x8: {  	[smem:$0x3F9F] =	sst s0  }
0x9: {  	[smem:$0x3FA0] =	sst s1  }
0xa: {  	[smem:$0x3FA1] =	sst s2  }
0xb: {  	[smem:$0x3FA2] =	sst s3  }
0xc: {  	[smem:$0x3FA3] =	sst s4  }
0xd: {  	[smem:$0x3FA4] =	sst s5  }
0xe: {  	[smem:$0x3FA5] =	sst s6  }
0xf: {  	[smem:$0x3FA6] =	sst s7  }
0x10: {  	[smem:$0x3FA7] =	sst s8  }
0x11: {  	[smem:$0x3FA8] =	sst s9;
	s0 =	simm.s32 @!p0 $0x0  }
0x12: {  	s1 =	sld [smem:$0x3F8E];
	s0 =	simm.s32 @p0 $0x1  }
0x13: {  	[smem:$0x3FA9] =	sst s0;
	s0 =	simm.s32 @!p1 $0x0  }
0x14: {  	s2 =	sld [smem:$0x3F8D];
	s0 =	simm.s32 @p1 $0x1  }
0x15: {  	[smem:$0x3FAA] =	sst s0;
	s0 =	simm.s32 @!p2 $0x0  }
0x16: {  	s3 =	sld [smem:$0x3FDB];
	s0 =	simm.s32 @p2 $0x1  }
0x17: {  	s4 =	simm.s32 $0x1BF5;
	[smem:$0x3FAC] =	sst s0  }
0x18: {  	s0 =	sld [smem:$0x3F8F];
	_ =	swait.ge [sflag:s4], $0x0  }
0x19: {  	s7 =	sld [smem:$0x3F90]  }
0x1a: {  	s8 =	sadd.s32 $0xFFFFE003, lr  }
0x1b: {  	s9 =	sadd.s32 $0xFFFFFEF7, lr;
	s5 =	simm.s32 $0xFFFFFFFF;
	p2 =	slt.u32 s8, $0xFFFFF086  }
0x1c: {  	p1 =	slt.u32 s9, $0xF7A;
	s5 =	simm.s32 @!p2 $0x0  }
0x1d: {  	s5 =	simm.s32 @p1 $0x1;
	p0 =	seq.s32 s7, s2  }
0x1e: {  	s7 =	smul.u32 @!p0 $0xF7A, s2;
	p2 =	seq.s32 @!p0 s5, $0x0  }
0x1f: {  	s9 =	smul.u32 $0xF7A, s1;
	s8 =	simm.s32 @!p0 $0x1BF5;
	p2 =	por !p2, p0  }
0x20: {  	[sflag:s8] =	ssyncset.s32 @!p0 $0xFFFFF086;
	s6 =	sadd.s32 @!p0 s3, s7;
	s7 =	simm.s32 @!p0 $0x108  }
0x21: {  	s3 =	sadd.s32 s3, s9;
	s6 =	sadd.s32 @!p0 $0x88, s6;
	s7 =	simm.s32 @p2 $0x1082  }
0x22: {  	[simem:s7], [sflag:s8] =	dma.local @!p0 [hbm:s6], $0xF7A  }
0x23: {  	s9 =	sor.u32 $0xD0000000, s2;
	s6 =	simm.s32 $0x108;
	_ =	swait.ge @!p0 [sflag:s8], $0x0  }
0x24: {  	s3 =	sadd.s32 $0x88, s3;
	s6 =	simm.s32 @!p1 $0x1082;
	[sflag:s4] =	ssyncset.s32 $0xFFFFF086  }
0x25: {  	[simem:s6], [sflag:s4] =	dma.local [hbm:s3], $0xF7A  }
0x26: {  	[smem:$0x3F90] =	sst s1;
	(tag) =	ssettag s2;
	_ =	strace s9  }
0x27: {  	s1 =	sld [smem:$0x3FA0]  }
0x28: {  	s2 =	sld [smem:$0x3FA1]  }
0x29: {  	s4 =	sld [smem:$0x3FA3]  }
0x2a: {  	p0 =	seq.s32 s5, $0x0;
	s5 =	sld [smem:$0x3FA4]  }
0x2b: {  	s6 =	sld [smem:$0x3FA5]  }
0x2c: {  	s7 =	sld [smem:$0x3FA6]  }
0x2d: {  	s3 =	simm.s32 $0x108;
	s8 =	sld [smem:$0x3FA7]  }
0x2e: {  	s3 =	simm.s32 @!p0 $0x1082;
	s9 =	sld [smem:$0x3FA8]  }
0x2f: {  	lr =	sadd.s32 s0, s3;
	s0 =	sld [smem:$0x3F9F]  }
0x30: {  	s3 =	sld [smem:$0x3FA2]  }
0x31: {  	[smem:$0x3FAB] =	sst s10  }
0x32: {  	s10 =	sld [smem:$0x3FA9];
	_ =	sdelay $0x3  }
0x33: {  	p0 =	seq.s32 s10, $0x1;
	s10 =	sld [smem:$0x3FAB];
	_ =	sdelay $0x3  }
0x34: {  	[smem:$0x3FAB] =	sst s10  }
0x35: {  	s10 =	sld [smem:$0x3FAA];
	_ =	sdelay $0x3  }
0x36: {  	p1 =	seq.s32 s10, $0x1;
	s10 =	sld [smem:$0x3FAB];
	_ =	sdelay $0x3  }
0x37: {  	[smem:$0x3FAB] =	sst s10  }
0x38: {  	s10 =	sld [smem:$0x3FAC]  }
0x39: {  	_ = 	snop;
	(pc) =	sbr.ind lr, $3  }
0x3a: {  	_ = 	snop  }
0x3b: {  	_ = 	snop  }
0x3c: {  	p2 =	seq.s32 s10, $0x1;
	s10 =	sld [smem:$0x3FAB]  }
0x3d: {  	_ =	shalt  }
0x3e: {  	_ =	shalt  }
0x3f: {  	_ =	shalt  }
0x40: {  	_ =	shalt  }
0x41: {  	_ =	shalt  }
0x42: {  	_ =	shalt  }
0x43: {  	_ =	shalt  }
0x44: {  	_ =	shalt  }
0x45: {  	_ =	shalt  }
0x46: {  	_ =	shalt  }
0x47: {  	_ =	shalt  }
0x48: {  	_ =	shalt  }
0x49: {  	_ =	shalt  }
0x4a: {  	_ =	shalt  }
0x4b: {  	_ =	shalt  }
0x4c: {  	_ =	shalt  }
0x4d: {  	_ =	shalt  }
0x4e: {  	_ =	shalt  }
0x4f: {  	_ =	shalt  }
0x50: {  	_ =	shalt  }
0x51: {  	_ =	shalt  }
0x52: {  	_ =	shalt  }
0x53: {  	_ =	shalt  }
0x54: {  	_ =	shalt  }
0x55: {  	_ =	shalt  }
0x56: {  	_ =	shalt  }
0x57: {  	_ =	shalt  }
0x58: {  	_ =	shalt  }
0x59: {  	_ =	shalt  }
0x5a: {  	_ =	shalt  }
0x5b: {  	_ =	shalt  }
0x5c: {  	_ =	shalt  }
0x5d: {  	_ =	shalt  }
0x5e: {  	_ =	shalt  }
0x5f: {  	_ =	shalt  }
0x60: {  	_ =	shalt  }
0x61: {  	_ =	shalt  }
0x62: {  	_ =	shalt  }
0x63: {  	_ =	shalt  }
0x64: {  	_ =	shalt  }
0x65: {  	_ =	shalt  }
0x66: {  	_ =	shalt  }
0x67: {  	_ =	shalt  }
0x68: {  	_ =	shalt  }
0x69: {  	_ =	shalt  }
0x6a: {  	_ =	shalt  }
0x6b: {  	_ =	shalt  }
0x6c: {  	_ =	shalt  }
0x6d: {  	_ =	shalt  }
0x6e: {  	_ =	shalt  }
0x6f: {  	_ =	shalt  }
0x70: {  	_ =	shalt  }
0x71: {  	_ =	shalt  }
0x72: {  	_ =	shalt  }
0x73: {  	_ =	shalt  }
0x74: {  	_ =	shalt  }
0x75: {  	_ =	shalt  }
0x76: {  	_ =	shalt  }
0x77: {  	_ =	shalt  }
0x78: {  	_ =	shalt  }
0x79: {  	_ =	shalt  }
0x7a: {  	_ =	shalt  }
0x7b: {  	_ =	shalt  }
0x7c: {  	_ =	shalt  }
0x7d: {  	_ =	shalt  }
0x7e: {  	_ =	shalt  }
0x7f: {  	_ =	shalt  }
0x80: {  	_ =	shalt  }
0x81: {  	_ =	shalt  }
0x82: {  	_ =	shalt  }
0x83: {  	_ =	shalt  }
0x84: {  	_ =	shalt  }
0x85: {  	_ =	shalt  }
0x86: {  	_ =	shalt  }
0x87: {  	_ =	shalt  }
.Lfunc_end0:
.L_simem_size_0:
called_computation_lowered:
.L_overlay_start_0:
0x88: {  	s2 =	sld [smem:$0x3FD9]  }
0x89: {  	s3 =	sld [smem:$0x3FFE];
	_ =	sdelay $0x1  }
0x8a: {  	s1 =	srdreg.scid  }
0x8b: {  	s0 =	sand.u32 $0x1, s1  }
0x8c: {  	s16 =	sshll.u32 s0, $0xA;
	s2 =	sadd.s32 s3, s2  }
0x8d: {  	s2 =	sadd.s32 s2, s16  }
0x8e: {  	[smem:$0x3FB7] =	sst s2  }
0x8f: {  	_ = 	snop  }
0x90: {  	(tm) =	ssettm $0x1  }
0x91: {  	s17 =	sld [smem:$0x3FFB];
	_ =	sdelay $0x3  }
0x92: {  	_ =	strace s17  }
0x93: {  	s2 =	sld [smem:$0x3FFC];
	_ =	sdelay $0x3  }
0x94: {  	_ =	strace s2  }
0x95: {  	s2 =	sld [smem:$0x3FFD];
	_ =	sdelay $0x3  }
0x96: {  	_ =	strace s2  }
0x97: {  	_ =	strace $0x8FFFFFFF  }
0x98: {  	s18 =	sld [smem:$0x3FDB];
	_ =	sdelay $0x1  }
0x99: {  	s19 =	simm.s32 $_scs_section_size  }
0x9a: {  	s4 =	simm.s32 $_size__tile_overlayer_lowered;
	s5 =	simm.s32 $_tile_overlayer_lowered  }
0x9b: {  	s22 =	simm.s32 $0x1BFF;
	s21 =	sshll.u32 s5, $0x1;
	s2 =	sadd.s32 s19, s18  }
0x9c: {  	s6 =	simm.s32 $0x0;
	s20 =	sshll.u32 s4, $0x1;
	s4 =	sadd.s32 s21, s2  }
0x9d: {  	[timem:s6], [sflag:s22] =	dma.local [hbm:s4], s20  }
0x9e: {  	_ =	swait.ge [sflag:s22], s20  }
0x9f: {  	s3 =	ssub.s32 $0x0, s20;
	[sflag:s22] =	ssyncset.done $0x0  }
0xa0: {  	[sflag:s22] =	ssyncadd.s32 s3;
	_ =	sdelay $0x1  }
0xa1: {  	s23 =	simm.s32 $0x1B8B  }
0xa2: {  	_ =	swait.ge [sflag:s23], $0x1  }
0xa3: {  	[sflag:s23] =	ssyncset.done $0x0  }
0xa4: {  	s25 =	simm.s32 $0x1B8E;
	s24 =	sld [smem:$0x3FFE];
	[sflag:s23] =	ssyncadd.s32 $0xFFFFFFFF  }
0xa5: {  	s26 =	simm.s32 $execute0_lowered;
	[smem:$0x3FD2] =	sst s25  }
0xa6: {  	s4 =	sshll.u32 s26, $0x1;
	_ =	strace $0x80000046;
	[dreg:$0x1] =	wrdreg $0xFFFFFFFF  }
0xa7: {  	s28 =	simm.s32 $_size_execute0_lowered;
	s2 =	sadd.s32 s2, s4;
	[dreg:$0x0] =	wrdreg $0x0  }
0xa8: {  	s4 =	sshll.u32 s28, $0x1;
	[dreg:$0x2] =	wrdreg s2  }
0xa9: {  	[dreg:$0x3] =	wrdreg s4  }
0xaa: {  	[dreg:$0x4] =	wrdreg $0xC0  }
0xab: {  	_ =	task [dreg:s6], $0x5FFFF  }
0xac: {  	[dreg:$0x1] =	wrdreg $0xFFFFFFFF  }
0xad: {  	[dreg:$0x0] =	wrdreg $0x60  }
0xae: {  	[dreg:$0x2] =	wrdreg s24  }
0xaf: {  	[dreg:$0x3] =	wrdreg $0x69000  }
0xb0: {  	[dreg:$0x4] =	wrdreg $0x9  }
0xb1: {  	_ =	task.clear_ibuf [dreg:s6], $0x5FFFF;
	_ =	strace $0x90000046  }
0xb2: {  	s29 =	simm.s32 $0x9;
	_ =	strace $0x80000048  }
0xb3: {  	_ =	swait.ge [sflag:s29], $0x1  }
0xb4: {  	[sflag:s29] =	ssyncadd.s32 $0xFFFFFFFF  }
0xb5: {  	_ =	strace $0x90000048  }
0xb6: {  	_ =	sfence  }
0xb7: {  	s30 =	sld [smem:$0x0];
	_ =	sdelay $0x2  }
0xb8: {  	s31 =	sshll.u32 s1, $0xD;
	s1 =	sshrl.u32 s1, $0x2  }
0xb9: {  	s3 =	sand.u32 $0x4000, s31;
	s1 =	sadd.s32 s1, s30  }
0xba: {  	s0 =	sor.u32 s3, s0;
	s1 =	sshll.u32 s1, $0x11  }
0xbb: {  	s0 =	sor.u32 s1, s0  }
0xbc: {  	s0 =	sadd.s32 $0x8F2B, s0  }
0xbd: {  	[sflag:s0] =	ssyncadd.remote.s32 $0x1  }
0xbe: {  	_ =	sfence.sel $0xFFFF  }
0xbf: {  	[dreg:$0x0] =	wrdreg $0xFFFFFFFF;
	(pc) =	sbr.abs _section_cstart, $3  }
0xc0: {  	[dreg:$0x1] =	wrdreg $0xFFFFFFFF  }
0xc1: {  	_ =	task.clear_ibuf [dreg:s6], $0x2FFFF;
	_ =	strace $0x9FFFFFFF  }
0xc2: {  	(tm) =	ssettm $0x7FFFFFFF  }
0xc3: {  	_ =	shalt  }
tec
execute0_lowered:
.L_overlay_start_1:
0x0: {  	(tag) =	ssettag $0x1  }
0x1: {  	s0 =	rddreg [dreg:$0x0];
	s2 =	srdreg.scid  }
0x2: {  	s1 =	rddreg [dreg:$0x1];
	s3 =	simm.s32 $0x0;
	s9 =	stileid.u32  }
0x3: {  	s11 =	simm.s32 $0x4;
	s12 =	simm.s32 $0x100;
	s13 =	simm.s32 $0x200  }
0x4: {  	s14 =	simm.s32 $0x300;
	s15 =	simm.s32 $0x400;
	s16 =	simm.s32 $0x1  }
0x5: {  	s17 =	simm.s32 $0x28;
	s18 =	simm.s32 $0x500;
	s19 =	simm.s32 $0x1900  }
0x6: {  	s20 =	simm.s32 $0x2D00;
	s21 =	simm.s32 $0x4100;
	s28 =	simm.s32 $0x380  }
0x7: {  	s29 =	simm.s32 $0x480;
	s30 =	simm.s32 $0x3;
	s7 =	smul.u32 $0x13C00, s9  }
0x8: {  	s31 =	simm.s32 $0x0;
	s2 =	sand.u32 $0x1, s2;
	s22 =	smul.u32 $0x4F000, s9  }
0x9: {  	[smem:$0x7FF] =	sst s3;
	s4 =	sadd.s32 $0x44A00, s0;
	s24 =	smul.u32 $0x1F40, s9  }
0xa: {  	s8 =	sadd.s32 $0x6BC00, s0;
	s26 =	sshll.u32 s9, $0x6;
	s5 =	smul.u32 $0x1F400, s2  }
0xb: {  	s6 =	smul.u32 $0x13C000, s2;
	_ =	strace $0x80000047;
	s2 =	ssub.s32 $0x2, s2  }
0xc: {  	[dreg:$0x3] =	wrdreg s8;
	s23 =	sshrl.u32 s2, $0x1;
	s25 =	sshrl.u32 s22, $0x2  }
0xd: {  	s22 =	simm.s32 $0x5500;
	s5 =	sadd.s32 s5, s0;
	s6 =	sadd.s32 s7, s6  }
0xe: {  	s2 =	ssub.s32 s2, s23;
	s10 =	sadd.s32 s25, s1;
	s23 =	simm.s32 $0x2  }
0xf: {  	s25 =	simm.s32 $0x180;
	s6 =	sshrl.u32 s6, $0x3;
	s5 =	sadd.s32 s24, s5  }
0x10: {  	s8 =	smax.u32 s2, $0x1;
	s10 =	sshrl.u32 s10, $0x3;
	s0 =	sadd.s32 s6, s0  }
0x11: {  	s24 =	simm.s32 $0x80;
	s6 =	sor.u32 $0x1C04, s26;
	s0 =	sadd.s32 $0x6E400, s0  }
0x12: {  	s9 =	sadd.s32 $0x6200, s5;
	s26 =	simm.s32 $0x280;
	[dreg:$0x4] =	wrdreg s0  }
.LBB2_1:
0x13: {  	s0 =	rddreg [dreg:$0x3]  }
0x14: {  	[spmem:s10], [sflag:s6] =	dma.local [hbm:s0], $0x2780  }
0x15: {  	_ =	swait.ge [sflag:s11], $0x2780  }
0x16: {  	[sflag:s11] =	ssyncset.done $0x0  }
0x17: {  	[sflag:s11] =	ssyncadd.s32 $0xFFFFD880  }
0x18: {  	s0 =	sadd.s32 $0x0, s9;
	[bflag:$0x0] =	sbarrier.arrive $0xFFFF  }
0x19: {  	[tilespmem:s3], [sflag:$0x1] =	stream.linear.gather [hbm4b:s0+s3], $0x100, $0x38;
	[tilespmem:$0x1A500] =	vst v63  }
0x1a: {  	s2 =	sadd.s32 $0x20, s0  }
0x1b: {  	[tilespmem:s12], [sflag:$0x1] =	stream.linear.gather [hbm4b:s2+s3], $0x100, $0x38;
	[tilespmem:$0x1A500] =	vst v63  }
0x1c: {  	s5 =	sadd.s32 $0x40, s0  }
0x1d: {  	[tilespmem:s13], [sflag:$0x1] =	stream.linear.gather [hbm4b:s5+s3], $0x100, $0x38;
	[tilespmem:$0x1A500] =	vst v63  }
0x1e: {  	s7 =	sadd.s32 $0x60, s0  }
0x1f: {  	[tilespmem:s14], [sflag:$0x1] =	stream.linear.gather [hbm4b:s7+s3], $0x100, $0x38;
	[tilespmem:$0x1A500] =	vst v63  }
0x20: {  	s0 =	sadd.s32 $0x80, s0  }
0x21: {  	[tilespmem:s15], [sflag:$0x1] =	stream.linear.gather [hbm4b:s0+s3], $0x100, $0x38;
	[tilespmem:$0x1A500] =	vst v63  }
0x22: {  	_ =	swait.ge [sflag:s16], $0x100  }
0x23: {  	[sflag:s16] =	ssyncset.done $0x0  }
0x24: {  	[sflag:s16] =	ssyncadd.s32 $0xFFFFFF00  }
0x25: {  	_ =	swait.ge [sflag:s16], $0x100  }
0x26: {  	[sflag:s16] =	ssyncset.done $0x0  }
0x27: {  	[sflag:s16] =	ssyncadd.s32 $0xFFFFFF00  }
0x28: {  	_ =	swait.ge [sflag:s16], $0x100  }
0x29: {  	[sflag:s16] =	ssyncset.done $0x0  }
0x2a: {  	[sflag:s16] =	ssyncadd.s32 $0xFFFFFF00  }
0x2b: {  	_ =	swait.ge [sflag:s16], $0x100  }
0x2c: {  	[sflag:s16] =	ssyncset.done $0x0  }
0x2d: {  	[sflag:s16] =	ssyncadd.s32 $0xFFFFFF00  }
0x2e: {  	_ =	swait.ge [sflag:s16], $0x100  }
0x2f: {  	[sflag:s16] =	ssyncset.done $0x0  }
0x30: {  	[sflag:s16] =	ssyncadd.s32 $0xFFFFFF00  }
0x31: {  	[tilespmem:s18], [sflag:$0x2] =	stream.indirect.gather [hbm4b:s4+s17], $0x80, s3, s17, $0xb8;
	[tilespmem:$0x1A500] =	vst v63  }
0x32: {  	_ = 	snop  }
0x33: {  	[tilespmem:s19], [sflag:$0x2] =	stream.indirect.gather [hbm4b:s4+s17], $0x80, s12, s17, $0xb8;
	[tilespmem:$0x1A500] =	vst v63  }
0x34: {  	_ = 	snop  }
0x35: {  	[tilespmem:s20], [sflag:$0x2] =	stream.indirect.gather [hbm4b:s4+s17], $0x80, s13, s17, $0xb8;
	[tilespmem:$0x1A500] =	vst v63  }
0x36: {  	_ = 	snop  }
0x37: {  	[tilespmem:s21], [sflag:$0x2] =	stream.indirect.gather [hbm4b:s4+s17], $0x80, s14, s17, $0xb8;
	[tilespmem:$0x1A500] =	vst v63  }
0x38: {  	_ = 	snop  }
0x39: {  	[tilespmem:s22], [sflag:$0x2] =	stream.indirect.gather [hbm4b:s4+s17], $0x80, s15, s17, $0xb8;
	[tilespmem:$0x1A500] =	vst v63  }
0x3a: {  	_ =	swait.ge [sflag:s23], $0x1400  }
0x3b: {  	[sflag:s23] =	ssyncset.done $0x0  }
0x3c: {  	[sflag:s23] =	ssyncadd.s32 $0xFFFFEC00  }
0x3d: {  	_ =	swait.ge [sflag:s23], $0x1400  }
0x3e: {  	[sflag:s23] =	ssyncset.done $0x0  }
0x3f: {  	[sflag:s23] =	ssyncadd.s32 $0xFFFFEC00  }
0x40: {  	_ =	swait.ge [sflag:s23], $0x1400  }
0x41: {  	[sflag:s23] =	ssyncset.done $0x0  }
0x42: {  	[sflag:s23] =	ssyncadd.s32 $0xFFFFEC00  }
0x43: {  	_ =	swait.ge [sflag:s23], $0x1400  }
0x44: {  	[sflag:s23] =	ssyncset.done $0x0  }
0x45: {  	[sflag:s23] =	ssyncadd.s32 $0xFFFFEC00  }
0x46: {  	_ =	swait.ge [sflag:s23], $0x1400  }
0x47: {  	[sflag:s23] =	ssyncset.done $0x0  }
0x48: {  	[sflag:s23] =	ssyncadd.s32 $0xFFFFEC00  }
0x49: {  	[spmem:s1] =	stream.indirect.scatter.add.f32 [tilespmem:s18], [sflag:$0x3], $0x80, s24, s17, $0xb8;
	[tilespmem:$0x1A500] =	vst v63  }
0x4a: {  	_ = 	snop  }
0x4b: {  	[spmem:s1] =	stream.indirect.scatter.add.f32 [tilespmem:s19], [sflag:$0x3], $0x80, s25, s17, $0xb8;
	[tilespmem:$0x1A500] =	vst v63  }
0x4c: {  	_ = 	snop  }
0x4d: {  	[spmem:s1] =	stream.indirect.scatter.add.f32 [tilespmem:s20], [sflag:$0x3], $0x80, s26, s17, $0xb8;
	[tilespmem:$0x1A500] =	vst v63  }
0x4e: {  	_ = 	snop  }
0x4f: {  	[spmem:s1] =	stream.indirect.scatter.add.f32 [tilespmem:s21], [sflag:$0x3], $0x80, s28, s17, $0xb8;
	[tilespmem:$0x1A500] =	vst v63  }
0x50: {  	_ = 	snop  }
0x51: {  	[spmem:s1] =	stream.indirect.scatter.add.f32 [tilespmem:s22], [sflag:$0x3], $0x80, s29, s17, $0xb8;
	[tilespmem:$0x1A500] =	vst v63  }
0x52: {  	_ =	swait.ge [sflag:s30], $0x1400  }
0x53: {  	[sflag:s30] =	ssyncset.done $0x0  }
0x54: {  	[sflag:s30] =	ssyncadd.s32 $0xFFFFEC00  }
0x55: {  	_ =	swait.ge [sflag:s30], $0x1400  }
0x56: {  	[sflag:s30] =	ssyncset.done $0x0  }
0x57: {  	[sflag:s30] =	ssyncadd.s32 $0xFFFFEC00  }
0x58: {  	_ =	swait.ge [sflag:s30], $0x1400  }
0x59: {  	[sflag:s30] =	ssyncset.done $0x0  }
0x5a: {  	[sflag:s30] =	ssyncadd.s32 $0xFFFFEC00  }
0x5b: {  	_ =	swait.ge [sflag:s30], $0x1400  }
0x5c: {  	[sflag:s30] =	ssyncset.done $0x0  }
0x5d: {  	[sflag:s30] =	ssyncadd.s32 $0xFFFFEC00  }
0x5e: {  	_ =	swait.ge [sflag:s30], $0x1400  }
0x5f: {  	s2 =	simm.s32 $0x140;
	s0 =	simm.s32 $0xA0;
	[sflag:s30] =	ssyncset.done $0x0  }
.LBB2_2:
0x60: {  	s7 =	sadd.s32 s0, s9  }
0x61: {  	[sflag:s30] =	ssyncadd.s32 $0xFFFFEC00;
	s0 =	smov.u32 s2;
	s5 =	sadd.s32 $0xA0, s2  }
0x62: {  	[tilespmem:s3], [sflag:$0x1] =	stream.linear.gather [hbm4b:s7+s3], $0x100, $0x38;
	[tilespmem:$0x1A500] =	vst v63  }
0x63: {  	p0 =	sne.s32 s2, $0x1EA0;
	s2 =	sadd.s32 $0x20, s7  }
0x64: {  	[tilespmem:s12], [sflag:$0x1] =	stream.linear.gather [hbm4b:s2+s3], $0x100, $0x38;
	[tilespmem:$0x1A500] =	vst v63  }
0x65: {  	s2 =	sadd.s32 $0x40, s7  }
0x66: {  	[tilespmem:s13], [sflag:$0x1] =	stream.linear.gather [hbm4b:s2+s3], $0x100, $0x38;
	[tilespmem:$0x1A500] =	vst v63  }
0x67: {  	s2 =	sadd.s32 $0x60, s7  }
0x68: {  	[tilespmem:s14], [sflag:$0x1] =	stream.linear.gather [hbm4b:s2+s3], $0x100, $0x38;
	[tilespmem:$0x1A500] =	vst v63  }
0x69: {  	s2 =	sadd.s32 $0x80, s7  }
0x6a: {  	[tilespmem:s15], [sflag:$0x1] =	stream.linear.gather [hbm4b:s2+s3], $0x100, $0x38;
	[tilespmem:$0x1A500] =	vst v63  }
0x6b: {  	_ =	swait.ge [sflag:s16], $0x100  }
0x6c: {  	[sflag:s16] =	ssyncset.done $0x0  }
0x6d: {  	[sflag:s16] =	ssyncadd.s32 $0xFFFFFF00  }
0x6e: {  	_ =	swait.ge [sflag:s16], $0x100  }
0x6f: {  	[sflag:s16] =	ssyncset.done $0x0  }
0x70: {  	[sflag:s16] =	ssyncadd.s32 $0xFFFFFF00  }
0x71: {  	_ =	swait.ge [sflag:s16], $0x100  }
0x72: {  	[sflag:s16] =	ssyncset.done $0x0  }
0x73: {  	[sflag:s16] =	ssyncadd.s32 $0xFFFFFF00  }
0x74: {  	_ =	swait.ge [sflag:s16], $0x100  }
0x75: {  	[sflag:s16] =	ssyncset.done $0x0  }
0x76: {  	[sflag:s16] =	ssyncadd.s32 $0xFFFFFF00  }
0x77: {  	_ =	swait.ge [sflag:s16], $0x100  }
0x78: {  	[sflag:s16] =	ssyncset.done $0x0  }
0x79: {  	[sflag:s16] =	ssyncadd.s32 $0xFFFFFF00  }
0x7a: {  	[tilespmem:s18], [sflag:$0x2] =	stream.indirect.gather [hbm4b:s4+s17], $0x80, s3, s17, $0xb8;
	[tilespmem:$0x1A500] =	vst v63  }
0x7b: {  	_ = 	snop  }
0x7c: {  	[tilespmem:s19], [sflag:$0x2] =	stream.indirect.gather [hbm4b:s4+s17], $0x80, s12, s17, $0xb8;
	[tilespmem:$0x1A500] =	vst v63  }
0x7d: {  	_ = 	snop  }
0x7e: {  	[tilespmem:s20], [sflag:$0x2] =	stream.indirect.gather [hbm4b:s4+s17], $0x80, s13, s17, $0xb8;
	[tilespmem:$0x1A500] =	vst v63  }
0x7f: {  	_ = 	snop  }
0x80: {  	[tilespmem:s21], [sflag:$0x2] =	stream.indirect.gather [hbm4b:s4+s17], $0x80, s14, s17, $0xb8;
	[tilespmem:$0x1A500] =	vst v63  }
0x81: {  	_ = 	snop  }
0x82: {  	[tilespmem:s22], [sflag:$0x2] =	stream.indirect.gather [hbm4b:s4+s17], $0x80, s15, s17, $0xb8;
	[tilespmem:$0x1A500] =	vst v63  }
0x83: {  	_ =	swait.ge [sflag:s23], $0x1400  }
0x84: {  	[sflag:s23] =	ssyncset.done $0x0  }
0x85: {  	[sflag:s23] =	ssyncadd.s32 $0xFFFFEC00  }
0x86: {  	_ =	swait.ge [sflag:s23], $0x1400  }
0x87: {  	[sflag:s23] =	ssyncset.done $0x0  }
0x88: {  	[sflag:s23] =	ssyncadd.s32 $0xFFFFEC00  }
0x89: {  	_ =	swait.ge [sflag:s23], $0x1400  }
0x8a: {  	[sflag:s23] =	ssyncset.done $0x0  }
0x8b: {  	[sflag:s23] =	ssyncadd.s32 $0xFFFFEC00  }
0x8c: {  	_ =	swait.ge [sflag:s23], $0x1400  }
0x8d: {  	[sflag:s23] =	ssyncset.done $0x0  }
0x8e: {  	[sflag:s23] =	ssyncadd.s32 $0xFFFFEC00  }
0x8f: {  	_ =	swait.ge [sflag:s23], $0x1400  }
0x90: {  	[sflag:s23] =	ssyncset.done $0x0  }
0x91: {  	[sflag:s23] =	ssyncadd.s32 $0xFFFFEC00  }
0x92: {  	[spmem:s1] =	stream.indirect.scatter.add.f32 [tilespmem:s18], [sflag:$0x3], $0x80, s24, s17, $0xb8;
	[tilespmem:$0x1A500] =	vst v63  }
0x93: {  	_ = 	snop  }
0x94: {  	[spmem:s1] =	stream.indirect.scatter.add.f32 [tilespmem:s19], [sflag:$0x3], $0x80, s25, s17, $0xb8;
	[tilespmem:$0x1A500] =	vst v63  }
0x95: {  	_ = 	snop  }
0x96: {  	[spmem:s1] =	stream.indirect.scatter.add.f32 [tilespmem:s20], [sflag:$0x3], $0x80, s26, s17, $0xb8;
	[tilespmem:$0x1A500] =	vst v63  }
0x97: {  	_ = 	snop  }
0x98: {  	[spmem:s1] =	stream.indirect.scatter.add.f32 [tilespmem:s21], [sflag:$0x3], $0x80, s28, s17, $0xb8;
	[tilespmem:$0x1A500] =	vst v63  }
0x99: {  	_ = 	snop  }
0x9a: {  	[spmem:s1] =	stream.indirect.scatter.add.f32 [tilespmem:s22], [sflag:$0x3], $0x80, s29, s17, $0xb8;
	[tilespmem:$0x1A500] =	vst v63  }
0x9b: {  	_ =	swait.ge [sflag:s30], $0x1400  }
0x9c: {  	[sflag:s30] =	ssyncset.done $0x0  }
0x9d: {  	[sflag:s30] =	ssyncadd.s32 $0xFFFFEC00  }
0x9e: {  	_ =	swait.ge [sflag:s30], $0x1400  }
0x9f: {  	[sflag:s30] =	ssyncset.done $0x0  }
0xa0: {  	[sflag:s30] =	ssyncadd.s32 $0xFFFFEC00  }
0xa1: {  	_ =	swait.ge [sflag:s30], $0x1400  }
0xa2: {  	[sflag:s30] =	ssyncset.done $0x0  }
0xa3: {  	[sflag:s30] =	ssyncadd.s32 $0xFFFFEC00  }
.Ltmp0:
0xa4: {  	_ =	swait.ge [sflag:s30], $0x1400;
	(pc) =	sbr.rel @p0 .LBB2_2-.Ltmp0, $4  }
0xa5: {  	[sflag:s30] =	ssyncset.done $0x0  }
0xa6: {  	[sflag:s30] =	ssyncadd.s32 $0xFFFFEC00  }
0xa7: {  	_ =	swait.ge [sflag:s30], $0x1400  }
0xa8: {  	s2 =	smov.u32 s5;
	[sflag:s30] =	ssyncset.done $0x0  }
0xa9: {  	s0 =	sadd.s32 s0, s9;
	[sflag:s30] =	ssyncadd.s32 $0xFFFFEC00  }
0xaa: {  	[tilespmem:s3], [sflag:$0x1] =	stream.linear.gather [hbm4b:s0+s3], $0x100, $0x38;
	[tilespmem:$0x1A500] =	vst v63  }
0xab: {  	s2 =	sadd.s32 $0x20, s0  }
0xac: {  	[tilespmem:s12], [sflag:$0x1] =	stream.linear.gather [hbm4b:s2+s3], $0x100, $0x38;
	[tilespmem:$0x1A500] =	vst v63  }
0xad: {  	s7 =	sadd.s32 $0x40, s0  }
0xae: {  	[tilespmem:s13], [sflag:$0x1] =	stream.linear.gather [hbm4b:s7+s3], $0x100, $0x38;
	[tilespmem:$0x1A500] =	vst v63  }
0xaf: {  	s5 =	sadd.s32 $0x60, s0  }
0xb0: {  	[tilespmem:s14], [sflag:$0x1] =	stream.linear.gather [hbm4b:s5+s3], $0x100, $0x38;
	[tilespmem:$0x1A500] =	vst v63  }
0xb1: {  	s0 =	sadd.s32 $0x80, s0  }
0xb2: {  	[tilespmem:s15], [sflag:$0x1] =	stream.linear.gather [hbm4b:s0+s3], $0x100, $0x38;
	[tilespmem:$0x1A500] =	vst v63  }
0xb3: {  	_ =	swait.ge [sflag:s16], $0x100  }
0xb4: {  	[sflag:s16] =	ssyncset.done $0x0  }
0xb5: {  	[sflag:s16] =	ssyncadd.s32 $0xFFFFFF00  }
0xb6: {  	_ =	swait.ge [sflag:s16], $0x100  }
0xb7: {  	[sflag:s16] =	ssyncset.done $0x0  }
0xb8: {  	[sflag:s16] =	ssyncadd.s32 $0xFFFFFF00  }
0xb9: {  	_ =	swait.ge [sflag:s16], $0x100  }
0xba: {  	[sflag:s16] =	ssyncset.done $0x0  }
0xbb: {  	[sflag:s16] =	ssyncadd.s32 $0xFFFFFF00  }
0xbc: {  	_ =	swait.ge [sflag:s16], $0x100  }
0xbd: {  	[sflag:s16] =	ssyncset.done $0x0  }
0xbe: {  	[sflag:s16] =	ssyncadd.s32 $0xFFFFFF00  }
0xbf: {  	_ =	swait.ge [sflag:s16], $0x100  }
0xc0: {  	[sflag:s16] =	ssyncset.done $0x0  }
0xc1: {  	[sflag:s16] =	ssyncadd.s32 $0xFFFFFF00  }
0xc2: {  	[tilespmem:s18], [sflag:$0x2] =	stream.indirect.gather [hbm4b:s4+s17], $0x80, s3, s17, $0xb8;
	[tilespmem:$0x1A500] =	vst v63  }
0xc3: {  	_ = 	snop  }
0xc4: {  	[tilespmem:s19], [sflag:$0x2] =	stream.indirect.gather [hbm4b:s4+s17], $0x80, s12, s17, $0xb8;
	[tilespmem:$0x1A500] =	vst v63  }
0xc5: {  	_ = 	snop  }
0xc6: {  	[tilespmem:s20], [sflag:$0x2] =	stream.indirect.gather [hbm4b:s4+s17], $0x80, s13, s17, $0xb8;
	[tilespmem:$0x1A500] =	vst v63  }
0xc7: {  	_ = 	snop  }
0xc8: {  	[tilespmem:s21], [sflag:$0x2] =	stream.indirect.gather [hbm4b:s4+s17], $0x80, s14, s17, $0xb8;
	[tilespmem:$0x1A500] =	vst v63  }
0xc9: {  	_ = 	snop  }
0xca: {  	[tilespmem:s22], [sflag:$0x2] =	stream.indirect.gather [hbm4b:s4+s17], $0x80, s15, s17, $0xb8;
	[tilespmem:$0x1A500] =	vst v63  }
0xcb: {  	_ =	swait.ge [sflag:s23], $0x1400  }
0xcc: {  	[sflag:s23] =	ssyncset.done $0x0  }
0xcd: {  	[sflag:s23] =	ssyncadd.s32 $0xFFFFEC00  }
0xce: {  	_ =	swait.ge [sflag:s23], $0x1400  }
0xcf: {  	[sflag:s23] =	ssyncset.done $0x0  }
0xd0: {  	[sflag:s23] =	ssyncadd.s32 $0xFFFFEC00  }
0xd1: {  	_ =	swait.ge [sflag:s23], $0x1400  }
0xd2: {  	[sflag:s23] =	ssyncset.done $0x0  }
0xd3: {  	[sflag:s23] =	ssyncadd.s32 $0xFFFFEC00  }
0xd4: {  	_ =	swait.ge [sflag:s23], $0x1400  }
0xd5: {  	[sflag:s23] =	ssyncset.done $0x0  }
0xd6: {  	[sflag:s23] =	ssyncadd.s32 $0xFFFFEC00  }
0xd7: {  	_ =	swait.ge [sflag:s23], $0x1400  }
0xd8: {  	[sflag:s23] =	ssyncset.done $0x0  }
0xd9: {  	[sflag:s23] =	ssyncadd.s32 $0xFFFFEC00  }
0xda: {  	[spmem:s1] =	stream.indirect.scatter.add.f32 [tilespmem:s18], [sflag:$0x3], $0x80, s24, s17, $0xb8;
	[tilespmem:$0x1A500] =	vst v63  }
0xdb: {  	_ = 	snop  }
0xdc: {  	[spmem:s1] =	stream.indirect.scatter.add.f32 [tilespmem:s19], [sflag:$0x3], $0x80, s25, s17, $0xb8;
	[tilespmem:$0x1A500] =	vst v63  }
0xdd: {  	_ = 	snop  }
0xde: {  	[spmem:s1] =	stream.indirect.scatter.add.f32 [tilespmem:s20], [sflag:$0x3], $0x80, s26, s17, $0xb8;
	[tilespmem:$0x1A500] =	vst v63  }
0xdf: {  	_ = 	snop  }
0xe0: {  	[spmem:s1] =	stream.indirect.scatter.add.f32 [tilespmem:s21], [sflag:$0x3], $0x80, s28, s17, $0xb8;
	[tilespmem:$0x1A500] =	vst v63  }
0xe1: {  	_ = 	snop  }
0xe2: {  	[spmem:s1] =	stream.indirect.scatter.add.f32 [tilespmem:s22], [sflag:$0x3], $0x80, s29, s17, $0xb8;
	[tilespmem:$0x1A500] =	vst v63  }
0xe3: {  	_ =	swait.ge [sflag:s30], $0x1400  }
0xe4: {  	[sflag:s30] =	ssyncset.done $0x0  }
0xe5: {  	[sflag:s30] =	ssyncadd.s32 $0xFFFFEC00  }
0xe6: {  	_ =	swait.ge [sflag:s30], $0x1400  }
0xe7: {  	[sflag:s30] =	ssyncset.done $0x0  }
0xe8: {  	[sflag:s30] =	ssyncadd.s32 $0xFFFFEC00  }
0xe9: {  	_ =	swait.ge [sflag:s30], $0x1400  }
0xea: {  	[sflag:s30] =	ssyncset.done $0x0  }
0xeb: {  	[sflag:s30] =	ssyncadd.s32 $0xFFFFEC00  }
0xec: {  	_ =	swait.ge [sflag:s30], $0x1400  }
0xed: {  	[sflag:s30] =	ssyncset.done $0x0  }
0xee: {  	[sflag:s30] =	ssyncadd.s32 $0xFFFFEC00  }
0xef: {  	_ =	swait.ge [sflag:s30], $0x1400  }
0xf0: {  	[sflag:s30] =	ssyncset.done $0x0  }
0xf1: {  	s31 =	sadd.s32 $0x1, s31;
	[sflag:s30] =	ssyncadd.s32 $0xFFFFEC00  }
0xf2: {  	p0 =	sne.s32 s31, s8;
	[bflag:$0x0] =	sbarrier.arrive $0xFFFF  }
.Ltmp1:
0xf3: {  	s7 =	rddreg [dreg:$0x4];
	(pc) =	sbr.rel @p0 .LBB2_1-.Ltmp1, $4  }
0xf4: {  	[hbm:s7], [sflag:s6] =	dma.local [spmem:s10], $0x2780  }
0xf5: {  	_ =	swait.ge [sflag:s11], $0x2780  }
0xf6: {  	[sflag:s11] =	ssyncset.done $0x0  }
0xf7: {  	[sflag:s11] =	ssyncadd.s32 $0xFFFFD880  }
0xf8: {  	_ =	sfence.sel $0x180000  }
0xf9: {  	[bflag:$0x0] =	sbarrier.arrive $0xFFFF  }
0xfa: {  	_ =	strace $0x90000047  }
0xfb: {  	s0 =	stileid.u32;
	[bflag:$0x2] =	sbarrier.arrive $0xFFFF  }
0xfc: {  	p0 =	sne.s32 s0, $0x0;
	s0 =	rddreg [dreg:$0x2]  }
0xfd: {  	s0 =	sadd.s32 @!p0 $0x100000, s0  }
0xfe: {  	[sflag:s0] =	ssyncadd.tile.s32 @!p0 $0x1;
	_ =	shalt  }
.Lfunc_end2:
_tile_overlayer_lowered:
.L_overlay_start_2:
0xff: {  	(tag) =	ssettag $0x2  }
0x100: {  	s0 =	rddreg [dreg:$0x0];
	s2 =	stileid.u32  }
0x101: {  	s1 =	rddreg [dreg:$0x1];
	p0 =	sne.s32 s2, $0x0  }
0x102: {  	s3 =	rddreg [dreg:$0x2];
	[bflag:$0x3] =	sbarrier.arrive $0xFFFF;
	s2 =	simm.s32 @!p0 $0x1C04  }
0x103: {  	[timem:s3], [sflag:s2] =	dma.local @!p0 [hbm:s0], s1  }
0x104: {  	s0 =	simm.s32 @!p0 $0x4  }
0x105: {  	_ =	swait.ge @!p0 [sflag:s0], s1  }
0x106: {  	s1 =	ssub.s32 @!p0 $0x0, s1;
	[sflag:s0] =	ssyncset.done @!p0 $0x0  }
0x107: {  	[sflag:s0] =	ssyncadd.s32 @!p0 s1  }
0x108: {  	[bflag:$0x3] =	sbarrier.arrive $0xFFFF  }
0x109: {  	_ =	shalt  }

// kernel: kernel.16.cloned.1.call-start
scs
__scs_entry_jumppad:
0x0: {  	(pc) =	sbr.rel $0x88, $3  }
0x1: {  	(tag) =	ssettag $0x0;
	lr =	simm.s32 $0x1  }
0x2: {  	[smem:$0x3F90] =	sst lr;
	_ =	strace $0xD0000000  }
0x3: {  	_ = 	snop  }
0x4: {  	_ = 	snop  }
0x5: {  	_ = 	snop  }
0x6: {  	_ = 	snop  }
0x7: {  	_ = 	snop  }
__scs_overlays_trampoline_lowered:
0x8: {  	[smem:$0x3F9F] =	sst s0  }
0x9: {  	[smem:$0x3FA0] =	sst s1  }
0xa: {  	[smem:$0x3FA1] =	sst s2  }
0xb: {  	[smem:$0x3FA2] =	sst s3  }
0xc: {  	[smem:$0x3FA3] =	sst s4  }
0xd: {  	[smem:$0x3FA4] =	sst s5  }
0xe: {  	[smem:$0x3FA5] =	sst s6  }
0xf: {  	[smem:$0x3FA6] =	sst s7  }
0x10: {  	[smem:$0x3FA7] =	sst s8  }
0x11: {  	[smem:$0x3FA8] =	sst s9;
	s0 =	simm.s32 @!p0 $0x0  }
0x12: {  	s1 =	sld [smem:$0x3F8E];
	s0 =	simm.s32 @p0 $0x1  }
0x13: {  	[smem:$0x3FA9] =	sst s0;
	s0 =	simm.s32 @!p1 $0x0  }
0x14: {  	s2 =	sld [smem:$0x3F8D];
	s0 =	simm.s32 @p1 $0x1  }
0x15: {  	[smem:$0x3FAA] =	sst s0;
	s0 =	simm.s32 @!p2 $0x0  }
0x16: {  	s3 =	sld [smem:$0x3FDB];
	s0 =	simm.s32 @p2 $0x1  }
0x17: {  	s4 =	simm.s32 $0x1BF5;
	[smem:$0x3FAC] =	sst s0  }
0x18: {  	s0 =	sld [smem:$0x3F8F];
	_ =	swait.ge [sflag:s4], $0x0  }
0x19: {  	s7 =	sld [smem:$0x3F90]  }
0x1a: {  	s8 =	sadd.s32 $0xFFFFE003, lr  }
0x1b: {  	s9 =	sadd.s32 $0xFFFFFEF7, lr;
	s5 =	simm.s32 $0xFFFFFFFF;
	p2 =	slt.u32 s8, $0xFFFFF086  }
0x1c: {  	p1 =	slt.u32 s9, $0xF7A;
	s5 =	simm.s32 @!p2 $0x0  }
0x1d: {  	s5 =	simm.s32 @p1 $0x1;
	p0 =	seq.s32 s7, s2  }
0x1e: {  	s7 =	smul.u32 @!p0 $0xF7A, s2;
	p2 =	seq.s32 @!p0 s5, $0x0  }
0x1f: {  	s9 =	smul.u32 $0xF7A, s1;
	s8 =	simm.s32 @!p0 $0x1BF5;
	p2 =	por !p2, p0  }
0x20: {  	[sflag:s8] =	ssyncset.s32 @!p0 $0xFFFFF086;
	s6 =	sadd.s32 @!p0 s3, s7;
	s7 =	simm.s32 @!p0 $0x108  }
0x21: {  	s3 =	sadd.s32 s3, s9;
	s6 =	sadd.s32 @!p0 $0x88, s6;
	s7 =	simm.s32 @p2 $0x1082  }
0x22: {  	[simem:s7], [sflag:s8] =	dma.local @!p0 [hbm:s6], $0xF7A  }
0x23: {  	s9 =	sor.u32 $0xD0000000, s2;
	s6 =	simm.s32 $0x108;
	_ =	swait.ge @!p0 [sflag:s8], $0x0  }
0x24: {  	s3 =	sadd.s32 $0x88, s3;
	s6 =	simm.s32 @!p1 $0x1082;
	[sflag:s4] =	ssyncset.s32 $0xFFFFF086  }
0x25: {  	[simem:s6], [sflag:s4] =	dma.local [hbm:s3], $0xF7A  }
0x26: {  	[smem:$0x3F90] =	sst s1;
	(tag) =	ssettag s2;
	_ =	strace s9  }
0x27: {  	s1 =	sld [smem:$0x3FA0]  }
0x28: {  	s2 =	sld [smem:$0x3FA1]  }
0x29: {  	s4 =	sld [smem:$0x3FA3]  }
0x2a: {  	p0 =	seq.s32 s5, $0x0;
	s5 =	sld [smem:$0x3FA4]  }
0x2b: {  	s6 =	sld [smem:$0x3FA5]  }
0x2c: {  	s7 =	sld [smem:$0x3FA6]  }
0x2d: {  	s3 =	simm.s32 $0x108;
	s8 =	sld [smem:$0x3FA7]  }
0x2e: {  	s3 =	simm.s32 @!p0 $0x1082;
	s9 =	sld [smem:$0x3FA8]  }
0x2f: {  	lr =	sadd.s32 s0, s3;
	s0 =	sld [smem:$0x3F9F]  }
0x30: {  	s3 =	sld [smem:$0x3FA2]  }
0x31: {  	[smem:$0x3FAB] =	sst s10  }
0x32: {  	s10 =	sld [smem:$0x3FA9];
	_ =	sdelay $0x3  }
0x33: {  	p0 =	seq.s32 s10, $0x1;
	s10 =	sld [smem:$0x3FAB];
	_ =	sdelay $0x3  }
0x34: {  	[smem:$0x3FAB] =	sst s10  }
0x35: {  	s10 =	sld [smem:$0x3FAA];
	_ =	sdelay $0x3  }
0x36: {  	p1 =	seq.s32 s10, $0x1;
	s10 =	sld [smem:$0x3FAB];
	_ =	sdelay $0x3  }
0x37: {  	[smem:$0x3FAB] =	sst s10  }
0x38: {  	s10 =	sld [smem:$0x3FAC]  }
0x39: {  	_ = 	snop;
	(pc) =	sbr.ind lr, $3  }
0x3a: {  	_ = 	snop  }
0x3b: {  	_ = 	snop  }
0x3c: {  	p2 =	seq.s32 s10, $0x1;
	s10 =	sld [smem:$0x3FAB]  }
0x3d: {  	_ =	shalt  }
0x3e: {  	_ =	shalt  }
0x3f: {  	_ =	shalt  }
0x40: {  	_ =	shalt  }
0x41: {  	_ =	shalt  }
0x42: {  	_ =	shalt  }
0x43: {  	_ =	shalt  }
0x44: {  	_ =	shalt  }
0x45: {  	_ =	shalt  }
0x46: {  	_ =	shalt  }
0x47: {  	_ =	shalt  }
0x48: {  	_ =	shalt  }
0x49: {  	_ =	shalt  }
0x4a: {  	_ =	shalt  }
0x4b: {  	_ =	shalt  }
0x4c: {  	_ =	shalt  }
0x4d: {  	_ =	shalt  }
0x4e: {  	_ =	shalt  }
0x4f: {  	_ =	shalt  }
0x50: {  	_ =	shalt  }
0x51: {  	_ =	shalt  }
0x52: {  	_ =	shalt  }
0x53: {  	_ =	shalt  }
0x54: {  	_ =	shalt  }
0x55: {  	_ =	shalt  }
0x56: {  	_ =	shalt  }
0x57: {  	_ =	shalt  }
0x58: {  	_ =	shalt  }
0x59: {  	_ =	shalt  }
0x5a: {  	_ =	shalt  }
0x5b: {  	_ =	shalt  }
0x5c: {  	_ =	shalt  }
0x5d: {  	_ =	shalt  }
0x5e: {  	_ =	shalt  }
0x5f: {  	_ =	shalt  }
0x60: {  	_ =	shalt  }
0x61: {  	_ =	shalt  }
0x62: {  	_ =	shalt  }
0x63: {  	_ =	shalt  }
0x64: {  	_ =	shalt  }
0x65: {  	_ =	shalt  }
0x66: {  	_ =	shalt  }
0x67: {  	_ =	shalt  }
0x68: {  	_ =	shalt  }
0x69: {  	_ =	shalt  }
0x6a: {  	_ =	shalt  }
0x6b: {  	_ =	shalt  }
0x6c: {  	_ =	shalt  }
0x6d: {  	_ =	shalt  }
0x6e: {  	_ =	shalt  }
0x6f: {  	_ =	shalt  }
0x70: {  	_ =	shalt  }
0x71: {  	_ =	shalt  }
0x72: {  	_ =	shalt  }
0x73: {  	_ =	shalt  }
0x74: {  	_ =	shalt  }
0x75: {  	_ =	shalt  }
0x76: {  	_ =	shalt  }
0x77: {  	_ =	shalt  }
0x78: {  	_ =	shalt  }
0x79: {  	_ =	shalt  }
0x7a: {  	_ =	shalt  }
0x7b: {  	_ =	shalt  }
0x7c: {  	_ =	shalt  }
0x7d: {  	_ =	shalt  }
0x7e: {  	_ =	shalt  }
0x7f: {  	_ =	shalt  }
0x80: {  	_ =	shalt  }
0x81: {  	_ =	shalt  }
0x82: {  	_ =	shalt  }
0x83: {  	_ =	shalt  }
0x84: {  	_ =	shalt  }
0x85: {  	_ =	shalt  }
0x86: {  	_ =	shalt  }
0x87: {  	_ =	shalt  }
.Lfunc_end0:
.L_simem_size_0:
called_computation.1_lowered:
.L_overlay_start_0:
0x88: {  	s2 =	sld [smem:$0x3FD9]  }
0x89: {  	s3 =	sld [smem:$0x3FFE];
	_ =	sdelay $0x1  }
0x8a: {  	s1 =	srdreg.scid  }
0x8b: {  	s0 =	sand.u32 $0x1, s1  }
0x8c: {  	s16 =	sshll.u32 s0, $0xA;
	s2 =	sadd.s32 s3, s2  }
0x8d: {  	s2 =	sadd.s32 s2, s16  }
0x8e: {  	[smem:$0x3FB7] =	sst s2  }
0x8f: {  	_ = 	snop  }
0x90: {  	(tm) =	ssettm $0x1  }
0x91: {  	s17 =	sld [smem:$0x3FFB];
	_ =	sdelay $0x3  }
0x92: {  	_ =	strace s17  }
0x93: {  	s2 =	sld [smem:$0x3FFC];
	_ =	sdelay $0x3  }
0x94: {  	_ =	strace s2  }
0x95: {  	s2 =	sld [smem:$0x3FFD];
	_ =	sdelay $0x3  }
0x96: {  	_ =	strace s2  }
0x97: {  	_ =	strace $0x8FFFFFFF  }
0x98: {  	s18 =	sld [smem:$0x3FDB];
	_ =	sdelay $0x1  }
0x99: {  	s19 =	simm.s32 $_scs_section_size  }
0x9a: {  	s4 =	simm.s32 $_size__tile_overlayer_lowered;
	s5 =	simm.s32 $_tile_overlayer_lowered  }
0x9b: {  	s22 =	simm.s32 $0x1BFF;
	s21 =	sshll.u32 s5, $0x1;
	s2 =	sadd.s32 s19, s18  }
0x9c: {  	s6 =	simm.s32 $0x0;
	s20 =	sshll.u32 s4, $0x1;
	s4 =	sadd.s32 s21, s2  }
0x9d: {  	[timem:s6], [sflag:s22] =	dma.local [hbm:s4], s20  }
0x9e: {  	_ =	swait.ge [sflag:s22], s20  }
0x9f: {  	s3 =	ssub.s32 $0x0, s20;
	[sflag:s22] =	ssyncset.done $0x0  }
0xa0: {  	[sflag:s22] =	ssyncadd.s32 s3;
	_ =	sdelay $0x1  }
0xa1: {  	s23 =	simm.s32 $0x1B8B  }
0xa2: {  	_ =	swait.ge [sflag:s23], $0x1  }
0xa3: {  	[sflag:s23] =	ssyncset.done $0x0  }
0xa4: {  	s25 =	simm.s32 $0x1B8E;
	s24 =	sld [smem:$0x3FFE];
	[sflag:s23] =	ssyncadd.s32 $0xFFFFFFFF  }
0xa5: {  	s26 =	simm.s32 $execute0_lowered;
	[smem:$0x3FD2] =	sst s25  }
0xa6: {  	s4 =	sshll.u32 s26, $0x1;
	_ =	strace $0x80000049;
	[dreg:$0x1] =	wrdreg $0xFFFFFFFF  }
0xa7: {  	s28 =	simm.s32 $_size_execute0_lowered;
	s2 =	sadd.s32 s2, s4;
	[dreg:$0x0] =	wrdreg $0x0  }
0xa8: {  	s4 =	sshll.u32 s28, $0x1;
	[dreg:$0x2] =	wrdreg s2  }
0xa9: {  	[dreg:$0x3] =	wrdreg s4  }
0xaa: {  	[dreg:$0x4] =	wrdreg $0xC0  }
0xab: {  	_ =	task [dreg:s6], $0x5FFFF  }
0xac: {  	[dreg:$0x1] =	wrdreg $0xFFFFFFFF  }
0xad: {  	[dreg:$0x0] =	wrdreg $0x60  }
0xae: {  	[dreg:$0x2] =	wrdreg s24  }
0xaf: {  	[dreg:$0x3] =	wrdreg $0x69000  }
0xb0: {  	[dreg:$0x4] =	wrdreg $0x9  }
0xb1: {  	_ =	task.clear_ibuf [dreg:s6], $0x5FFFF;
	_ =	strace $0x90000049  }
0xb2: {  	s29 =	simm.s32 $0x9;
	_ =	strace $0x8000004B  }
0xb3: {  	_ =	swait.ge [sflag:s29], $0x1  }
0xb4: {  	[sflag:s29] =	ssyncadd.s32 $0xFFFFFFFF  }
0xb5: {  	_ =	strace $0x9000004B  }
0xb6: {  	_ =	sfence  }
0xb7: {  	s30 =	sld [smem:$0x0];
	_ =	sdelay $0x2  }
0xb8: {  	s31 =	sshll.u32 s1, $0xD;
	s1 =	sshrl.u32 s1, $0x2  }
0xb9: {  	s3 =	sand.u32 $0x4000, s31;
	s1 =	sadd.s32 s1, s30  }
0xba: {  	s0 =	sor.u32 s3, s0;
	s1 =	sshll.u32 s1, $0x11  }
0xbb: {  	s0 =	sor.u32 s1, s0  }
0xbc: {  	s0 =	sadd.s32 $0x8F2B, s0  }
0xbd: {  	[sflag:s0] =	ssyncadd.remote.s32 $0x1  }
0xbe: {  	_ =	sfence.sel $0xFFFF  }
0xbf: {  	[dreg:$0x0] =	wrdreg $0xFFFFFFFF;
	(pc) =	sbr.abs _section_cstart, $3  }
0xc0: {  	[dreg:$0x1] =	wrdreg $0xFFFFFFFF  }
0xc1: {  	_ =	task.clear_ibuf [dreg:s6], $0x2FFFF;
	_ =	strace $0x9FFFFFFF  }
0xc2: {  	(tm) =	ssettm $0x7FFFFFFF  }
0xc3: {  	_ =	shalt  }
tec
execute0_lowered:
.L_overlay_start_1:
0x0: {  	(tag) =	ssettag $0x1  }
0x1: {  	s0 =	rddreg [dreg:$0x0];
	s2 =	srdreg.scid  }
0x2: {  	s1 =	rddreg [dreg:$0x1];
	s3 =	simm.s32 $0x0;
	s9 =	stileid.u32  }
0x3: {  	s11 =	simm.s32 $0x4;
	s12 =	simm.s32 $0x100;
	s13 =	simm.s32 $0x200  }
0x4: {  	s14 =	simm.s32 $0x300;
	s15 =	simm.s32 $0x400;
	s16 =	simm.s32 $0x1  }
0x5: {  	s17 =	simm.s32 $0x28;
	s18 =	simm.s32 $0x500;
	s19 =	simm.s32 $0x1900  }
0x6: {  	s20 =	simm.s32 $0x2D00;
	s21 =	simm.s32 $0x4100;
	s28 =	simm.s32 $0x380  }
0x7: {  	s29 =	simm.s32 $0x480;
	s30 =	simm.s32 $0x3;
	s7 =	smul.u32 $0x13C00, s9  }
0x8: {  	s31 =	simm.s32 $0x0;
	s2 =	sand.u32 $0x1, s2;
	s22 =	smul.u32 $0x4F000, s9  }
0x9: {  	[smem:$0x7FF] =	sst s3;
	s4 =	sadd.s32 $0x44A00, s0;
	s24 =	smul.u32 $0x1F40, s9  }
0xa: {  	s8 =	sadd.s32 $0x6BC00, s0;
	s26 =	sshll.u32 s9, $0x6;
	s5 =	smul.u32 $0x1F400, s2  }
0xb: {  	s6 =	smul.u32 $0x13C000, s2;
	_ =	strace $0x8000004A;
	s2 =	ssub.s32 $0x2, s2  }
0xc: {  	[dreg:$0x3] =	wrdreg s8;
	s23 =	sshrl.u32 s2, $0x1;
	s25 =	sshrl.u32 s22, $0x2  }
0xd: {  	s22 =	simm.s32 $0x5500;
	s5 =	sadd.s32 s5, s0;
	s6 =	sadd.s32 s7, s6  }
0xe: {  	s2 =	ssub.s32 s2, s23;
	s10 =	sadd.s32 s25, s1;
	s23 =	simm.s32 $0x2  }
0xf: {  	s25 =	simm.s32 $0x180;
	s6 =	sshrl.u32 s6, $0x3;
	s5 =	sadd.s32 s24, s5  }
0x10: {  	s8 =	smax.u32 s2, $0x1;
	s10 =	sshrl.u32 s10, $0x3;
	s0 =	sadd.s32 s6, s0  }
0x11: {  	s24 =	simm.s32 $0x80;
	s6 =	sor.u32 $0x1C04, s26;
	s0 =	sadd.s32 $0x6E400, s0  }
0x12: {  	s9 =	sadd.s32 $0x6200, s5;
	s26 =	simm.s32 $0x280;
	[dreg:$0x4] =	wrdreg s0  }
.LBB2_1:
0x13: {  	s0 =	rddreg [dreg:$0x3]  }
0x14: {  	[spmem:s10], [sflag:s6] =	dma.local [hbm:s0], $0x2780  }
0x15: {  	_ =	swait.ge [sflag:s11], $0x2780  }
0x16: {  	[sflag:s11] =	ssyncset.done $0x0  }
0x17: {  	[sflag:s11] =	ssyncadd.s32 $0xFFFFD880  }
0x18: {  	s0 =	sadd.s32 $0x0, s9;
	[bflag:$0x0] =	sbarrier.arrive $0xFFFF  }
0x19: {  	[tilespmem:s3], [sflag:$0x1] =	stream.linear.gather [hbm4b:s0+s3], $0x100, $0x38;
	[tilespmem:$0x1A500] =	vst v63  }
0x1a: {  	s2 =	sadd.s32 $0x20, s0  }
0x1b: {  	[tilespmem:s12], [sflag:$0x1] =	stream.linear.gather [hbm4b:s2+s3], $0x100, $0x38;
	[tilespmem:$0x1A500] =	vst v63  }
0x1c: {  	s5 =	sadd.s32 $0x40, s0  }
0x1d: {  	[tilespmem:s13], [sflag:$0x1] =	stream.linear.gather [hbm4b:s5+s3], $0x100, $0x38;
	[tilespmem:$0x1A500] =	vst v63  }
0x1e: {  	s7 =	sadd.s32 $0x60, s0  }
0x1f: {  	[tilespmem:s14], [sflag:$0x1] =	stream.linear.gather [hbm4b:s7+s3], $0x100, $0x38;
	[tilespmem:$0x1A500] =	vst v63  }
0x20: {  	s0 =	sadd.s32 $0x80, s0  }
0x21: {  	[tilespmem:s15], [sflag:$0x1] =	stream.linear.gather [hbm4b:s0+s3], $0x100, $0x38;
	[tilespmem:$0x1A500] =	vst v63  }
0x22: {  	_ =	swait.ge [sflag:s16], $0x100  }
0x23: {  	[sflag:s16] =	ssyncset.done $0x0  }
0x24: {  	[sflag:s16] =	ssyncadd.s32 $0xFFFFFF00  }
0x25: {  	_ =	swait.ge [sflag:s16], $0x100  }
0x26: {  	[sflag:s16] =	ssyncset.done $0x0  }
0x27: {  	[sflag:s16] =	ssyncadd.s32 $0xFFFFFF00  }
0x28: {  	_ =	swait.ge [sflag:s16], $0x100  }
0x29: {  	[sflag:s16] =	ssyncset.done $0x0  }
0x2a: {  	[sflag:s16] =	ssyncadd.s32 $0xFFFFFF00  }
0x2b: {  	_ =	swait.ge [sflag:s16], $0x100  }
0x2c: {  	[sflag:s16] =	ssyncset.done $0x0  }
0x2d: {  	[sflag:s16] =	ssyncadd.s32 $0xFFFFFF00  }
0x2e: {  	_ =	swait.ge [sflag:s16], $0x100  }
0x2f: {  	[sflag:s16] =	ssyncset.done $0x0  }
0x30: {  	[sflag:s16] =	ssyncadd.s32 $0xFFFFFF00  }
0x31: {  	[tilespmem:s18], [sflag:$0x2] =	stream.indirect.gather [hbm4b:s4+s17], $0x80, s3, s17, $0xb8;
	[tilespmem:$0x1A500] =	vst v63  }
0x32: {  	_ = 	snop  }
0x33: {  	[tilespmem:s19], [sflag:$0x2] =	stream.indirect.gather [hbm4b:s4+s17], $0x80, s12, s17, $0xb8;
	[tilespmem:$0x1A500] =	vst v63  }
0x34: {  	_ = 	snop  }
0x35: {  	[tilespmem:s20], [sflag:$0x2] =	stream.indirect.gather [hbm4b:s4+s17], $0x80, s13, s17, $0xb8;
	[tilespmem:$0x1A500] =	vst v63  }
0x36: {  	_ = 	snop  }
0x37: {  	[tilespmem:s21], [sflag:$0x2] =	stream.indirect.gather [hbm4b:s4+s17], $0x80, s14, s17, $0xb8;
	[tilespmem:$0x1A500] =	vst v63  }
0x38: {  	_ = 	snop  }
0x39: {  	[tilespmem:s22], [sflag:$0x2] =	stream.indirect.gather [hbm4b:s4+s17], $0x80, s15, s17, $0xb8;
	[tilespmem:$0x1A500] =	vst v63  }
0x3a: {  	_ =	swait.ge [sflag:s23], $0x1400  }
0x3b: {  	[sflag:s23] =	ssyncset.done $0x0  }
0x3c: {  	[sflag:s23] =	ssyncadd.s32 $0xFFFFEC00  }
0x3d: {  	_ =	swait.ge [sflag:s23], $0x1400  }
0x3e: {  	[sflag:s23] =	ssyncset.done $0x0  }
0x3f: {  	[sflag:s23] =	ssyncadd.s32 $0xFFFFEC00  }
0x40: {  	_ =	swait.ge [sflag:s23], $0x1400  }
0x41: {  	[sflag:s23] =	ssyncset.done $0x0  }
0x42: {  	[sflag:s23] =	ssyncadd.s32 $0xFFFFEC00  }
0x43: {  	_ =	swait.ge [sflag:s23], $0x1400  }
0x44: {  	[sflag:s23] =	ssyncset.done $0x0  }
0x45: {  	[sflag:s23] =	ssyncadd.s32 $0xFFFFEC00  }
0x46: {  	_ =	swait.ge [sflag:s23], $0x1400  }
0x47: {  	[sflag:s23] =	ssyncset.done $0x0  }
0x48: {  	[sflag:s23] =	ssyncadd.s32 $0xFFFFEC00  }
0x49: {  	[spmem:s1] =	stream.indirect.scatter.add.f32 [tilespmem:s18], [sflag:$0x3], $0x80, s24, s17, $0xb8;
	[tilespmem:$0x1A500] =	vst v63  }
0x4a: {  	_ = 	snop  }
0x4b: {  	[spmem:s1] =	stream.indirect.scatter.add.f32 [tilespmem:s19], [sflag:$0x3], $0x80, s25, s17, $0xb8;
	[tilespmem:$0x1A500] =	vst v63  }
0x4c: {  	_ = 	snop  }
0x4d: {  	[spmem:s1] =	stream.indirect.scatter.add.f32 [tilespmem:s20], [sflag:$0x3], $0x80, s26, s17, $0xb8;
	[tilespmem:$0x1A500] =	vst v63  }
0x4e: {  	_ = 	snop  }
0x4f: {  	[spmem:s1] =	stream.indirect.scatter.add.f32 [tilespmem:s21], [sflag:$0x3], $0x80, s28, s17, $0xb8;
	[tilespmem:$0x1A500] =	vst v63  }
0x50: {  	_ = 	snop  }
0x51: {  	[spmem:s1] =	stream.indirect.scatter.add.f32 [tilespmem:s22], [sflag:$0x3], $0x80, s29, s17, $0xb8;
	[tilespmem:$0x1A500] =	vst v63  }
0x52: {  	_ =	swait.ge [sflag:s30], $0x1400  }
0x53: {  	[sflag:s30] =	ssyncset.done $0x0  }
0x54: {  	[sflag:s30] =	ssyncadd.s32 $0xFFFFEC00  }
0x55: {  	_ =	swait.ge [sflag:s30], $0x1400  }
0x56: {  	[sflag:s30] =	ssyncset.done $0x0  }
0x57: {  	[sflag:s30] =	ssyncadd.s32 $0xFFFFEC00  }
0x58: {  	_ =	swait.ge [sflag:s30], $0x1400  }
0x59: {  	[sflag:s30] =	ssyncset.done $0x0  }
0x5a: {  	[sflag:s30] =	ssyncadd.s32 $0xFFFFEC00  }
0x5b: {  	_ =	swait.ge [sflag:s30], $0x1400  }
0x5c: {  	[sflag:s30] =	ssyncset.done $0x0  }
0x5d: {  	[sflag:s30] =	ssyncadd.s32 $0xFFFFEC00  }
0x5e: {  	_ =	swait.ge [sflag:s30], $0x1400  }
0x5f: {  	s2 =	simm.s32 $0x140;
	s0 =	simm.s32 $0xA0;
	[sflag:s30] =	ssyncset.done $0x0  }
.LBB2_2:
0x60: {  	s7 =	sadd.s32 s0, s9  }
0x61: {  	[sflag:s30] =	ssyncadd.s32 $0xFFFFEC00;
	s0 =	smov.u32 s2;
	s5 =	sadd.s32 $0xA0, s2  }
0x62: {  	[tilespmem:s3], [sflag:$0x1] =	stream.linear.gather [hbm4b:s7+s3], $0x100, $0x38;
	[tilespmem:$0x1A500] =	vst v63  }
0x63: {  	p0 =	sne.s32 s2, $0x1EA0;
	s2 =	sadd.s32 $0x20, s7  }
0x64: {  	[tilespmem:s12], [sflag:$0x1] =	stream.linear.gather [hbm4b:s2+s3], $0x100, $0x38;
	[tilespmem:$0x1A500] =	vst v63  }
0x65: {  	s2 =	sadd.s32 $0x40, s7  }
0x66: {  	[tilespmem:s13], [sflag:$0x1] =	stream.linear.gather [hbm4b:s2+s3], $0x100, $0x38;
	[tilespmem:$0x1A500] =	vst v63  }
0x67: {  	s2 =	sadd.s32 $0x60, s7  }
0x68: {  	[tilespmem:s14], [sflag:$0x1] =	stream.linear.gather [hbm4b:s2+s3], $0x100, $0x38;
	[tilespmem:$0x1A500] =	vst v63  }
0x69: {  	s2 =	sadd.s32 $0x80, s7  }
0x6a: {  	[tilespmem:s15], [sflag:$0x1] =	stream.linear.gather [hbm4b:s2+s3], $0x100, $0x38;
	[tilespmem:$0x1A500] =	vst v63  }
0x6b: {  	_ =	swait.ge [sflag:s16], $0x100  }
0x6c: {  	[sflag:s16] =	ssyncset.done $0x0  }
0x6d: {  	[sflag:s16] =	ssyncadd.s32 $0xFFFFFF00  }
0x6e: {  	_ =	swait.ge [sflag:s16], $0x100  }
0x6f: {  	[sflag:s16] =	ssyncset.done $0x0  }
0x70: {  	[sflag:s16] =	ssyncadd.s32 $0xFFFFFF00  }
0x71: {  	_ =	swait.ge [sflag:s16], $0x100  }
0x72: {  	[sflag:s16] =	ssyncset.done $0x0  }
0x73: {  	[sflag:s16] =	ssyncadd.s32 $0xFFFFFF00  }
0x74: {  	_ =	swait.ge [sflag:s16], $0x100  }
0x75: {  	[sflag:s16] =	ssyncset.done $0x0  }
0x76: {  	[sflag:s16] =	ssyncadd.s32 $0xFFFFFF00  }
0x77: {  	_ =	swait.ge [sflag:s16], $0x100  }
0x78: {  	[sflag:s16] =	ssyncset.done $0x0  }
0x79: {  	[sflag:s16] =	ssyncadd.s32 $0xFFFFFF00  }
0x7a: {  	[tilespmem:s18], [sflag:$0x2] =	stream.indirect.gather [hbm4b:s4+s17], $0x80, s3, s17, $0xb8;
	[tilespmem:$0x1A500] =	vst v63  }
0x7b: {  	_ = 	snop  }
0x7c: {  	[tilespmem:s19], [sflag:$0x2] =	stream.indirect.gather [hbm4b:s4+s17], $0x80, s12, s17, $0xb8;
	[tilespmem:$0x1A500] =	vst v63  }
0x7d: {  	_ = 	snop  }
0x7e: {  	[tilespmem:s20], [sflag:$0x2] =	stream.indirect.gather [hbm4b:s4+s17], $0x80, s13, s17, $0xb8;
	[tilespmem:$0x1A500] =	vst v63  }
0x7f: {  	_ = 	snop  }
0x80: {  	[tilespmem:s21], [sflag:$0x2] =	stream.indirect.gather [hbm4b:s4+s17], $0x80, s14, s17, $0xb8;
	[tilespmem:$0x1A500] =	vst v63  }
0x81: {  	_ = 	snop  }
0x82: {  	[tilespmem:s22], [sflag:$0x2] =	stream.indirect.gather [hbm4b:s4+s17], $0x80, s15, s17, $0xb8;
	[tilespmem:$0x1A500] =	vst v63  }
0x83: {  	_ =	swait.ge [sflag:s23], $0x1400  }
0x84: {  	[sflag:s23] =	ssyncset.done $0x0  }
0x85: {  	[sflag:s23] =	ssyncadd.s32 $0xFFFFEC00  }
0x86: {  	_ =	swait.ge [sflag:s23], $0x1400  }
0x87: {  	[sflag:s23] =	ssyncset.done $0x0  }
0x88: {  	[sflag:s23] =	ssyncadd.s32 $0xFFFFEC00  }
0x89: {  	_ =	swait.ge [sflag:s23], $0x1400  }
0x8a: {  	[sflag:s23] =	ssyncset.done $0x0  }
0x8b: {  	[sflag:s23] =	ssyncadd.s32 $0xFFFFEC00  }
0x8c: {  	_ =	swait.ge [sflag:s23], $0x1400  }
0x8d: {  	[sflag:s23] =	ssyncset.done $0x0  }
0x8e: {  	[sflag:s23] =	ssyncadd.s32 $0xFFFFEC00  }
0x8f: {  	_ =	swait.ge [sflag:s23], $0x1400  }
0x90: {  	[sflag:s23] =	ssyncset.done $0x0  }
0x91: {  	[sflag:s23] =	ssyncadd.s32 $0xFFFFEC00  }
0x92: {  	[spmem:s1] =	stream.indirect.scatter.add.f32 [tilespmem:s18], [sflag:$0x3], $0x80, s24, s17, $0xb8;
	[tilespmem:$0x1A500] =	vst v63  }
0x93: {  	_ = 	snop  }
0x94: {  	[spmem:s1] =	stream.indirect.scatter.add.f32 [tilespmem:s19], [sflag:$0x3], $0x80, s25, s17, $0xb8;
	[tilespmem:$0x1A500] =	vst v63  }
0x95: {  	_ = 	snop  }
0x96: {  	[spmem:s1] =	stream.indirect.scatter.add.f32 [tilespmem:s20], [sflag:$0x3], $0x80, s26, s17, $0xb8;
	[tilespmem:$0x1A500] =	vst v63  }
0x97: {  	_ = 	snop  }
0x98: {  	[spmem:s1] =	stream.indirect.scatter.add.f32 [tilespmem:s21], [sflag:$0x3], $0x80, s28, s17, $0xb8;
	[tilespmem:$0x1A500] =	vst v63  }
0x99: {  	_ = 	snop  }
0x9a: {  	[spmem:s1] =	stream.indirect.scatter.add.f32 [tilespmem:s22], [sflag:$0x3], $0x80, s29, s17, $0xb8;
	[tilespmem:$0x1A500] =	vst v63  }
0x9b: {  	_ =	swait.ge [sflag:s30], $0x1400  }
0x9c: {  	[sflag:s30] =	ssyncset.done $0x0  }
0x9d: {  	[sflag:s30] =	ssyncadd.s32 $0xFFFFEC00  }
0x9e: {  	_ =	swait.ge [sflag:s30], $0x1400  }
0x9f: {  	[sflag:s30] =	ssyncset.done $0x0  }
0xa0: {  	[sflag:s30] =	ssyncadd.s32 $0xFFFFEC00  }
0xa1: {  	_ =	swait.ge [sflag:s30], $0x1400  }
0xa2: {  	[sflag:s30] =	ssyncset.done $0x0  }
0xa3: {  	[sflag:s30] =	ssyncadd.s32 $0xFFFFEC00  }
.Ltmp0:
0xa4: {  	_ =	swait.ge [sflag:s30], $0x1400;
	(pc) =	sbr.rel @p0 .LBB2_2-.Ltmp0, $4  }
0xa5: {  	[sflag:s30] =	ssyncset.done $0x0  }
0xa6: {  	[sflag:s30] =	ssyncadd.s32 $0xFFFFEC00  }
0xa7: {  	_ =	swait.ge [sflag:s30], $0x1400  }
0xa8: {  	s2 =	smov.u32 s5;
	[sflag:s30] =	ssyncset.done $0x0  }
0xa9: {  	s0 =	sadd.s32 s0, s9;
	[sflag:s30] =	ssyncadd.s32 $0xFFFFEC00  }
0xaa: {  	[tilespmem:s3], [sflag:$0x1] =	stream.linear.gather [hbm4b:s0+s3], $0x100, $0x38;
	[tilespmem:$0x1A500] =	vst v63  }
0xab: {  	s2 =	sadd.s32 $0x20, s0  }
0xac: {  	[tilespmem:s12], [sflag:$0x1] =	stream.linear.gather [hbm4b:s2+s3], $0x100, $0x38;
	[tilespmem:$0x1A500] =	vst v63  }
0xad: {  	s7 =	sadd.s32 $0x40, s0  }
0xae: {  	[tilespmem:s13], [sflag:$0x1] =	stream.linear.gather [hbm4b:s7+s3], $0x100, $0x38;
	[tilespmem:$0x1A500] =	vst v63  }
0xaf: {  	s5 =	sadd.s32 $0x60, s0  }
0xb0: {  	[tilespmem:s14], [sflag:$0x1] =	stream.linear.gather [hbm4b:s5+s3], $0x100, $0x38;
	[tilespmem:$0x1A500] =	vst v63  }
0xb1: {  	s0 =	sadd.s32 $0x80, s0  }
0xb2: {  	[tilespmem:s15], [sflag:$0x1] =	stream.linear.gather [hbm4b:s0+s3], $0x100, $0x38;
	[tilespmem:$0x1A500] =	vst v63  }
0xb3: {  	_ =	swait.ge [sflag:s16], $0x100  }
0xb4: {  	[sflag:s16] =	ssyncset.done $0x0  }
0xb5: {  	[sflag:s16] =	ssyncadd.s32 $0xFFFFFF00  }
0xb6: {  	_ =	swait.ge [sflag:s16], $0x100  }
0xb7: {  	[sflag:s16] =	ssyncset.done $0x0  }
0xb8: {  	[sflag:s16] =	ssyncadd.s32 $0xFFFFFF00  }
0xb9: {  	_ =	swait.ge [sflag:s16], $0x100  }
0xba: {  	[sflag:s16] =	ssyncset.done $0x0  }
0xbb: {  	[sflag:s16] =	ssyncadd.s32 $0xFFFFFF00  }
0xbc: {  	_ =	swait.ge [sflag:s16], $0x100  }
0xbd: {  	[sflag:s16] =	ssyncset.done $0x0  }
0xbe: {  	[sflag:s16] =	ssyncadd.s32 $0xFFFFFF00  }
0xbf: {  	_ =	swait.ge [sflag:s16], $0x100  }
0xc0: {  	[sflag:s16] =	ssyncset.done $0x0  }
0xc1: {  	[sflag:s16] =	ssyncadd.s32 $0xFFFFFF00  }
0xc2: {  	[tilespmem:s18], [sflag:$0x2] =	stream.indirect.gather [hbm4b:s4+s17], $0x80, s3, s17, $0xb8;
	[tilespmem:$0x1A500] =	vst v63  }
0xc3: {  	_ = 	snop  }
0xc4: {  	[tilespmem:s19], [sflag:$0x2] =	stream.indirect.gather [hbm4b:s4+s17], $0x80, s12, s17, $0xb8;
	[tilespmem:$0x1A500] =	vst v63  }
0xc5: {  	_ = 	snop  }
0xc6: {  	[tilespmem:s20], [sflag:$0x2] =	stream.indirect.gather [hbm4b:s4+s17], $0x80, s13, s17, $0xb8;
	[tilespmem:$0x1A500] =	vst v63  }
0xc7: {  	_ = 	snop  }
0xc8: {  	[tilespmem:s21], [sflag:$0x2] =	stream.indirect.gather [hbm4b:s4+s17], $0x80, s14, s17, $0xb8;
	[tilespmem:$0x1A500] =	vst v63  }
0xc9: {  	_ = 	snop  }
0xca: {  	[tilespmem:s22], [sflag:$0x2] =	stream.indirect.gather [hbm4b:s4+s17], $0x80, s15, s17, $0xb8;
	[tilespmem:$0x1A500] =	vst v63  }
0xcb: {  	_ =	swait.ge [sflag:s23], $0x1400  }
0xcc: {  	[sflag:s23] =	ssyncset.done $0x0  }
0xcd: {  	[sflag:s23] =	ssyncadd.s32 $0xFFFFEC00  }
0xce: {  	_ =	swait.ge [sflag:s23], $0x1400  }
0xcf: {  	[sflag:s23] =	ssyncset.done $0x0  }
0xd0: {  	[sflag:s23] =	ssyncadd.s32 $0xFFFFEC00  }
0xd1: {  	_ =	swait.ge [sflag:s23], $0x1400  }
0xd2: {  	[sflag:s23] =	ssyncset.done $0x0  }
0xd3: {  	[sflag:s23] =	ssyncadd.s32 $0xFFFFEC00  }
0xd4: {  	_ =	swait.ge [sflag:s23], $0x1400  }
0xd5: {  	[sflag:s23] =	ssyncset.done $0x0  }
0xd6: {  	[sflag:s23] =	ssyncadd.s32 $0xFFFFEC00  }
0xd7: {  	_ =	swait.ge [sflag:s23], $0x1400  }
0xd8: {  	[sflag:s23] =	ssyncset.done $0x0  }
0xd9: {  	[sflag:s23] =	ssyncadd.s32 $0xFFFFEC00  }
0xda: {  	[spmem:s1] =	stream.indirect.scatter.add.f32 [tilespmem:s18], [sflag:$0x3], $0x80, s24, s17, $0xb8;
	[tilespmem:$0x1A500] =	vst v63  }
0xdb: {  	_ = 	snop  }
0xdc: {  	[spmem:s1] =	stream.indirect.scatter.add.f32 [tilespmem:s19], [sflag:$0x3], $0x80, s25, s17, $0xb8;
	[tilespmem:$0x1A500] =	vst v63  }
0xdd: {  	_ = 	snop  }
0xde: {  	[spmem:s1] =	stream.indirect.scatter.add.f32 [tilespmem:s20], [sflag:$0x3], $0x80, s26, s17, $0xb8;
	[tilespmem:$0x1A500] =	vst v63  }
0xdf: {  	_ = 	snop  }
0xe0: {  	[spmem:s1] =	stream.indirect.scatter.add.f32 [tilespmem:s21], [sflag:$0x3], $0x80, s28, s17, $0xb8;
	[tilespmem:$0x1A500] =	vst v63  }
0xe1: {  	_ = 	snop  }
0xe2: {  	[spmem:s1] =	stream.indirect.scatter.add.f32 [tilespmem:s22], [sflag:$0x3], $0x80, s29, s17, $0xb8;
	[tilespmem:$0x1A500] =	vst v63  }
0xe3: {  	_ =	swait.ge [sflag:s30], $0x1400  }
0xe4: {  	[sflag:s30] =	ssyncset.done $0x0  }
0xe5: {  	[sflag:s30] =	ssyncadd.s32 $0xFFFFEC00  }
0xe6: {  	_ =	swait.ge [sflag:s30], $0x1400  }
0xe7: {  	[sflag:s30] =	ssyncset.done $0x0  }
0xe8: {  	[sflag:s30] =	ssyncadd.s32 $0xFFFFEC00  }
0xe9: {  	_ =	swait.ge [sflag:s30], $0x1400  }
0xea: {  	[sflag:s30] =	ssyncset.done $0x0  }
0xeb: {  	[sflag:s30] =	ssyncadd.s32 $0xFFFFEC00  }
0xec: {  	_ =	swait.ge [sflag:s30], $0x1400  }
0xed: {  	[sflag:s30] =	ssyncset.done $0x0  }
0xee: {  	[sflag:s30] =	ssyncadd.s32 $0xFFFFEC00  }
0xef: {  	_ =	swait.ge [sflag:s30], $0x1400  }
0xf0: {  	[sflag:s30] =	ssyncset.done $0x0  }
0xf1: {  	s31 =	sadd.s32 $0x1, s31;
	[sflag:s30] =	ssyncadd.s32 $0xFFFFEC00  }
0xf2: {  	p0 =	sne.s32 s31, s8;
	[bflag:$0x0] =	sbarrier.arrive $0xFFFF  }
.Ltmp1:
0xf3: {  	s7 =	rddreg [dreg:$0x4];
	(pc) =	sbr.rel @p0 .LBB2_1-.Ltmp1, $4  }
0xf4: {  	[hbm:s7], [sflag:s6] =	dma.local [spmem:s10], $0x2780  }
0xf5: {  	_ =	swait.ge [sflag:s11], $0x2780  }
0xf6: {  	[sflag:s11] =	ssyncset.done $0x0  }
0xf7: {  	[sflag:s11] =	ssyncadd.s32 $0xFFFFD880  }
0xf8: {  	_ =	sfence.sel $0x180000  }
0xf9: {  	[bflag:$0x0] =	sbarrier.arrive $0xFFFF  }
0xfa: {  	_ =	strace $0x9000004A  }
0xfb: {  	s0 =	stileid.u32;
	[bflag:$0x2] =	sbarrier.arrive $0xFFFF  }
0xfc: {  	p0 =	sne.s32 s0, $0x0;
	s0 =	rddreg [dreg:$0x2]  }
0xfd: {  	s0 =	sadd.s32 @!p0 $0x100000, s0  }
0xfe: {  	[sflag:s0] =	ssyncadd.tile.s32 @!p0 $0x1;
	_ =	shalt  }
.Lfunc_end2:
_tile_overlayer_lowered:
.L_overlay_start_2:
0xff: {  	(tag) =	ssettag $0x2  }
0x100: {  	s0 =	rddreg [dreg:$0x0];
	s2 =	stileid.u32  }
0x101: {  	s1 =	rddreg [dreg:$0x1];
	p0 =	sne.s32 s2, $0x0  }
0x102: {  	s3 =	rddreg [dreg:$0x2];
	[bflag:$0x3] =	sbarrier.arrive $0xFFFF;
	s2 =	simm.s32 @!p0 $0x1C04  }
0x103: {  	[timem:s3], [sflag:s2] =	dma.local @!p0 [hbm:s0], s1  }
0x104: {  	s0 =	simm.s32 @!p0 $0x4  }
0x105: {  	_ =	swait.ge @!p0 [sflag:s0], s1  }
0x106: {  	s1 =	ssub.s32 @!p0 $0x0, s1;
	[sflag:s0] =	ssyncset.done @!p0 $0x0  }
0x107: {  	[sflag:s0] =	ssyncadd.s32 @!p0 s1  }
0x108: {  	[bflag:$0x3] =	sbarrier.arrive $0xFFFF  }
0x109: {  	_ =	shalt  }

// kernel: kernel.19.cloned.1.call-start
scs
__scs_entry_jumppad:
0x0: {  	(pc) =	sbr.rel $0x88, $3  }
0x1: {  	(tag) =	ssettag $0x0;
	lr =	simm.s32 $0x1  }
0x2: {  	[smem:$0x3F90] =	sst lr;
	_ =	strace $0xD0000000  }
0x3: {  	_ = 	snop  }
0x4: {  	_ = 	snop  }
0x5: {  	_ = 	snop  }
0x6: {  	_ = 	snop  }
0x7: {  	_ = 	snop  }
__scs_overlays_trampoline_lowered:
0x8: {  	[smem:$0x3F9F] =	sst s0  }
0x9: {  	[smem:$0x3FA0] =	sst s1  }
0xa: {  	[smem:$0x3FA1] =	sst s2  }
0xb: {  	[smem:$0x3FA2] =	sst s3  }
0xc: {  	[smem:$0x3FA3] =	sst s4  }
0xd: {  	[smem:$0x3FA4] =	sst s5  }
0xe: {  	[smem:$0x3FA5] =	sst s6  }
0xf: {  	[smem:$0x3FA6] =	sst s7  }
0x10: {  	[smem:$0x3FA7] =	sst s8  }
0x11: {  	[smem:$0x3FA8] =	sst s9;
	s0 =	simm.s32 @!p0 $0x0  }
0x12: {  	s1 =	sld [smem:$0x3F8E];
	s0 =	simm.s32 @p0 $0x1  }
0x13: {  	[smem:$0x3FA9] =	sst s0;
	s0 =	simm.s32 @!p1 $0x0  }
0x14: {  	s2 =	sld [smem:$0x3F8D];
	s0 =	simm.s32 @p1 $0x1  }
0x15: {  	[smem:$0x3FAA] =	sst s0;
	s0 =	simm.s32 @!p2 $0x0  }
0x16: {  	s3 =	sld [smem:$0x3FDB];
	s0 =	simm.s32 @p2 $0x1  }
0x17: {  	s4 =	simm.s32 $0x1BF5;
	[smem:$0x3FAC] =	sst s0  }
0x18: {  	s0 =	sld [smem:$0x3F8F];
	_ =	swait.ge [sflag:s4], $0x0  }
0x19: {  	s7 =	sld [smem:$0x3F90]  }
0x1a: {  	s8 =	sadd.s32 $0xFFFFE003, lr  }
0x1b: {  	s9 =	sadd.s32 $0xFFFFFEF7, lr;
	s5 =	simm.s32 $0xFFFFFFFF;
	p2 =	slt.u32 s8, $0xFFFFF086  }
0x1c: {  	p1 =	slt.u32 s9, $0xF7A;
	s5 =	simm.s32 @!p2 $0x0  }
0x1d: {  	s5 =	simm.s32 @p1 $0x1;
	p0 =	seq.s32 s7, s2  }
0x1e: {  	s7 =	smul.u32 @!p0 $0xF7A, s2;
	p2 =	seq.s32 @!p0 s5, $0x0  }
0x1f: {  	s9 =	smul.u32 $0xF7A, s1;
	s8 =	simm.s32 @!p0 $0x1BF5;
	p2 =	por !p2, p0  }
0x20: {  	[sflag:s8] =	ssyncset.s32 @!p0 $0xFFFFF086;
	s6 =	sadd.s32 @!p0 s3, s7;
	s7 =	simm.s32 @!p0 $0x108  }
0x21: {  	s3 =	sadd.s32 s3, s9;
	s6 =	sadd.s32 @!p0 $0x88, s6;
	s7 =	simm.s32 @p2 $0x1082  }
0x22: {  	[simem:s7], [sflag:s8] =	dma.local @!p0 [hbm:s6], $0xF7A  }
0x23: {  	s9 =	sor.u32 $0xD0000000, s2;
	s6 =	simm.s32 $0x108;
	_ =	swait.ge @!p0 [sflag:s8], $0x0  }
0x24: {  	s3 =	sadd.s32 $0x88, s3;
	s6 =	simm.s32 @!p1 $0x1082;
	[sflag:s4] =	ssyncset.s32 $0xFFFFF086  }
0x25: {  	[simem:s6], [sflag:s4] =	dma.local [hbm:s3], $0xF7A  }
0x26: {  	[smem:$0x3F90] =	sst s1;
	(tag) =	ssettag s2;
	_ =	strace s9  }
0x27: {  	s1 =	sld [smem:$0x3FA0]  }
0x28: {  	s2 =	sld [smem:$0x3FA1]  }
0x29: {  	s4 =	sld [smem:$0x3FA3]  }
0x2a: {  	p0 =	seq.s32 s5, $0x0;
	s5 =	sld [smem:$0x3FA4]  }
0x2b: {  	s6 =	sld [smem:$0x3FA5]  }
0x2c: {  	s7 =	sld [smem:$0x3FA6]  }
0x2d: {  	s3 =	simm.s32 $0x108;
	s8 =	sld [smem:$0x3FA7]  }
0x2e: {  	s3 =	simm.s32 @!p0 $0x1082;
	s9 =	sld [smem:$0x3FA8]  }
0x2f: {  	lr =	sadd.s32 s0, s3;
	s0 =	sld [smem:$0x3F9F]  }
0x30: {  	s3 =	sld [smem:$0x3FA2]  }
0x31: {  	[smem:$0x3FAB] =	sst s10  }
0x32: {  	s10 =	sld [smem:$0x3FA9];
	_ =	sdelay $0x3  }
0x33: {  	p0 =	seq.s32 s10, $0x1;
	s10 =	sld [smem:$0x3FAB];
	_ =	sdelay $0x3  }
0x34: {  	[smem:$0x3FAB] =	sst s10  }
0x35: {  	s10 =	sld [smem:$0x3FAA];
	_ =	sdelay $0x3  }
0x36: {  	p1 =	seq.s32 s10, $0x1;
	s10 =	sld [smem:$0x3FAB];
	_ =	sdelay $0x3  }
0x37: {  	[smem:$0x3FAB] =	sst s10  }
0x38: {  	s10 =	sld [smem:$0x3FAC]  }
0x39: {  	_ = 	snop;
	(pc) =	sbr.ind lr, $3  }
0x3a: {  	_ = 	snop  }
0x3b: {  	_ = 	snop  }
0x3c: {  	p2 =	seq.s32 s10, $0x1;
	s10 =	sld [smem:$0x3FAB]  }
0x3d: {  	_ =	shalt  }
0x3e: {  	_ =	shalt  }
0x3f: {  	_ =	shalt  }
0x40: {  	_ =	shalt  }
0x41: {  	_ =	shalt  }
0x42: {  	_ =	shalt  }
0x43: {  	_ =	shalt  }
0x44: {  	_ =	shalt  }
0x45: {  	_ =	shalt  }
0x46: {  	_ =	shalt  }
0x47: {  	_ =	shalt  }
0x48: {  	_ =	shalt  }
0x49: {  	_ =	shalt  }
0x4a: {  	_ =	shalt  }
0x4b: {  	_ =	shalt  }
0x4c: {  	_ =	shalt  }
0x4d: {  	_ =	shalt  }
0x4e: {  	_ =	shalt  }
0x4f: {  	_ =	shalt  }
0x50: {  	_ =	shalt  }
0x51: {  	_ =	shalt  }
0x52: {  	_ =	shalt  }
0x53: {  	_ =	shalt  }
0x54: {  	_ =	shalt  }
0x55: {  	_ =	shalt  }
0x56: {  	_ =	shalt  }
0x57: {  	_ =	shalt  }
0x58: {  	_ =	shalt  }
0x59: {  	_ =	shalt  }
0x5a: {  	_ =	shalt  }
0x5b: {  	_ =	shalt  }
0x5c: {  	_ =	shalt  }
0x5d: {  	_ =	shalt  }
0x5e: {  	_ =	shalt  }
0x5f: {  	_ =	shalt  }
0x60: {  	_ =	shalt  }
0x61: {  	_ =	shalt  }
0x62: {  	_ =	shalt  }
0x63: {  	_ =	shalt  }
0x64: {  	_ =	shalt  }
0x65: {  	_ =	shalt  }
0x66: {  	_ =	shalt  }
0x67: {  	_ =	shalt  }
0x68: {  	_ =	shalt  }
0x69: {  	_ =	shalt  }
0x6a: {  	_ =	shalt  }
0x6b: {  	_ =	shalt  }
0x6c: {  	_ =	shalt  }
0x6d: {  	_ =	shalt  }
0x6e: {  	_ =	shalt  }
0x6f: {  	_ =	shalt  }
0x70: {  	_ =	shalt  }
0x71: {  	_ =	shalt  }
0x72: {  	_ =	shalt  }
0x73: {  	_ =	shalt  }
0x74: {  	_ =	shalt  }
0x75: {  	_ =	shalt  }
0x76: {  	_ =	shalt  }
0x77: {  	_ =	shalt  }
0x78: {  	_ =	shalt  }
0x79: {  	_ =	shalt  }
0x7a: {  	_ =	shalt  }
0x7b: {  	_ =	shalt  }
0x7c: {  	_ =	shalt  }
0x7d: {  	_ =	shalt  }
0x7e: {  	_ =	shalt  }
0x7f: {  	_ =	shalt  }
0x80: {  	_ =	shalt  }
0x81: {  	_ =	shalt  }
0x82: {  	_ =	shalt  }
0x83: {  	_ =	shalt  }
0x84: {  	_ =	shalt  }
0x85: {  	_ =	shalt  }
0x86: {  	_ =	shalt  }
0x87: {  	_ =	shalt  }
.Lfunc_end0:
.L_simem_size_0:
called_computation.2_lowered:
.L_overlay_start_0:
0x88: {  	s2 =	sld [smem:$0x3FD9]  }
0x89: {  	s3 =	sld [smem:$0x3FFE];
	_ =	sdelay $0x1  }
0x8a: {  	s1 =	srdreg.scid  }
0x8b: {  	s0 =	sand.u32 $0x1, s1  }
0x8c: {  	s16 =	sshll.u32 s0, $0xA;
	s2 =	sadd.s32 s3, s2  }
0x8d: {  	s2 =	sadd.s32 s2, s16  }
0x8e: {  	[smem:$0x3FB7] =	sst s2  }
0x8f: {  	_ = 	snop  }
0x90: {  	(tm) =	ssettm $0x1  }
0x91: {  	s17 =	sld [smem:$0x3FFB];
	_ =	sdelay $0x3  }
0x92: {  	_ =	strace s17  }
0x93: {  	s2 =	sld [smem:$0x3FFC];
	_ =	sdelay $0x3  }
0x94: {  	_ =	strace s2  }
0x95: {  	s2 =	sld [smem:$0x3FFD];
	_ =	sdelay $0x3  }
0x96: {  	_ =	strace s2  }
0x97: {  	_ =	strace $0x8FFFFFFF  }
0x98: {  	s18 =	sld [smem:$0x3FDB];
	_ =	sdelay $0x1  }
0x99: {  	s19 =	simm.s32 $_scs_section_size  }
0x9a: {  	s4 =	simm.s32 $_size__tile_overlayer_lowered;
	s5 =	simm.s32 $_tile_overlayer_lowered  }
0x9b: {  	s22 =	simm.s32 $0x1BFF;
	s21 =	sshll.u32 s5, $0x1;
	s2 =	sadd.s32 s19, s18  }
0x9c: {  	s6 =	simm.s32 $0x0;
	s20 =	sshll.u32 s4, $0x1;
	s4 =	sadd.s32 s21, s2  }
0x9d: {  	[timem:s6], [sflag:s22] =	dma.local [hbm:s4], s20  }
0x9e: {  	_ =	swait.ge [sflag:s22], s20  }
0x9f: {  	s3 =	ssub.s32 $0x0, s20;
	[sflag:s22] =	ssyncset.done $0x0  }
0xa0: {  	[sflag:s22] =	ssyncadd.s32 s3;
	_ =	sdelay $0x1  }
0xa1: {  	s23 =	simm.s32 $0x1B8B  }
0xa2: {  	_ =	swait.ge [sflag:s23], $0x1  }
0xa3: {  	[sflag:s23] =	ssyncset.done $0x0  }
0xa4: {  	s25 =	simm.s32 $0x1B8E;
	s24 =	sld [smem:$0x3FFE];
	[sflag:s23] =	ssyncadd.s32 $0xFFFFFFFF  }
0xa5: {  	s26 =	simm.s32 $execute0_lowered;
	[smem:$0x3FD2] =	sst s25  }
0xa6: {  	s4 =	sshll.u32 s26, $0x1;
	_ =	strace $0x8000004C;
	[dreg:$0x1] =	wrdreg $0xFFFFFFFF  }
0xa7: {  	s28 =	simm.s32 $_size_execute0_lowered;
	s2 =	sadd.s32 s2, s4;
	[dreg:$0x0] =	wrdreg $0x0  }
0xa8: {  	s4 =	sshll.u32 s28, $0x1;
	[dreg:$0x2] =	wrdreg s2  }
0xa9: {  	[dreg:$0x3] =	wrdreg s4  }
0xaa: {  	[dreg:$0x4] =	wrdreg $0xC0  }
0xab: {  	_ =	task [dreg:s6], $0x5FFFF  }
0xac: {  	[dreg:$0x1] =	wrdreg $0xFFFFFFFF  }
0xad: {  	[dreg:$0x0] =	wrdreg $0x60  }
0xae: {  	[dreg:$0x2] =	wrdreg s24  }
0xaf: {  	[dreg:$0x3] =	wrdreg $0x69000  }
0xb0: {  	[dreg:$0x4] =	wrdreg $0x9  }
0xb1: {  	_ =	task.clear_ibuf [dreg:s6], $0x5FFFF;
	_ =	strace $0x9000004C  }
0xb2: {  	s29 =	simm.s32 $0x9;
	_ =	strace $0x8000004E  }
0xb3: {  	_ =	swait.ge [sflag:s29], $0x1  }
0xb4: {  	[sflag:s29] =	ssyncadd.s32 $0xFFFFFFFF  }
0xb5: {  	_ =	strace $0x9000004E  }
0xb6: {  	_ =	sfence  }
0xb7: {  	s30 =	sld [smem:$0x0];
	_ =	sdelay $0x2  }
0xb8: {  	s31 =	sshll.u32 s1, $0xD;
	s1 =	sshrl.u32 s1, $0x2  }
0xb9: {  	s3 =	sand.u32 $0x4000, s31;
	s1 =	sadd.s32 s1, s30  }
0xba: {  	s0 =	sor.u32 s3, s0;
	s1 =	sshll.u32 s1, $0x11  }
0xbb: {  	s0 =	sor.u32 s1, s0  }
0xbc: {  	s0 =	sadd.s32 $0x8F2B, s0  }
0xbd: {  	[sflag:s0] =	ssyncadd.remote.s32 $0x1  }
0xbe: {  	_ =	sfence.sel $0xFFFF  }
0xbf: {  	[dreg:$0x0] =	wrdreg $0xFFFFFFFF;
	(pc) =	sbr.abs _section_cstart, $3  }
0xc0: {  	[dreg:$0x1] =	wrdreg $0xFFFFFFFF  }
0xc1: {  	_ =	task.clear_ibuf [dreg:s6], $0x2FFFF;
	_ =	strace $0x9FFFFFFF  }
0xc2: {  	(tm) =	ssettm $0x7FFFFFFF  }
0xc3: {  	_ =	shalt  }
tec
execute0_lowered:
.L_overlay_start_1:
0x0: {  	(tag) =	ssettag $0x1  }
0x1: {  	s0 =	rddreg [dreg:$0x0];
	s2 =	srdreg.scid  }
0x2: {  	s1 =	rddreg [dreg:$0x1];
	s3 =	simm.s32 $0x0;
	s9 =	stileid.u32  }
0x3: {  	s11 =	simm.s32 $0x4;
	s12 =	simm.s32 $0x100;
	s13 =	simm.s32 $0x200  }
0x4: {  	s14 =	simm.s32 $0x300;
	s15 =	simm.s32 $0x400;
	s16 =	simm.s32 $0x1  }
0x5: {  	s17 =	simm.s32 $0x28;
	s18 =	simm.s32 $0x500;
	s19 =	simm.s32 $0x1900  }
0x6: {  	s20 =	simm.s32 $0x2D00;
	s21 =	simm.s32 $0x4100;
	s28 =	simm.s32 $0x380  }
0x7: {  	s29 =	simm.s32 $0x480;
	s30 =	simm.s32 $0x3;
	s7 =	smul.u32 $0x13C00, s9  }
0x8: {  	s31 =	simm.s32 $0x0;
	s2 =	sand.u32 $0x1, s2;
	s22 =	smul.u32 $0x4F000, s9  }
0x9: {  	[smem:$0x7FF] =	sst s3;
	s4 =	sadd.s32 $0x44A00, s0;
	s24 =	smul.u32 $0x1F40, s9  }
0xa: {  	s8 =	sadd.s32 $0x6BC00, s0;
	s26 =	sshll.u32 s9, $0x6;
	s5 =	smul.u32 $0x1F400, s2  }
0xb: {  	s6 =	smul.u32 $0x13C000, s2;
	_ =	strace $0x8000004D;
	s2 =	ssub.s32 $0x2, s2  }
0xc: {  	[dreg:$0x3] =	wrdreg s8;
	s23 =	sshrl.u32 s2, $0x1;
	s25 =	sshrl.u32 s22, $0x2  }
0xd: {  	s22 =	simm.s32 $0x5500;
	s5 =	sadd.s32 s5, s0;
	s6 =	sadd.s32 s7, s6  }
0xe: {  	s2 =	ssub.s32 s2, s23;
	s10 =	sadd.s32 s25, s1;
	s23 =	simm.s32 $0x2  }
0xf: {  	s25 =	simm.s32 $0x180;
	s6 =	sshrl.u32 s6, $0x3;
	s5 =	sadd.s32 s24, s5  }
0x10: {  	s8 =	smax.u32 s2, $0x1;
	s10 =	sshrl.u32 s10, $0x3;
	s0 =	sadd.s32 s6, s0  }
0x11: {  	s24 =	simm.s32 $0x80;
	s6 =	sor.u32 $0x1C04, s26;
	s0 =	sadd.s32 $0x6E400, s0  }
0x12: {  	s9 =	sadd.s32 $0x6200, s5;
	s26 =	simm.s32 $0x280;
	[dreg:$0x4] =	wrdreg s0  }
.LBB2_1:
0x13: {  	s0 =	rddreg [dreg:$0x3]  }
0x14: {  	[spmem:s10], [sflag:s6] =	dma.local [hbm:s0], $0x2780  }
0x15: {  	_ =	swait.ge [sflag:s11], $0x2780  }
0x16: {  	[sflag:s11] =	ssyncset.done $0x0  }
0x17: {  	[sflag:s11] =	ssyncadd.s32 $0xFFFFD880  }
0x18: {  	s0 =	sadd.s32 $0x0, s9;
	[bflag:$0x0] =	sbarrier.arrive $0xFFFF  }
0x19: {  	[tilespmem:s3], [sflag:$0x1] =	stream.linear.gather [hbm4b:s0+s3], $0x100, $0x38;
	[tilespmem:$0x1A500] =	vst v63  }
0x1a: {  	s2 =	sadd.s32 $0x20, s0  }
0x1b: {  	[tilespmem:s12], [sflag:$0x1] =	stream.linear.gather [hbm4b:s2+s3], $0x100, $0x38;
	[tilespmem:$0x1A500] =	vst v63  }
0x1c: {  	s5 =	sadd.s32 $0x40, s0  }
0x1d: {  	[tilespmem:s13], [sflag:$0x1] =	stream.linear.gather [hbm4b:s5+s3], $0x100, $0x38;
	[tilespmem:$0x1A500] =	vst v63  }
0x1e: {  	s7 =	sadd.s32 $0x60, s0  }
0x1f: {  	[tilespmem:s14], [sflag:$0x1] =	stream.linear.gather [hbm4b:s7+s3], $0x100, $0x38;
	[tilespmem:$0x1A500] =	vst v63  }
0x20: {  	s0 =	sadd.s32 $0x80, s0  }
0x21: {  	[tilespmem:s15], [sflag:$0x1] =	stream.linear.gather [hbm4b:s0+s3], $0x100, $0x38;
	[tilespmem:$0x1A500] =	vst v63  }
0x22: {  	_ =	swait.ge [sflag:s16], $0x100  }
0x23: {  	[sflag:s16] =	ssyncset.done $0x0  }
0x24: {  	[sflag:s16] =	ssyncadd.s32 $0xFFFFFF00  }
0x25: {  	_ =	swait.ge [sflag:s16], $0x100  }
0x26: {  	[sflag:s16] =	ssyncset.done $0x0  }
0x27: {  	[sflag:s16] =	ssyncadd.s32 $0xFFFFFF00  }
0x28: {  	_ =	swait.ge [sflag:s16], $0x100  }
0x29: {  	[sflag:s16] =	ssyncset.done $0x0  }
0x2a: {  	[sflag:s16] =	ssyncadd.s32 $0xFFFFFF00  }
0x2b: {  	_ =	swait.ge [sflag:s16], $0x100  }
0x2c: {  	[sflag:s16] =	ssyncset.done $0x0  }
0x2d: {  	[sflag:s16] =	ssyncadd.s32 $0xFFFFFF00  }
0x2e: {  	_ =	swait.ge [sflag:s16], $0x100  }
0x2f: {  	[sflag:s16] =	ssyncset.done $0x0  }
0x30: {  	[sflag:s16] =	ssyncadd.s32 $0xFFFFFF00  }
0x31: {  	[tilespmem:s18], [sflag:$0x2] =	stream.indirect.gather [hbm4b:s4+s17], $0x80, s3, s17, $0xb8;
	[tilespmem:$0x1A500] =	vst v63  }
0x32: {  	_ = 	snop  }
0x33: {  	[tilespmem:s19], [sflag:$0x2] =	stream.indirect.gather [hbm4b:s4+s17], $0x80, s12, s17, $0xb8;
	[tilespmem:$0x1A500] =	vst v63  }
0x34: {  	_ = 	snop  }
0x35: {  	[tilespmem:s20], [sflag:$0x2] =	stream.indirect.gather [hbm4b:s4+s17], $0x80, s13, s17, $0xb8;
	[tilespmem:$0x1A500] =	vst v63  }
0x36: {  	_ = 	snop  }
0x37: {  	[tilespmem:s21], [sflag:$0x2] =	stream.indirect.gather [hbm4b:s4+s17], $0x80, s14, s17, $0xb8;
	[tilespmem:$0x1A500] =	vst v63  }
0x38: {  	_ = 	snop  }
0x39: {  	[tilespmem:s22], [sflag:$0x2] =	stream.indirect.gather [hbm4b:s4+s17], $0x80, s15, s17, $0xb8;
	[tilespmem:$0x1A500] =	vst v63  }
0x3a: {  	_ =	swait.ge [sflag:s23], $0x1400  }
0x3b: {  	[sflag:s23] =	ssyncset.done $0x0  }
0x3c: {  	[sflag:s23] =	ssyncadd.s32 $0xFFFFEC00  }
0x3d: {  	_ =	swait.ge [sflag:s23], $0x1400  }
0x3e: {  	[sflag:s23] =	ssyncset.done $0x0  }
0x3f: {  	[sflag:s23] =	ssyncadd.s32 $0xFFFFEC00  }
0x40: {  	_ =	swait.ge [sflag:s23], $0x1400  }
0x41: {  	[sflag:s23] =	ssyncset.done $0x0  }
0x42: {  	[sflag:s23] =	ssyncadd.s32 $0xFFFFEC00  }
0x43: {  	_ =	swait.ge [sflag:s23], $0x1400  }
0x44: {  	[sflag:s23] =	ssyncset.done $0x0  }
0x45: {  	[sflag:s23] =	ssyncadd.s32 $0xFFFFEC00  }
0x46: {  	_ =	swait.ge [sflag:s23], $0x1400  }
0x47: {  	[sflag:s23] =	ssyncset.done $0x0  }
0x48: {  	[sflag:s23] =	ssyncadd.s32 $0xFFFFEC00  }
0x49: {  	[spmem:s1] =	stream.indirect.scatter.add.f32 [tilespmem:s18], [sflag:$0x3], $0x80, s24, s17, $0xb8;
	[tilespmem:$0x1A500] =	vst v63  }
0x4a: {  	_ = 	snop  }
0x4b: {  	[spmem:s1] =	stream.indirect.scatter.add.f32 [tilespmem:s19], [sflag:$0x3], $0x80, s25, s17, $0xb8;
	[tilespmem:$0x1A500] =	vst v63  }
0x4c: {  	_ = 	snop  }
0x4d: {  	[spmem:s1] =	stream.indirect.scatter.add.f32 [tilespmem:s20], [sflag:$0x3], $0x80, s26, s17, $0xb8;
	[tilespmem:$0x1A500] =	vst v63  }
0x4e: {  	_ = 	snop  }
0x4f: {  	[spmem:s1] =	stream.indirect.scatter.add.f32 [tilespmem:s21], [sflag:$0x3], $0x80, s28, s17, $0xb8;
	[tilespmem:$0x1A500] =	vst v63  }
0x50: {  	_ = 	snop  }
0x51: {  	[spmem:s1] =	stream.indirect.scatter.add.f32 [tilespmem:s22], [sflag:$0x3], $0x80, s29, s17, $0xb8;
	[tilespmem:$0x1A500] =	vst v63  }
0x52: {  	_ =	swait.ge [sflag:s30], $0x1400  }
0x53: {  	[sflag:s30] =	ssyncset.done $0x0  }
0x54: {  	[sflag:s30] =	ssyncadd.s32 $0xFFFFEC00  }
0x55: {  	_ =	swait.ge [sflag:s30], $0x1400  }
0x56: {  	[sflag:s30] =	ssyncset.done $0x0  }
0x57: {  	[sflag:s30] =	ssyncadd.s32 $0xFFFFEC00  }
0x58: {  	_ =	swait.ge [sflag:s30], $0x1400  }
0x59: {  	[sflag:s30] =	ssyncset.done $0x0  }
0x5a: {  	[sflag:s30] =	ssyncadd.s32 $0xFFFFEC00  }
0x5b: {  	_ =	swait.ge [sflag:s30], $0x1400  }
0x5c: {  	[sflag:s30] =	ssyncset.done $0x0  }
0x5d: {  	[sflag:s30] =	ssyncadd.s32 $0xFFFFEC00  }
0x5e: {  	_ =	swait.ge [sflag:s30], $0x1400  }
0x5f: {  	s2 =	simm.s32 $0x140;
	s0 =	simm.s32 $0xA0;
	[sflag:s30] =	ssyncset.done $0x0  }
.LBB2_2:
0x60: {  	s7 =	sadd.s32 s0, s9  }
0x61: {  	[sflag:s30] =	ssyncadd.s32 $0xFFFFEC00;
	s0 =	smov.u32 s2;
	s5 =	sadd.s32 $0xA0, s2  }
0x62: {  	[tilespmem:s3], [sflag:$0x1] =	stream.linear.gather [hbm4b:s7+s3], $0x100, $0x38;
	[tilespmem:$0x1A500] =	vst v63  }
0x63: {  	p0 =	sne.s32 s2, $0x1EA0;
	s2 =	sadd.s32 $0x20, s7  }
0x64: {  	[tilespmem:s12], [sflag:$0x1] =	stream.linear.gather [hbm4b:s2+s3], $0x100, $0x38;
	[tilespmem:$0x1A500] =	vst v63  }
0x65: {  	s2 =	sadd.s32 $0x40, s7  }
0x66: {  	[tilespmem:s13], [sflag:$0x1] =	stream.linear.gather [hbm4b:s2+s3], $0x100, $0x38;
	[tilespmem:$0x1A500] =	vst v63  }
0x67: {  	s2 =	sadd.s32 $0x60, s7  }
0x68: {  	[tilespmem:s14], [sflag:$0x1] =	stream.linear.gather [hbm4b:s2+s3], $0x100, $0x38;
	[tilespmem:$0x1A500] =	vst v63  }
0x69: {  	s2 =	sadd.s32 $0x80, s7  }
0x6a: {  	[tilespmem:s15], [sflag:$0x1] =	stream.linear.gather [hbm4b:s2+s3], $0x100, $0x38;
	[tilespmem:$0x1A500] =	vst v63  }
0x6b: {  	_ =	swait.ge [sflag:s16], $0x100  }
0x6c: {  	[sflag:s16] =	ssyncset.done $0x0  }
0x6d: {  	[sflag:s16] =	ssyncadd.s32 $0xFFFFFF00  }
0x6e: {  	_ =	swait.ge [sflag:s16], $0x100  }
0x6f: {  	[sflag:s16] =	ssyncset.done $0x0  }
0x70: {  	[sflag:s16] =	ssyncadd.s32 $0xFFFFFF00  }
0x71: {  	_ =	swait.ge [sflag:s16], $0x100  }
0x72: {  	[sflag:s16] =	ssyncset.done $0x0  }
0x73: {  	[sflag:s16] =	ssyncadd.s32 $0xFFFFFF00  }
0x74: {  	_ =	swait.ge [sflag:s16], $0x100  }
0x75: {  	[sflag:s16] =	ssyncset.done $0x0  }
0x76: {  	[sflag:s16] =	ssyncadd.s32 $0xFFFFFF00  }
0x77: {  	_ =	swait.ge [sflag:s16], $0x100  }
0x78: {  	[sflag:s16] =	ssyncset.done $0x0  }
0x79: {  	[sflag:s16] =	ssyncadd.s32 $0xFFFFFF00  }
0x7a: {  	[tilespmem:s18], [sflag:$0x2] =	stream.indirect.gather [hbm4b:s4+s17], $0x80, s3, s17, $0xb8;
	[tilespmem:$0x1A500] =	vst v63  }
0x7b: {  	_ = 	snop  }
0x7c: {  	[tilespmem:s19], [sflag:$0x2] =	stream.indirect.gather [hbm4b:s4+s17], $0x80, s12, s17, $0xb8;
	[tilespmem:$0x1A500] =	vst v63  }
0x7d: {  	_ = 	snop  }
0x7e: {  	[tilespmem:s20], [sflag:$0x2] =	stream.indirect.gather [hbm4b:s4+s17], $0x80, s13, s17, $0xb8;
	[tilespmem:$0x1A500] =	vst v63  }
0x7f: {  	_ = 	snop  }
0x80: {  	[tilespmem:s21], [sflag:$0x2] =	stream.indirect.gather [hbm4b:s4+s17], $0x80, s14, s17, $0xb8;
	[tilespmem:$0x1A500] =	vst v63  }
0x81: {  	_ = 	snop  }
0x82: {  	[tilespmem:s22], [sflag:$0x2] =	stream.indirect.gather [hbm4b:s4+s17], $0x80, s15, s17, $0xb8;
	[tilespmem:$0x1A500] =	vst v63  }
0x83: {  	_ =	swait.ge [sflag:s23], $0x1400  }
0x84: {  	[sflag:s23] =	ssyncset.done $0x0  }
0x85: {  	[sflag:s23] =	ssyncadd.s32 $0xFFFFEC00  }
0x86: {  	_ =	swait.ge [sflag:s23], $0x1400  }
0x87: {  	[sflag:s23] =	ssyncset.done $0x0  }
0x88: {  	[sflag:s23] =	ssyncadd.s32 $0xFFFFEC00  }
0x89: {  	_ =	swait.ge [sflag:s23], $0x1400  }
0x8a: {  	[sflag:s23] =	ssyncset.done $0x0  }
0x8b: {  	[sflag:s23] =	ssyncadd.s32 $0xFFFFEC00  }
0x8c: {  	_ =	swait.ge [sflag:s23], $0x1400  }
0x8d: {  	[sflag:s23] =	ssyncset.done $0x0  }
0x8e: {  	[sflag:s23] =	ssyncadd.s32 $0xFFFFEC00  }
0x8f: {  	_ =	swait.ge [sflag:s23], $0x1400  }
0x90: {  	[sflag:s23] =	ssyncset.done $0x0  }
0x91: {  	[sflag:s23] =	ssyncadd.s32 $0xFFFFEC00  }
0x92: {  	[spmem:s1] =	stream.indirect.scatter.add.f32 [tilespmem:s18], [sflag:$0x3], $0x80, s24, s17, $0xb8;
	[tilespmem:$0x1A500] =	vst v63  }
0x93: {  	_ = 	snop  }
0x94: {  	[spmem:s1] =	stream.indirect.scatter.add.f32 [tilespmem:s19], [sflag:$0x3], $0x80, s25, s17, $0xb8;
	[tilespmem:$0x1A500] =	vst v63  }
0x95: {  	_ = 	snop  }
0x96: {  	[spmem:s1] =	stream.indirect.scatter.add.f32 [tilespmem:s20], [sflag:$0x3], $0x80, s26, s17, $0xb8;
	[tilespmem:$0x1A500] =	vst v63  }
0x97: {  	_ = 	snop  }
0x98: {  	[spmem:s1] =	stream.indirect.scatter.add.f32 [tilespmem:s21], [sflag:$0x3], $0x80, s28, s17, $0xb8;
	[tilespmem:$0x1A500] =	vst v63  }
0x99: {  	_ = 	snop  }
0x9a: {  	[spmem:s1] =	stream.indirect.scatter.add.f32 [tilespmem:s22], [sflag:$0x3], $0x80, s29, s17, $0xb8;
	[tilespmem:$0x1A500] =	vst v63  }
0x9b: {  	_ =	swait.ge [sflag:s30], $0x1400  }
0x9c: {  	[sflag:s30] =	ssyncset.done $0x0  }
0x9d: {  	[sflag:s30] =	ssyncadd.s32 $0xFFFFEC00  }
0x9e: {  	_ =	swait.ge [sflag:s30], $0x1400  }
0x9f: {  	[sflag:s30] =	ssyncset.done $0x0  }
0xa0: {  	[sflag:s30] =	ssyncadd.s32 $0xFFFFEC00  }
0xa1: {  	_ =	swait.ge [sflag:s30], $0x1400  }
0xa2: {  	[sflag:s30] =	ssyncset.done $0x0  }
0xa3: {  	[sflag:s30] =	ssyncadd.s32 $0xFFFFEC00  }
.Ltmp0:
0xa4: {  	_ =	swait.ge [sflag:s30], $0x1400;
	(pc) =	sbr.rel @p0 .LBB2_2-.Ltmp0, $4  }
0xa5: {  	[sflag:s30] =	ssyncset.done $0x0  }
0xa6: {  	[sflag:s30] =	ssyncadd.s32 $0xFFFFEC00  }
0xa7: {  	_ =	swait.ge [sflag:s30], $0x1400  }
0xa8: {  	s2 =	smov.u32 s5;
	[sflag:s30] =	ssyncset.done $0x0  }
0xa9: {  	s0 =	sadd.s32 s0, s9;
	[sflag:s30] =	ssyncadd.s32 $0xFFFFEC00  }
0xaa: {  	[tilespmem:s3], [sflag:$0x1] =	stream.linear.gather [hbm4b:s0+s3], $0x100, $0x38;
	[tilespmem:$0x1A500] =	vst v63  }
0xab: {  	s2 =	sadd.s32 $0x20, s0  }
0xac: {  	[tilespmem:s12], [sflag:$0x1] =	stream.linear.gather [hbm4b:s2+s3], $0x100, $0x38;
	[tilespmem:$0x1A500] =	vst v63  }
0xad: {  	s7 =	sadd.s32 $0x40, s0  }
0xae: {  	[tilespmem:s13], [sflag:$0x1] =	stream.linear.gather [hbm4b:s7+s3], $0x100, $0x38;
	[tilespmem:$0x1A500] =	vst v63  }
0xaf: {  	s5 =	sadd.s32 $0x60, s0  }
0xb0: {  	[tilespmem:s14], [sflag:$0x1] =	stream.linear.gather [hbm4b:s5+s3], $0x100, $0x38;
	[tilespmem:$0x1A500] =	vst v63  }
0xb1: {  	s0 =	sadd.s32 $0x80, s0  }
0xb2: {  	[tilespmem:s15], [sflag:$0x1] =	stream.linear.gather [hbm4b:s0+s3], $0x100, $0x38;
	[tilespmem:$0x1A500] =	vst v63  }
0xb3: {  	_ =	swait.ge [sflag:s16], $0x100  }
0xb4: {  	[sflag:s16] =	ssyncset.done $0x0  }
0xb5: {  	[sflag:s16] =	ssyncadd.s32 $0xFFFFFF00  }
0xb6: {  	_ =	swait.ge [sflag:s16], $0x100  }
0xb7: {  	[sflag:s16] =	ssyncset.done $0x0  }
0xb8: {  	[sflag:s16] =	ssyncadd.s32 $0xFFFFFF00  }
0xb9: {  	_ =	swait.ge [sflag:s16], $0x100  }
0xba: {  	[sflag:s16] =	ssyncset.done $0x0  }
0xbb: {  	[sflag:s16] =	ssyncadd.s32 $0xFFFFFF00  }
0xbc: {  	_ =	swait.ge [sflag:s16], $0x100  }
0xbd: {  	[sflag:s16] =	ssyncset.done $0x0  }
0xbe: {  	[sflag:s16] =	ssyncadd.s32 $0xFFFFFF00  }
0xbf: {  	_ =	swait.ge [sflag:s16], $0x100  }
0xc0: {  	[sflag:s16] =	ssyncset.done $0x0  }
0xc1: {  	[sflag:s16] =	ssyncadd.s32 $0xFFFFFF00  }
0xc2: {  	[tilespmem:s18], [sflag:$0x2] =	stream.indirect.gather [hbm4b:s4+s17], $0x80, s3, s17, $0xb8;
	[tilespmem:$0x1A500] =	vst v63  }
0xc3: {  	_ = 	snop  }
0xc4: {  	[tilespmem:s19], [sflag:$0x2] =	stream.indirect.gather [hbm4b:s4+s17], $0x80, s12, s17, $0xb8;
	[tilespmem:$0x1A500] =	vst v63  }
0xc5: {  	_ = 	snop  }
0xc6: {  	[tilespmem:s20], [sflag:$0x2] =	stream.indirect.gather [hbm4b:s4+s17], $0x80, s13, s17, $0xb8;
	[tilespmem:$0x1A500] =	vst v63  }
0xc7: {  	_ = 	snop  }
0xc8: {  	[tilespmem:s21], [sflag:$0x2] =	stream.indirect.gather [hbm4b:s4+s17], $0x80, s14, s17, $0xb8;
	[tilespmem:$0x1A500] =	vst v63  }
0xc9: {  	_ = 	snop  }
0xca: {  	[tilespmem:s22], [sflag:$0x2] =	stream.indirect.gather [hbm4b:s4+s17], $0x80, s15, s17, $0xb8;
	[tilespmem:$0x1A500] =	vst v63  }
0xcb: {  	_ =	swait.ge [sflag:s23], $0x1400  }
0xcc: {  	[sflag:s23] =	ssyncset.done $0x0  }
0xcd: {  	[sflag:s23] =	ssyncadd.s32 $0xFFFFEC00  }
0xce: {  	_ =	swait.ge [sflag:s23], $0x1400  }
0xcf: {  	[sflag:s23] =	ssyncset.done $0x0  }
0xd0: {  	[sflag:s23] =	ssyncadd.s32 $0xFFFFEC00  }
0xd1: {  	_ =	swait.ge [sflag:s23], $0x1400  }
0xd2: {  	[sflag:s23] =	ssyncset.done $0x0  }
0xd3: {  	[sflag:s23] =	ssyncadd.s32 $0xFFFFEC00  }
0xd4: {  	_ =	swait.ge [sflag:s23], $0x1400  }
0xd5: {  	[sflag:s23] =	ssyncset.done $0x0  }
0xd6: {  	[sflag:s23] =	ssyncadd.s32 $0xFFFFEC00  }
0xd7: {  	_ =	swait.ge [sflag:s23], $0x1400  }
0xd8: {  	[sflag:s23] =	ssyncset.done $0x0  }
0xd9: {  	[sflag:s23] =	ssyncadd.s32 $0xFFFFEC00  }
0xda: {  	[spmem:s1] =	stream.indirect.scatter.add.f32 [tilespmem:s18], [sflag:$0x3], $0x80, s24, s17, $0xb8;
	[tilespmem:$0x1A500] =	vst v63  }
0xdb: {  	_ = 	snop  }
0xdc: {  	[spmem:s1] =	stream.indirect.scatter.add.f32 [tilespmem:s19], [sflag:$0x3], $0x80, s25, s17, $0xb8;
	[tilespmem:$0x1A500] =	vst v63  }
0xdd: {  	_ = 	snop  }
0xde: {  	[spmem:s1] =	stream.indirect.scatter.add.f32 [tilespmem:s20], [sflag:$0x3], $0x80, s26, s17, $0xb8;
	[tilespmem:$0x1A500] =	vst v63  }
0xdf: {  	_ = 	snop  }
0xe0: {  	[spmem:s1] =	stream.indirect.scatter.add.f32 [tilespmem:s21], [sflag:$0x3], $0x80, s28, s17, $0xb8;
	[tilespmem:$0x1A500] =	vst v63  }
0xe1: {  	_ = 	snop  }
0xe2: {  	[spmem:s1] =	stream.indirect.scatter.add.f32 [tilespmem:s22], [sflag:$0x3], $0x80, s29, s17, $0xb8;
	[tilespmem:$0x1A500] =	vst v63  }
0xe3: {  	_ =	swait.ge [sflag:s30], $0x1400  }
0xe4: {  	[sflag:s30] =	ssyncset.done $0x0  }
0xe5: {  	[sflag:s30] =	ssyncadd.s32 $0xFFFFEC00  }
0xe6: {  	_ =	swait.ge [sflag:s30], $0x1400  }
0xe7: {  	[sflag:s30] =	ssyncset.done $0x0  }
0xe8: {  	[sflag:s30] =	ssyncadd.s32 $0xFFFFEC00  }
0xe9: {  	_ =	swait.ge [sflag:s30], $0x1400  }
0xea: {  	[sflag:s30] =	ssyncset.done $0x0  }
0xeb: {  	[sflag:s30] =	ssyncadd.s32 $0xFFFFEC00  }
0xec: {  	_ =	swait.ge [sflag:s30], $0x1400  }
0xed: {  	[sflag:s30] =	ssyncset.done $0x0  }
0xee: {  	[sflag:s30] =	ssyncadd.s32 $0xFFFFEC00  }
0xef: {  	_ =	swait.ge [sflag:s30], $0x1400  }
0xf0: {  	[sflag:s30] =	ssyncset.done $0x0  }
0xf1: {  	s31 =	sadd.s32 $0x1, s31;
	[sflag:s30] =	ssyncadd.s32 $0xFFFFEC00  }
0xf2: {  	p0 =	sne.s32 s31, s8;
	[bflag:$0x0] =	sbarrier.arrive $0xFFFF  }
.Ltmp1:
0xf3: {  	s7 =	rddreg [dreg:$0x4];
	(pc) =	sbr.rel @p0 .LBB2_1-.Ltmp1, $4  }
0xf4: {  	[hbm:s7], [sflag:s6] =	dma.local [spmem:s10], $0x2780  }
0xf5: {  	_ =	swait.ge [sflag:s11], $0x2780  }
0xf6: {  	[sflag:s11] =	ssyncset.done $0x0  }
0xf7: {  	[sflag:s11] =	ssyncadd.s32 $0xFFFFD880  }
0xf8: {  	_ =	sfence.sel $0x180000  }
0xf9: {  	[bflag:$0x0] =	sbarrier.arrive $0xFFFF  }
0xfa: {  	_ =	strace $0x9000004D  }
0xfb: {  	s0 =	stileid.u32;
	[bflag:$0x2] =	sbarrier.arrive $0xFFFF  }
0xfc: {  	p0 =	sne.s32 s0, $0x0;
	s0 =	rddreg [dreg:$0x2]  }
0xfd: {  	s0 =	sadd.s32 @!p0 $0x100000, s0  }
0xfe: {  	[sflag:s0] =	ssyncadd.tile.s32 @!p0 $0x1;
	_ =	shalt  }
.Lfunc_end2:
_tile_overlayer_lowered:
.L_overlay_start_2:
0xff: {  	(tag) =	ssettag $0x2  }
0x100: {  	s0 =	rddreg [dreg:$0x0];
	s2 =	stileid.u32  }
0x101: {  	s1 =	rddreg [dreg:$0x1];
	p0 =	sne.s32 s2, $0x0  }
0x102: {  	s3 =	rddreg [dreg:$0x2];
	[bflag:$0x3] =	sbarrier.arrive $0xFFFF;
	s2 =	simm.s32 @!p0 $0x1C04  }
0x103: {  	[timem:s3], [sflag:s2] =	dma.local @!p0 [hbm:s0], s1  }
0x104: {  	s0 =	simm.s32 @!p0 $0x4  }
0x105: {  	_ =	swait.ge @!p0 [sflag:s0], s1  }
0x106: {  	s1 =	ssub.s32 @!p0 $0x0, s1;
	[sflag:s0] =	ssyncset.done @!p0 $0x0  }
0x107: {  	[sflag:s0] =	ssyncadd.s32 @!p0 s1  }
0x108: {  	[bflag:$0x3] =	sbarrier.arrive $0xFFFF  }
0x109: {  	_ =	shalt  }

// kernel: kernel.22.cloned.1.call-start
scs
__scs_entry_jumppad:
0x0: {  	(pc) =	sbr.rel $0x88, $3  }
0x1: {  	(tag) =	ssettag $0x0;
	lr =	simm.s32 $0x1  }
0x2: {  	[smem:$0x3F90] =	sst lr;
	_ =	strace $0xD0000000  }
0x3: {  	_ = 	snop  }
0x4: {  	_ = 	snop  }
0x5: {  	_ = 	snop  }
0x6: {  	_ = 	snop  }
0x7: {  	_ = 	snop  }
__scs_overlays_trampoline_lowered:
0x8: {  	[smem:$0x3F9F] =	sst s0  }
0x9: {  	[smem:$0x3FA0] =	sst s1  }
0xa: {  	[smem:$0x3FA1] =	sst s2  }
0xb: {  	[smem:$0x3FA2] =	sst s3  }
0xc: {  	[smem:$0x3FA3] =	sst s4  }
0xd: {  	[smem:$0x3FA4] =	sst s5  }
0xe: {  	[smem:$0x3FA5] =	sst s6  }
0xf: {  	[smem:$0x3FA6] =	sst s7  }
0x10: {  	[smem:$0x3FA7] =	sst s8  }
0x11: {  	[smem:$0x3FA8] =	sst s9;
	s0 =	simm.s32 @!p0 $0x0  }
0x12: {  	s1 =	sld [smem:$0x3F8E];
	s0 =	simm.s32 @p0 $0x1  }
0x13: {  	[smem:$0x3FA9] =	sst s0;
	s0 =	simm.s32 @!p1 $0x0  }
0x14: {  	s2 =	sld [smem:$0x3F8D];
	s0 =	simm.s32 @p1 $0x1  }
0x15: {  	[smem:$0x3FAA] =	sst s0;
	s0 =	simm.s32 @!p2 $0x0  }
0x16: {  	s3 =	sld [smem:$0x3FDB];
	s0 =	simm.s32 @p2 $0x1  }
0x17: {  	s4 =	simm.s32 $0x1BF5;
	[smem:$0x3FAC] =	sst s0  }
0x18: {  	s0 =	sld [smem:$0x3F8F];
	_ =	swait.ge [sflag:s4], $0x0  }
0x19: {  	s7 =	sld [smem:$0x3F90]  }
0x1a: {  	s8 =	sadd.s32 $0xFFFFE003, lr  }
0x1b: {  	s9 =	sadd.s32 $0xFFFFFEF7, lr;
	s5 =	simm.s32 $0xFFFFFFFF;
	p2 =	slt.u32 s8, $0xFFFFF086  }
0x1c: {  	p1 =	slt.u32 s9, $0xF7A;
	s5 =	simm.s32 @!p2 $0x0  }
0x1d: {  	s5 =	simm.s32 @p1 $0x1;
	p0 =	seq.s32 s7, s2  }
0x1e: {  	s7 =	smul.u32 @!p0 $0xF7A, s2;
	p2 =	seq.s32 @!p0 s5, $0x0  }
0x1f: {  	s9 =	smul.u32 $0xF7A, s1;
	s8 =	simm.s32 @!p0 $0x1BF5;
	p2 =	por !p2, p0  }
0x20: {  	[sflag:s8] =	ssyncset.s32 @!p0 $0xFFFFF086;
	s6 =	sadd.s32 @!p0 s3, s7;
	s7 =	simm.s32 @!p0 $0x108  }
0x21: {  	s3 =	sadd.s32 s3, s9;
	s6 =	sadd.s32 @!p0 $0x88, s6;
	s7 =	simm.s32 @p2 $0x1082  }
0x22: {  	[simem:s7], [sflag:s8] =	dma.local @!p0 [hbm:s6], $0xF7A  }
0x23: {  	s9 =	sor.u32 $0xD0000000, s2;
	s6 =	simm.s32 $0x108;
	_ =	swait.ge @!p0 [sflag:s8], $0x0  }
0x24: {  	s3 =	sadd.s32 $0x88, s3;
	s6 =	simm.s32 @!p1 $0x1082;
	[sflag:s4] =	ssyncset.s32 $0xFFFFF086  }
0x25: {  	[simem:s6], [sflag:s4] =	dma.local [hbm:s3], $0xF7A  }
0x26: {  	[smem:$0x3F90] =	sst s1;
	(tag) =	ssettag s2;
	_ =	strace s9  }
0x27: {  	s1 =	sld [smem:$0x3FA0]  }
0x28: {  	s2 =	sld [smem:$0x3FA1]  }
0x29: {  	s4 =	sld [smem:$0x3FA3]  }
0x2a: {  	p0 =	seq.s32 s5, $0x0;
	s5 =	sld [smem:$0x3FA4]  }
0x2b: {  	s6 =	sld [smem:$0x3FA5]  }
0x2c: {  	s7 =	sld [smem:$0x3FA6]  }
0x2d: {  	s3 =	simm.s32 $0x108;
	s8 =	sld [smem:$0x3FA7]  }
0x2e: {  	s3 =	simm.s32 @!p0 $0x1082;
	s9 =	sld [smem:$0x3FA8]  }
0x2f: {  	lr =	sadd.s32 s0, s3;
	s0 =	sld [smem:$0x3F9F]  }
0x30: {  	s3 =	sld [smem:$0x3FA2]  }
0x31: {  	[smem:$0x3FAB] =	sst s10  }
0x32: {  	s10 =	sld [smem:$0x3FA9];
	_ =	sdelay $0x3  }
0x33: {  	p0 =	seq.s32 s10, $0x1;
	s10 =	sld [smem:$0x3FAB];
	_ =	sdelay $0x3  }
0x34: {  	[smem:$0x3FAB] =	sst s10  }
0x35: {  	s10 =	sld [smem:$0x3FAA];
	_ =	sdelay $0x3  }
0x36: {  	p1 =	seq.s32 s10, $0x1;
	s10 =	sld [smem:$0x3FAB];
	_ =	sdelay $0x3  }
0x37: {  	[smem:$0x3FAB] =	sst s10  }
0x38: {  	s10 =	sld [smem:$0x3FAC]  }
0x39: {  	_ = 	snop;
	(pc) =	sbr.ind lr, $3  }
0x3a: {  	_ = 	snop  }
0x3b: {  	_ = 	snop  }
0x3c: {  	p2 =	seq.s32 s10, $0x1;
	s10 =	sld [smem:$0x3FAB]  }
0x3d: {  	_ =	shalt  }
0x3e: {  	_ =	shalt  }
0x3f: {  	_ =	shalt  }
0x40: {  	_ =	shalt  }
0x41: {  	_ =	shalt  }
0x42: {  	_ =	shalt  }
0x43: {  	_ =	shalt  }
0x44: {  	_ =	shalt  }
0x45: {  	_ =	shalt  }
0x46: {  	_ =	shalt  }
0x47: {  	_ =	shalt  }
0x48: {  	_ =	shalt  }
0x49: {  	_ =	shalt  }
0x4a: {  	_ =	shalt  }
0x4b: {  	_ =	shalt  }
0x4c: {  	_ =	shalt  }
0x4d: {  	_ =	shalt  }
0x4e: {  	_ =	shalt  }
0x4f: {  	_ =	shalt  }
0x50: {  	_ =	shalt  }
0x51: {  	_ =	shalt  }
0x52: {  	_ =	shalt  }
0x53: {  	_ =	shalt  }
0x54: {  	_ =	shalt  }
0x55: {  	_ =	shalt  }
0x56: {  	_ =	shalt  }
0x57: {  	_ =	shalt  }
0x58: {  	_ =	shalt  }
0x59: {  	_ =	shalt  }
0x5a: {  	_ =	shalt  }
0x5b: {  	_ =	shalt  }
0x5c: {  	_ =	shalt  }
0x5d: {  	_ =	shalt  }
0x5e: {  	_ =	shalt  }
0x5f: {  	_ =	shalt  }
0x60: {  	_ =	shalt  }
0x61: {  	_ =	shalt  }
0x62: {  	_ =	shalt  }
0x63: {  	_ =	shalt  }
0x64: {  	_ =	shalt  }
0x65: {  	_ =	shalt  }
0x66: {  	_ =	shalt  }
0x67: {  	_ =	shalt  }
0x68: {  	_ =	shalt  }
0x69: {  	_ =	shalt  }
0x6a: {  	_ =	shalt  }
0x6b: {  	_ =	shalt  }
0x6c: {  	_ =	shalt  }
0x6d: {  	_ =	shalt  }
0x6e: {  	_ =	shalt  }
0x6f: {  	_ =	shalt  }
0x70: {  	_ =	shalt  }
0x71: {  	_ =	shalt  }
0x72: {  	_ =	shalt  }
0x73: {  	_ =	shalt  }
0x74: {  	_ =	shalt  }
0x75: {  	_ =	shalt  }
0x76: {  	_ =	shalt  }
0x77: {  	_ =	shalt  }
0x78: {  	_ =	shalt  }
0x79: {  	_ =	shalt  }
0x7a: {  	_ =	shalt  }
0x7b: {  	_ =	shalt  }
0x7c: {  	_ =	shalt  }
0x7d: {  	_ =	shalt  }
0x7e: {  	_ =	shalt  }
0x7f: {  	_ =	shalt  }
0x80: {  	_ =	shalt  }
0x81: {  	_ =	shalt  }
0x82: {  	_ =	shalt  }
0x83: {  	_ =	shalt  }
0x84: {  	_ =	shalt  }
0x85: {  	_ =	shalt  }
0x86: {  	_ =	shalt  }
0x87: {  	_ =	shalt  }
.Lfunc_end0:
.L_simem_size_0:
called_computation.3_lowered:
.L_overlay_start_0:
0x88: {  	s2 =	sld [smem:$0x3FD9]  }
0x89: {  	s3 =	sld [smem:$0x3FFE];
	_ =	sdelay $0x1  }
0x8a: {  	s1 =	srdreg.scid  }
0x8b: {  	s0 =	sand.u32 $0x1, s1  }
0x8c: {  	s16 =	sshll.u32 s0, $0xA;
	s2 =	sadd.s32 s3, s2  }
0x8d: {  	s2 =	sadd.s32 s2, s16  }
0x8e: {  	[smem:$0x3FB7] =	sst s2  }
0x8f: {  	_ = 	snop  }
0x90: {  	(tm) =	ssettm $0x1  }
0x91: {  	s17 =	sld [smem:$0x3FFB];
	_ =	sdelay $0x3  }
0x92: {  	_ =	strace s17  }
0x93: {  	s2 =	sld [smem:$0x3FFC];
	_ =	sdelay $0x3  }
0x94: {  	_ =	strace s2  }
0x95: {  	s2 =	sld [smem:$0x3FFD];
	_ =	sdelay $0x3  }
0x96: {  	_ =	strace s2  }
0x97: {  	_ =	strace $0x8FFFFFFF  }
0x98: {  	s18 =	sld [smem:$0x3FDB];
	_ =	sdelay $0x1  }
0x99: {  	s19 =	simm.s32 $_scs_section_size  }
0x9a: {  	s4 =	simm.s32 $_size__tile_overlayer_lowered;
	s5 =	simm.s32 $_tile_overlayer_lowered  }
0x9b: {  	s22 =	simm.s32 $0x1BFF;
	s21 =	sshll.u32 s5, $0x1;
	s2 =	sadd.s32 s19, s18  }
0x9c: {  	s6 =	simm.s32 $0x0;
	s20 =	sshll.u32 s4, $0x1;
	s4 =	sadd.s32 s21, s2  }
0x9d: {  	[timem:s6], [sflag:s22] =	dma.local [hbm:s4], s20  }
0x9e: {  	_ =	swait.ge [sflag:s22], s20  }
0x9f: {  	s3 =	ssub.s32 $0x0, s20;
	[sflag:s22] =	ssyncset.done $0x0  }
0xa0: {  	[sflag:s22] =	ssyncadd.s32 s3;
	_ =	sdelay $0x1  }
0xa1: {  	s23 =	simm.s32 $0x1B8B  }
0xa2: {  	_ =	swait.ge [sflag:s23], $0x1  }
0xa3: {  	[sflag:s23] =	ssyncset.done $0x0  }
0xa4: {  	s25 =	simm.s32 $0x1B8E;
	s24 =	sld [smem:$0x3FFE];
	[sflag:s23] =	ssyncadd.s32 $0xFFFFFFFF  }
0xa5: {  	s26 =	simm.s32 $execute0_lowered;
	[smem:$0x3FD2] =	sst s25  }
0xa6: {  	s4 =	sshll.u32 s26, $0x1;
	_ =	strace $0x8000004F;
	[dreg:$0x1] =	wrdreg $0xFFFFFFFF  }
0xa7: {  	s28 =	simm.s32 $_size_execute0_lowered;
	s2 =	sadd.s32 s2, s4;
	[dreg:$0x0] =	wrdreg $0x0  }
0xa8: {  	s4 =	sshll.u32 s28, $0x1;
	[dreg:$0x2] =	wrdreg s2  }
0xa9: {  	[dreg:$0x3] =	wrdreg s4  }
0xaa: {  	[dreg:$0x4] =	wrdreg $0xC0  }
0xab: {  	_ =	task [dreg:s6], $0x5FFFF  }
0xac: {  	[dreg:$0x1] =	wrdreg $0xFFFFFFFF  }
0xad: {  	[dreg:$0x0] =	wrdreg $0x60  }
0xae: {  	[dreg:$0x2] =	wrdreg s24  }
0xaf: {  	[dreg:$0x3] =	wrdreg $0x69000  }
0xb0: {  	[dreg:$0x4] =	wrdreg $0x9  }
0xb1: {  	_ =	task.clear_ibuf [dreg:s6], $0x5FFFF;
	_ =	strace $0x9000004F  }
0xb2: {  	s29 =	simm.s32 $0x9;
	_ =	strace $0x80000051  }
0xb3: {  	_ =	swait.ge [sflag:s29], $0x1  }
0xb4: {  	[sflag:s29] =	ssyncadd.s32 $0xFFFFFFFF  }
0xb5: {  	_ =	strace $0x90000051  }
0xb6: {  	_ =	sfence  }
0xb7: {  	s30 =	sld [smem:$0x0];
	_ =	sdelay $0x2  }
0xb8: {  	s31 =	sshll.u32 s1, $0xD;
	s1 =	sshrl.u32 s1, $0x2  }
0xb9: {  	s3 =	sand.u32 $0x4000, s31;
	s1 =	sadd.s32 s1, s30  }
0xba: {  	s0 =	sor.u32 s3, s0;
	s1 =	sshll.u32 s1, $0x11  }
0xbb: {  	s0 =	sor.u32 s1, s0  }
0xbc: {  	s0 =	sadd.s32 $0x8F2B, s0  }
0xbd: {  	[sflag:s0] =	ssyncadd.remote.s32 $0x1  }
0xbe: {  	_ =	sfence.sel $0xFFFF  }
0xbf: {  	[dreg:$0x0] =	wrdreg $0xFFFFFFFF;
	(pc) =	sbr.abs _section_cstart, $3  }
0xc0: {  	[dreg:$0x1] =	wrdreg $0xFFFFFFFF  }
0xc1: {  	_ =	task.clear_ibuf [dreg:s6], $0x2FFFF;
	_ =	strace $0x9FFFFFFF  }
0xc2: {  	(tm) =	ssettm $0x7FFFFFFF  }
0xc3: {  	_ =	shalt  }
tec
execute0_lowered:
.L_overlay_start_1:
0x0: {  	(tag) =	ssettag $0x1  }
0x1: {  	s0 =	rddreg [dreg:$0x0];
	s2 =	srdreg.scid  }
0x2: {  	s1 =	rddreg [dreg:$0x1];
	s3 =	simm.s32 $0x0;
	s9 =	stileid.u32  }
0x3: {  	s11 =	simm.s32 $0x4;
	s12 =	simm.s32 $0x100;
	s13 =	simm.s32 $0x200  }
0x4: {  	s14 =	simm.s32 $0x300;
	s15 =	simm.s32 $0x400;
	s16 =	simm.s32 $0x1  }
0x5: {  	s17 =	simm.s32 $0x28;
	s18 =	simm.s32 $0x500;
	s19 =	simm.s32 $0x1900  }
0x6: {  	s20 =	simm.s32 $0x2D00;
	s21 =	simm.s32 $0x4100;
	s28 =	simm.s32 $0x380  }
0x7: {  	s29 =	simm.s32 $0x480;
	s30 =	simm.s32 $0x3;
	s7 =	smul.u32 $0x13C00, s9  }
0x8: {  	s31 =	simm.s32 $0x0;
	s2 =	sand.u32 $0x1, s2;
	s22 =	smul.u32 $0x4F000, s9  }
0x9: {  	[smem:$0x7FF] =	sst s3;
	s4 =	sadd.s32 $0x44A00, s0;
	s24 =	smul.u32 $0x1F40, s9  }
0xa: {  	s8 =	sadd.s32 $0x6BC00, s0;
	s26 =	sshll.u32 s9, $0x6;
	s5 =	smul.u32 $0x1F400, s2  }
0xb: {  	s6 =	smul.u32 $0x13C000, s2;
	_ =	strace $0x80000050;
	s2 =	ssub.s32 $0x2, s2  }
0xc: {  	[dreg:$0x3] =	wrdreg s8;
	s23 =	sshrl.u32 s2, $0x1;
	s25 =	sshrl.u32 s22, $0x2  }
0xd: {  	s22 =	simm.s32 $0x5500;
	s5 =	sadd.s32 s5, s0;
	s6 =	sadd.s32 s7, s6  }
0xe: {  	s2 =	ssub.s32 s2, s23;
	s10 =	sadd.s32 s25, s1;
	s23 =	simm.s32 $0x2  }
0xf: {  	s25 =	simm.s32 $0x180;
	s6 =	sshrl.u32 s6, $0x3;
	s5 =	sadd.s32 s24, s5  }
0x10: {  	s8 =	smax.u32 s2, $0x1;
	s10 =	sshrl.u32 s10, $0x3;
	s0 =	sadd.s32 s6, s0  }
0x11: {  	s24 =	simm.s32 $0x80;
	s6 =	sor.u32 $0x1C04, s26;
	s0 =	sadd.s32 $0x6E400, s0  }
0x12: {  	s9 =	sadd.s32 $0x6200, s5;
	s26 =	simm.s32 $0x280;
	[dreg:$0x4] =	wrdreg s0  }
.LBB2_1:
0x13: {  	s0 =	rddreg [dreg:$0x3]  }
0x14: {  	[spmem:s10], [sflag:s6] =	dma.local [hbm:s0], $0x2780  }
0x15: {  	_ =	swait.ge [sflag:s11], $0x2780  }
0x16: {  	[sflag:s11] =	ssyncset.done $0x0  }
0x17: {  	[sflag:s11] =	ssyncadd.s32 $0xFFFFD880  }
0x18: {  	s0 =	sadd.s32 $0x0, s9;
	[bflag:$0x0] =	sbarrier.arrive $0xFFFF  }
0x19: {  	[tilespmem:s3], [sflag:$0x1] =	stream.linear.gather [hbm4b:s0+s3], $0x100, $0x38;
	[tilespmem:$0x1A500] =	vst v63  }
0x1a: {  	s2 =	sadd.s32 $0x20, s0  }
0x1b: {  	[tilespmem:s12], [sflag:$0x1] =	stream.linear.gather [hbm4b:s2+s3], $0x100, $0x38;
	[tilespmem:$0x1A500] =	vst v63  }
0x1c: {  	s5 =	sadd.s32 $0x40, s0  }
0x1d: {  	[tilespmem:s13], [sflag:$0x1] =	stream.linear.gather [hbm4b:s5+s3], $0x100, $0x38;
	[tilespmem:$0x1A500] =	vst v63  }
0x1e: {  	s7 =	sadd.s32 $0x60, s0  }
0x1f: {  	[tilespmem:s14], [sflag:$0x1] =	stream.linear.gather [hbm4b:s7+s3], $0x100, $0x38;
	[tilespmem:$0x1A500] =	vst v63  }
0x20: {  	s0 =	sadd.s32 $0x80, s0  }
0x21: {  	[tilespmem:s15], [sflag:$0x1] =	stream.linear.gather [hbm4b:s0+s3], $0x100, $0x38;
	[tilespmem:$0x1A500] =	vst v63  }
0x22: {  	_ =	swait.ge [sflag:s16], $0x100  }
0x23: {  	[sflag:s16] =	ssyncset.done $0x0  }
0x24: {  	[sflag:s16] =	ssyncadd.s32 $0xFFFFFF00  }
0x25: {  	_ =	swait.ge [sflag:s16], $0x100  }
0x26: {  	[sflag:s16] =	ssyncset.done $0x0  }
0x27: {  	[sflag:s16] =	ssyncadd.s32 $0xFFFFFF00  }
0x28: {  	_ =	swait.ge [sflag:s16], $0x100  }
0x29: {  	[sflag:s16] =	ssyncset.done $0x0  }
0x2a: {  	[sflag:s16] =	ssyncadd.s32 $0xFFFFFF00  }
0x2b: {  	_ =	swait.ge [sflag:s16], $0x100  }
0x2c: {  	[sflag:s16] =	ssyncset.done $0x0  }
0x2d: {  	[sflag:s16] =	ssyncadd.s32 $0xFFFFFF00  }
0x2e: {  	_ =	swait.ge [sflag:s16], $0x100  }
0x2f: {  	[sflag:s16] =	ssyncset.done $0x0  }
0x30: {  	[sflag:s16] =	ssyncadd.s32 $0xFFFFFF00  }
0x31: {  	[tilespmem:s18], [sflag:$0x2] =	stream.indirect.gather [hbm4b:s4+s17], $0x80, s3, s17, $0xb8;
	[tilespmem:$0x1A500] =	vst v63  }
0x32: {  	_ = 	snop  }
0x33: {  	[tilespmem:s19], [sflag:$0x2] =	stream.indirect.gather [hbm4b:s4+s17], $0x80, s12, s17, $0xb8;
	[tilespmem:$0x1A500] =	vst v63  }
0x34: {  	_ = 	snop  }
0x35: {  	[tilespmem:s20], [sflag:$0x2] =	stream.indirect.gather [hbm4b:s4+s17], $0x80, s13, s17, $0xb8;
	[tilespmem:$0x1A500] =	vst v63  }
0x36: {  	_ = 	snop  }
0x37: {  	[tilespmem:s21], [sflag:$0x2] =	stream.indirect.gather [hbm4b:s4+s17], $0x80, s14, s17, $0xb8;
	[tilespmem:$0x1A500] =	vst v63  }
0x38: {  	_ = 	snop  }
0x39: {  	[tilespmem:s22], [sflag:$0x2] =	stream.indirect.gather [hbm4b:s4+s17], $0x80, s15, s17, $0xb8;
	[tilespmem:$0x1A500] =	vst v63  }
0x3a: {  	_ =	swait.ge [sflag:s23], $0x1400  }
0x3b: {  	[sflag:s23] =	ssyncset.done $0x0  }
0x3c: {  	[sflag:s23] =	ssyncadd.s32 $0xFFFFEC00  }
0x3d: {  	_ =	swait.ge [sflag:s23], $0x1400  }
0x3e: {  	[sflag:s23] =	ssyncset.done $0x0  }
0x3f: {  	[sflag:s23] =	ssyncadd.s32 $0xFFFFEC00  }
0x40: {  	_ =	swait.ge [sflag:s23], $0x1400  }
0x41: {  	[sflag:s23] =	ssyncset.done $0x0  }
0x42: {  	[sflag:s23] =	ssyncadd.s32 $0xFFFFEC00  }
0x43: {  	_ =	swait.ge [sflag:s23], $0x1400  }
0x44: {  	[sflag:s23] =	ssyncset.done $0x0  }
0x45: {  	[sflag:s23] =	ssyncadd.s32 $0xFFFFEC00  }
0x46: {  	_ =	swait.ge [sflag:s23], $0x1400  }
0x47: {  	[sflag:s23] =	ssyncset.done $0x0  }
0x48: {  	[sflag:s23] =	ssyncadd.s32 $0xFFFFEC00  }
0x49: {  	[spmem:s1] =	stream.indirect.scatter.add.f32 [tilespmem:s18], [sflag:$0x3], $0x80, s24, s17, $0xb8;
	[tilespmem:$0x1A500] =	vst v63  }
0x4a: {  	_ = 	snop  }
0x4b: {  	[spmem:s1] =	stream.indirect.scatter.add.f32 [tilespmem:s19], [sflag:$0x3], $0x80, s25, s17, $0xb8;
	[tilespmem:$0x1A500] =	vst v63  }
0x4c: {  	_ = 	snop  }
0x4d: {  	[spmem:s1] =	stream.indirect.scatter.add.f32 [tilespmem:s20], [sflag:$0x3], $0x80, s26, s17, $0xb8;
	[tilespmem:$0x1A500] =	vst v63  }
0x4e: {  	_ = 	snop  }
0x4f: {  	[spmem:s1] =	stream.indirect.scatter.add.f32 [tilespmem:s21], [sflag:$0x3], $0x80, s28, s17, $0xb8;
	[tilespmem:$0x1A500] =	vst v63  }
0x50: {  	_ = 	snop  }
0x51: {  	[spmem:s1] =	stream.indirect.scatter.add.f32 [tilespmem:s22], [sflag:$0x3], $0x80, s29, s17, $0xb8;
	[tilespmem:$0x1A500] =	vst v63  }
0x52: {  	_ =	swait.ge [sflag:s30], $0x1400  }
0x53: {  	[sflag:s30] =	ssyncset.done $0x0  }
0x54: {  	[sflag:s30] =	ssyncadd.s32 $0xFFFFEC00  }
0x55: {  	_ =	swait.ge [sflag:s30], $0x1400  }
0x56: {  	[sflag:s30] =	ssyncset.done $0x0  }
0x57: {  	[sflag:s30] =	ssyncadd.s32 $0xFFFFEC00  }
0x58: {  	_ =	swait.ge [sflag:s30], $0x1400  }
0x59: {  	[sflag:s30] =	ssyncset.done $0x0  }
0x5a: {  	[sflag:s30] =	ssyncadd.s32 $0xFFFFEC00  }
0x5b: {  	_ =	swait.ge [sflag:s30], $0x1400  }
0x5c: {  	[sflag:s30] =	ssyncset.done $0x0  }
0x5d: {  	[sflag:s30] =	ssyncadd.s32 $0xFFFFEC00  }
0x5e: {  	_ =	swait.ge [sflag:s30], $0x1400  }
0x5f: {  	s2 =	simm.s32 $0x140;
	s0 =	simm.s32 $0xA0;
	[sflag:s30] =	ssyncset.done $0x0  }
.LBB2_2:
0x60: {  	s7 =	sadd.s32 s0, s9  }
0x61: {  	[sflag:s30] =	ssyncadd.s32 $0xFFFFEC00;
	s0 =	smov.u32 s2;
	s5 =	sadd.s32 $0xA0, s2  }
0x62: {  	[tilespmem:s3], [sflag:$0x1] =	stream.linear.gather [hbm4b:s7+s3], $0x100, $0x38;
	[tilespmem:$0x1A500] =	vst v63  }
0x63: {  	p0 =	sne.s32 s2, $0x1EA0;
	s2 =	sadd.s32 $0x20, s7  }
0x64: {  	[tilespmem:s12], [sflag:$0x1] =	stream.linear.gather [hbm4b:s2+s3], $0x100, $0x38;
	[tilespmem:$0x1A500] =	vst v63  }
0x65: {  	s2 =	sadd.s32 $0x40, s7  }
0x66: {  	[tilespmem:s13], [sflag:$0x1] =	stream.linear.gather [hbm4b:s2+s3], $0x100, $0x38;
	[tilespmem:$0x1A500] =	vst v63  }
0x67: {  	s2 =	sadd.s32 $0x60, s7  }
0x68: {  	[tilespmem:s14], [sflag:$0x1] =	stream.linear.gather [hbm4b:s2+s3], $0x100, $0x38;
	[tilespmem:$0x1A500] =	vst v63  }
0x69: {  	s2 =	sadd.s32 $0x80, s7  }
0x6a: {  	[tilespmem:s15], [sflag:$0x1] =	stream.linear.gather [hbm4b:s2+s3], $0x100, $0x38;
	[tilespmem:$0x1A500] =	vst v63  }
0x6b: {  	_ =	swait.ge [sflag:s16], $0x100  }
0x6c: {  	[sflag:s16] =	ssyncset.done $0x0  }
0x6d: {  	[sflag:s16] =	ssyncadd.s32 $0xFFFFFF00  }
0x6e: {  	_ =	swait.ge [sflag:s16], $0x100  }
0x6f: {  	[sflag:s16] =	ssyncset.done $0x0  }
0x70: {  	[sflag:s16] =	ssyncadd.s32 $0xFFFFFF00  }
0x71: {  	_ =	swait.ge [sflag:s16], $0x100  }
0x72: {  	[sflag:s16] =	ssyncset.done $0x0  }
0x73: {  	[sflag:s16] =	ssyncadd.s32 $0xFFFFFF00  }
0x74: {  	_ =	swait.ge [sflag:s16], $0x100  }
0x75: {  	[sflag:s16] =	ssyncset.done $0x0  }
0x76: {  	[sflag:s16] =	ssyncadd.s32 $0xFFFFFF00  }
0x77: {  	_ =	swait.ge [sflag:s16], $0x100  }
0x78: {  	[sflag:s16] =	ssyncset.done $0x0  }
0x79: {  	[sflag:s16] =	ssyncadd.s32 $0xFFFFFF00  }
0x7a: {  	[tilespmem:s18], [sflag:$0x2] =	stream.indirect.gather [hbm4b:s4+s17], $0x80, s3, s17, $0xb8;
	[tilespmem:$0x1A500] =	vst v63  }
0x7b: {  	_ = 	snop  }
0x7c: {  	[tilespmem:s19], [sflag:$0x2] =	stream.indirect.gather [hbm4b:s4+s17], $0x80, s12, s17, $0xb8;
	[tilespmem:$0x1A500] =	vst v63  }
0x7d: {  	_ = 	snop  }
0x7e: {  	[tilespmem:s20], [sflag:$0x2] =	stream.indirect.gather [hbm4b:s4+s17], $0x80, s13, s17, $0xb8;
	[tilespmem:$0x1A500] =	vst v63  }
0x7f: {  	_ = 	snop  }
0x80: {  	[tilespmem:s21], [sflag:$0x2] =	stream.indirect.gather [hbm4b:s4+s17], $0x80, s14, s17, $0xb8;
	[tilespmem:$0x1A500] =	vst v63  }
0x81: {  	_ = 	snop  }
0x82: {  	[tilespmem:s22], [sflag:$0x2] =	stream.indirect.gather [hbm4b:s4+s17], $0x80, s15, s17, $0xb8;
	[tilespmem:$0x1A500] =	vst v63  }
0x83: {  	_ =	swait.ge [sflag:s23], $0x1400  }
0x84: {  	[sflag:s23] =	ssyncset.done $0x0  }
0x85: {  	[sflag:s23] =	ssyncadd.s32 $0xFFFFEC00  }
0x86: {  	_ =	swait.ge [sflag:s23], $0x1400  }
0x87: {  	[sflag:s23] =	ssyncset.done $0x0  }
0x88: {  	[sflag:s23] =	ssyncadd.s32 $0xFFFFEC00  }
0x89: {  	_ =	swait.ge [sflag:s23], $0x1400  }
0x8a: {  	[sflag:s23] =	ssyncset.done $0x0  }
0x8b: {  	[sflag:s23] =	ssyncadd.s32 $0xFFFFEC00  }
0x8c: {  	_ =	swait.ge [sflag:s23], $0x1400  }
0x8d: {  	[sflag:s23] =	ssyncset.done $0x0  }
0x8e: {  	[sflag:s23] =	ssyncadd.s32 $0xFFFFEC00  }
0x8f: {  	_ =	swait.ge [sflag:s23], $0x1400  }
0x90: {  	[sflag:s23] =	ssyncset.done $0x0  }
0x91: {  	[sflag:s23] =	ssyncadd.s32 $0xFFFFEC00  }
0x92: {  	[spmem:s1] =	stream.indirect.scatter.add.f32 [tilespmem:s18], [sflag:$0x3], $0x80, s24, s17, $0xb8;
	[tilespmem:$0x1A500] =	vst v63  }
0x93: {  	_ = 	snop  }
0x94: {  	[spmem:s1] =	stream.indirect.scatter.add.f32 [tilespmem:s19], [sflag:$0x3], $0x80, s25, s17, $0xb8;
	[tilespmem:$0x1A500] =	vst v63  }
0x95: {  	_ = 	snop  }
0x96: {  	[spmem:s1] =	stream.indirect.scatter.add.f32 [tilespmem:s20], [sflag:$0x3], $0x80, s26, s17, $0xb8;
	[tilespmem:$0x1A500] =	vst v63  }
0x97: {  	_ = 	snop  }
0x98: {  	[spmem:s1] =	stream.indirect.scatter.add.f32 [tilespmem:s21], [sflag:$0x3], $0x80, s28, s17, $0xb8;
	[tilespmem:$0x1A500] =	vst v63  }
0x99: {  	_ = 	snop  }
0x9a: {  	[spmem:s1] =	stream.indirect.scatter.add.f32 [tilespmem:s22], [sflag:$0x3], $0x80, s29, s17, $0xb8;
	[tilespmem:$0x1A500] =	vst v63  }
0x9b: {  	_ =	swait.ge [sflag:s30], $0x1400  }
0x9c: {  	[sflag:s30] =	ssyncset.done $0x0  }
0x9d: {  	[sflag:s30] =	ssyncadd.s32 $0xFFFFEC00  }
0x9e: {  	_ =	swait.ge [sflag:s30], $0x1400  }
0x9f: {  	[sflag:s30] =	ssyncset.done $0x0  }
0xa0: {  	[sflag:s30] =	ssyncadd.s32 $0xFFFFEC00  }
0xa1: {  	_ =	swait.ge [sflag:s30], $0x1400  }
0xa2: {  	[sflag:s30] =	ssyncset.done $0x0  }
0xa3: {  	[sflag:s30] =	ssyncadd.s32 $0xFFFFEC00  }
.Ltmp0:
0xa4: {  	_ =	swait.ge [sflag:s30], $0x1400;
	(pc) =	sbr.rel @p0 .LBB2_2-.Ltmp0, $4  }
0xa5: {  	[sflag:s30] =	ssyncset.done $0x0  }
0xa6: {  	[sflag:s30] =	ssyncadd.s32 $0xFFFFEC00  }
0xa7: {  	_ =	swait.ge [sflag:s30], $0x1400  }
0xa8: {  	s2 =	smov.u32 s5;
	[sflag:s30] =	ssyncset.done $0x0  }
0xa9: {  	s0 =	sadd.s32 s0, s9;
	[sflag:s30] =	ssyncadd.s32 $0xFFFFEC00  }
0xaa: {  	[tilespmem:s3], [sflag:$0x1] =	stream.linear.gather [hbm4b:s0+s3], $0x100, $0x38;
	[tilespmem:$0x1A500] =	vst v63  }
0xab: {  	s2 =	sadd.s32 $0x20, s0  }
0xac: {  	[tilespmem:s12], [sflag:$0x1] =	stream.linear.gather [hbm4b:s2+s3], $0x100, $0x38;
	[tilespmem:$0x1A500] =	vst v63  }
0xad: {  	s7 =	sadd.s32 $0x40, s0  }
0xae: {  	[tilespmem:s13], [sflag:$0x1] =	stream.linear.gather [hbm4b:s7+s3], $0x100, $0x38;
	[tilespmem:$0x1A500] =	vst v63  }
0xaf: {  	s5 =	sadd.s32 $0x60, s0  }
0xb0: {  	[tilespmem:s14], [sflag:$0x1] =	stream.linear.gather [hbm4b:s5+s3], $0x100, $0x38;
	[tilespmem:$0x1A500] =	vst v63  }
0xb1: {  	s0 =	sadd.s32 $0x80, s0  }
0xb2: {  	[tilespmem:s15], [sflag:$0x1] =	stream.linear.gather [hbm4b:s0+s3], $0x100, $0x38;
	[tilespmem:$0x1A500] =	vst v63  }
0xb3: {  	_ =	swait.ge [sflag:s16], $0x100  }
0xb4: {  	[sflag:s16] =	ssyncset.done $0x0  }
0xb5: {  	[sflag:s16] =	ssyncadd.s32 $0xFFFFFF00  }
0xb6: {  	_ =	swait.ge [sflag:s16], $0x100  }
0xb7: {  	[sflag:s16] =	ssyncset.done $0x0  }
0xb8: {  	[sflag:s16] =	ssyncadd.s32 $0xFFFFFF00  }
0xb9: {  	_ =	swait.ge [sflag:s16], $0x100  }
0xba: {  	[sflag:s16] =	ssyncset.done $0x0  }
0xbb: {  	[sflag:s16] =	ssyncadd.s32 $0xFFFFFF00  }
0xbc: {  	_ =	swait.ge [sflag:s16], $0x100  }
0xbd: {  	[sflag:s16] =	ssyncset.done $0x0  }
0xbe: {  	[sflag:s16] =	ssyncadd.s32 $0xFFFFFF00  }
0xbf: {  	_ =	swait.ge [sflag:s16], $0x100  }
0xc0: {  	[sflag:s16] =	ssyncset.done $0x0  }
0xc1: {  	[sflag:s16] =	ssyncadd.s32 $0xFFFFFF00  }
0xc2: {  	[tilespmem:s18], [sflag:$0x2] =	stream.indirect.gather [hbm4b:s4+s17], $0x80, s3, s17, $0xb8;
	[tilespmem:$0x1A500] =	vst v63  }
0xc3: {  	_ = 	snop  }
0xc4: {  	[tilespmem:s19], [sflag:$0x2] =	stream.indirect.gather [hbm4b:s4+s17], $0x80, s12, s17, $0xb8;
	[tilespmem:$0x1A500] =	vst v63  }
0xc5: {  	_ = 	snop  }
0xc6: {  	[tilespmem:s20], [sflag:$0x2] =	stream.indirect.gather [hbm4b:s4+s17], $0x80, s13, s17, $0xb8;
	[tilespmem:$0x1A500] =	vst v63  }
0xc7: {  	_ = 	snop  }
0xc8: {  	[tilespmem:s21], [sflag:$0x2] =	stream.indirect.gather [hbm4b:s4+s17], $0x80, s14, s17, $0xb8;
	[tilespmem:$0x1A500] =	vst v63  }
0xc9: {  	_ = 	snop  }
0xca: {  	[tilespmem:s22], [sflag:$0x2] =	stream.indirect.gather [hbm4b:s4+s17], $0x80, s15, s17, $0xb8;
	[tilespmem:$0x1A500] =	vst v63  }
0xcb: {  	_ =	swait.ge [sflag:s23], $0x1400  }
0xcc: {  	[sflag:s23] =	ssyncset.done $0x0  }
0xcd: {  	[sflag:s23] =	ssyncadd.s32 $0xFFFFEC00  }
0xce: {  	_ =	swait.ge [sflag:s23], $0x1400  }
0xcf: {  	[sflag:s23] =	ssyncset.done $0x0  }
0xd0: {  	[sflag:s23] =	ssyncadd.s32 $0xFFFFEC00  }
0xd1: {  	_ =	swait.ge [sflag:s23], $0x1400  }
0xd2: {  	[sflag:s23] =	ssyncset.done $0x0  }
0xd3: {  	[sflag:s23] =	ssyncadd.s32 $0xFFFFEC00  }
0xd4: {  	_ =	swait.ge [sflag:s23], $0x1400  }
0xd5: {  	[sflag:s23] =	ssyncset.done $0x0  }
0xd6: {  	[sflag:s23] =	ssyncadd.s32 $0xFFFFEC00  }
0xd7: {  	_ =	swait.ge [sflag:s23], $0x1400  }
0xd8: {  	[sflag:s23] =	ssyncset.done $0x0  }
0xd9: {  	[sflag:s23] =	ssyncadd.s32 $0xFFFFEC00  }
0xda: {  	[spmem:s1] =	stream.indirect.scatter.add.f32 [tilespmem:s18], [sflag:$0x3], $0x80, s24, s17, $0xb8;
	[tilespmem:$0x1A500] =	vst v63  }
0xdb: {  	_ = 	snop  }
0xdc: {  	[spmem:s1] =	stream.indirect.scatter.add.f32 [tilespmem:s19], [sflag:$0x3], $0x80, s25, s17, $0xb8;
	[tilespmem:$0x1A500] =	vst v63  }
0xdd: {  	_ = 	snop  }
0xde: {  	[spmem:s1] =	stream.indirect.scatter.add.f32 [tilespmem:s20], [sflag:$0x3], $0x80, s26, s17, $0xb8;
	[tilespmem:$0x1A500] =	vst v63  }
0xdf: {  	_ = 	snop  }
0xe0: {  	[spmem:s1] =	stream.indirect.scatter.add.f32 [tilespmem:s21], [sflag:$0x3], $0x80, s28, s17, $0xb8;
	[tilespmem:$0x1A500] =	vst v63  }
0xe1: {  	_ = 	snop  }
0xe2: {  	[spmem:s1] =	stream.indirect.scatter.add.f32 [tilespmem:s22], [sflag:$0x3], $0x80, s29, s17, $0xb8;
	[tilespmem:$0x1A500] =	vst v63  }
0xe3: {  	_ =	swait.ge [sflag:s30], $0x1400  }
0xe4: {  	[sflag:s30] =	ssyncset.done $0x0  }
0xe5: {  	[sflag:s30] =	ssyncadd.s32 $0xFFFFEC00  }
0xe6: {  	_ =	swait.ge [sflag:s30], $0x1400  }
0xe7: {  	[sflag:s30] =	ssyncset.done $0x0  }
0xe8: {  	[sflag:s30] =	ssyncadd.s32 $0xFFFFEC00  }
0xe9: {  	_ =	swait.ge [sflag:s30], $0x1400  }
0xea: {  	[sflag:s30] =	ssyncset.done $0x0  }
0xeb: {  	[sflag:s30] =	ssyncadd.s32 $0xFFFFEC00  }
0xec: {  	_ =	swait.ge [sflag:s30], $0x1400  }
0xed: {  	[sflag:s30] =	ssyncset.done $0x0  }
0xee: {  	[sflag:s30] =	ssyncadd.s32 $0xFFFFEC00  }
0xef: {  	_ =	swait.ge [sflag:s30], $0x1400  }
0xf0: {  	[sflag:s30] =	ssyncset.done $0x0  }
0xf1: {  	s31 =	sadd.s32 $0x1, s31;
	[sflag:s30] =	ssyncadd.s32 $0xFFFFEC00  }
0xf2: {  	p0 =	sne.s32 s31, s8;
	[bflag:$0x0] =	sbarrier.arrive $0xFFFF  }
.Ltmp1:
0xf3: {  	s7 =	rddreg [dreg:$0x4];
	(pc) =	sbr.rel @p0 .LBB2_1-.Ltmp1, $4  }
0xf4: {  	[hbm:s7], [sflag:s6] =	dma.local [spmem:s10], $0x2780  }
0xf5: {  	_ =	swait.ge [sflag:s11], $0x2780  }
0xf6: {  	[sflag:s11] =	ssyncset.done $0x0  }
0xf7: {  	[sflag:s11] =	ssyncadd.s32 $0xFFFFD880  }
0xf8: {  	_ =	sfence.sel $0x180000  }
0xf9: {  	[bflag:$0x0] =	sbarrier.arrive $0xFFFF  }
0xfa: {  	_ =	strace $0x90000050  }
0xfb: {  	s0 =	stileid.u32;
	[bflag:$0x2] =	sbarrier.arrive $0xFFFF  }
0xfc: {  	p0 =	sne.s32 s0, $0x0;
	s0 =	rddreg [dreg:$0x2]  }
0xfd: {  	s0 =	sadd.s32 @!p0 $0x100000, s0  }
0xfe: {  	[sflag:s0] =	ssyncadd.tile.s32 @!p0 $0x1;
	_ =	shalt  }
.Lfunc_end2:
_tile_overlayer_lowered:
.L_overlay_start_2:
0xff: {  	(tag) =	ssettag $0x2  }
0x100: {  	s0 =	rddreg [dreg:$0x0];
	s2 =	stileid.u32  }
0x101: {  	s1 =	rddreg [dreg:$0x1];
	p0 =	sne.s32 s2, $0x0  }
0x102: {  	s3 =	rddreg [dreg:$0x2];
	[bflag:$0x3] =	sbarrier.arrive $0xFFFF;
	s2 =	simm.s32 @!p0 $0x1C04  }
0x103: {  	[timem:s3], [sflag:s2] =	dma.local @!p0 [hbm:s0], s1  }
0x104: {  	s0 =	simm.s32 @!p0 $0x4  }
0x105: {  	_ =	swait.ge @!p0 [sflag:s0], s1  }
0x106: {  	s1 =	ssub.s32 @!p0 $0x0, s1;
	[sflag:s0] =	ssyncset.done @!p0 $0x0  }
0x107: {  	[sflag:s0] =	ssyncadd.s32 @!p0 s1  }
0x108: {  	[bflag:$0x3] =	sbarrier.arrive $0xFFFF  }
0x109: {  	_ =	shalt  }

// kernel: kernel.25.cloned.1.call-start
scs
__scs_entry_jumppad:
0x0: {  	(pc) =	sbr.rel $0x88, $3  }
0x1: {  	(tag) =	ssettag $0x0;
	lr =	simm.s32 $0x1  }
0x2: {  	[smem:$0x3F90] =	sst lr;
	_ =	strace $0xD0000000  }
0x3: {  	_ = 	snop  }
0x4: {  	_ = 	snop  }
0x5: {  	_ = 	snop  }
0x6: {  	_ = 	snop  }
0x7: {  	_ = 	snop  }
__scs_overlays_trampoline_lowered:
0x8: {  	[smem:$0x3F9F] =	sst s0  }
0x9: {  	[smem:$0x3FA0] =	sst s1  }
0xa: {  	[smem:$0x3FA1] =	sst s2  }
0xb: {  	[smem:$0x3FA2] =	sst s3  }
0xc: {  	[smem:$0x3FA3] =	sst s4  }
0xd: {  	[smem:$0x3FA4] =	sst s5  }
0xe: {  	[smem:$0x3FA5] =	sst s6  }
0xf: {  	[smem:$0x3FA6] =	sst s7  }
0x10: {  	[smem:$0x3FA7] =	sst s8  }
0x11: {  	[smem:$0x3FA8] =	sst s9;
	s0 =	simm.s32 @!p0 $0x0  }
0x12: {  	s1 =	sld [smem:$0x3F8E];
	s0 =	simm.s32 @p0 $0x1  }
0x13: {  	[smem:$0x3FA9] =	sst s0;
	s0 =	simm.s32 @!p1 $0x0  }
0x14: {  	s2 =	sld [smem:$0x3F8D];
	s0 =	simm.s32 @p1 $0x1  }
0x15: {  	[smem:$0x3FAA] =	sst s0;
	s0 =	simm.s32 @!p2 $0x0  }
0x16: {  	s3 =	sld [smem:$0x3FDB];
	s0 =	simm.s32 @p2 $0x1  }
0x17: {  	s4 =	simm.s32 $0x1BF5;
	[smem:$0x3FAC] =	sst s0  }
0x18: {  	s0 =	sld [smem:$0x3F8F];
	_ =	swait.ge [sflag:s4], $0x0  }
0x19: {  	s7 =	sld [smem:$0x3F90]  }
0x1a: {  	s8 =	sadd.s32 $0xFFFFE003, lr  }
0x1b: {  	s9 =	sadd.s32 $0xFFFFFEF7, lr;
	s5 =	simm.s32 $0xFFFFFFFF;
	p2 =	slt.u32 s8, $0xFFFFF086  }
0x1c: {  	p1 =	slt.u32 s9, $0xF7A;
	s5 =	simm.s32 @!p2 $0x0  }
0x1d: {  	s5 =	simm.s32 @p1 $0x1;
	p0 =	seq.s32 s7, s2  }
0x1e: {  	s7 =	smul.u32 @!p0 $0xF7A, s2;
	p2 =	seq.s32 @!p0 s5, $0x0  }
0x1f: {  	s9 =	smul.u32 $0xF7A, s1;
	s8 =	simm.s32 @!p0 $0x1BF5;
	p2 =	por !p2, p0  }
0x20: {  	[sflag:s8] =	ssyncset.s32 @!p0 $0xFFFFF086;
	s6 =	sadd.s32 @!p0 s3, s7;
	s7 =	simm.s32 @!p0 $0x108  }
0x21: {  	s3 =	sadd.s32 s3, s9;
	s6 =	sadd.s32 @!p0 $0x88, s6;
	s7 =	simm.s32 @p2 $0x1082  }
0x22: {  	[simem:s7], [sflag:s8] =	dma.local @!p0 [hbm:s6], $0xF7A  }
0x23: {  	s9 =	sor.u32 $0xD0000000, s2;
	s6 =	simm.s32 $0x108;
	_ =	swait.ge @!p0 [sflag:s8], $0x0  }
0x24: {  	s3 =	sadd.s32 $0x88, s3;
	s6 =	simm.s32 @!p1 $0x1082;
	[sflag:s4] =	ssyncset.s32 $0xFFFFF086  }
0x25: {  	[simem:s6], [sflag:s4] =	dma.local [hbm:s3], $0xF7A  }
0x26: {  	[smem:$0x3F90] =	sst s1;
	(tag) =	ssettag s2;
	_ =	strace s9  }
0x27: {  	s1 =	sld [smem:$0x3FA0]  }
0x28: {  	s2 =	sld [smem:$0x3FA1]  }
0x29: {  	s4 =	sld [smem:$0x3FA3]  }
0x2a: {  	p0 =	seq.s32 s5, $0x0;
	s5 =	sld [smem:$0x3FA4]  }
0x2b: {  	s6 =	sld [smem:$0x3FA5]  }
0x2c: {  	s7 =	sld [smem:$0x3FA6]  }
0x2d: {  	s3 =	simm.s32 $0x108;
	s8 =	sld [smem:$0x3FA7]  }
0x2e: {  	s3 =	simm.s32 @!p0 $0x1082;
	s9 =	sld [smem:$0x3FA8]  }
0x2f: {  	lr =	sadd.s32 s0, s3;
	s0 =	sld [smem:$0x3F9F]  }
0x30: {  	s3 =	sld [smem:$0x3FA2]  }
0x31: {  	[smem:$0x3FAB] =	sst s10  }
0x32: {  	s10 =	sld [smem:$0x3FA9];
	_ =	sdelay $0x3  }
0x33: {  	p0 =	seq.s32 s10, $0x1;
	s10 =	sld [smem:$0x3FAB];
	_ =	sdelay $0x3  }
0x34: {  	[smem:$0x3FAB] =	sst s10  }
0x35: {  	s10 =	sld [smem:$0x3FAA];
	_ =	sdelay $0x3  }
0x36: {  	p1 =	seq.s32 s10, $0x1;
	s10 =	sld [smem:$0x3FAB];
	_ =	sdelay $0x3  }
0x37: {  	[smem:$0x3FAB] =	sst s10  }
0x38: {  	s10 =	sld [smem:$0x3FAC]  }
0x39: {  	_ = 	snop;
	(pc) =	sbr.ind lr, $3  }
0x3a: {  	_ = 	snop  }
0x3b: {  	_ = 	snop  }
0x3c: {  	p2 =	seq.s32 s10, $0x1;
	s10 =	sld [smem:$0x3FAB]  }
0x3d: {  	_ =	shalt  }
0x3e: {  	_ =	shalt  }
0x3f: {  	_ =	shalt  }
0x40: {  	_ =	shalt  }
0x41: {  	_ =	shalt  }
0x42: {  	_ =	shalt  }
0x43: {  	_ =	shalt  }
0x44: {  	_ =	shalt  }
0x45: {  	_ =	shalt  }
0x46: {  	_ =	shalt  }
0x47: {  	_ =	shalt  }
0x48: {  	_ =	shalt  }
0x49: {  	_ =	shalt  }
0x4a: {  	_ =	shalt  }
0x4b: {  	_ =	shalt  }
0x4c: {  	_ =	shalt  }
0x4d: {  	_ =	shalt  }
0x4e: {  	_ =	shalt  }
0x4f: {  	_ =	shalt  }
0x50: {  	_ =	shalt  }
0x51: {  	_ =	shalt  }
0x52: {  	_ =	shalt  }
0x53: {  	_ =	shalt  }
0x54: {  	_ =	shalt  }
0x55: {  	_ =	shalt  }
0x56: {  	_ =	shalt  }
0x57: {  	_ =	shalt  }
0x58: {  	_ =	shalt  }
0x59: {  	_ =	shalt  }
0x5a: {  	_ =	shalt  }
0x5b: {  	_ =	shalt  }
0x5c: {  	_ =	shalt  }
0x5d: {  	_ =	shalt  }
0x5e: {  	_ =	shalt  }
0x5f: {  	_ =	shalt  }
0x60: {  	_ =	shalt  }
0x61: {  	_ =	shalt  }
0x62: {  	_ =	shalt  }
0x63: {  	_ =	shalt  }
0x64: {  	_ =	shalt  }
0x65: {  	_ =	shalt  }
0x66: {  	_ =	shalt  }
0x67: {  	_ =	shalt  }
0x68: {  	_ =	shalt  }
0x69: {  	_ =	shalt  }
0x6a: {  	_ =	shalt  }
0x6b: {  	_ =	shalt  }
0x6c: {  	_ =	shalt  }
0x6d: {  	_ =	shalt  }
0x6e: {  	_ =	shalt  }
0x6f: {  	_ =	shalt  }
0x70: {  	_ =	shalt  }
0x71: {  	_ =	shalt  }
0x72: {  	_ =	shalt  }
0x73: {  	_ =	shalt  }
0x74: {  	_ =	shalt  }
0x75: {  	_ =	shalt  }
0x76: {  	_ =	shalt  }
0x77: {  	_ =	shalt  }
0x78: {  	_ =	shalt  }
0x79: {  	_ =	shalt  }
0x7a: {  	_ =	shalt  }
0x7b: {  	_ =	shalt  }
0x7c: {  	_ =	shalt  }
0x7d: {  	_ =	shalt  }
0x7e: {  	_ =	shalt  }
0x7f: {  	_ =	shalt  }
0x80: {  	_ =	shalt  }
0x81: {  	_ =	shalt  }
0x82: {  	_ =	shalt  }
0x83: {  	_ =	shalt  }
0x84: {  	_ =	shalt  }
0x85: {  	_ =	shalt  }
0x86: {  	_ =	shalt  }
0x87: {  	_ =	shalt  }
.Lfunc_end0:
.L_simem_size_0:
called_computation.4_lowered:
.L_overlay_start_0:
0x88: {  	s2 =	sld [smem:$0x3FD9]  }
0x89: {  	s3 =	sld [smem:$0x3FFE];
	_ =	sdelay $0x1  }
0x8a: {  	s1 =	srdreg.scid  }
0x8b: {  	s0 =	sand.u32 $0x1, s1  }
0x8c: {  	s16 =	sshll.u32 s0, $0xA;
	s2 =	sadd.s32 s3, s2  }
0x8d: {  	s2 =	sadd.s32 s2, s16  }
0x8e: {  	[smem:$0x3FB7] =	sst s2  }
0x8f: {  	_ = 	snop  }
0x90: {  	(tm) =	ssettm $0x1  }
0x91: {  	s17 =	sld [smem:$0x3FFB];
	_ =	sdelay $0x3  }
0x92: {  	_ =	strace s17  }
0x93: {  	s2 =	sld [smem:$0x3FFC];
	_ =	sdelay $0x3  }
0x94: {  	_ =	strace s2  }
0x95: {  	s2 =	sld [smem:$0x3FFD];
	_ =	sdelay $0x3  }
0x96: {  	_ =	strace s2  }
0x97: {  	_ =	strace $0x8FFFFFFF  }
0x98: {  	s18 =	sld [smem:$0x3FDB];
	_ =	sdelay $0x1  }
0x99: {  	s19 =	simm.s32 $_scs_section_size  }
0x9a: {  	s4 =	simm.s32 $_size__tile_overlayer_lowered;
	s5 =	simm.s32 $_tile_overlayer_lowered  }
0x9b: {  	s22 =	simm.s32 $0x1BFF;
	s21 =	sshll.u32 s5, $0x1;
	s2 =	sadd.s32 s19, s18  }
0x9c: {  	s6 =	simm.s32 $0x0;
	s20 =	sshll.u32 s4, $0x1;
	s4 =	sadd.s32 s21, s2  }
0x9d: {  	[timem:s6], [sflag:s22] =	dma.local [hbm:s4], s20  }
0x9e: {  	_ =	swait.ge [sflag:s22], s20  }
0x9f: {  	s3 =	ssub.s32 $0x0, s20;
	[sflag:s22] =	ssyncset.done $0x0  }
0xa0: {  	[sflag:s22] =	ssyncadd.s32 s3;
	_ =	sdelay $0x1  }
0xa1: {  	s23 =	simm.s32 $0x1B8B  }
0xa2: {  	_ =	swait.ge [sflag:s23], $0x1  }
0xa3: {  	[sflag:s23] =	ssyncset.done $0x0  }
0xa4: {  	s25 =	simm.s32 $0x1B8E;
	s24 =	sld [smem:$0x3FFE];
	[sflag:s23] =	ssyncadd.s32 $0xFFFFFFFF  }
0xa5: {  	s26 =	simm.s32 $execute0_lowered;
	[smem:$0x3FD2] =	sst s25  }
0xa6: {  	s4 =	sshll.u32 s26, $0x1;
	_ =	strace $0x80000052;
	[dreg:$0x1] =	wrdreg $0xFFFFFFFF  }
0xa7: {  	s28 =	simm.s32 $_size_execute0_lowered;
	s2 =	sadd.s32 s2, s4;
	[dreg:$0x0] =	wrdreg $0x0  }
0xa8: {  	s4 =	sshll.u32 s28, $0x1;
	[dreg:$0x2] =	wrdreg s2  }
0xa9: {  	[dreg:$0x3] =	wrdreg s4  }
0xaa: {  	[dreg:$0x4] =	wrdreg $0xC0  }
0xab: {  	_ =	task [dreg:s6], $0x5FFFF  }
0xac: {  	[dreg:$0x1] =	wrdreg $0xFFFFFFFF  }
0xad: {  	[dreg:$0x0] =	wrdreg $0x60  }
0xae: {  	[dreg:$0x2] =	wrdreg s24  }
0xaf: {  	[dreg:$0x3] =	wrdreg $0x69000  }
0xb0: {  	[dreg:$0x4] =	wrdreg $0x9  }
0xb1: {  	_ =	task.clear_ibuf [dreg:s6], $0x5FFFF;
	_ =	strace $0x90000052  }
0xb2: {  	s29 =	simm.s32 $0x9;
	_ =	strace $0x80000054  }
0xb3: {  	_ =	swait.ge [sflag:s29], $0x1  }
0xb4: {  	[sflag:s29] =	ssyncadd.s32 $0xFFFFFFFF  }
0xb5: {  	_ =	strace $0x90000054  }
0xb6: {  	_ =	sfence  }
0xb7: {  	s30 =	sld [smem:$0x0];
	_ =	sdelay $0x2  }
0xb8: {  	s31 =	sshll.u32 s1, $0xD;
	s1 =	sshrl.u32 s1, $0x2  }
0xb9: {  	s3 =	sand.u32 $0x4000, s31;
	s1 =	sadd.s32 s1, s30  }
0xba: {  	s0 =	sor.u32 s3, s0;
	s1 =	sshll.u32 s1, $0x11  }
0xbb: {  	s0 =	sor.u32 s1, s0  }
0xbc: {  	s0 =	sadd.s32 $0x8F2B, s0  }
0xbd: {  	[sflag:s0] =	ssyncadd.remote.s32 $0x1  }
0xbe: {  	_ =	sfence.sel $0xFFFF  }
0xbf: {  	[dreg:$0x0] =	wrdreg $0xFFFFFFFF;
	(pc) =	sbr.abs _section_cstart, $3  }
0xc0: {  	[dreg:$0x1] =	wrdreg $0xFFFFFFFF  }
0xc1: {  	_ =	task.clear_ibuf [dreg:s6], $0x2FFFF;
	_ =	strace $0x9FFFFFFF  }
0xc2: {  	(tm) =	ssettm $0x7FFFFFFF  }
0xc3: {  	_ =	shalt  }
tec
execute0_lowered:
.L_overlay_start_1:
0x0: {  	(tag) =	ssettag $0x1  }
0x1: {  	s0 =	rddreg [dreg:$0x0];
	s2 =	srdreg.scid  }
0x2: {  	s1 =	rddreg [dreg:$0x1];
	s3 =	simm.s32 $0x0;
	s9 =	stileid.u32  }
0x3: {  	s11 =	simm.s32 $0x4;
	s12 =	simm.s32 $0x100;
	s13 =	simm.s32 $0x200  }
0x4: {  	s14 =	simm.s32 $0x300;
	s15 =	simm.s32 $0x400;
	s16 =	simm.s32 $0x1  }
0x5: {  	s17 =	simm.s32 $0x28;
	s18 =	simm.s32 $0x500;
	s19 =	simm.s32 $0x1900  }
0x6: {  	s20 =	simm.s32 $0x2D00;
	s21 =	simm.s32 $0x4100;
	s28 =	simm.s32 $0x380  }
0x7: {  	s29 =	simm.s32 $0x480;
	s30 =	simm.s32 $0x3;
	s7 =	smul.u32 $0x13C00, s9  }
0x8: {  	s31 =	simm.s32 $0x0;
	s2 =	sand.u32 $0x1, s2;
	s22 =	smul.u32 $0x4F000, s9  }
0x9: {  	[smem:$0x7FF] =	sst s3;
	s4 =	sadd.s32 $0x44A00, s0;
	s24 =	smul.u32 $0x1F40, s9  }
0xa: {  	s8 =	sadd.s32 $0x6BC00, s0;
	s26 =	sshll.u32 s9, $0x6;
	s5 =	smul.u32 $0x1F400, s2  }
0xb: {  	s6 =	smul.u32 $0x13C000, s2;
	_ =	strace $0x80000053;
	s2 =	ssub.s32 $0x2, s2  }
0xc: {  	[dreg:$0x3] =	wrdreg s8;
	s23 =	sshrl.u32 s2, $0x1;
	s25 =	sshrl.u32 s22, $0x2  }
0xd: {  	s22 =	simm.s32 $0x5500;
	s5 =	sadd.s32 s5, s0;
	s6 =	sadd.s32 s7, s6  }
0xe: {  	s2 =	ssub.s32 s2, s23;
	s10 =	sadd.s32 s25, s1;
	s23 =	simm.s32 $0x2  }
0xf: {  	s25 =	simm.s32 $0x180;
	s6 =	sshrl.u32 s6, $0x3;
	s5 =	sadd.s32 s24, s5  }
0x10: {  	s8 =	smax.u32 s2, $0x1;
	s10 =	sshrl.u32 s10, $0x3;
	s0 =	sadd.s32 s6, s0  }
0x11: {  	s24 =	simm.s32 $0x80;
	s6 =	sor.u32 $0x1C04, s26;
	s0 =	sadd.s32 $0x6E400, s0  }
0x12: {  	s9 =	sadd.s32 $0x6200, s5;
	s26 =	simm.s32 $0x280;
	[dreg:$0x4] =	wrdreg s0  }
.LBB2_1:
0x13: {  	s0 =	rddreg [dreg:$0x3]  }
0x14: {  	[spmem:s10], [sflag:s6] =	dma.local [hbm:s0], $0x2780  }
0x15: {  	_ =	swait.ge [sflag:s11], $0x2780  }
0x16: {  	[sflag:s11] =	ssyncset.done $0x0  }
0x17: {  	[sflag:s11] =	ssyncadd.s32 $0xFFFFD880  }
0x18: {  	s0 =	sadd.s32 $0x0, s9;
	[bflag:$0x0] =	sbarrier.arrive $0xFFFF  }
0x19: {  	[tilespmem:s3], [sflag:$0x1] =	stream.linear.gather [hbm4b:s0+s3], $0x100, $0x38;
	[tilespmem:$0x1A500] =	vst v63  }
0x1a: {  	s2 =	sadd.s32 $0x20, s0  }
0x1b: {  	[tilespmem:s12], [sflag:$0x1] =	stream.linear.gather [hbm4b:s2+s3], $0x100, $0x38;
	[tilespmem:$0x1A500] =	vst v63  }
0x1c: {  	s5 =	sadd.s32 $0x40, s0  }
0x1d: {  	[tilespmem:s13], [sflag:$0x1] =	stream.linear.gather [hbm4b:s5+s3], $0x100, $0x38;
	[tilespmem:$0x1A500] =	vst v63  }
0x1e: {  	s7 =	sadd.s32 $0x60, s0  }
0x1f: {  	[tilespmem:s14], [sflag:$0x1] =	stream.linear.gather [hbm4b:s7+s3], $0x100, $0x38;
	[tilespmem:$0x1A500] =	vst v63  }
0x20: {  	s0 =	sadd.s32 $0x80, s0  }
0x21: {  	[tilespmem:s15], [sflag:$0x1] =	stream.linear.gather [hbm4b:s0+s3], $0x100, $0x38;
	[tilespmem:$0x1A500] =	vst v63  }
0x22: {  	_ =	swait.ge [sflag:s16], $0x100  }
0x23: {  	[sflag:s16] =	ssyncset.done $0x0  }
0x24: {  	[sflag:s16] =	ssyncadd.s32 $0xFFFFFF00  }
0x25: {  	_ =	swait.ge [sflag:s16], $0x100  }
0x26: {  	[sflag:s16] =	ssyncset.done $0x0  }
0x27: {  	[sflag:s16] =	ssyncadd.s32 $0xFFFFFF00  }
0x28: {  	_ =	swait.ge [sflag:s16], $0x100  }
0x29: {  	[sflag:s16] =	ssyncset.done $0x0  }
0x2a: {  	[sflag:s16] =	ssyncadd.s32 $0xFFFFFF00  }
0x2b: {  	_ =	swait.ge [sflag:s16], $0x100  }
0x2c: {  	[sflag:s16] =	ssyncset.done $0x0  }
0x2d: {  	[sflag:s16] =	ssyncadd.s32 $0xFFFFFF00  }
0x2e: {  	_ =	swait.ge [sflag:s16], $0x100  }
0x2f: {  	[sflag:s16] =	ssyncset.done $0x0  }
0x30: {  	[sflag:s16] =	ssyncadd.s32 $0xFFFFFF00  }
0x31: {  	[tilespmem:s18], [sflag:$0x2] =	stream.indirect.gather [hbm4b:s4+s17], $0x80, s3, s17, $0xb8;
	[tilespmem:$0x1A500] =	vst v63  }
0x32: {  	_ = 	snop  }
0x33: {  	[tilespmem:s19], [sflag:$0x2] =	stream.indirect.gather [hbm4b:s4+s17], $0x80, s12, s17, $0xb8;
	[tilespmem:$0x1A500] =	vst v63  }
0x34: {  	_ = 	snop  }
0x35: {  	[tilespmem:s20], [sflag:$0x2] =	stream.indirect.gather [hbm4b:s4+s17], $0x80, s13, s17, $0xb8;
	[tilespmem:$0x1A500] =	vst v63  }
0x36: {  	_ = 	snop  }
0x37: {  	[tilespmem:s21], [sflag:$0x2] =	stream.indirect.gather [hbm4b:s4+s17], $0x80, s14, s17, $0xb8;
	[tilespmem:$0x1A500] =	vst v63  }
0x38: {  	_ = 	snop  }
0x39: {  	[tilespmem:s22], [sflag:$0x2] =	stream.indirect.gather [hbm4b:s4+s17], $0x80, s15, s17, $0xb8;
	[tilespmem:$0x1A500] =	vst v63  }
0x3a: {  	_ =	swait.ge [sflag:s23], $0x1400  }
0x3b: {  	[sflag:s23] =	ssyncset.done $0x0  }
0x3c: {  	[sflag:s23] =	ssyncadd.s32 $0xFFFFEC00  }
0x3d: {  	_ =	swait.ge [sflag:s23], $0x1400  }
0x3e: {  	[sflag:s23] =	ssyncset.done $0x0  }
0x3f: {  	[sflag:s23] =	ssyncadd.s32 $0xFFFFEC00  }
0x40: {  	_ =	swait.ge [sflag:s23], $0x1400  }
0x41: {  	[sflag:s23] =	ssyncset.done $0x0  }
0x42: {  	[sflag:s23] =	ssyncadd.s32 $0xFFFFEC00  }
0x43: {  	_ =	swait.ge [sflag:s23], $0x1400  }
0x44: {  	[sflag:s23] =	ssyncset.done $0x0  }
0x45: {  	[sflag:s23] =	ssyncadd.s32 $0xFFFFEC00  }
0x46: {  	_ =	swait.ge [sflag:s23], $0x1400  }
0x47: {  	[sflag:s23] =	ssyncset.done $0x0  }
0x48: {  	[sflag:s23] =	ssyncadd.s32 $0xFFFFEC00  }
0x49: {  	[spmem:s1] =	stream.indirect.scatter.add.f32 [tilespmem:s18], [sflag:$0x3], $0x80, s24, s17, $0xb8;
	[tilespmem:$0x1A500] =	vst v63  }
0x4a: {  	_ = 	snop  }
0x4b: {  	[spmem:s1] =	stream.indirect.scatter.add.f32 [tilespmem:s19], [sflag:$0x3], $0x80, s25, s17, $0xb8;
	[tilespmem:$0x1A500] =	vst v63  }
0x4c: {  	_ = 	snop  }
0x4d: {  	[spmem:s1] =	stream.indirect.scatter.add.f32 [tilespmem:s20], [sflag:$0x3], $0x80, s26, s17, $0xb8;
	[tilespmem:$0x1A500] =	vst v63  }
0x4e: {  	_ = 	snop  }
0x4f: {  	[spmem:s1] =	stream.indirect.scatter.add.f32 [tilespmem:s21], [sflag:$0x3], $0x80, s28, s17, $0xb8;
	[tilespmem:$0x1A500] =	vst v63  }
0x50: {  	_ = 	snop  }
0x51: {  	[spmem:s1] =	stream.indirect.scatter.add.f32 [tilespmem:s22], [sflag:$0x3], $0x80, s29, s17, $0xb8;
	[tilespmem:$0x1A500] =	vst v63  }
0x52: {  	_ =	swait.ge [sflag:s30], $0x1400  }
0x53: {  	[sflag:s30] =	ssyncset.done $0x0  }
0x54: {  	[sflag:s30] =	ssyncadd.s32 $0xFFFFEC00  }
0x55: {  	_ =	swait.ge [sflag:s30], $0x1400  }
0x56: {  	[sflag:s30] =	ssyncset.done $0x0  }
0x57: {  	[sflag:s30] =	ssyncadd.s32 $0xFFFFEC00  }
0x58: {  	_ =	swait.ge [sflag:s30], $0x1400  }
0x59: {  	[sflag:s30] =	ssyncset.done $0x0  }
0x5a: {  	[sflag:s30] =	ssyncadd.s32 $0xFFFFEC00  }
0x5b: {  	_ =	swait.ge [sflag:s30], $0x1400  }
0x5c: {  	[sflag:s30] =	ssyncset.done $0x0  }
0x5d: {  	[sflag:s30] =	ssyncadd.s32 $0xFFFFEC00  }
0x5e: {  	_ =	swait.ge [sflag:s30], $0x1400  }
0x5f: {  	s2 =	simm.s32 $0x140;
	s0 =	simm.s32 $0xA0;
	[sflag:s30] =	ssyncset.done $0x0  }
.LBB2_2:
0x60: {  	s7 =	sadd.s32 s0, s9  }
0x61: {  	[sflag:s30] =	ssyncadd.s32 $0xFFFFEC00;
	s0 =	smov.u32 s2;
	s5 =	sadd.s32 $0xA0, s2  }
0x62: {  	[tilespmem:s3], [sflag:$0x1] =	stream.linear.gather [hbm4b:s7+s3], $0x100, $0x38;
	[tilespmem:$0x1A500] =	vst v63  }
0x63: {  	p0 =	sne.s32 s2, $0x1EA0;
	s2 =	sadd.s32 $0x20, s7  }
0x64: {  	[tilespmem:s12], [sflag:$0x1] =	stream.linear.gather [hbm4b:s2+s3], $0x100, $0x38;
	[tilespmem:$0x1A500] =	vst v63  }
0x65: {  	s2 =	sadd.s32 $0x40, s7  }
0x66: {  	[tilespmem:s13], [sflag:$0x1] =	stream.linear.gather [hbm4b:s2+s3], $0x100, $0x38;
	[tilespmem:$0x1A500] =	vst v63  }
0x67: {  	s2 =	sadd.s32 $0x60, s7  }
0x68: {  	[tilespmem:s14], [sflag:$0x1] =	stream.linear.gather [hbm4b:s2+s3], $0x100, $0x38;
	[tilespmem:$0x1A500] =	vst v63  }
0x69: {  	s2 =	sadd.s32 $0x80, s7  }
0x6a: {  	[tilespmem:s15], [sflag:$0x1] =	stream.linear.gather [hbm4b:s2+s3], $0x100, $0x38;
	[tilespmem:$0x1A500] =	vst v63  }
0x6b: {  	_ =	swait.ge [sflag:s16], $0x100  }
0x6c: {  	[sflag:s16] =	ssyncset.done $0x0  }
0x6d: {  	[sflag:s16] =	ssyncadd.s32 $0xFFFFFF00  }
0x6e: {  	_ =	swait.ge [sflag:s16], $0x100  }
0x6f: {  	[sflag:s16] =	ssyncset.done $0x0  }
0x70: {  	[sflag:s16] =	ssyncadd.s32 $0xFFFFFF00  }
0x71: {  	_ =	swait.ge [sflag:s16], $0x100  }
0x72: {  	[sflag:s16] =	ssyncset.done $0x0  }
0x73: {  	[sflag:s16] =	ssyncadd.s32 $0xFFFFFF00  }
0x74: {  	_ =	swait.ge [sflag:s16], $0x100  }
0x75: {  	[sflag:s16] =	ssyncset.done $0x0  }
0x76: {  	[sflag:s16] =	ssyncadd.s32 $0xFFFFFF00  }
0x77: {  	_ =	swait.ge [sflag:s16], $0x100  }
0x78: {  	[sflag:s16] =	ssyncset.done $0x0  }
0x79: {  	[sflag:s16] =	ssyncadd.s32 $0xFFFFFF00  }
0x7a: {  	[tilespmem:s18], [sflag:$0x2] =	stream.indirect.gather [hbm4b:s4+s17], $0x80, s3, s17, $0xb8;
	[tilespmem:$0x1A500] =	vst v63  }
0x7b: {  	_ = 	snop  }
0x7c: {  	[tilespmem:s19], [sflag:$0x2] =	stream.indirect.gather [hbm4b:s4+s17], $0x80, s12, s17, $0xb8;
	[tilespmem:$0x1A500] =	vst v63  }
0x7d: {  	_ = 	snop  }
0x7e: {  	[tilespmem:s20], [sflag:$0x2] =	stream.indirect.gather [hbm4b:s4+s17], $0x80, s13, s17, $0xb8;
	[tilespmem:$0x1A500] =	vst v63  }
0x7f: {  	_ = 	snop  }
0x80: {  	[tilespmem:s21], [sflag:$0x2] =	stream.indirect.gather [hbm4b:s4+s17], $0x80, s14, s17, $0xb8;
	[tilespmem:$0x1A500] =	vst v63  }
0x81: {  	_ = 	snop  }
0x82: {  	[tilespmem:s22], [sflag:$0x2] =	stream.indirect.gather [hbm4b:s4+s17], $0x80, s15, s17, $0xb8;
	[tilespmem:$0x1A500] =	vst v63  }
0x83: {  	_ =	swait.ge [sflag:s23], $0x1400  }
0x84: {  	[sflag:s23] =	ssyncset.done $0x0  }
0x85: {  	[sflag:s23] =	ssyncadd.s32 $0xFFFFEC00  }
0x86: {  	_ =	swait.ge [sflag:s23], $0x1400  }
0x87: {  	[sflag:s23] =	ssyncset.done $0x0  }
0x88: {  	[sflag:s23] =	ssyncadd.s32 $0xFFFFEC00  }
0x89: {  	_ =	swait.ge [sflag:s23], $0x1400  }
0x8a: {  	[sflag:s23] =	ssyncset.done $0x0  }
0x8b: {  	[sflag:s23] =	ssyncadd.s32 $0xFFFFEC00  }
0x8c: {  	_ =	swait.ge [sflag:s23], $0x1400  }
0x8d: {  	[sflag:s23] =	ssyncset.done $0x0  }
0x8e: {  	[sflag:s23] =	ssyncadd.s32 $0xFFFFEC00  }
0x8f: {  	_ =	swait.ge [sflag:s23], $0x1400  }
0x90: {  	[sflag:s23] =	ssyncset.done $0x0  }
0x91: {  	[sflag:s23] =	ssyncadd.s32 $0xFFFFEC00  }
0x92: {  	[spmem:s1] =	stream.indirect.scatter.add.f32 [tilespmem:s18], [sflag:$0x3], $0x80, s24, s17, $0xb8;
	[tilespmem:$0x1A500] =	vst v63  }
0x93: {  	_ = 	snop  }
0x94: {  	[spmem:s1] =	stream.indirect.scatter.add.f32 [tilespmem:s19], [sflag:$0x3], $0x80, s25, s17, $0xb8;
	[tilespmem:$0x1A500] =	vst v63  }
0x95: {  	_ = 	snop  }
0x96: {  	[spmem:s1] =	stream.indirect.scatter.add.f32 [tilespmem:s20], [sflag:$0x3], $0x80, s26, s17, $0xb8;
	[tilespmem:$0x1A500] =	vst v63  }
0x97: {  	_ = 	snop  }
0x98: {  	[spmem:s1] =	stream.indirect.scatter.add.f32 [tilespmem:s21], [sflag:$0x3], $0x80, s28, s17, $0xb8;
	[tilespmem:$0x1A500] =	vst v63  }
0x99: {  	_ = 	snop  }
0x9a: {  	[spmem:s1] =	stream.indirect.scatter.add.f32 [tilespmem:s22], [sflag:$0x3], $0x80, s29, s17, $0xb8;
	[tilespmem:$0x1A500] =	vst v63  }
0x9b: {  	_ =	swait.ge [sflag:s30], $0x1400  }
0x9c: {  	[sflag:s30] =	ssyncset.done $0x0  }
0x9d: {  	[sflag:s30] =	ssyncadd.s32 $0xFFFFEC00  }
0x9e: {  	_ =	swait.ge [sflag:s30], $0x1400  }
0x9f: {  	[sflag:s30] =	ssyncset.done $0x0  }
0xa0: {  	[sflag:s30] =	ssyncadd.s32 $0xFFFFEC00  }
0xa1: {  	_ =	swait.ge [sflag:s30], $0x1400  }
0xa2: {  	[sflag:s30] =	ssyncset.done $0x0  }
0xa3: {  	[sflag:s30] =	ssyncadd.s32 $0xFFFFEC00  }
.Ltmp0:
0xa4: {  	_ =	swait.ge [sflag:s30], $0x1400;
	(pc) =	sbr.rel @p0 .LBB2_2-.Ltmp0, $4  }
0xa5: {  	[sflag:s30] =	ssyncset.done $0x0  }
0xa6: {  	[sflag:s30] =	ssyncadd.s32 $0xFFFFEC00  }
0xa7: {  	_ =	swait.ge [sflag:s30], $0x1400  }
0xa8: {  	s2 =	smov.u32 s5;
	[sflag:s30] =	ssyncset.done $0x0  }
0xa9: {  	s0 =	sadd.s32 s0, s9;
	[sflag:s30] =	ssyncadd.s32 $0xFFFFEC00  }
0xaa: {  	[tilespmem:s3], [sflag:$0x1] =	stream.linear.gather [hbm4b:s0+s3], $0x100, $0x38;
	[tilespmem:$0x1A500] =	vst v63  }
0xab: {  	s2 =	sadd.s32 $0x20, s0  }
0xac: {  	[tilespmem:s12], [sflag:$0x1] =	stream.linear.gather [hbm4b:s2+s3], $0x100, $0x38;
	[tilespmem:$0x1A500] =	vst v63  }
0xad: {  	s7 =	sadd.s32 $0x40, s0  }
0xae: {  	[tilespmem:s13], [sflag:$0x1] =	stream.linear.gather [hbm4b:s7+s3], $0x100, $0x38;
	[tilespmem:$0x1A500] =	vst v63  }
0xaf: {  	s5 =	sadd.s32 $0x60, s0  }
0xb0: {  	[tilespmem:s14], [sflag:$0x1] =	stream.linear.gather [hbm4b:s5+s3], $0x100, $0x38;
	[tilespmem:$0x1A500] =	vst v63  }
0xb1: {  	s0 =	sadd.s32 $0x80, s0  }
0xb2: {  	[tilespmem:s15], [sflag:$0x1] =	stream.linear.gather [hbm4b:s0+s3], $0x100, $0x38;
	[tilespmem:$0x1A500] =	vst v63  }
0xb3: {  	_ =	swait.ge [sflag:s16], $0x100  }
0xb4: {  	[sflag:s16] =	ssyncset.done $0x0  }
0xb5: {  	[sflag:s16] =	ssyncadd.s32 $0xFFFFFF00  }
0xb6: {  	_ =	swait.ge [sflag:s16], $0x100  }
0xb7: {  	[sflag:s16] =	ssyncset.done $0x0  }
0xb8: {  	[sflag:s16] =	ssyncadd.s32 $0xFFFFFF00  }
0xb9: {  	_ =	swait.ge [sflag:s16], $0x100  }
0xba: {  	[sflag:s16] =	ssyncset.done $0x0  }
0xbb: {  	[sflag:s16] =	ssyncadd.s32 $0xFFFFFF00  }
0xbc: {  	_ =	swait.ge [sflag:s16], $0x100  }
0xbd: {  	[sflag:s16] =	ssyncset.done $0x0  }
0xbe: {  	[sflag:s16] =	ssyncadd.s32 $0xFFFFFF00  }
0xbf: {  	_ =	swait.ge [sflag:s16], $0x100  }
0xc0: {  	[sflag:s16] =	ssyncset.done $0x0  }
0xc1: {  	[sflag:s16] =	ssyncadd.s32 $0xFFFFFF00  }
0xc2: {  	[tilespmem:s18], [sflag:$0x2] =	stream.indirect.gather [hbm4b:s4+s17], $0x80, s3, s17, $0xb8;
	[tilespmem:$0x1A500] =	vst v63  }
0xc3: {  	_ = 	snop  }
0xc4: {  	[tilespmem:s19], [sflag:$0x2] =	stream.indirect.gather [hbm4b:s4+s17], $0x80, s12, s17, $0xb8;
	[tilespmem:$0x1A500] =	vst v63  }
0xc5: {  	_ = 	snop  }
0xc6: {  	[tilespmem:s20], [sflag:$0x2] =	stream.indirect.gather [hbm4b:s4+s17], $0x80, s13, s17, $0xb8;
	[tilespmem:$0x1A500] =	vst v63  }
0xc7: {  	_ = 	snop  }
0xc8: {  	[tilespmem:s21], [sflag:$0x2] =	stream.indirect.gather [hbm4b:s4+s17], $0x80, s14, s17, $0xb8;
	[tilespmem:$0x1A500] =	vst v63  }
0xc9: {  	_ = 	snop  }
0xca: {  	[tilespmem:s22], [sflag:$0x2] =	stream.indirect.gather [hbm4b:s4+s17], $0x80, s15, s17, $0xb8;
	[tilespmem:$0x1A500] =	vst v63  }
0xcb: {  	_ =	swait.ge [sflag:s23], $0x1400  }
0xcc: {  	[sflag:s23] =	ssyncset.done $0x0  }
0xcd: {  	[sflag:s23] =	ssyncadd.s32 $0xFFFFEC00  }
0xce: {  	_ =	swait.ge [sflag:s23], $0x1400  }
0xcf: {  	[sflag:s23] =	ssyncset.done $0x0  }
0xd0: {  	[sflag:s23] =	ssyncadd.s32 $0xFFFFEC00  }
0xd1: {  	_ =	swait.ge [sflag:s23], $0x1400  }
0xd2: {  	[sflag:s23] =	ssyncset.done $0x0  }
0xd3: {  	[sflag:s23] =	ssyncadd.s32 $0xFFFFEC00  }
0xd4: {  	_ =	swait.ge [sflag:s23], $0x1400  }
0xd5: {  	[sflag:s23] =	ssyncset.done $0x0  }
0xd6: {  	[sflag:s23] =	ssyncadd.s32 $0xFFFFEC00  }
0xd7: {  	_ =	swait.ge [sflag:s23], $0x1400  }
0xd8: {  	[sflag:s23] =	ssyncset.done $0x0  }
0xd9: {  	[sflag:s23] =	ssyncadd.s32 $0xFFFFEC00  }
0xda: {  	[spmem:s1] =	stream.indirect.scatter.add.f32 [tilespmem:s18], [sflag:$0x3], $0x80, s24, s17, $0xb8;
	[tilespmem:$0x1A500] =	vst v63  }
0xdb: {  	_ = 	snop  }
0xdc: {  	[spmem:s1] =	stream.indirect.scatter.add.f32 [tilespmem:s19], [sflag:$0x3], $0x80, s25, s17, $0xb8;
	[tilespmem:$0x1A500] =	vst v63  }
0xdd: {  	_ = 	snop  }
0xde: {  	[spmem:s1] =	stream.indirect.scatter.add.f32 [tilespmem:s20], [sflag:$0x3], $0x80, s26, s17, $0xb8;
	[tilespmem:$0x1A500] =	vst v63  }
0xdf: {  	_ = 	snop  }
0xe0: {  	[spmem:s1] =	stream.indirect.scatter.add.f32 [tilespmem:s21], [sflag:$0x3], $0x80, s28, s17, $0xb8;
	[tilespmem:$0x1A500] =	vst v63  }
0xe1: {  	_ = 	snop  }
0xe2: {  	[spmem:s1] =	stream.indirect.scatter.add.f32 [tilespmem:s22], [sflag:$0x3], $0x80, s29, s17, $0xb8;
	[tilespmem:$0x1A500] =	vst v63  }
0xe3: {  	_ =	swait.ge [sflag:s30], $0x1400  }
0xe4: {  	[sflag:s30] =	ssyncset.done $0x0  }
0xe5: {  	[sflag:s30] =	ssyncadd.s32 $0xFFFFEC00  }
0xe6: {  	_ =	swait.ge [sflag:s30], $0x1400  }
0xe7: {  	[sflag:s30] =	ssyncset.done $0x0  }
0xe8: {  	[sflag:s30] =	ssyncadd.s32 $0xFFFFEC00  }
0xe9: {  	_ =	swait.ge [sflag:s30], $0x1400  }
0xea: {  	[sflag:s30] =	ssyncset.done $0x0  }
0xeb: {  	[sflag:s30] =	ssyncadd.s32 $0xFFFFEC00  }
0xec: {  	_ =	swait.ge [sflag:s30], $0x1400  }
0xed: {  	[sflag:s30] =	ssyncset.done $0x0  }
0xee: {  	[sflag:s30] =	ssyncadd.s32 $0xFFFFEC00  }
0xef: {  	_ =	swait.ge [sflag:s30], $0x1400  }
0xf0: {  	[sflag:s30] =	ssyncset.done $0x0  }
0xf1: {  	s31 =	sadd.s32 $0x1, s31;
	[sflag:s30] =	ssyncadd.s32 $0xFFFFEC00  }
0xf2: {  	p0 =	sne.s32 s31, s8;
	[bflag:$0x0] =	sbarrier.arrive $0xFFFF  }
.Ltmp1:
0xf3: {  	s7 =	rddreg [dreg:$0x4];
	(pc) =	sbr.rel @p0 .LBB2_1-.Ltmp1, $4  }
0xf4: {  	[hbm:s7], [sflag:s6] =	dma.local [spmem:s10], $0x2780  }
0xf5: {  	_ =	swait.ge [sflag:s11], $0x2780  }
0xf6: {  	[sflag:s11] =	ssyncset.done $0x0  }
0xf7: {  	[sflag:s11] =	ssyncadd.s32 $0xFFFFD880  }
0xf8: {  	_ =	sfence.sel $0x180000  }
0xf9: {  	[bflag:$0x0] =	sbarrier.arrive $0xFFFF  }
0xfa: {  	_ =	strace $0x90000053  }
0xfb: {  	s0 =	stileid.u32;
	[bflag:$0x2] =	sbarrier.arrive $0xFFFF  }
0xfc: {  	p0 =	sne.s32 s0, $0x0;
	s0 =	rddreg [dreg:$0x2]  }
0xfd: {  	s0 =	sadd.s32 @!p0 $0x100000, s0  }
0xfe: {  	[sflag:s0] =	ssyncadd.tile.s32 @!p0 $0x1;
	_ =	shalt  }
.Lfunc_end2:
_tile_overlayer_lowered:
.L_overlay_start_2:
0xff: {  	(tag) =	ssettag $0x2  }
0x100: {  	s0 =	rddreg [dreg:$0x0];
	s2 =	stileid.u32  }
0x101: {  	s1 =	rddreg [dreg:$0x1];
	p0 =	sne.s32 s2, $0x0  }
0x102: {  	s3 =	rddreg [dreg:$0x2];
	[bflag:$0x3] =	sbarrier.arrive $0xFFFF;
	s2 =	simm.s32 @!p0 $0x1C04  }
0x103: {  	[timem:s3], [sflag:s2] =	dma.local @!p0 [hbm:s0], s1  }
0x104: {  	s0 =	simm.s32 @!p0 $0x4  }
0x105: {  	_ =	swait.ge @!p0 [sflag:s0], s1  }
0x106: {  	s1 =	ssub.s32 @!p0 $0x0, s1;
	[sflag:s0] =	ssyncset.done @!p0 $0x0  }
0x107: {  	[sflag:s0] =	ssyncadd.s32 @!p0 s1  }
0x108: {  	[bflag:$0x3] =	sbarrier.arrive $0xFFFF  }
0x109: {  	_ =	shalt  }

</sc_bundles>
